<compile_context>
chip_gen: v7x
topology: tpu7x:2x2x1
jax: 0.10.2.dev20260603
libtpu: 0.0.44.dev20260713+nightly
codegen_flags: <defaults>
</compile_context>

<pallas_src>
import functools

import jax
import jax.numpy as jnp
from jax import lax
from jax.experimental import pallas as pl
from jax.experimental.pallas import tpu as pltpu
from jax.experimental.pallas import tpu_sc as plsc

_V = 1000000
_B = 16384
_F = 26
_K = 5
_D = 16

_NC = 2
_NS = 16
_NW = _NC * _NS
_BPW = _B // _NW
_IPW = _BPW * _F
_GB = 4
_GI = _GB * _F
_NG = _BPW // _GB
_NBUF = 4

_mesh = plsc.VectorSubcoreMesh(core_axis_name="c", subcore_axis_name="s")


@functools.partial(
    pl.kernel,
    out_type=jax.ShapeDtypeStruct((_B, _D), jnp.float32),
    mesh=_mesh,
    scratch_types=[
        pltpu.VMEM((_IPW,), jnp.int32),
        pltpu.VMEM((_NBUF, _GI, _D), jnp.float32),
        pltpu.VMEM((_BPW, _D), jnp.float32),
        pltpu.SemaphoreType.DMA((_NBUF,)),
    ],
    compiler_params=pltpu.CompilerParams(use_tc_tiling_on_sc=False),
)
def _sc_gather_sum(tbl_hbm, idx_hbm, acc_hbm, idx_v, buf_v, out_v, sems):
    wid = lax.axis_index("s") * _NC + lax.axis_index("c")
    pltpu.sync_copy(idx_hbm.at[pl.ds(wid * _IPW, _IPW)], idx_v)

    def start(g, d):
        pltpu.async_copy(tbl_hbm.at[idx_v.at[pl.ds(g * _GI, _GI)]],
                         buf_v.at[d], sems.at[d])

    def wait(d):
        pltpu.make_async_copy(
            tbl_hbm.at[pl.ds(0, _GI)], buf_v.at[d], sems.at[d]).wait()

    for d in range(_NBUF):
        start(d, d)

    @pl.loop(0, _NG // _NBUF)
    def outer(t):
        for d in range(_NBUF):
            g = t * _NBUF + d
            wait(d)
            for bb in range(_GB):
                r0 = bb * _F
                v = buf_v[d, r0, :]
                for f in range(1, _F):
                    v = v + buf_v[d, r0 + f, :]
                out_v[g * _GB + bb, :] = v

            @pl.when(t < _NG // _NBUF - 1)
            def _():
                start(g + _NBUF, d)

    pltpu.sync_copy(out_v, acc_hbm.at[pl.ds(wid * _BPW, _BPW)])


def _combine_body(acc_ref, bias_ref, o_ref):
    s = acc_ref[...]
    clf_l = s[:, :_K]
    m = jnp.max(clf_l, axis=1, keepdims=True)
    e = jnp.exp(clf_l - m)
    clf = e / jnp.sum(e, axis=1, keepdims=True)
    z = s[:, _K:2 * _K] + bias_ref[...]
    lr = 1.0 / (1.0 + jnp.exp(-z))
    o_ref[...] = jnp.sum(clf * lr, axis=1, keepdims=True)


def kernel(x, W_clf, W_lr, bias):
    lrT = W_lr[:, :, 0].T
    tbl = jnp.concatenate(
        [W_clf, lrT, jnp.zeros((_V, _D - 2 * _K), jnp.float32)], axis=1)
    xf = x.reshape(_B * _F)
    acc = _sc_gather_sum(tbl, xf)
    out = pl.pallas_call(
        _combine_body,
        grid=(4,),
        in_specs=[
            pl.BlockSpec((_B // 4, _D), lambda i: (i, 0)),
            pl.BlockSpec((1, _K), lambda i: (0, 0)),
        ],
        out_specs=pl.BlockSpec((_B // 4, 1), lambda i: (i, 0)),
        out_shape=jax.ShapeDtypeStruct((_B, 1), jnp.float32),
    )(acc, bias.reshape(1, _K))
    return out

# --- scband reference (transcript-rebuilt; emitter-appended) ---
"""Pipeline reference for scband-mlr-79250736546629 (READ-ONLY COPY).

The authoritative reference and input builder live on the scoring server;
editing this copy changes nothing except your own understanding.
"""

import jax, jax.numpy as jnp
import numpy as np

V = 1000000
B = 16384
F = 26
K = 5

def setup_inputs(seed: int = 0) -> dict:
    key = jax.random.key(seed)
    k1, k2, k3 = jax.random.split(key, 3)
    x = jax.random.randint(k1, (B, F), 0, V, dtype=jnp.int32)
    # Classifier embedding table: [V, K]
    W_clf = jax.random.normal(k2, (V, K), dtype=jnp.float32) * 0.01
    # K LogisticRegression embedding tables, each [V, 1], stacked: [K, V, 1]
    W_lr = jax.random.normal(k3, (K, V, 1), dtype=jnp.float32) * 0.01
    # K scalar biases (each LR has bias Parameter(zeros(1)))
    bias = jnp.zeros((K,), dtype=jnp.float32)
    return {"x": x, "W_clf": W_clf, "W_lr": W_lr, "bias": bias}

def reference(x, W_clf, W_lr, bias):
    # Classifier: softmax(emb(x).sum(dim=1), dim=1)
    clf_emb = jnp.take(W_clf, x, axis=0)          # [B, F, K]
    clf = jax.nn.softmax(clf_emb.sum(axis=1), axis=1)  # [B, K]
    # K logistic regressions: sigmoid(emb_i(x).sum(dim=1) + bias_i)
    lr_emb = jnp.take(W_lr, x, axis=1)            # [K, B, F, 1]
    lr_logits = lr_emb.sum(axis=2) + bias[:, None, None]  # [K, B, 1]
    lr = jax.nn.sigmoid(lr_logits)[:, :, 0].T     # [B, K]
    out = (clf * lr).sum(axis=1, keepdims=True)   # [B, 1]
    return out

if __name__ == "__main__":
    import jax
    _d = setup_inputs()
    print(jax.jit(kernel)(*tuple(_d.values())))

</pallas_src>

<mosaic_0001>
#map = affine_map<(d0, d1) -> (0, 0)>
#map1 = affine_map<(d0, d1) -> (0)>
module attributes {stable_mosaic.version = 14 : i64} {
  func.func @_sc_gather_sum(%arg0: i32, %arg1: i32, %arg2: memref<1000000x16xf32, #tpu.memory_space<hbm>>, %arg3: memref<425984xi32, #tpu.memory_space<hbm>>, %arg4: memref<16384x16xf32, #tpu.memory_space<hbm>>, %arg5: memref<13312xi32, #tpu.memory_space<vmem>>, %arg6: memref<4x104x16xf32, #tpu.memory_space<vmem>>, %arg7: memref<512x16xf32, #tpu.memory_space<vmem>>, %arg8: memref<4x!tpu.dma_semaphore, #tpu.memory_space<semaphore_mem>>) attributes {dimension_semantics = [#tpu.dimension_semantics<core_parallel>, #tpu.dimension_semantics<subcore_parallel>], iteration_bounds = array<i64: 2, 16>, scalar_prefetch = 0 : i64, scratch_operands = 4 : i64, tpu.core_type = #tpu.core_type<sc_vector_subcore>, window_params = [{transform_indices = #map}, {transform_indices = #map1}, {transform_indices = #map}]} {
    %mul3A = arith.constant 2 : i32
    %mul3A_0 = arith.muli %arg1, %mul3A : i32
    %add3A = arith.addi %mul3A_0, %arg0 : i32
    %mul3A_1 = arith.constant 13312 : i32
    %mul3A_2 = arith.muli %add3A, %mul3A_1 : i32
    "tpu.region"() ({
      %run_scoped3A = tpu.sem_alloc : memref<!tpu.dma_semaphore, #tpu.memory_space<semaphore_mem>>
      %dma_start3A_60 = tpu.memref_slice %arg3[%mul3A_2] : memref<425984xi32, #tpu.memory_space<hbm>> -> memref<13312xi32, #tpu.memory_space<hbm>>
      %dma_start3A_61 = tpu.memref_slice %arg3[%mul3A_2] : memref<425984xi32, #tpu.memory_space<hbm>> -> memref<13312xi32, #tpu.memory_space<hbm>>
      tpu.enqueue_dma source(%dma_start3A_61 : memref<13312xi32, #tpu.memory_space<hbm>>) target(%arg5 : memref<13312xi32, #tpu.memory_space<vmem>>) target_semaphore(%run_scoped3A : memref<!tpu.dma_semaphore, #tpu.memory_space<semaphore_mem>>)
      %dma_wait3A = tpu.memref_slice %arg3[%mul3A_2] : memref<425984xi32, #tpu.memory_space<hbm>> -> memref<13312xi32, #tpu.memory_space<hbm>>
      %dma_wait3A_62 = tpu.memref_slice %arg3[%mul3A_2] : memref<425984xi32, #tpu.memory_space<hbm>> -> memref<13312xi32, #tpu.memory_space<hbm>>
      tpu.wait_dma2 semaphore(%run_scoped3A : memref<!tpu.dma_semaphore, #tpu.memory_space<semaphore_mem>>) src(%dma_wait3A_62 : memref<13312xi32, #tpu.memory_space<hbm>>) dst(%arg5 : memref<13312xi32, #tpu.memory_space<vmem>>)
      tpu.yield
    }) : () -> ()
    %dma_start3A = arith.constant 0 : i32
    %dma_start3A_3 = arith.constant 0 : i32
    %dma_start3A_4 = arith.constant 0 : i32
    %dma_start3A_5 = arith.constant 0 : i32
    %dma_start3A_6 = tpu.memref_slice %arg6[%dma_start3A, %dma_start3A_4, %dma_start3A_5] : memref<4x104x16xf32, #tpu.memory_space<vmem>> -> memref<1x104x16xf32, #tpu.memory_space<vmem>>
    %dma_start3A_7 = tpu.memref_squeeze %dma_start3A_6 : memref<1x104x16xf32, #tpu.memory_space<vmem>> -> memref<104x16xf32, #tpu.memory_space<vmem>>
    %dma_start3A_8 = arith.constant 0 : i32
    %dma_start3A_9 = tpu.memref_slice %arg5[%dma_start3A_8] : memref<13312xi32, #tpu.memory_space<vmem>> -> memref<104xi32, #tpu.memory_space<vmem>>
    %dma_start3A_10 = arith.constant 0 : i32
    %dma_start3A_11 = arith.constant 0 : i32
    %dma_start3A_12 = tpu.memref_slice %arg2[%dma_start3A_10, %dma_start3A_11] : memref<1000000x16xf32, #tpu.memory_space<hbm>> -> memref<1000000x16xf32, #tpu.memory_space<hbm>>
    %dma_start3A_13 = tpu.memref_slice %arg8[%dma_start3A_3] : memref<4x!tpu.dma_semaphore, #tpu.memory_space<semaphore_mem>> -> memref<1x!tpu.dma_semaphore, #tpu.memory_space<semaphore_mem>>
    %dma_start3A_14 = tpu.memref_squeeze %dma_start3A_13 : memref<1x!tpu.dma_semaphore, #tpu.memory_space<semaphore_mem>> -> memref<!tpu.dma_semaphore, #tpu.memory_space<semaphore_mem>>
    tpu.enqueue_indirect_dma source(%dma_start3A_12 : memref<1000000x16xf32, #tpu.memory_space<hbm>>) target(%dma_start3A_7 : memref<104x16xf32, #tpu.memory_space<vmem>>) offsets(%dma_start3A_9 : memref<104xi32, #tpu.memory_space<vmem>>) semaphore(%dma_start3A_14 : memref<!tpu.dma_semaphore, #tpu.memory_space<semaphore_mem>>)
    %dma_start3A_15 = arith.constant 1 : i32
    %dma_start3A_16 = arith.constant 1 : i32
    %dma_start3A_17 = arith.constant 0 : i32
    %dma_start3A_18 = arith.constant 0 : i32
    %dma_start3A_19 = tpu.memref_slice %arg6[%dma_start3A_15, %dma_start3A_17, %dma_start3A_18] : memref<4x104x16xf32, #tpu.memory_space<vmem>> -> memref<1x104x16xf32, #tpu.memory_space<vmem>>
    %dma_start3A_20 = tpu.memref_squeeze %dma_start3A_19 : memref<1x104x16xf32, #tpu.memory_space<vmem>> -> memref<104x16xf32, #tpu.memory_space<vmem>>
    %dma_start3A_21 = arith.constant 104 : i32
    %dma_start3A_22 = tpu.memref_slice %arg5[%dma_start3A_21] : memref<13312xi32, #tpu.memory_space<vmem>> -> memref<104xi32, #tpu.memory_space<vmem>>
    %dma_start3A_23 = arith.constant 0 : i32
    %dma_start3A_24 = arith.constant 0 : i32
    %dma_start3A_25 = tpu.memref_slice %arg2[%dma_start3A_23, %dma_start3A_24] : memref<1000000x16xf32, #tpu.memory_space<hbm>> -> memref<1000000x16xf32, #tpu.memory_space<hbm>>
    %dma_start3A_26 = tpu.memref_slice %arg8[%dma_start3A_16] : memref<4x!tpu.dma_semaphore, #tpu.memory_space<semaphore_mem>> -> memref<1x!tpu.dma_semaphore, #tpu.memory_space<semaphore_mem>>
    %dma_start3A_27 = tpu.memref_squeeze %dma_start3A_26 : memref<1x!tpu.dma_semaphore, #tpu.memory_space<semaphore_mem>> -> memref<!tpu.dma_semaphore, #tpu.memory_space<semaphore_mem>>
    tpu.enqueue_indirect_dma source(%dma_start3A_25 : memref<1000000x16xf32, #tpu.memory_space<hbm>>) target(%dma_start3A_20 : memref<104x16xf32, #tpu.memory_space<vmem>>) offsets(%dma_start3A_22 : memref<104xi32, #tpu.memory_space<vmem>>) semaphore(%dma_start3A_27 : memref<!tpu.dma_semaphore, #tpu.memory_space<semaphore_mem>>)
    %dma_start3A_28 = arith.constant 2 : i32
    %dma_start3A_29 = arith.constant 2 : i32
    %dma_start3A_30 = arith.constant 0 : i32
    %dma_start3A_31 = arith.constant 0 : i32
    %dma_start3A_32 = tpu.memref_slice %arg6[%dma_start3A_28, %dma_start3A_30, %dma_start3A_31] : memref<4x104x16xf32, #tpu.memory_space<vmem>> -> memref<1x104x16xf32, #tpu.memory_space<vmem>>
    %dma_start3A_33 = tpu.memref_squeeze %dma_start3A_32 : memref<1x104x16xf32, #tpu.memory_space<vmem>> -> memref<104x16xf32, #tpu.memory_space<vmem>>
    %dma_start3A_34 = arith.constant 208 : i32
    %dma_start3A_35 = tpu.memref_slice %arg5[%dma_start3A_34] : memref<13312xi32, #tpu.memory_space<vmem>> -> memref<104xi32, #tpu.memory_space<vmem>>
    %dma_start3A_36 = arith.constant 0 : i32
    %dma_start3A_37 = arith.constant 0 : i32
    %dma_start3A_38 = tpu.memref_slice %arg2[%dma_start3A_36, %dma_start3A_37] : memref<1000000x16xf32, #tpu.memory_space<hbm>> -> memref<1000000x16xf32, #tpu.memory_space<hbm>>
    %dma_start3A_39 = tpu.memref_slice %arg8[%dma_start3A_29] : memref<4x!tpu.dma_semaphore, #tpu.memory_space<semaphore_mem>> -> memref<1x!tpu.dma_semaphore, #tpu.memory_space<semaphore_mem>>
    %dma_start3A_40 = tpu.memref_squeeze %dma_start3A_39 : memref<1x!tpu.dma_semaphore, #tpu.memory_space<semaphore_mem>> -> memref<!tpu.dma_semaphore, #tpu.memory_space<semaphore_mem>>
    tpu.enqueue_indirect_dma source(%dma_start3A_38 : memref<1000000x16xf32, #tpu.memory_space<hbm>>) target(%dma_start3A_33 : memref<104x16xf32, #tpu.memory_space<vmem>>) offsets(%dma_start3A_35 : memref<104xi32, #tpu.memory_space<vmem>>) semaphore(%dma_start3A_40 : memref<!tpu.dma_semaphore, #tpu.memory_space<semaphore_mem>>)
    %dma_start3A_41 = arith.constant 3 : i32
    %dma_start3A_42 = arith.constant 3 : i32
    %dma_start3A_43 = arith.constant 0 : i32
    %dma_start3A_44 = arith.constant 0 : i32
    %dma_start3A_45 = tpu.memref_slice %arg6[%dma_start3A_41, %dma_start3A_43, %dma_start3A_44] : memref<4x104x16xf32, #tpu.memory_space<vmem>> -> memref<1x104x16xf32, #tpu.memory_space<vmem>>
    %dma_start3A_46 = tpu.memref_squeeze %dma_start3A_45 : memref<1x104x16xf32, #tpu.memory_space<vmem>> -> memref<104x16xf32, #tpu.memory_space<vmem>>
    %dma_start3A_47 = arith.constant 312 : i32
    %dma_start3A_48 = tpu.memref_slice %arg5[%dma_start3A_47] : memref<13312xi32, #tpu.memory_space<vmem>> -> memref<104xi32, #tpu.memory_space<vmem>>
    %dma_start3A_49 = arith.constant 0 : i32
    %dma_start3A_50 = arith.constant 0 : i32
    %dma_start3A_51 = tpu.memref_slice %arg2[%dma_start3A_49, %dma_start3A_50] : memref<1000000x16xf32, #tpu.memory_space<hbm>> -> memref<1000000x16xf32, #tpu.memory_space<hbm>>
    %dma_start3A_52 = tpu.memref_slice %arg8[%dma_start3A_42] : memref<4x!tpu.dma_semaphore, #tpu.memory_space<semaphore_mem>> -> memref<1x!tpu.dma_semaphore, #tpu.memory_space<semaphore_mem>>
    %dma_start3A_53 = tpu.memref_squeeze %dma_start3A_52 : memref<1x!tpu.dma_semaphore, #tpu.memory_space<semaphore_mem>> -> memref<!tpu.dma_semaphore, #tpu.memory_space<semaphore_mem>>
    tpu.enqueue_indirect_dma source(%dma_start3A_51 : memref<1000000x16xf32, #tpu.memory_space<hbm>>) target(%dma_start3A_46 : memref<104x16xf32, #tpu.memory_space<vmem>>) offsets(%dma_start3A_48 : memref<104xi32, #tpu.memory_space<vmem>>) semaphore(%dma_start3A_53 : memref<!tpu.dma_semaphore, #tpu.memory_space<semaphore_mem>>)
    %scan3A = arith.constant 0 : i32
    %scan3A_54 = arith.constant 32 : i32
    %scan3A_55 = arith.addi %scan3A, %scan3A_54 : i32
    %scan3A_56 = arith.constant 1 : i32
    scf.for %scan3A_60 = %scan3A to %scan3A_55 step %scan3A_56  : i32 {
      %mul3A_61 = arith.constant 1 : i32
      %mul3A_62 = arith.muli %scan3A_60, %mul3A_61 : i32
      %add3A_63 = arith.constant 0 : i32
      %add3A_64 = arith.addi %add3A_63, %mul3A_62 : i32
      %mul3A_65 = arith.constant 4 : i32
      %mul3A_66 = arith.muli %add3A_64, %mul3A_65 : i32
      %add3A_67 = arith.constant 0 : i32
      %add3A_68 = arith.addi %mul3A_66, %add3A_67 : i32
      %dma_wait3A = arith.constant 0 : i32
      %dma_wait3A_69 = arith.constant 0 : i32
      %dma_wait3A_70 = arith.constant 0 : i32
      %dma_wait3A_71 = arith.constant 0 : i32
      %dma_wait3A_72 = tpu.memref_slice %arg6[%dma_wait3A, %dma_wait3A_70, %dma_wait3A_71] : memref<4x104x16xf32, #tpu.memory_space<vmem>> -> memref<1x104x16xf32, #tpu.memory_space<vmem>>
      %dma_wait3A_73 = tpu.memref_squeeze %dma_wait3A_72 : memref<1x104x16xf32, #tpu.memory_space<vmem>> -> memref<104x16xf32, #tpu.memory_space<vmem>>
      %dma_wait3A_74 = arith.constant 0 : i32
      %dma_wait3A_75 = arith.constant 0 : i32
      %dma_wait3A_76 = tpu.memref_slice %arg2[%dma_wait3A_74, %dma_wait3A_75] : memref<1000000x16xf32, #tpu.memory_space<hbm>> -> memref<104x16xf32, #tpu.memory_space<hbm>>
      %dma_wait3A_77 = tpu.memref_slice %arg8[%dma_wait3A_69] : memref<4x!tpu.dma_semaphore, #tpu.memory_space<semaphore_mem>> -> memref<1x!tpu.dma_semaphore, #tpu.memory_space<semaphore_mem>>
      %dma_wait3A_78 = tpu.memref_squeeze %dma_wait3A_77 : memref<1x!tpu.dma_semaphore, #tpu.memory_space<semaphore_mem>> -> memref<!tpu.dma_semaphore, #tpu.memory_space<semaphore_mem>>
      %dma_wait3A_79 = arith.constant 0 : i32
      %dma_wait3A_80 = arith.constant 0 : i32
      %dma_wait3A_81 = tpu.memref_slice %arg6[%dma_wait3A, %dma_wait3A_79, %dma_wait3A_80] : memref<4x104x16xf32, #tpu.memory_space<vmem>> -> memref<1x104x16xf32, #tpu.memory_space<vmem>>
      %dma_wait3A_82 = tpu.memref_squeeze %dma_wait3A_81 : memref<1x104x16xf32, #tpu.memory_space<vmem>> -> memref<104x16xf32, #tpu.memory_space<vmem>>
      %dma_wait3A_83 = arith.constant 0 : i32
      %dma_wait3A_84 = arith.constant 0 : i32
      %dma_wait3A_85 = tpu.memref_slice %arg2[%dma_wait3A_83, %dma_wait3A_84] : memref<1000000x16xf32, #tpu.memory_space<hbm>> -> memref<104x16xf32, #tpu.memory_space<hbm>>
      tpu.wait_dma2 semaphore(%dma_wait3A_78 : memref<!tpu.dma_semaphore, #tpu.memory_space<semaphore_mem>>) src(%dma_wait3A_85 : memref<104x16xf32, #tpu.memory_space<hbm>>) dst(%dma_wait3A_82 : memref<104x16xf32, #tpu.memory_space<vmem>>)
      %get3A = arith.constant 0 : i32
      %get3A_86 = arith.constant 0 : i32
      %get3A_87 = arith.index_cast %get3A : i32 to index
      %get3A_88 = arith.index_cast %get3A_86 : i32 to index
      %get3A_89 = arith.constant 0 : index
      %get3A_90 = tpu.vector_load %arg6[%get3A_87, %get3A_88, %get3A_89] {strides = array<i32>} : memref<4x104x16xf32, #tpu.memory_space<vmem>>, vector<1x1x16xf32>,
      %get3A_91 = vector.shape_cast %get3A_90 : vector<1x1x16xf32> to vector<16xf32>
      %get3A_92 = arith.constant 0 : i32
      %get3A_93 = arith.constant 1 : i32
      %get3A_94 = arith.index_cast %get3A_92 : i32 to index
      %get3A_95 = arith.index_cast %get3A_93 : i32 to index
      %get3A_96 = arith.constant 0 : index
      %get3A_97 = tpu.vector_load %arg6[%get3A_94, %get3A_95, %get3A_96] {strides = array<i32>} : memref<4x104x16xf32, #tpu.memory_space<vmem>>, vector<1x1x16xf32>,
      %get3A_98 = vector.shape_cast %get3A_97 : vector<1x1x16xf32> to vector<16xf32>
      %add3A_99 = arith.addf %get3A_91, %get3A_98 : vector<16xf32>
      %get3A_100 = arith.constant 0 : i32
      %get3A_101 = arith.constant 2 : i32
      %get3A_102 = arith.index_cast %get3A_100 : i32 to index
      %get3A_103 = arith.index_cast %get3A_101 : i32 to index
      %get3A_104 = arith.constant 0 : index
      %get3A_105 = tpu.vector_load %arg6[%get3A_102, %get3A_103, %get3A_104] {strides = array<i32>} : memref<4x104x16xf32, #tpu.memory_space<vmem>>, vector<1x1x16xf32>,
      %get3A_106 = vector.shape_cast %get3A_105 : vector<1x1x16xf32> to vector<16xf32>
      %add3A_107 = arith.addf %add3A_99, %get3A_106 : vector<16xf32>
      %get3A_108 = arith.constant 0 : i32
      %get3A_109 = arith.constant 3 : i32
      %get3A_110 = arith.index_cast %get3A_108 : i32 to index
      %get3A_111 = arith.index_cast %get3A_109 : i32 to index
      %get3A_112 = arith.constant 0 : index
      %get3A_113 = tpu.vector_load %arg6[%get3A_110, %get3A_111, %get3A_112] {strides = array<i32>} : memref<4x104x16xf32, #tpu.memory_space<vmem>>, vector<1x1x16xf32>,
      %get3A_114 = vector.shape_cast %get3A_113 : vector<1x1x16xf32> to vector<16xf32>
      %add3A_115 = arith.addf %add3A_107, %get3A_114 : vector<16xf32>
      %get3A_116 = arith.constant 0 : i32
      %get3A_117 = arith.constant 4 : i32
      %get3A_118 = arith.index_cast %get3A_116 : i32 to index
      %get3A_119 = arith.index_cast %get3A_117 : i32 to index
      %get3A_120 = arith.constant 0 : index
      %get3A_121 = tpu.vector_load %arg6[%get3A_118, %get3A_119, %get3A_120] {strides = array<i32>} : memref<4x104x16xf32, #tpu.memory_space<vmem>>, vector<1x1x16xf32>,
      %get3A_122 = vector.shape_cast %get3A_121 : vector<1x1x16xf32> to vector<16xf32>
      %add3A_123 = arith.addf %add3A_115, %get3A_122 : vector<16xf32>
      %get3A_124 = arith.constant 0 : i32
      %get3A_125 = arith.constant 5 : i32
      %get3A_126 = arith.index_cast %get3A_124 : i32 to index
      %get3A_127 = arith.index_cast %get3A_125 : i32 to index
      %get3A_128 = arith.constant 0 : index
      %get3A_129 = tpu.vector_load %arg6[%get3A_126, %get3A_127, %get3A_128] {strides = array<i32>} : memref<4x104x16xf32, #tpu.memory_space<vmem>>, vector<1x1x16xf32>,
      %get3A_130 = vector.shape_cast %get3A_129 : vector<1x1x16xf32> to vector<16xf32>
      %add3A_131 = arith.addf %add3A_123, %get3A_130 : vector<16xf32>
      %get3A_132 = arith.constant 0 : i32
      %get3A_133 = arith.constant 6 : i32
      %get3A_134 = arith.index_cast %get3A_132 : i32 to index
      %get3A_135 = arith.index_cast %get3A_133 : i32 to index
      %get3A_136 = arith.constant 0 : index
      %get3A_137 = tpu.vector_load %arg6[%get3A_134, %get3A_135, %get3A_136] {strides = array<i32>} : memref<4x104x16xf32, #tpu.memory_space<vmem>>, vector<1x1x16xf32>,
      %get3A_138 = vector.shape_cast %get3A_137 : vector<1x1x16xf32> to vector<16xf32>
      %add3A_139 = arith.addf %add3A_131, %get3A_138 : vector<16xf32>
      %get3A_140 = arith.constant 0 : i32
      %get3A_141 = arith.constant 7 : i32
      %get3A_142 = arith.index_cast %get3A_140 : i32 to index
      %get3A_143 = arith.index_cast %get3A_141 : i32 to index
      %get3A_144 = arith.constant 0 : index
      %get3A_145 = tpu.vector_load %arg6[%get3A_142, %get3A_143, %get3A_144] {strides = array<i32>} : memref<4x104x16xf32, #tpu.memory_space<vmem>>, vector<1x1x16xf32>,
      %get3A_146 = vector.shape_cast %get3A_145 : vector<1x1x16xf32> to vector<16xf32>
      %add3A_147 = arith.addf %add3A_139, %get3A_146 : vector<16xf32>
      %get3A_148 = arith.constant 0 : i32
      %get3A_149 = arith.constant 8 : i32
      %get3A_150 = arith.index_cast %get3A_148 : i32 to index
      %get3A_151 = arith.index_cast %get3A_149 : i32 to index
      %get3A_152 = arith.constant 0 : index
      %get3A_153 = tpu.vector_load %arg6[%get3A_150, %get3A_151, %get3A_152] {strides = array<i32>} : memref<4x104x16xf32, #tpu.memory_space<vmem>>, vector<1x1x16xf32>,
      %get3A_154 = vector.shape_cast %get3A_153 : vector<1x1x16xf32> to vector<16xf32>
      %add3A_155 = arith.addf %add3A_147, %get3A_154 : vector<16xf32>
      %get3A_156 = arith.constant 0 : i32
      %get3A_157 = arith.constant 9 : i32
      %get3A_158 = arith.index_cast %get3A_156 : i32 to index
      %get3A_159 = arith.index_cast %get3A_157 : i32 to index
      %get3A_160 = arith.constant 0 : index
      %get3A_161 = tpu.vector_load %arg6[%get3A_158, %get3A_159, %get3A_160] {strides = array<i32>} : memref<4x104x16xf32, #tpu.memory_space<vmem>>, vector<1x1x16xf32>,
      %get3A_162 = vector.shape_cast %get3A_161 : vector<1x1x16xf32> to vector<16xf32>
      %add3A_163 = arith.addf %add3A_155, %get3A_162 : vector<16xf32>
      %get3A_164 = arith.constant 0 : i32
      %get3A_165 = arith.constant 10 : i32
      %get3A_166 = arith.index_cast %get3A_164 : i32 to index
      %get3A_167 = arith.index_cast %get3A_165 : i32 to index
      %get3A_168 = arith.constant 0 : index
      %get3A_169 = tpu.vector_load %arg6[%get3A_166, %get3A_167, %get3A_168] {strides = array<i32>} : memref<4x104x16xf32, #tpu.memory_space<vmem>>, vector<1x1x16xf32>,
      %get3A_170 = vector.shape_cast %get3A_169 : vector<1x1x16xf32> to vector<16xf32>
      %add3A_171 = arith.addf %add3A_163, %get3A_170 : vector<16xf32>
      %get3A_172 = arith.constant 0 : i32
      %get3A_173 = arith.constant 11 : i32
      %get3A_174 = arith.index_cast %get3A_172 : i32 to index
      %get3A_175 = arith.index_cast %get3A_173 : i32 to index
      %get3A_176 = arith.constant 0 : index
      %get3A_177 = tpu.vector_load %arg6[%get3A_174, %get3A_175, %get3A_176] {strides = array<i32>} : memref<4x104x16xf32, #tpu.memory_space<vmem>>, vector<1x1x16xf32>,
      %get3A_178 = vector.shape_cast %get3A_177 : vector<1x1x16xf32> to vector<16xf32>
      %add3A_179 = arith.addf %add3A_171, %get3A_178 : vector<16xf32>
      %get3A_180 = arith.constant 0 : i32
      %get3A_181 = arith.constant 12 : i32
      %get3A_182 = arith.index_cast %get3A_180 : i32 to index
      %get3A_183 = arith.index_cast %get3A_181 : i32 to index
      %get3A_184 = arith.constant 0 : index
      %get3A_185 = tpu.vector_load %arg6[%get3A_182, %get3A_183, %get3A_184] {strides = array<i32>} : memref<4x104x16xf32, #tpu.memory_space<vmem>>, vector<1x1x16xf32>,
      %get3A_186 = vector.shape_cast %get3A_185 : vector<1x1x16xf32> to vector<16xf32>
      %add3A_187 = arith.addf %add3A_179, %get3A_186 : vector<16xf32>
      %get3A_188 = arith.constant 0 : i32
      %get3A_189 = arith.constant 13 : i32
      %get3A_190 = arith.index_cast %get3A_188 : i32 to index
      %get3A_191 = arith.index_cast %get3A_189 : i32 to index
      %get3A_192 = arith.constant 0 : index
      %get3A_193 = tpu.vector_load %arg6[%get3A_190, %get3A_191, %get3A_192] {strides = array<i32>} : memref<4x104x16xf32, #tpu.memory_space<vmem>>, vector<1x1x16xf32>,
      %get3A_194 = vector.shape_cast %get3A_193 : vector<1x1x16xf32> to vector<16xf32>
      %add3A_195 = arith.addf %add3A_187, %get3A_194 : vector<16xf32>
      %get3A_196 = arith.constant 0 : i32
      %get3A_197 = arith.constant 14 : i32
      %get3A_198 = arith.index_cast %get3A_196 : i32 to index
      %get3A_199 = arith.index_cast %get3A_197 : i32 to index
      %get3A_200 = arith.constant 0 : index
      %get3A_201 = tpu.vector_load %arg6[%get3A_198, %get3A_199, %get3A_200] {strides = array<i32>} : memref<4x104x16xf32, #tpu.memory_space<vmem>>, vector<1x1x16xf32>,
      %get3A_202 = vector.shape_cast %get3A_201 : vector<1x1x16xf32> to vector<16xf32>
      %add3A_203 = arith.addf %add3A_195, %get3A_202 : vector<16xf32>
      %get3A_204 = arith.constant 0 : i32
      %get3A_205 = arith.constant 15 : i32
      %get3A_206 = arith.index_cast %get3A_204 : i32 to index
      %get3A_207 = arith.index_cast %get3A_205 : i32 to index
      %get3A_208 = arith.constant 0 : index
      %get3A_209 = tpu.vector_load %arg6[%get3A_206, %get3A_207, %get3A_208] {strides = array<i32>} : memref<4x104x16xf32, #tpu.memory_space<vmem>>, vector<1x1x16xf32>,
      %get3A_210 = vector.shape_cast %get3A_209 : vector<1x1x16xf32> to vector<16xf32>
      %add3A_211 = arith.addf %add3A_203, %get3A_210 : vector<16xf32>
      %get3A_212 = arith.constant 0 : i32
      %get3A_213 = arith.constant 16 : i32
      %get3A_214 = arith.index_cast %get3A_212 : i32 to index
      %get3A_215 = arith.index_cast %get3A_213 : i32 to index
      %get3A_216 = arith.constant 0 : index
      %get3A_217 = tpu.vector_load %arg6[%get3A_214, %get3A_215, %get3A_216] {strides = array<i32>} : memref<4x104x16xf32, #tpu.memory_space<vmem>>, vector<1x1x16xf32>,
      %get3A_218 = vector.shape_cast %get3A_217 : vector<1x1x16xf32> to vector<16xf32>
      %add3A_219 = arith.addf %add3A_211, %get3A_218 : vector<16xf32>
      %get3A_220 = arith.constant 0 : i32
      %get3A_221 = arith.constant 17 : i32
      %get3A_222 = arith.index_cast %get3A_220 : i32 to index
      %get3A_223 = arith.index_cast %get3A_221 : i32 to index
      %get3A_224 = arith.constant 0 : index
      %get3A_225 = tpu.vector_load %arg6[%get3A_222, %get3A_223, %get3A_224] {strides = array<i32>} : memref<4x104x16xf32, #tpu.memory_space<vmem>>, vector<1x1x16xf32>,
      %get3A_226 = vector.shape_cast %get3A_225 : vector<1x1x16xf32> to vector<16xf32>
      %add3A_227 = arith.addf %add3A_219, %get3A_226 : vector<16xf32>
      %get3A_228 = arith.constant 0 : i32
      %get3A_229 = arith.constant 18 : i32
      %get3A_230 = arith.index_cast %get3A_228 : i32 to index
      %get3A_231 = arith.index_cast %get3A_229 : i32 to index
      %get3A_232 = arith.constant 0 : index
      %get3A_233 = tpu.vector_load %arg6[%get3A_230, %get3A_231, %get3A_232] {strides = array<i32>} : memref<4x104x16xf32, #tpu.memory_space<vmem>>, vector<1x1x16xf32>,
      %get3A_234 = vector.shape_cast %get3A_233 : vector<1x1x16xf32> to vector<16xf32>
      %add3A_235 = arith.addf %add3A_227, %get3A_234 : vector<16xf32>
      %get3A_236 = arith.constant 0 : i32
      %get3A_237 = arith.constant 19 : i32
      %get3A_238 = arith.index_cast %get3A_236 : i32 to index
      %get3A_239 = arith.index_cast %get3A_237 : i32 to index
      %get3A_240 = arith.constant 0 : index
      %get3A_241 = tpu.vector_load %arg6[%get3A_238, %get3A_239, %get3A_240] {strides = array<i32>} : memref<4x104x16xf32, #tpu.memory_space<vmem>>, vector<1x1x16xf32>,
      %get3A_242 = vector.shape_cast %get3A_241 : vector<1x1x16xf32> to vector<16xf32>
      %add3A_243 = arith.addf %add3A_235, %get3A_242 : vector<16xf32>
      %get3A_244 = arith.constant 0 : i32
      %get3A_245 = arith.constant 20 : i32
      %get3A_246 = arith.index_cast %get3A_244 : i32 to index
      %get3A_247 = arith.index_cast %get3A_245 : i32 to index
      %get3A_248 = arith.constant 0 : index
      %get3A_249 = tpu.vector_load %arg6[%get3A_246, %get3A_247, %get3A_248] {strides = array<i32>} : memref<4x104x16xf32, #tpu.memory_space<vmem>>, vector<1x1x16xf32>,
      %get3A_250 = vector.shape_cast %get3A_249 : vector<1x1x16xf32> to vector<16xf32>
      %add3A_251 = arith.addf %add3A_243, %get3A_250 : vector<16xf32>
      %get3A_252 = arith.constant 0 : i32
      %get3A_253 = arith.constant 21 : i32
      %get3A_254 = arith.index_cast %get3A_252 : i32 to index
      %get3A_255 = arith.index_cast %get3A_253 : i32 to index
      %get3A_256 = arith.constant 0 : index
      %get3A_257 = tpu.vector_load %arg6[%get3A_254, %get3A_255, %get3A_256] {strides = array<i32>} : memref<4x104x16xf32, #tpu.memory_space<vmem>>, vector<1x1x16xf32>,
      %get3A_258 = vector.shape_cast %get3A_257 : vector<1x1x16xf32> to vector<16xf32>
      %add3A_259 = arith.addf %add3A_251, %get3A_258 : vector<16xf32>
      %get3A_260 = arith.constant 0 : i32
      %get3A_261 = arith.constant 22 : i32
      %get3A_262 = arith.index_cast %get3A_260 : i32 to index
      %get3A_263 = arith.index_cast %get3A_261 : i32 to index
      %get3A_264 = arith.constant 0 : index
      %get3A_265 = tpu.vector_load %arg6[%get3A_262, %get3A_263, %get3A_264] {strides = array<i32>} : memref<4x104x16xf32, #tpu.memory_space<vmem>>, vector<1x1x16xf32>,
      %get3A_266 = vector.shape_cast %get3A_265 : vector<1x1x16xf32> to vector<16xf32>
      %add3A_267 = arith.addf %add3A_259, %get3A_266 : vector<16xf32>
      %get3A_268 = arith.constant 0 : i32
      %get3A_269 = arith.constant 23 : i32
      %get3A_270 = arith.index_cast %get3A_268 : i32 to index
      %get3A_271 = arith.index_cast %get3A_269 : i32 to index
      %get3A_272 = arith.constant 0 : index
      %get3A_273 = tpu.vector_load %arg6[%get3A_270, %get3A_271, %get3A_272] {strides = array<i32>} : memref<4x104x16xf32, #tpu.memory_space<vmem>>, vector<1x1x16xf32>,
      %get3A_274 = vector.shape_cast %get3A_273 : vector<1x1x16xf32> to vector<16xf32>
      %add3A_275 = arith.addf %add3A_267, %get3A_274 : vector<16xf32>
      %get3A_276 = arith.constant 0 : i32
      %get3A_277 = arith.constant 24 : i32
      %get3A_278 = arith.index_cast %get3A_276 : i32 to index
      %get3A_279 = arith.index_cast %get3A_277 : i32 to index
      %get3A_280 = arith.constant 0 : index
      %get3A_281 = tpu.vector_load %arg6[%get3A_278, %get3A_279, %get3A_280] {strides = array<i32>} : memref<4x104x16xf32, #tpu.memory_space<vmem>>, vector<1x1x16xf32>,
      %get3A_282 = vector.shape_cast %get3A_281 : vector<1x1x16xf32> to vector<16xf32>
      %add3A_283 = arith.addf %add3A_275, %get3A_282 : vector<16xf32>
      %get3A_284 = arith.constant 0 : i32
      %get3A_285 = arith.constant 25 : i32
      %get3A_286 = arith.index_cast %get3A_284 : i32 to index
      %get3A_287 = arith.index_cast %get3A_285 : i32 to index
      %get3A_288 = arith.constant 0 : index
      %get3A_289 = tpu.vector_load %arg6[%get3A_286, %get3A_287, %get3A_288] {strides = array<i32>} : memref<4x104x16xf32, #tpu.memory_space<vmem>>, vector<1x1x16xf32>,
      %get3A_290 = vector.shape_cast %get3A_289 : vector<1x1x16xf32> to vector<16xf32>
      %add3A_291 = arith.addf %add3A_283, %get3A_290 : vector<16xf32>
      %mul3A_292 = arith.constant 4 : i32
      %mul3A_293 = arith.muli %add3A_68, %mul3A_292 : i32
      %add3A_294 = arith.constant 0 : i32
      %add3A_295 = arith.addi %mul3A_293, %add3A_294 : i32
      %swap3A = arith.index_cast %add3A_295 : i32 to index
      %swap3A_296 = arith.constant 0 : index
      %swap3A_297 = tpu.vector_load %arg7[%swap3A, %swap3A_296] {strides = array<i32>} : memref<512x16xf32, #tpu.memory_space<vmem>>, vector<1x16xf32>,
      %swap3A_298 = vector.shape_cast %swap3A_297 : vector<1x16xf32> to vector<16xf32>
      %swap3A_299 = vector.shape_cast %add3A_291 : vector<16xf32> to vector<1x16xf32>
      tpu.vector_store %arg7[%swap3A, %swap3A_296], %swap3A_299 {strides = array<i32>} : memref<512x16xf32, #tpu.memory_space<vmem>>, vector<1x16xf32>,
      %get3A_300 = arith.constant 0 : i32
      %get3A_301 = arith.constant 26 : i32
      %get3A_302 = arith.index_cast %get3A_300 : i32 to index
      %get3A_303 = arith.index_cast %get3A_301 : i32 to index
      %get3A_304 = arith.constant 0 : index
      %get3A_305 = tpu.vector_load %arg6[%get3A_302, %get3A_303, %get3A_304] {strides = array<i32>} : memref<4x104x16xf32, #tpu.memory_space<vmem>>, vector<1x1x16xf32>,
      %get3A_306 = vector.shape_cast %get3A_305 : vector<1x1x16xf32> to vector<16xf32>
      %get3A_307 = arith.constant 0 : i32
      %get3A_308 = arith.constant 27 : i32
      %get3A_309 = arith.index_cast %get3A_307 : i32 to index
      %get3A_310 = arith.index_cast %get3A_308 : i32 to index
      %get3A_311 = arith.constant 0 : index
      %get3A_312 = tpu.vector_load %arg6[%get3A_309, %get3A_310, %get3A_311] {strides = array<i32>} : memref<4x104x16xf32, #tpu.memory_space<vmem>>, vector<1x1x16xf32>,
      %get3A_313 = vector.shape_cast %get3A_312 : vector<1x1x16xf32> to vector<16xf32>
      %add3A_314 = arith.addf %get3A_306, %get3A_313 : vector<16xf32>
      %get3A_315 = arith.constant 0 : i32
      %get3A_316 = arith.constant 28 : i32
      %get3A_317 = arith.index_cast %get3A_315 : i32 to index
      %get3A_318 = arith.index_cast %get3A_316 : i32 to index
      %get3A_319 = arith.constant 0 : index
      %get3A_320 = tpu.vector_load %arg6[%get3A_317, %get3A_318, %get3A_319] {strides = array<i32>} : memref<4x104x16xf32, #tpu.memory_space<vmem>>, vector<1x1x16xf32>,
      %get3A_321 = vector.shape_cast %get3A_320 : vector<1x1x16xf32> to vector<16xf32>
      %add3A_322 = arith.addf %add3A_314, %get3A_321 : vector<16xf32>
      %get3A_323 = arith.constant 0 : i32
      %get3A_324 = arith.constant 29 : i32
      %get3A_325 = arith.index_cast %get3A_323 : i32 to index
      %get3A_326 = arith.index_cast %get3A_324 : i32 to index
      %get3A_327 = arith.constant 0 : index
      %get3A_328 = tpu.vector_load %arg6[%get3A_325, %get3A_326, %get3A_327] {strides = array<i32>} : memref<4x104x16xf32, #tpu.memory_space<vmem>>, vector<1x1x16xf32>,
      %get3A_329 = vector.shape_cast %get3A_328 : vector<1x1x16xf32> to vector<16xf32>
      %add3A_330 = arith.addf %add3A_322, %get3A_329 : vector<16xf32>
      %get3A_331 = arith.constant 0 : i32
      %get3A_332 = arith.constant 30 : i32
      %get3A_333 = arith.index_cast %get3A_331 : i32 to index
      %get3A_334 = arith.index_cast %get3A_332 : i32 to index
      %get3A_335 = arith.constant 0 : index
      %get3A_336 = tpu.vector_load %arg6[%get3A_333, %get3A_334, %get3A_335] {strides = array<i32>} : memref<4x104x16xf32, #tpu.memory_space<vmem>>, vector<1x1x16xf32>,
      %get3A_337 = vector.shape_cast %get3A_336 : vector<1x1x16xf32> to vector<16xf32>
      %add3A_338 = arith.addf %add3A_330, %get3A_337 : vector<16xf32>
      %get3A_339 = arith.constant 0 : i32
      %get3A_340 = arith.constant 31 : i32
      %get3A_341 = arith.index_cast %get3A_339 : i32 to index
      %get3A_342 = arith.index_cast %get3A_340 : i32 to index
      %get3A_343 = arith.constant 0 : index
      %get3A_344 = tpu.vector_load %arg6[%get3A_341, %get3A_342, %get3A_343] {strides = array<i32>} : memref<4x104x16xf32, #tpu.memory_space<vmem>>, vector<1x1x16xf32>,
      %get3A_345 = vector.shape_cast %get3A_344 : vector<1x1x16xf32> to vector<16xf32>
      %add3A_346 = arith.addf %add3A_338, %get3A_345 : vector<16xf32>
      %get3A_347 = arith.constant 0 : i32
      %get3A_348 = arith.constant 32 : i32
      %get3A_349 = arith.index_cast %get3A_347 : i32 to index
      %get3A_350 = arith.index_cast %get3A_348 : i32 to index
      %get3A_351 = arith.constant 0 : index
      %get3A_352 = tpu.vector_load %arg6[%get3A_349, %get3A_350, %get3A_351] {strides = array<i32>} : memref<4x104x16xf32, #tpu.memory_space<vmem>>, vector<1x1x16xf32>,
      %get3A_353 = vector.shape_cast %get3A_352 : vector<1x1x16xf32> to vector<16xf32>
      %add3A_354 = arith.addf %add3A_346, %get3A_353 : vector<16xf32>
      %get3A_355 = arith.constant 0 : i32
      %get3A_356 = arith.constant 33 : i32
      %get3A_357 = arith.index_cast %get3A_355 : i32 to index
      %get3A_358 = arith.index_cast %get3A_356 : i32 to index
      %get3A_359 = arith.constant 0 : index
      %get3A_360 = tpu.vector_load %arg6[%get3A_357, %get3A_358, %get3A_359] {strides = array<i32>} : memref<4x104x16xf32, #tpu.memory_space<vmem>>, vector<1x1x16xf32>,
      %get3A_361 = vector.shape_cast %get3A_360 : vector<1x1x16xf32> to vector<16xf32>
      %add3A_362 = arith.addf %add3A_354, %get3A_361 : vector<16xf32>
      %get3A_363 = arith.constant 0 : i32
      %get3A_364 = arith.constant 34 : i32
      %get3A_365 = arith.index_cast %get3A_363 : i32 to index
      %get3A_366 = arith.index_cast %get3A_364 : i32 to index
      %get3A_367 = arith.constant 0 : index
      %get3A_368 = tpu.vector_load %arg6[%get3A_365, %get3A_366, %get3A_367] {strides = array<i32>} : memref<4x104x16xf32, #tpu.memory_space<vmem>>, vector<1x1x16xf32>,
      %get3A_369 = vector.shape_cast %get3A_368 : vector<1x1x16xf32> to vector<16xf32>
      %add3A_370 = arith.addf %add3A_362, %get3A_369 : vector<16xf32>
      %get3A_371 = arith.constant 0 : i32
      %get3A_372 = arith.constant 35 : i32
      %get3A_373 = arith.index_cast %get3A_371 : i32 to index
      %get3A_374 = arith.index_cast %get3A_372 : i32 to index
      %get3A_375 = arith.constant 0 : index
      %get3A_376 = tpu.vector_load %arg6[%get3A_373, %get3A_374, %get3A_375] {strides = array<i32>} : memref<4x104x16xf32, #tpu.memory_space<vmem>>, vector<1x1x16xf32>,
      %get3A_377 = vector.shape_cast %get3A_376 : vector<1x1x16xf32> to vector<16xf32>
      %add3A_378 = arith.addf %add3A_370, %get3A_377 : vector<16xf32>
      %get3A_379 = arith.constant 0 : i32
      %get3A_380 = arith.constant 36 : i32
      %get3A_381 = arith.index_cast %get3A_379 : i32 to index
      %get3A_382 = arith.index_cast %get3A_380 : i32 to index
      %get3A_383 = arith.constant 0 : index
      %get3A_384 = tpu.vector_load %arg6[%get3A_381, %get3A_382, %get3A_383] {strides = array<i32>} : memref<4x104x16xf32, #tpu.memory_space<vmem>>, vector<1x1x16xf32>,
      %get3A_385 = vector.shape_cast %get3A_384 : vector<1x1x16xf32> to vector<16xf32>
      %add3A_386 = arith.addf %add3A_378, %get3A_385 : vector<16xf32>
      %get3A_387 = arith.constant 0 : i32
      %get3A_388 = arith.constant 37 : i32
      %get3A_389 = arith.index_cast %get3A_387 : i32 to index
      %get3A_390 = arith.index_cast %get3A_388 : i32 to index
      %get3A_391 = arith.constant 0 : index
      %get3A_392 = tpu.vector_load %arg6[%get3A_389, %get3A_390, %get3A_391] {strides = array<i32>} : memref<4x104x16xf32, #tpu.memory_space<vmem>>, vector<1x1x16xf32>,
      %get3A_393 = vector.shape_cast %get3A_392 : vector<1x1x16xf32> to vector<16xf32>
      %add3A_394 = arith.addf %add3A_386, %get3A_393 : vector<16xf32>
      %get3A_395 = arith.constant 0 : i32
      %get3A_396 = arith.constant 38 : i32
      %get3A_397 = arith.index_cast %get3A_395 : i32 to index
      %get3A_398 = arith.index_cast %get3A_396 : i32 to index
      %get3A_399 = arith.constant 0 : index
      %get3A_400 = tpu.vector_load %arg6[%get3A_397, %get3A_398, %get3A_399] {strides = array<i32>} : memref<4x104x16xf32, #tpu.memory_space<vmem>>, vector<1x1x16xf32>,
      %get3A_401 = vector.shape_cast %get3A_400 : vector<1x1x16xf32> to vector<16xf32>
      %add3A_402 = arith.addf %add3A_394, %get3A_401 : vector<16xf32>
      %get3A_403 = arith.constant 0 : i32
      %get3A_404 = arith.constant 39 : i32
      %get3A_405 = arith.index_cast %get3A_403 : i32 to index
      %get3A_406 = arith.index_cast %get3A_404 : i32 to index
      %get3A_407 = arith.constant 0 : index
      %get3A_408 = tpu.vector_load %arg6[%get3A_405, %get3A_406, %get3A_407] {strides = array<i32>} : memref<4x104x16xf32, #tpu.memory_space<vmem>>, vector<1x1x16xf32>,
      %get3A_409 = vector.shape_cast %get3A_408 : vector<1x1x16xf32> to vector<16xf32>
      %add3A_410 = arith.addf %add3A_402, %get3A_409 : vector<16xf32>
      %get3A_411 = arith.constant 0 : i32
      %get3A_412 = arith.constant 40 : i32
      %get3A_413 = arith.index_cast %get3A_411 : i32 to index
      %get3A_414 = arith.index_cast %get3A_412 : i32 to index
      %get3A_415 = arith.constant 0 : index
      %get3A_416 = tpu.vector_load %arg6[%get3A_413, %get3A_414, %get3A_415] {strides = array<i32>} : memref<4x104x16xf32, #tpu.memory_space<vmem>>, vector<1x1x16xf32>,
      %get3A_417 = vector.shape_cast %get3A_416 : vector<1x1x16xf32> to vector<16xf32>
      %add3A_418 = arith.addf %add3A_410, %get3A_417 : vector<16xf32>
      %get3A_419 = arith.constant 0 : i32
      %get3A_420 = arith.constant 41 : i32
      %get3A_421 = arith.index_cast %get3A_419 : i32 to index
      %get3A_422 = arith.index_cast %get3A_420 : i32 to index
      %get3A_423 = arith.constant 0 : index
      %get3A_424 = tpu.vector_load %arg6[%get3A_421, %get3A_422, %get3A_423] {strides = array<i32>} : memref<4x104x16xf32, #tpu.memory_space<vmem>>, vector<1x1x16xf32>,
      %get3A_425 = vector.shape_cast %get3A_424 : vector<1x1x16xf32> to vector<16xf32>
      %add3A_426 = arith.addf %add3A_418, %get3A_425 : vector<16xf32>
      %get3A_427 = arith.constant 0 : i32
      %get3A_428 = arith.constant 42 : i32
      %get3A_429 = arith.index_cast %get3A_427 : i32 to index
      %get3A_430 = arith.index_cast %get3A_428 : i32 to index
      %get3A_431 = arith.constant 0 : index
      %get3A_432 = tpu.vector_load %arg6[%get3A_429, %get3A_430, %get3A_431] {strides = array<i32>} : memref<4x104x16xf32, #tpu.memory_space<vmem>>, vector<1x1x16xf32>,
      %get3A_433 = vector.shape_cast %get3A_432 : vector<1x1x16xf32> to vector<16xf32>
      %add3A_434 = arith.addf %add3A_426, %get3A_433 : vector<16xf32>
      %get3A_435 = arith.constant 0 : i32
      %get3A_436 = arith.constant 43 : i32
      %get3A_437 = arith.index_cast %get3A_435 : i32 to index
      %get3A_438 = arith.index_cast %get3A_436 : i32 to index
      %get3A_439 = arith.constant 0 : index
      %get3A_440 = tpu.vector_load %arg6[%get3A_437, %get3A_438, %get3A_439] {strides = array<i32>} : memref<4x104x16xf32, #tpu.memory_space<vmem>>, vector<1x1x16xf32>,
      %get3A_441 = vector.shape_cast %get3A_440 : vector<1x1x16xf32> to vector<16xf32>
      %add3A_442 = arith.addf %add3A_434, %get3A_441 : vector<16xf32>
      %get3A_443 = arith.constant 0 : i32
      %get3A_444 = arith.constant 44 : i32
      %get3A_445 = arith.index_cast %get3A_443 : i32 to index
      %get3A_446 = arith.index_cast %get3A_444 : i32 to index
      %get3A_447 = arith.constant 0 : index
      %get3A_448 = tpu.vector_load %arg6[%get3A_445, %get3A_446, %get3A_447] {strides = array<i32>} : memref<4x104x16xf32, #tpu.memory_space<vmem>>, vector<1x1x16xf32>,
      %get3A_449 = vector.shape_cast %get3A_448 : vector<1x1x16xf32> to vector<16xf32>
      %add3A_450 = arith.addf %add3A_442, %get3A_449 : vector<16xf32>
      %get3A_451 = arith.constant 0 : i32
      %get3A_452 = arith.constant 45 : i32
      %get3A_453 = arith.index_cast %get3A_451 : i32 to index
      %get3A_454 = arith.index_cast %get3A_452 : i32 to index
      %get3A_455 = arith.constant 0 : index
      %get3A_456 = tpu.vector_load %arg6[%get3A_453, %get3A_454, %get3A_455] {strides = array<i32>} : memref<4x104x16xf32, #tpu.memory_space<vmem>>, vector<1x1x16xf32>,
      %get3A_457 = vector.shape_cast %get3A_456 : vector<1x1x16xf32> to vector<16xf32>
      %add3A_458 = arith.addf %add3A_450, %get3A_457 : vector<16xf32>
      %get3A_459 = arith.constant 0 : i32
      %get3A_460 = arith.constant 46 : i32
      %get3A_461 = arith.index_cast %get3A_459 : i32 to index
      %get3A_462 = arith.index_cast %get3A_460 : i32 to index
      %get3A_463 = arith.constant 0 : index
      %get3A_464 = tpu.vector_load %arg6[%get3A_461, %get3A_462, %get3A_463] {strides = array<i32>} : memref<4x104x16xf32, #tpu.memory_space<vmem>>, vector<1x1x16xf32>,
      %get3A_465 = vector.shape_cast %get3A_464 : vector<1x1x16xf32> to vector<16xf32>
      %add3A_466 = arith.addf %add3A_458, %get3A_465 : vector<16xf32>
      %get3A_467 = arith.constant 0 : i32
      %get3A_468 = arith.constant 47 : i32
      %get3A_469 = arith.index_cast %get3A_467 : i32 to index
      %get3A_470 = arith.index_cast %get3A_468 : i32 to index
      %get3A_471 = arith.constant 0 : index
      %get3A_472 = tpu.vector_load %arg6[%get3A_469, %get3A_470, %get3A_471] {strides = array<i32>} : memref<4x104x16xf32, #tpu.memory_space<vmem>>, vector<1x1x16xf32>,
      %get3A_473 = vector.shape_cast %get3A_472 : vector<1x1x16xf32> to vector<16xf32>
      %add3A_474 = arith.addf %add3A_466, %get3A_473 : vector<16xf32>
      %get3A_475 = arith.constant 0 : i32
      %get3A_476 = arith.constant 48 : i32
      %get3A_477 = arith.index_cast %get3A_475 : i32 to index
      %get3A_478 = arith.index_cast %get3A_476 : i32 to index
      %get3A_479 = arith.constant 0 : index
      %get3A_480 = tpu.vector_load %arg6[%get3A_477, %get3A_478, %get3A_479] {strides = array<i32>} : memref<4x104x16xf32, #tpu.memory_space<vmem>>, vector<1x1x16xf32>,
      %get3A_481 = vector.shape_cast %get3A_480 : vector<1x1x16xf32> to vector<16xf32>
      %add3A_482 = arith.addf %add3A_474, %get3A_481 : vector<16xf32>
      %get3A_483 = arith.constant 0 : i32
      %get3A_484 = arith.constant 49 : i32
      %get3A_485 = arith.index_cast %get3A_483 : i32 to index
      %get3A_486 = arith.index_cast %get3A_484 : i32 to index
      %get3A_487 = arith.constant 0 : index
      %get3A_488 = tpu.vector_load %arg6[%get3A_485, %get3A_486, %get3A_487] {strides = array<i32>} : memref<4x104x16xf32, #tpu.memory_space<vmem>>, vector<1x1x16xf32>,
      %get3A_489 = vector.shape_cast %get3A_488 : vector<1x1x16xf32> to vector<16xf32>
      %add3A_490 = arith.addf %add3A_482, %get3A_489 : vector<16xf32>
      %get3A_491 = arith.constant 0 : i32
      %get3A_492 = arith.constant 50 : i32
      %get3A_493 = arith.index_cast %get3A_491 : i32 to index
      %get3A_494 = arith.index_cast %get3A_492 : i32 to index
      %get3A_495 = arith.constant 0 : index
      %get3A_496 = tpu.vector_load %arg6[%get3A_493, %get3A_494, %get3A_495] {strides = array<i32>} : memref<4x104x16xf32, #tpu.memory_space<vmem>>, vector<1x1x16xf32>,
      %get3A_497 = vector.shape_cast %get3A_496 : vector<1x1x16xf32> to vector<16xf32>
      %add3A_498 = arith.addf %add3A_490, %get3A_497 : vector<16xf32>
      %get3A_499 = arith.constant 0 : i32
      %get3A_500 = arith.constant 51 : i32
      %get3A_501 = arith.index_cast %get3A_499 : i32 to index
      %get3A_502 = arith.index_cast %get3A_500 : i32 to index
      %get3A_503 = arith.constant 0 : index
      %get3A_504 = tpu.vector_load %arg6[%get3A_501, %get3A_502, %get3A_503] {strides = array<i32>} : memref<4x104x16xf32, #tpu.memory_space<vmem>>, vector<1x1x16xf32>,
      %get3A_505 = vector.shape_cast %get3A_504 : vector<1x1x16xf32> to vector<16xf32>
      %add3A_506 = arith.addf %add3A_498, %get3A_505 : vector<16xf32>
      %mul3A_507 = arith.constant 4 : i32
      %mul3A_508 = arith.muli %add3A_68, %mul3A_507 : i32
      %add3A_509 = arith.constant 1 : i32
      %add3A_510 = arith.addi %mul3A_508, %add3A_509 : i32
      %swap3A_511 = arith.index_cast %add3A_510 : i32 to index
      %swap3A_512 = arith.constant 0 : index
      %swap3A_513 = tpu.vector_load %arg7[%swap3A_511, %swap3A_512] {strides = array<i32>} : memref<512x16xf32, #tpu.memory_space<vmem>>, vector<1x16xf32>,
      %swap3A_514 = vector.shape_cast %swap3A_513 : vector<1x16xf32> to vector<16xf32>
      %swap3A_515 = vector.shape_cast %add3A_506 : vector<16xf32> to vector<1x16xf32>
      tpu.vector_store %arg7[%swap3A_511, %swap3A_512], %swap3A_515 {strides = array<i32>} : memref<512x16xf32, #tpu.memory_space<vmem>>, vector<1x16xf32>,
      %get3A_516 = arith.constant 0 : i32
      %get3A_517 = arith.constant 52 : i32
      %get3A_518 = arith.index_cast %get3A_516 : i32 to index
      %get3A_519 = arith.index_cast %get3A_517 : i32 to index
      %get3A_520 = arith.constant 0 : index
      %get3A_521 = tpu.vector_load %arg6[%get3A_518, %get3A_519, %get3A_520] {strides = array<i32>} : memref<4x104x16xf32, #tpu.memory_space<vmem>>, vector<1x1x16xf32>,
      %get3A_522 = vector.shape_cast %get3A_521 : vector<1x1x16xf32> to vector<16xf32>
      %get3A_523 = arith.constant 0 : i32
      %get3A_524 = arith.constant 53 : i32
      %get3A_525 = arith.index_cast %get3A_523 : i32 to index
      %get3A_526 = arith.index_cast %get3A_524 : i32 to index
      %get3A_527 = arith.constant 0 : index
      %get3A_528 = tpu.vector_load %arg6[%get3A_525, %get3A_526, %get3A_527] {strides = array<i32>} : memref<4x104x16xf32, #tpu.memory_space<vmem>>, vector<1x1x16xf32>,
      %get3A_529 = vector.shape_cast %get3A_528 : vector<1x1x16xf32> to vector<16xf32>
      %add3A_530 = arith.addf %get3A_522, %get3A_529 : vector<16xf32>
      %get3A_531 = arith.constant 0 : i32
      %get3A_532 = arith.constant 54 : i32
      %get3A_533 = arith.index_cast %get3A_531 : i32 to index
      %get3A_534 = arith.index_cast %get3A_532 : i32 to index
      %get3A_535 = arith.constant 0 : index
      %get3A_536 = tpu.vector_load %arg6[%get3A_533, %get3A_534, %get3A_535] {strides = array<i32>} : memref<4x104x16xf32, #tpu.memory_space<vmem>>, vector<1x1x16xf32>,
      %get3A_537 = vector.shape_cast %get3A_536 : vector<1x1x16xf32> to vector<16xf32>
      %add3A_538 = arith.addf %add3A_530, %get3A_537 : vector<16xf32>
      %get3A_539 = arith.constant 0 : i32
      %get3A_540 = arith.constant 55 : i32
      %get3A_541 = arith.index_cast %get3A_539 : i32 to index
      %get3A_542 = arith.index_cast %get3A_540 : i32 to index
      %get3A_543 = arith.constant 0 : index
      %get3A_544 = tpu.vector_load %arg6[%get3A_541, %get3A_542, %get3A_543] {strides = array<i32>} : memref<4x104x16xf32, #tpu.memory_space<vmem>>, vector<1x1x16xf32>,
      %get3A_545 = vector.shape_cast %get3A_544 : vector<1x1x16xf32> to vector<16xf32>
      %add3A_546 = arith.addf %add3A_538, %get3A_545 : vector<16xf32>
      %get3A_547 = arith.constant 0 : i32
      %get3A_548 = arith.constant 56 : i32
      %get3A_549 = arith.index_cast %get3A_547 : i32 to index
      %get3A_550 = arith.index_cast %get3A_548 : i32 to index
      %get3A_551 = arith.constant 0 : index
      %get3A_552 = tpu.vector_load %arg6[%get3A_549, %get3A_550, %get3A_551] {strides = array<i32>} : memref<4x104x16xf32, #tpu.memory_space<vmem>>, vector<1x1x16xf32>,
      %get3A_553 = vector.shape_cast %get3A_552 : vector<1x1x16xf32> to vector<16xf32>
      %add3A_554 = arith.addf %add3A_546, %get3A_553 : vector<16xf32>
      %get3A_555 = arith.constant 0 : i32
      %get3A_556 = arith.constant 57 : i32
      %get3A_557 = arith.index_cast %get3A_555 : i32 to index
      %get3A_558 = arith.index_cast %get3A_556 : i32 to index
      %get3A_559 = arith.constant 0 : index
      %get3A_560 = tpu.vector_load %arg6[%get3A_557, %get3A_558, %get3A_559] {strides = array<i32>} : memref<4x104x16xf32, #tpu.memory_space<vmem>>, vector<1x1x16xf32>,
      %get3A_561 = vector.shape_cast %get3A_560 : vector<1x1x16xf32> to vector<16xf32>
      %add3A_562 = arith.addf %add3A_554, %get3A_561 : vector<16xf32>
      %get3A_563 = arith.constant 0 : i32
      %get3A_564 = arith.constant 58 : i32
      %get3A_565 = arith.index_cast %get3A_563 : i32 to index
      %get3A_566 = arith.index_cast %get3A_564 : i32 to index
      %get3A_567 = arith.constant 0 : index
      %get3A_568 = tpu.vector_load %arg6[%get3A_565, %get3A_566, %get3A_567] {strides = array<i32>} : memref<4x104x16xf32, #tpu.memory_space<vmem>>, vector<1x1x16xf32>,
      %get3A_569 = vector.shape_cast %get3A_568 : vector<1x1x16xf32> to vector<16xf32>
      %add3A_570 = arith.addf %add3A_562, %get3A_569 : vector<16xf32>
      %get3A_571 = arith.constant 0 : i32
      %get3A_572 = arith.constant 59 : i32
      %get3A_573 = arith.index_cast %get3A_571 : i32 to index
      %get3A_574 = arith.index_cast %get3A_572 : i32 to index
      %get3A_575 = arith.constant 0 : index
      %get3A_576 = tpu.vector_load %arg6[%get3A_573, %get3A_574, %get3A_575] {strides = array<i32>} : memref<4x104x16xf32, #tpu.memory_space<vmem>>, vector<1x1x16xf32>,
      %get3A_577 = vector.shape_cast %get3A_576 : vector<1x1x16xf32> to vector<16xf32>
      %add3A_578 = arith.addf %add3A_570, %get3A_577 : vector<16xf32>
      %get3A_579 = arith.constant 0 : i32
      %get3A_580 = arith.constant 60 : i32
      %get3A_581 = arith.index_cast %get3A_579 : i32 to index
      %get3A_582 = arith.index_cast %get3A_580 : i32 to index
      %get3A_583 = arith.constant 0 : index
      %get3A_584 = tpu.vector_load %arg6[%get3A_581, %get3A_582, %get3A_583] {strides = array<i32>} : memref<4x104x16xf32, #tpu.memory_space<vmem>>, vector<1x1x16xf32>,
      %get3A_585 = vector.shape_cast %get3A_584 : vector<1x1x16xf32> to vector<16xf32>
      %add3A_586 = arith.addf %add3A_578, %get3A_585 : vector<16xf32>
      %get3A_587 = arith.constant 0 : i32
      %get3A_588 = arith.constant 61 : i32
      %get3A_589 = arith.index_cast %get3A_587 : i32 to index
      %get3A_590 = arith.index_cast %get3A_588 : i32 to index
      %get3A_591 = arith.constant 0 : index
      %get3A_592 = tpu.vector_load %arg6[%get3A_589, %get3A_590, %get3A_591] {strides = array<i32>} : memref<4x104x16xf32, #tpu.memory_space<vmem>>, vector<1x1x16xf32>,
      %get3A_593 = vector.shape_cast %get3A_592 : vector<1x1x16xf32> to vector<16xf32>
      %add3A_594 = arith.addf %add3A_586, %get3A_593 : vector<16xf32>
      %get3A_595 = arith.constant 0 : i32
      %get3A_596 = arith.constant 62 : i32
      %get3A_597 = arith.index_cast %get3A_595 : i32 to index
      %get3A_598 = arith.index_cast %get3A_596 : i32 to index
      %get3A_599 = arith.constant 0 : index
      %get3A_600 = tpu.vector_load %arg6[%get3A_597, %get3A_598, %get3A_599] {strides = array<i32>} : memref<4x104x16xf32, #tpu.memory_space<vmem>>, vector<1x1x16xf32>,
      %get3A_601 = vector.shape_cast %get3A_600 : vector<1x1x16xf32> to vector<16xf32>
      %add3A_602 = arith.addf %add3A_594, %get3A_601 : vector<16xf32>
      %get3A_603 = arith.constant 0 : i32
      %get3A_604 = arith.constant 63 : i32
      %get3A_605 = arith.index_cast %get3A_603 : i32 to index
      %get3A_606 = arith.index_cast %get3A_604 : i32 to index
      %get3A_607 = arith.constant 0 : index
      %get3A_608 = tpu.vector_load %arg6[%get3A_605, %get3A_606, %get3A_607] {strides = array<i32>} : memref<4x104x16xf32, #tpu.memory_space<vmem>>, vector<1x1x16xf32>,
      %get3A_609 = vector.shape_cast %get3A_608 : vector<1x1x16xf32> to vector<16xf32>
      %add3A_610 = arith.addf %add3A_602, %get3A_609 : vector<16xf32>
      %get3A_611 = arith.constant 0 : i32
      %get3A_612 = arith.constant 64 : i32
      %get3A_613 = arith.index_cast %get3A_611 : i32 to index
      %get3A_614 = arith.index_cast %get3A_612 : i32 to index
      %get3A_615 = arith.constant 0 : index
      %get3A_616 = tpu.vector_load %arg6[%get3A_613, %get3A_614, %get3A_615] {strides = array<i32>} : memref<4x104x16xf32, #tpu.memory_space<vmem>>, vector<1x1x16xf32>,
      %get3A_617 = vector.shape_cast %get3A_616 : vector<1x1x16xf32> to vector<16xf32>
      %add3A_618 = arith.addf %add3A_610, %get3A_617 : vector<16xf32>
      %get3A_619 = arith.constant 0 : i32
      %get3A_620 = arith.constant 65 : i32
      %get3A_621 = arith.index_cast %get3A_619 : i32 to index
      %get3A_622 = arith.index_cast %get3A_620 : i32 to index
      %get3A_623 = arith.constant 0 : index
      %get3A_624 = tpu.vector_load %arg6[%get3A_621, %get3A_622, %get3A_623] {strides = array<i32>} : memref<4x104x16xf32, #tpu.memory_space<vmem>>, vector<1x1x16xf32>,
      %get3A_625 = vector.shape_cast %get3A_624 : vector<1x1x16xf32> to vector<16xf32>
      %add3A_626 = arith.addf %add3A_618, %get3A_625 : vector<16xf32>
      %get3A_627 = arith.constant 0 : i32
      %get3A_628 = arith.constant 66 : i32
      %get3A_629 = arith.index_cast %get3A_627 : i32 to index
      %get3A_630 = arith.index_cast %get3A_628 : i32 to index
      %get3A_631 = arith.constant 0 : index
      %get3A_632 = tpu.vector_load %arg6[%get3A_629, %get3A_630, %get3A_631] {strides = array<i32>} : memref<4x104x16xf32, #tpu.memory_space<vmem>>, vector<1x1x16xf32>,
      %get3A_633 = vector.shape_cast %get3A_632 : vector<1x1x16xf32> to vector<16xf32>
      %add3A_634 = arith.addf %add3A_626, %get3A_633 : vector<16xf32>
      %get3A_635 = arith.constant 0 : i32
      %get3A_636 = arith.constant 67 : i32
      %get3A_637 = arith.index_cast %get3A_635 : i32 to index
      %get3A_638 = arith.index_cast %get3A_636 : i32 to index
      %get3A_639 = arith.constant 0 : index
      %get3A_640 = tpu.vector_load %arg6[%get3A_637, %get3A_638, %get3A_639] {strides = array<i32>} : memref<4x104x16xf32, #tpu.memory_space<vmem>>, vector<1x1x16xf32>,
      %get3A_641 = vector.shape_cast %get3A_640 : vector<1x1x16xf32> to vector<16xf32>
      %add3A_642 = arith.addf %add3A_634, %get3A_641 : vector<16xf32>
      %get3A_643 = arith.constant 0 : i32
      %get3A_644 = arith.constant 68 : i32
      %get3A_645 = arith.index_cast %get3A_643 : i32 to index
      %get3A_646 = arith.index_cast %get3A_644 : i32 to index
      %get3A_647 = arith.constant 0 : index
      %get3A_648 = tpu.vector_load %arg6[%get3A_645, %get3A_646, %get3A_647] {strides = array<i32>} : memref<4x104x16xf32, #tpu.memory_space<vmem>>, vector<1x1x16xf32>,
      %get3A_649 = vector.shape_cast %get3A_648 : vector<1x1x16xf32> to vector<16xf32>
      %add3A_650 = arith.addf %add3A_642, %get3A_649 : vector<16xf32>
      %get3A_651 = arith.constant 0 : i32
      %get3A_652 = arith.constant 69 : i32
      %get3A_653 = arith.index_cast %get3A_651 : i32 to index
      %get3A_654 = arith.index_cast %get3A_652 : i32 to index
      %get3A_655 = arith.constant 0 : index
      %get3A_656 = tpu.vector_load %arg6[%get3A_653, %get3A_654, %get3A_655] {strides = array<i32>} : memref<4x104x16xf32, #tpu.memory_space<vmem>>, vector<1x1x16xf32>,
      %get3A_657 = vector.shape_cast %get3A_656 : vector<1x1x16xf32> to vector<16xf32>
      %add3A_658 = arith.addf %add3A_650, %get3A_657 : vector<16xf32>
      %get3A_659 = arith.constant 0 : i32
      %get3A_660 = arith.constant 70 : i32
      %get3A_661 = arith.index_cast %get3A_659 : i32 to index
      %get3A_662 = arith.index_cast %get3A_660 : i32 to index
      %get3A_663 = arith.constant 0 : index
      %get3A_664 = tpu.vector_load %arg6[%get3A_661, %get3A_662, %get3A_663] {strides = array<i32>} : memref<4x104x16xf32, #tpu.memory_space<vmem>>, vector<1x1x16xf32>,
      %get3A_665 = vector.shape_cast %get3A_664 : vector<1x1x16xf32> to vector<16xf32>
      %add3A_666 = arith.addf %add3A_658, %get3A_665 : vector<16xf32>
      %get3A_667 = arith.constant 0 : i32
      %get3A_668 = arith.constant 71 : i32
      %get3A_669 = arith.index_cast %get3A_667 : i32 to index
      %get3A_670 = arith.index_cast %get3A_668 : i32 to index
      %get3A_671 = arith.constant 0 : index
      %get3A_672 = tpu.vector_load %arg6[%get3A_669, %get3A_670, %get3A_671] {strides = array<i32>} : memref<4x104x16xf32, #tpu.memory_space<vmem>>, vector<1x1x16xf32>,
      %get3A_673 = vector.shape_cast %get3A_672 : vector<1x1x16xf32> to vector<16xf32>
      %add3A_674 = arith.addf %add3A_666, %get3A_673 : vector<16xf32>
      %get3A_675 = arith.constant 0 : i32
      %get3A_676 = arith.constant 72 : i32
      %get3A_677 = arith.index_cast %get3A_675 : i32 to index
      %get3A_678 = arith.index_cast %get3A_676 : i32 to index
      %get3A_679 = arith.constant 0 : index
      %get3A_680 = tpu.vector_load %arg6[%get3A_677, %get3A_678, %get3A_679] {strides = array<i32>} : memref<4x104x16xf32, #tpu.memory_space<vmem>>, vector<1x1x16xf32>,
      %get3A_681 = vector.shape_cast %get3A_680 : vector<1x1x16xf32> to vector<16xf32>
      %add3A_682 = arith.addf %add3A_674, %get3A_681 : vector<16xf32>
      %get3A_683 = arith.constant 0 : i32
      %get3A_684 = arith.constant 73 : i32
      %get3A_685 = arith.index_cast %get3A_683 : i32 to index
      %get3A_686 = arith.index_cast %get3A_684 : i32 to index
      %get3A_687 = arith.constant 0 : index
      %get3A_688 = tpu.vector_load %arg6[%get3A_685, %get3A_686, %get3A_687] {strides = array<i32>} : memref<4x104x16xf32, #tpu.memory_space<vmem>>, vector<1x1x16xf32>,
      %get3A_689 = vector.shape_cast %get3A_688 : vector<1x1x16xf32> to vector<16xf32>
      %add3A_690 = arith.addf %add3A_682, %get3A_689 : vector<16xf32>
      %get3A_691 = arith.constant 0 : i32
      %get3A_692 = arith.constant 74 : i32
      %get3A_693 = arith.index_cast %get3A_691 : i32 to index
      %get3A_694 = arith.index_cast %get3A_692 : i32 to index
      %get3A_695 = arith.constant 0 : index
      %get3A_696 = tpu.vector_load %arg6[%get3A_693, %get3A_694, %get3A_695] {strides = array<i32>} : memref<4x104x16xf32, #tpu.memory_space<vmem>>, vector<1x1x16xf32>,
      %get3A_697 = vector.shape_cast %get3A_696 : vector<1x1x16xf32> to vector<16xf32>
      %add3A_698 = arith.addf %add3A_690, %get3A_697 : vector<16xf32>
      %get3A_699 = arith.constant 0 : i32
      %get3A_700 = arith.constant 75 : i32
      %get3A_701 = arith.index_cast %get3A_699 : i32 to index
      %get3A_702 = arith.index_cast %get3A_700 : i32 to index
      %get3A_703 = arith.constant 0 : index
      %get3A_704 = tpu.vector_load %arg6[%get3A_701, %get3A_702, %get3A_703] {strides = array<i32>} : memref<4x104x16xf32, #tpu.memory_space<vmem>>, vector<1x1x16xf32>,
      %get3A_705 = vector.shape_cast %get3A_704 : vector<1x1x16xf32> to vector<16xf32>
      %add3A_706 = arith.addf %add3A_698, %get3A_705 : vector<16xf32>
      %get3A_707 = arith.constant 0 : i32
      %get3A_708 = arith.constant 76 : i32
      %get3A_709 = arith.index_cast %get3A_707 : i32 to index
      %get3A_710 = arith.index_cast %get3A_708 : i32 to index
      %get3A_711 = arith.constant 0 : index
      %get3A_712 = tpu.vector_load %arg6[%get3A_709, %get3A_710, %get3A_711] {strides = array<i32>} : memref<4x104x16xf32, #tpu.memory_space<vmem>>, vector<1x1x16xf32>,
      %get3A_713 = vector.shape_cast %get3A_712 : vector<1x1x16xf32> to vector<16xf32>
      %add3A_714 = arith.addf %add3A_706, %get3A_713 : vector<16xf32>
      %get3A_715 = arith.constant 0 : i32
      %get3A_716 = arith.constant 77 : i32
      %get3A_717 = arith.index_cast %get3A_715 : i32 to index
      %get3A_718 = arith.index_cast %get3A_716 : i32 to index
      %get3A_719 = arith.constant 0 : index
      %get3A_720 = tpu.vector_load %arg6[%get3A_717, %get3A_718, %get3A_719] {strides = array<i32>} : memref<4x104x16xf32, #tpu.memory_space<vmem>>, vector<1x1x16xf32>,
      %get3A_721 = vector.shape_cast %get3A_720 : vector<1x1x16xf32> to vector<16xf32>
      %add3A_722 = arith.addf %add3A_714, %get3A_721 : vector<16xf32>
      %mul3A_723 = arith.constant 4 : i32
      %mul3A_724 = arith.muli %add3A_68, %mul3A_723 : i32
      %add3A_725 = arith.constant 2 : i32
      %add3A_726 = arith.addi %mul3A_724, %add3A_725 : i32
      %swap3A_727 = arith.index_cast %add3A_726 : i32 to index
      %swap3A_728 = arith.constant 0 : index
      %swap3A_729 = tpu.vector_load %arg7[%swap3A_727, %swap3A_728] {strides = array<i32>} : memref<512x16xf32, #tpu.memory_space<vmem>>, vector<1x16xf32>,
      %swap3A_730 = vector.shape_cast %swap3A_729 : vector<1x16xf32> to vector<16xf32>
      %swap3A_731 = vector.shape_cast %add3A_722 : vector<16xf32> to vector<1x16xf32>
      tpu.vector_store %arg7[%swap3A_727, %swap3A_728], %swap3A_731 {strides = array<i32>} : memref<512x16xf32, #tpu.memory_space<vmem>>, vector<1x16xf32>,
      %get3A_732 = arith.constant 0 : i32
      %get3A_733 = arith.constant 78 : i32
      %get3A_734 = arith.index_cast %get3A_732 : i32 to index
      %get3A_735 = arith.index_cast %get3A_733 : i32 to index
      %get3A_736 = arith.constant 0 : index
      %get3A_737 = tpu.vector_load %arg6[%get3A_734, %get3A_735, %get3A_736] {strides = array<i32>} : memref<4x104x16xf32, #tpu.memory_space<vmem>>, vector<1x1x16xf32>,
      %get3A_738 = vector.shape_cast %get3A_737 : vector<1x1x16xf32> to vector<16xf32>
      %get3A_739 = arith.constant 0 : i32
      %get3A_740 = arith.constant 79 : i32
      %get3A_741 = arith.index_cast %get3A_739 : i32 to index
      %get3A_742 = arith.index_cast %get3A_740 : i32 to index
      %get3A_743 = arith.constant 0 : index
      %get3A_744 = tpu.vector_load %arg6[%get3A_741, %get3A_742, %get3A_743] {strides = array<i32>} : memref<4x104x16xf32, #tpu.memory_space<vmem>>, vector<1x1x16xf32>,
      %get3A_745 = vector.shape_cast %get3A_744 : vector<1x1x16xf32> to vector<16xf32>
      %add3A_746 = arith.addf %get3A_738, %get3A_745 : vector<16xf32>
      %get3A_747 = arith.constant 0 : i32
      %get3A_748 = arith.constant 80 : i32
      %get3A_749 = arith.index_cast %get3A_747 : i32 to index
      %get3A_750 = arith.index_cast %get3A_748 : i32 to index
      %get3A_751 = arith.constant 0 : index
      %get3A_752 = tpu.vector_load %arg6[%get3A_749, %get3A_750, %get3A_751] {strides = array<i32>} : memref<4x104x16xf32, #tpu.memory_space<vmem>>, vector<1x1x16xf32>,
      %get3A_753 = vector.shape_cast %get3A_752 : vector<1x1x16xf32> to vector<16xf32>
      %add3A_754 = arith.addf %add3A_746, %get3A_753 : vector<16xf32>
      %get3A_755 = arith.constant 0 : i32
      %get3A_756 = arith.constant 81 : i32
      %get3A_757 = arith.index_cast %get3A_755 : i32 to index
      %get3A_758 = arith.index_cast %get3A_756 : i32 to index
      %get3A_759 = arith.constant 0 : index
      %get3A_760 = tpu.vector_load %arg6[%get3A_757, %get3A_758, %get3A_759] {strides = array<i32>} : memref<4x104x16xf32, #tpu.memory_space<vmem>>, vector<1x1x16xf32>,
      %get3A_761 = vector.shape_cast %get3A_760 : vector<1x1x16xf32> to vector<16xf32>
      %add3A_762 = arith.addf %add3A_754, %get3A_761 : vector<16xf32>
      %get3A_763 = arith.constant 0 : i32
      %get3A_764 = arith.constant 82 : i32
      %get3A_765 = arith.index_cast %get3A_763 : i32 to index
      %get3A_766 = arith.index_cast %get3A_764 : i32 to index
      %get3A_767 = arith.constant 0 : index
      %get3A_768 = tpu.vector_load %arg6[%get3A_765, %get3A_766, %get3A_767] {strides = array<i32>} : memref<4x104x16xf32, #tpu.memory_space<vmem>>, vector<1x1x16xf32>,
      %get3A_769 = vector.shape_cast %get3A_768 : vector<1x1x16xf32> to vector<16xf32>
      %add3A_770 = arith.addf %add3A_762, %get3A_769 : vector<16xf32>
      %get3A_771 = arith.constant 0 : i32
      %get3A_772 = arith.constant 83 : i32
      %get3A_773 = arith.index_cast %get3A_771 : i32 to index
      %get3A_774 = arith.index_cast %get3A_772 : i32 to index
      %get3A_775 = arith.constant 0 : index
      %get3A_776 = tpu.vector_load %arg6[%get3A_773, %get3A_774, %get3A_775] {strides = array<i32>} : memref<4x104x16xf32, #tpu.memory_space<vmem>>, vector<1x1x16xf32>,
      %get3A_777 = vector.shape_cast %get3A_776 : vector<1x1x16xf32> to vector<16xf32>
      %add3A_778 = arith.addf %add3A_770, %get3A_777 : vector<16xf32>
      %get3A_779 = arith.constant 0 : i32
      %get3A_780 = arith.constant 84 : i32
      %get3A_781 = arith.index_cast %get3A_779 : i32 to index
      %get3A_782 = arith.index_cast %get3A_780 : i32 to index
      %get3A_783 = arith.constant 0 : index
      %get3A_784 = tpu.vector_load %arg6[%get3A_781, %get3A_782, %get3A_783] {strides = array<i32>} : memref<4x104x16xf32, #tpu.memory_space<vmem>>, vector<1x1x16xf32>,
      %get3A_785 = vector.shape_cast %get3A_784 : vector<1x1x16xf32> to vector<16xf32>
      %add3A_786 = arith.addf %add3A_778, %get3A_785 : vector<16xf32>
      %get3A_787 = arith.constant 0 : i32
      %get3A_788 = arith.constant 85 : i32
      %get3A_789 = arith.index_cast %get3A_787 : i32 to index
      %get3A_790 = arith.index_cast %get3A_788 : i32 to index
      %get3A_791 = arith.constant 0 : index
      %get3A_792 = tpu.vector_load %arg6[%get3A_789, %get3A_790, %get3A_791] {strides = array<i32>} : memref<4x104x16xf32, #tpu.memory_space<vmem>>, vector<1x1x16xf32>,
      %get3A_793 = vector.shape_cast %get3A_792 : vector<1x1x16xf32> to vector<16xf32>
      %add3A_794 = arith.addf %add3A_786, %get3A_793 : vector<16xf32>
      %get3A_795 = arith.constant 0 : i32
      %get3A_796 = arith.constant 86 : i32
      %get3A_797 = arith.index_cast %get3A_795 : i32 to index
      %get3A_798 = arith.index_cast %get3A_796 : i32 to index
      %get3A_799 = arith.constant 0 : index
      %get3A_800 = tpu.vector_load %arg6[%get3A_797, %get3A_798, %get3A_799] {strides = array<i32>} : memref<4x104x16xf32, #tpu.memory_space<vmem>>, vector<1x1x16xf32>,
      %get3A_801 = vector.shape_cast %get3A_800 : vector<1x1x16xf32> to vector<16xf32>
      %add3A_802 = arith.addf %add3A_794, %get3A_801 : vector<16xf32>
      %get3A_803 = arith.constant 0 : i32
      %get3A_804 = arith.constant 87 : i32
      %get3A_805 = arith.index_cast %get3A_803 : i32 to index
      %get3A_806 = arith.index_cast %get3A_804 : i32 to index
      %get3A_807 = arith.constant 0 : index
      %get3A_808 = tpu.vector_load %arg6[%get3A_805, %get3A_806, %get3A_807] {strides = array<i32>} : memref<4x104x16xf32, #tpu.memory_space<vmem>>, vector<1x1x16xf32>,
      %get3A_809 = vector.shape_cast %get3A_808 : vector<1x1x16xf32> to vector<16xf32>
      %add3A_810 = arith.addf %add3A_802, %get3A_809 : vector<16xf32>
      %get3A_811 = arith.constant 0 : i32
      %get3A_812 = arith.constant 88 : i32
      %get3A_813 = arith.index_cast %get3A_811 : i32 to index
      %get3A_814 = arith.index_cast %get3A_812 : i32 to index
      %get3A_815 = arith.constant 0 : index
      %get3A_816 = tpu.vector_load %arg6[%get3A_813, %get3A_814, %get3A_815] {strides = array<i32>} : memref<4x104x16xf32, #tpu.memory_space<vmem>>, vector<1x1x16xf32>,
      %get3A_817 = vector.shape_cast %get3A_816 : vector<1x1x16xf32> to vector<16xf32>
      %add3A_818 = arith.addf %add3A_810, %get3A_817 : vector<16xf32>
      %get3A_819 = arith.constant 0 : i32
      %get3A_820 = arith.constant 89 : i32
      %get3A_821 = arith.index_cast %get3A_819 : i32 to index
      %get3A_822 = arith.index_cast %get3A_820 : i32 to index
      %get3A_823 = arith.constant 0 : index
      %get3A_824 = tpu.vector_load %arg6[%get3A_821, %get3A_822, %get3A_823] {strides = array<i32>} : memref<4x104x16xf32, #tpu.memory_space<vmem>>, vector<1x1x16xf32>,
      %get3A_825 = vector.shape_cast %get3A_824 : vector<1x1x16xf32> to vector<16xf32>
      %add3A_826 = arith.addf %add3A_818, %get3A_825 : vector<16xf32>
      %get3A_827 = arith.constant 0 : i32
      %get3A_828 = arith.constant 90 : i32
      %get3A_829 = arith.index_cast %get3A_827 : i32 to index
      %get3A_830 = arith.index_cast %get3A_828 : i32 to index
      %get3A_831 = arith.constant 0 : index
      %get3A_832 = tpu.vector_load %arg6[%get3A_829, %get3A_830, %get3A_831] {strides = array<i32>} : memref<4x104x16xf32, #tpu.memory_space<vmem>>, vector<1x1x16xf32>,
      %get3A_833 = vector.shape_cast %get3A_832 : vector<1x1x16xf32> to vector<16xf32>
      %add3A_834 = arith.addf %add3A_826, %get3A_833 : vector<16xf32>
      %get3A_835 = arith.constant 0 : i32
      %get3A_836 = arith.constant 91 : i32
      %get3A_837 = arith.index_cast %get3A_835 : i32 to index
      %get3A_838 = arith.index_cast %get3A_836 : i32 to index
      %get3A_839 = arith.constant 0 : index
      %get3A_840 = tpu.vector_load %arg6[%get3A_837, %get3A_838, %get3A_839] {strides = array<i32>} : memref<4x104x16xf32, #tpu.memory_space<vmem>>, vector<1x1x16xf32>,
      %get3A_841 = vector.shape_cast %get3A_840 : vector<1x1x16xf32> to vector<16xf32>
      %add3A_842 = arith.addf %add3A_834, %get3A_841 : vector<16xf32>
      %get3A_843 = arith.constant 0 : i32
      %get3A_844 = arith.constant 92 : i32
      %get3A_845 = arith.index_cast %get3A_843 : i32 to index
      %get3A_846 = arith.index_cast %get3A_844 : i32 to index
      %get3A_847 = arith.constant 0 : index
      %get3A_848 = tpu.vector_load %arg6[%get3A_845, %get3A_846, %get3A_847] {strides = array<i32>} : memref<4x104x16xf32, #tpu.memory_space<vmem>>, vector<1x1x16xf32>,
      %get3A_849 = vector.shape_cast %get3A_848 : vector<1x1x16xf32> to vector<16xf32>
      %add3A_850 = arith.addf %add3A_842, %get3A_849 : vector<16xf32>
      %get3A_851 = arith.constant 0 : i32
      %get3A_852 = arith.constant 93 : i32
      %get3A_853 = arith.index_cast %get3A_851 : i32 to index
      %get3A_854 = arith.index_cast %get3A_852 : i32 to index
      %get3A_855 = arith.constant 0 : index
      %get3A_856 = tpu.vector_load %arg6[%get3A_853, %get3A_854, %get3A_855] {strides = array<i32>} : memref<4x104x16xf32, #tpu.memory_space<vmem>>, vector<1x1x16xf32>,
      %get3A_857 = vector.shape_cast %get3A_856 : vector<1x1x16xf32> to vector<16xf32>
      %add3A_858 = arith.addf %add3A_850, %get3A_857 : vector<16xf32>
      %get3A_859 = arith.constant 0 : i32
      %get3A_860 = arith.constant 94 : i32
      %get3A_861 = arith.index_cast %get3A_859 : i32 to index
      %get3A_862 = arith.index_cast %get3A_860 : i32 to index
      %get3A_863 = arith.constant 0 : index
      %get3A_864 = tpu.vector_load %arg6[%get3A_861, %get3A_862, %get3A_863] {strides = array<i32>} : memref<4x104x16xf32, #tpu.memory_space<vmem>>, vector<1x1x16xf32>,
      %get3A_865 = vector.shape_cast %get3A_864 : vector<1x1x16xf32> to vector<16xf32>
      %add3A_866 = arith.addf %add3A_858, %get3A_865 : vector<16xf32>
      %get3A_867 = arith.constant 0 : i32
      %get3A_868 = arith.constant 95 : i32
      %get3A_869 = arith.index_cast %get3A_867 : i32 to index
      %get3A_870 = arith.index_cast %get3A_868 : i32 to index
      %get3A_871 = arith.constant 0 : index
      %get3A_872 = tpu.vector_load %arg6[%get3A_869, %get3A_870, %get3A_871] {strides = array<i32>} : memref<4x104x16xf32, #tpu.memory_space<vmem>>, vector<1x1x16xf32>,
      %get3A_873 = vector.shape_cast %get3A_872 : vector<1x1x16xf32> to vector<16xf32>
      %add3A_874 = arith.addf %add3A_866, %get3A_873 : vector<16xf32>
      %get3A_875 = arith.constant 0 : i32
      %get3A_876 = arith.constant 96 : i32
      %get3A_877 = arith.index_cast %get3A_875 : i32 to index
      %get3A_878 = arith.index_cast %get3A_876 : i32 to index
      %get3A_879 = arith.constant 0 : index
      %get3A_880 = tpu.vector_load %arg6[%get3A_877, %get3A_878, %get3A_879] {strides = array<i32>} : memref<4x104x16xf32, #tpu.memory_space<vmem>>, vector<1x1x16xf32>,
      %get3A_881 = vector.shape_cast %get3A_880 : vector<1x1x16xf32> to vector<16xf32>
      %add3A_882 = arith.addf %add3A_874, %get3A_881 : vector<16xf32>
      %get3A_883 = arith.constant 0 : i32
      %get3A_884 = arith.constant 97 : i32
      %get3A_885 = arith.index_cast %get3A_883 : i32 to index
      %get3A_886 = arith.index_cast %get3A_884 : i32 to index
      %get3A_887 = arith.constant 0 : index
      %get3A_888 = tpu.vector_load %arg6[%get3A_885, %get3A_886, %get3A_887] {strides = array<i32>} : memref<4x104x16xf32, #tpu.memory_space<vmem>>, vector<1x1x16xf32>,
      %get3A_889 = vector.shape_cast %get3A_888 : vector<1x1x16xf32> to vector<16xf32>
      %add3A_890 = arith.addf %add3A_882, %get3A_889 : vector<16xf32>
      %get3A_891 = arith.constant 0 : i32
      %get3A_892 = arith.constant 98 : i32
      %get3A_893 = arith.index_cast %get3A_891 : i32 to index
      %get3A_894 = arith.index_cast %get3A_892 : i32 to index
      %get3A_895 = arith.constant 0 : index
      %get3A_896 = tpu.vector_load %arg6[%get3A_893, %get3A_894, %get3A_895] {strides = array<i32>} : memref<4x104x16xf32, #tpu.memory_space<vmem>>, vector<1x1x16xf32>,
      %get3A_897 = vector.shape_cast %get3A_896 : vector<1x1x16xf32> to vector<16xf32>
      %add3A_898 = arith.addf %add3A_890, %get3A_897 : vector<16xf32>
      %get3A_899 = arith.constant 0 : i32
      %get3A_900 = arith.constant 99 : i32
      %get3A_901 = arith.index_cast %get3A_899 : i32 to index
      %get3A_902 = arith.index_cast %get3A_900 : i32 to index
      %get3A_903 = arith.constant 0 : index
      %get3A_904 = tpu.vector_load %arg6[%get3A_901, %get3A_902, %get3A_903] {strides = array<i32>} : memref<4x104x16xf32, #tpu.memory_space<vmem>>, vector<1x1x16xf32>,
      %get3A_905 = vector.shape_cast %get3A_904 : vector<1x1x16xf32> to vector<16xf32>
      %add3A_906 = arith.addf %add3A_898, %get3A_905 : vector<16xf32>
      %get3A_907 = arith.constant 0 : i32
      %get3A_908 = arith.constant 100 : i32
      %get3A_909 = arith.index_cast %get3A_907 : i32 to index
      %get3A_910 = arith.index_cast %get3A_908 : i32 to index
      %get3A_911 = arith.constant 0 : index
      %get3A_912 = tpu.vector_load %arg6[%get3A_909, %get3A_910, %get3A_911] {strides = array<i32>} : memref<4x104x16xf32, #tpu.memory_space<vmem>>, vector<1x1x16xf32>,
      %get3A_913 = vector.shape_cast %get3A_912 : vector<1x1x16xf32> to vector<16xf32>
      %add3A_914 = arith.addf %add3A_906, %get3A_913 : vector<16xf32>
      %get3A_915 = arith.constant 0 : i32
      %get3A_916 = arith.constant 101 : i32
      %get3A_917 = arith.index_cast %get3A_915 : i32 to index
      %get3A_918 = arith.index_cast %get3A_916 : i32 to index
      %get3A_919 = arith.constant 0 : index
      %get3A_920 = tpu.vector_load %arg6[%get3A_917, %get3A_918, %get3A_919] {strides = array<i32>} : memref<4x104x16xf32, #tpu.memory_space<vmem>>, vector<1x1x16xf32>,
      %get3A_921 = vector.shape_cast %get3A_920 : vector<1x1x16xf32> to vector<16xf32>
      %add3A_922 = arith.addf %add3A_914, %get3A_921 : vector<16xf32>
      %get3A_923 = arith.constant 0 : i32
      %get3A_924 = arith.constant 102 : i32
      %get3A_925 = arith.index_cast %get3A_923 : i32 to index
      %get3A_926 = arith.index_cast %get3A_924 : i32 to index
      %get3A_927 = arith.constant 0 : index
      %get3A_928 = tpu.vector_load %arg6[%get3A_925, %get3A_926, %get3A_927] {strides = array<i32>} : memref<4x104x16xf32, #tpu.memory_space<vmem>>, vector<1x1x16xf32>,
      %get3A_929 = vector.shape_cast %get3A_928 : vector<1x1x16xf32> to vector<16xf32>
      %add3A_930 = arith.addf %add3A_922, %get3A_929 : vector<16xf32>
      %get3A_931 = arith.constant 0 : i32
      %get3A_932 = arith.constant 103 : i32
      %get3A_933 = arith.index_cast %get3A_931 : i32 to index
      %get3A_934 = arith.index_cast %get3A_932 : i32 to index
      %get3A_935 = arith.constant 0 : index
      %get3A_936 = tpu.vector_load %arg6[%get3A_933, %get3A_934, %get3A_935] {strides = array<i32>} : memref<4x104x16xf32, #tpu.memory_space<vmem>>, vector<1x1x16xf32>,
      %get3A_937 = vector.shape_cast %get3A_936 : vector<1x1x16xf32> to vector<16xf32>
      %add3A_938 = arith.addf %add3A_930, %get3A_937 : vector<16xf32>
      %mul3A_939 = arith.constant 4 : i32
      %mul3A_940 = arith.muli %add3A_68, %mul3A_939 : i32
      %add3A_941 = arith.constant 3 : i32
      %add3A_942 = arith.addi %mul3A_940, %add3A_941 : i32
      %swap3A_943 = arith.index_cast %add3A_942 : i32 to index
      %swap3A_944 = arith.constant 0 : index
      %swap3A_945 = tpu.vector_load %arg7[%swap3A_943, %swap3A_944] {strides = array<i32>} : memref<512x16xf32, #tpu.memory_space<vmem>>, vector<1x16xf32>,
      %swap3A_946 = vector.shape_cast %swap3A_945 : vector<1x16xf32> to vector<16xf32>
      %swap3A_947 = vector.shape_cast %add3A_938 : vector<16xf32> to vector<1x16xf32>
      tpu.vector_store %arg7[%swap3A_943, %swap3A_944], %swap3A_947 {strides = array<i32>} : memref<512x16xf32, #tpu.memory_space<vmem>>, vector<1x16xf32>,
      %lt3A = arith.constant 31 : i32
      %lt3A_948 = arith.cmpi slt, %add3A_64, %lt3A : i32
      %convert_element_type3A = arith.extui %lt3A_948 : i1 to i32
      %cond3A = arith.constant 0 : i32
      %cond3A_949 = arith.cmpi ne, %convert_element_type3A, %cond3A : i32
      scf.if %cond3A_949 {
        %add3A_3623 = arith.constant 4 : i32
        %add3A_3624 = arith.addi %add3A_68, %add3A_3623 : i32
        %mul3A_3625 = arith.constant 104 : i32
        %mul3A_3626 = arith.muli %add3A_3624, %mul3A_3625 : i32
        %dma_start3A_3627 = arith.constant 0 : i32
        %dma_start3A_3628 = arith.constant 0 : i32
        %dma_start3A_3629 = arith.constant 0 : i32
        %dma_start3A_3630 = arith.constant 0 : i32
        %dma_start3A_3631 = tpu.memref_slice %arg6[%dma_start3A_3627, %dma_start3A_3629, %dma_start3A_3630] : memref<4x104x16xf32, #tpu.memory_space<vmem>> -> memref<1x104x16xf32, #tpu.memory_space<vmem>>
        %dma_start3A_3632 = tpu.memref_squeeze %dma_start3A_3631 : memref<1x104x16xf32, #tpu.memory_space<vmem>> -> memref<104x16xf32, #tpu.memory_space<vmem>>
        %dma_start3A_3633 = tpu.memref_slice %arg5[%mul3A_3626] : memref<13312xi32, #tpu.memory_space<vmem>> -> memref<104xi32, #tpu.memory_space<vmem>>
        %dma_start3A_3634 = arith.constant 0 : i32
        %dma_start3A_3635 = arith.constant 0 : i32
        %dma_start3A_3636 = tpu.memref_slice %arg2[%dma_start3A_3634, %dma_start3A_3635] : memref<1000000x16xf32, #tpu.memory_space<hbm>> -> memref<1000000x16xf32, #tpu.memory_space<hbm>>
        %dma_start3A_3637 = tpu.memref_slice %arg8[%dma_start3A_3628] : memref<4x!tpu.dma_semaphore, #tpu.memory_space<semaphore_mem>> -> memref<1x!tpu.dma_semaphore, #tpu.memory_space<semaphore_mem>>
        %dma_start3A_3638 = tpu.memref_squeeze %dma_start3A_3637 : memref<1x!tpu.dma_semaphore, #tpu.memory_space<semaphore_mem>> -> memref<!tpu.dma_semaphore, #tpu.memory_space<semaphore_mem>>
        tpu.enqueue_indirect_dma source(%dma_start3A_3636 : memref<1000000x16xf32, #tpu.memory_space<hbm>>) target(%dma_start3A_3632 : memref<104x16xf32, #tpu.memory_space<vmem>>) offsets(%dma_start3A_3633 : memref<104xi32, #tpu.memory_space<vmem>>) semaphore(%dma_start3A_3638 : memref<!tpu.dma_semaphore, #tpu.memory_space<semaphore_mem>>)
      } else {
      }
      %mul3A_950 = arith.constant 4 : i32
      %mul3A_951 = arith.muli %add3A_64, %mul3A_950 : i32
      %add3A_952 = arith.constant 1 : i32
      %add3A_953 = arith.addi %mul3A_951, %add3A_952 : i32
      %dma_wait3A_954 = arith.constant 1 : i32
      %dma_wait3A_955 = arith.constant 1 : i32
      %dma_wait3A_956 = arith.constant 0 : i32
      %dma_wait3A_957 = arith.constant 0 : i32
      %dma_wait3A_958 = tpu.memref_slice %arg6[%dma_wait3A_954, %dma_wait3A_956, %dma_wait3A_957] : memref<4x104x16xf32, #tpu.memory_space<vmem>> -> memref<1x104x16xf32, #tpu.memory_space<vmem>>
      %dma_wait3A_959 = tpu.memref_squeeze %dma_wait3A_958 : memref<1x104x16xf32, #tpu.memory_space<vmem>> -> memref<104x16xf32, #tpu.memory_space<vmem>>
      %dma_wait3A_960 = arith.constant 0 : i32
      %dma_wait3A_961 = arith.constant 0 : i32
      %dma_wait3A_962 = tpu.memref_slice %arg2[%dma_wait3A_960, %dma_wait3A_961] : memref<1000000x16xf32, #tpu.memory_space<hbm>> -> memref<104x16xf32, #tpu.memory_space<hbm>>
      %dma_wait3A_963 = tpu.memref_slice %arg8[%dma_wait3A_955] : memref<4x!tpu.dma_semaphore, #tpu.memory_space<semaphore_mem>> -> memref<1x!tpu.dma_semaphore, #tpu.memory_space<semaphore_mem>>
      %dma_wait3A_964 = tpu.memref_squeeze %dma_wait3A_963 : memref<1x!tpu.dma_semaphore, #tpu.memory_space<semaphore_mem>> -> memref<!tpu.dma_semaphore, #tpu.memory_space<semaphore_mem>>
      %dma_wait3A_965 = arith.constant 0 : i32
      %dma_wait3A_966 = arith.constant 0 : i32
      %dma_wait3A_967 = tpu.memref_slice %arg6[%dma_wait3A_954, %dma_wait3A_965, %dma_wait3A_966] : memref<4x104x16xf32, #tpu.memory_space<vmem>> -> memref<1x104x16xf32, #tpu.memory_space<vmem>>
      %dma_wait3A_968 = tpu.memref_squeeze %dma_wait3A_967 : memref<1x104x16xf32, #tpu.memory_space<vmem>> -> memref<104x16xf32, #tpu.memory_space<vmem>>
      %dma_wait3A_969 = arith.constant 0 : i32
      %dma_wait3A_970 = arith.constant 0 : i32
      %dma_wait3A_971 = tpu.memref_slice %arg2[%dma_wait3A_969, %dma_wait3A_970] : memref<1000000x16xf32, #tpu.memory_space<hbm>> -> memref<104x16xf32, #tpu.memory_space<hbm>>
      tpu.wait_dma2 semaphore(%dma_wait3A_964 : memref<!tpu.dma_semaphore, #tpu.memory_space<semaphore_mem>>) src(%dma_wait3A_971 : memref<104x16xf32, #tpu.memory_space<hbm>>) dst(%dma_wait3A_968 : memref<104x16xf32, #tpu.memory_space<vmem>>)
      %get3A_972 = arith.constant 1 : i32
      %get3A_973 = arith.constant 0 : i32
      %get3A_974 = arith.index_cast %get3A_972 : i32 to index
      %get3A_975 = arith.index_cast %get3A_973 : i32 to index
      %get3A_976 = arith.constant 0 : index
      %get3A_977 = tpu.vector_load %arg6[%get3A_974, %get3A_975, %get3A_976] {strides = array<i32>} : memref<4x104x16xf32, #tpu.memory_space<vmem>>, vector<1x1x16xf32>,
      %get3A_978 = vector.shape_cast %get3A_977 : vector<1x1x16xf32> to vector<16xf32>
      %get3A_979 = arith.constant 1 : i32
      %get3A_980 = arith.constant 1 : i32
      %get3A_981 = arith.index_cast %get3A_979 : i32 to index
      %get3A_982 = arith.index_cast %get3A_980 : i32 to index
      %get3A_983 = arith.constant 0 : index
      %get3A_984 = tpu.vector_load %arg6[%get3A_981, %get3A_982, %get3A_983] {strides = array<i32>} : memref<4x104x16xf32, #tpu.memory_space<vmem>>, vector<1x1x16xf32>,
      %get3A_985 = vector.shape_cast %get3A_984 : vector<1x1x16xf32> to vector<16xf32>
      %add3A_986 = arith.addf %get3A_978, %get3A_985 : vector<16xf32>
      %get3A_987 = arith.constant 1 : i32
      %get3A_988 = arith.constant 2 : i32
      %get3A_989 = arith.index_cast %get3A_987 : i32 to index
      %get3A_990 = arith.index_cast %get3A_988 : i32 to index
      %get3A_991 = arith.constant 0 : index
      %get3A_992 = tpu.vector_load %arg6[%get3A_989, %get3A_990, %get3A_991] {strides = array<i32>} : memref<4x104x16xf32, #tpu.memory_space<vmem>>, vector<1x1x16xf32>,
      %get3A_993 = vector.shape_cast %get3A_992 : vector<1x1x16xf32> to vector<16xf32>
      %add3A_994 = arith.addf %add3A_986, %get3A_993 : vector<16xf32>
      %get3A_995 = arith.constant 1 : i32
      %get3A_996 = arith.constant 3 : i32
      %get3A_997 = arith.index_cast %get3A_995 : i32 to index
      %get3A_998 = arith.index_cast %get3A_996 : i32 to index
      %get3A_999 = arith.constant 0 : index
      %get3A_1000 = tpu.vector_load %arg6[%get3A_997, %get3A_998, %get3A_999] {strides = array<i32>} : memref<4x104x16xf32, #tpu.memory_space<vmem>>, vector<1x1x16xf32>,
      %get3A_1001 = vector.shape_cast %get3A_1000 : vector<1x1x16xf32> to vector<16xf32>
      %add3A_1002 = arith.addf %add3A_994, %get3A_1001 : vector<16xf32>
      %get3A_1003 = arith.constant 1 : i32
      %get3A_1004 = arith.constant 4 : i32
      %get3A_1005 = arith.index_cast %get3A_1003 : i32 to index
      %get3A_1006 = arith.index_cast %get3A_1004 : i32 to index
      %get3A_1007 = arith.constant 0 : index
      %get3A_1008 = tpu.vector_load %arg6[%get3A_1005, %get3A_1006, %get3A_1007] {strides = array<i32>} : memref<4x104x16xf32, #tpu.memory_space<vmem>>, vector<1x1x16xf32>,
      %get3A_1009 = vector.shape_cast %get3A_1008 : vector<1x1x16xf32> to vector<16xf32>
      %add3A_1010 = arith.addf %add3A_1002, %get3A_1009 : vector<16xf32>
      %get3A_1011 = arith.constant 1 : i32
      %get3A_1012 = arith.constant 5 : i32
      %get3A_1013 = arith.index_cast %get3A_1011 : i32 to index
      %get3A_1014 = arith.index_cast %get3A_1012 : i32 to index
      %get3A_1015 = arith.constant 0 : index
      %get3A_1016 = tpu.vector_load %arg6[%get3A_1013, %get3A_1014, %get3A_1015] {strides = array<i32>} : memref<4x104x16xf32, #tpu.memory_space<vmem>>, vector<1x1x16xf32>,
      %get3A_1017 = vector.shape_cast %get3A_1016 : vector<1x1x16xf32> to vector<16xf32>
      %add3A_1018 = arith.addf %add3A_1010, %get3A_1017 : vector<16xf32>
      %get3A_1019 = arith.constant 1 : i32
      %get3A_1020 = arith.constant 6 : i32
      %get3A_1021 = arith.index_cast %get3A_1019 : i32 to index
      %get3A_1022 = arith.index_cast %get3A_1020 : i32 to index
      %get3A_1023 = arith.constant 0 : index
      %get3A_1024 = tpu.vector_load %arg6[%get3A_1021, %get3A_1022, %get3A_1023] {strides = array<i32>} : memref<4x104x16xf32, #tpu.memory_space<vmem>>, vector<1x1x16xf32>,
      %get3A_1025 = vector.shape_cast %get3A_1024 : vector<1x1x16xf32> to vector<16xf32>
      %add3A_1026 = arith.addf %add3A_1018, %get3A_1025 : vector<16xf32>
      %get3A_1027 = arith.constant 1 : i32
      %get3A_1028 = arith.constant 7 : i32
      %get3A_1029 = arith.index_cast %get3A_1027 : i32 to index
      %get3A_1030 = arith.index_cast %get3A_1028 : i32 to index
      %get3A_1031 = arith.constant 0 : index
      %get3A_1032 = tpu.vector_load %arg6[%get3A_1029, %get3A_1030, %get3A_1031] {strides = array<i32>} : memref<4x104x16xf32, #tpu.memory_space<vmem>>, vector<1x1x16xf32>,
      %get3A_1033 = vector.shape_cast %get3A_1032 : vector<1x1x16xf32> to vector<16xf32>
      %add3A_1034 = arith.addf %add3A_1026, %get3A_1033 : vector<16xf32>
      %get3A_1035 = arith.constant 1 : i32
      %get3A_1036 = arith.constant 8 : i32
      %get3A_1037 = arith.index_cast %get3A_1035 : i32 to index
      %get3A_1038 = arith.index_cast %get3A_1036 : i32 to index
      %get3A_1039 = arith.constant 0 : index
      %get3A_1040 = tpu.vector_load %arg6[%get3A_1037, %get3A_1038, %get3A_1039] {strides = array<i32>} : memref<4x104x16xf32, #tpu.memory_space<vmem>>, vector<1x1x16xf32>,
      %get3A_1041 = vector.shape_cast %get3A_1040 : vector<1x1x16xf32> to vector<16xf32>
      %add3A_1042 = arith.addf %add3A_1034, %get3A_1041 : vector<16xf32>
      %get3A_1043 = arith.constant 1 : i32
      %get3A_1044 = arith.constant 9 : i32
      %get3A_1045 = arith.index_cast %get3A_1043 : i32 to index
      %get3A_1046 = arith.index_cast %get3A_1044 : i32 to index
      %get3A_1047 = arith.constant 0 : index
      %get3A_1048 = tpu.vector_load %arg6[%get3A_1045, %get3A_1046, %get3A_1047] {strides = array<i32>} : memref<4x104x16xf32, #tpu.memory_space<vmem>>, vector<1x1x16xf32>,
      %get3A_1049 = vector.shape_cast %get3A_1048 : vector<1x1x16xf32> to vector<16xf32>
      %add3A_1050 = arith.addf %add3A_1042, %get3A_1049 : vector<16xf32>
      %get3A_1051 = arith.constant 1 : i32
      %get3A_1052 = arith.constant 10 : i32
      %get3A_1053 = arith.index_cast %get3A_1051 : i32 to index
      %get3A_1054 = arith.index_cast %get3A_1052 : i32 to index
      %get3A_1055 = arith.constant 0 : index
      %get3A_1056 = tpu.vector_load %arg6[%get3A_1053, %get3A_1054, %get3A_1055] {strides = array<i32>} : memref<4x104x16xf32, #tpu.memory_space<vmem>>, vector<1x1x16xf32>,
      %get3A_1057 = vector.shape_cast %get3A_1056 : vector<1x1x16xf32> to vector<16xf32>
      %add3A_1058 = arith.addf %add3A_1050, %get3A_1057 : vector<16xf32>
      %get3A_1059 = arith.constant 1 : i32
      %get3A_1060 = arith.constant 11 : i32
      %get3A_1061 = arith.index_cast %get3A_1059 : i32 to index
      %get3A_1062 = arith.index_cast %get3A_1060 : i32 to index
      %get3A_1063 = arith.constant 0 : index
      %get3A_1064 = tpu.vector_load %arg6[%get3A_1061, %get3A_1062, %get3A_1063] {strides = array<i32>} : memref<4x104x16xf32, #tpu.memory_space<vmem>>, vector<1x1x16xf32>,
      %get3A_1065 = vector.shape_cast %get3A_1064 : vector<1x1x16xf32> to vector<16xf32>
      %add3A_1066 = arith.addf %add3A_1058, %get3A_1065 : vector<16xf32>
      %get3A_1067 = arith.constant 1 : i32
      %get3A_1068 = arith.constant 12 : i32
      %get3A_1069 = arith.index_cast %get3A_1067 : i32 to index
      %get3A_1070 = arith.index_cast %get3A_1068 : i32 to index
      %get3A_1071 = arith.constant 0 : index
      %get3A_1072 = tpu.vector_load %arg6[%get3A_1069, %get3A_1070, %get3A_1071] {strides = array<i32>} : memref<4x104x16xf32, #tpu.memory_space<vmem>>, vector<1x1x16xf32>,
      %get3A_1073 = vector.shape_cast %get3A_1072 : vector<1x1x16xf32> to vector<16xf32>
      %add3A_1074 = arith.addf %add3A_1066, %get3A_1073 : vector<16xf32>
      %get3A_1075 = arith.constant 1 : i32
      %get3A_1076 = arith.constant 13 : i32
      %get3A_1077 = arith.index_cast %get3A_1075 : i32 to index
      %get3A_1078 = arith.index_cast %get3A_1076 : i32 to index
      %get3A_1079 = arith.constant 0 : index
      %get3A_1080 = tpu.vector_load %arg6[%get3A_1077, %get3A_1078, %get3A_1079] {strides = array<i32>} : memref<4x104x16xf32, #tpu.memory_space<vmem>>, vector<1x1x16xf32>,
      %get3A_1081 = vector.shape_cast %get3A_1080 : vector<1x1x16xf32> to vector<16xf32>
      %add3A_1082 = arith.addf %add3A_1074, %get3A_1081 : vector<16xf32>
      %get3A_1083 = arith.constant 1 : i32
      %get3A_1084 = arith.constant 14 : i32
      %get3A_1085 = arith.index_cast %get3A_1083 : i32 to index
      %get3A_1086 = arith.index_cast %get3A_1084 : i32 to index
      %get3A_1087 = arith.constant 0 : index
      %get3A_1088 = tpu.vector_load %arg6[%get3A_1085, %get3A_1086, %get3A_1087] {strides = array<i32>} : memref<4x104x16xf32, #tpu.memory_space<vmem>>, vector<1x1x16xf32>,
      %get3A_1089 = vector.shape_cast %get3A_1088 : vector<1x1x16xf32> to vector<16xf32>
      %add3A_1090 = arith.addf %add3A_1082, %get3A_1089 : vector<16xf32>
      %get3A_1091 = arith.constant 1 : i32
      %get3A_1092 = arith.constant 15 : i32
      %get3A_1093 = arith.index_cast %get3A_1091 : i32 to index
      %get3A_1094 = arith.index_cast %get3A_1092 : i32 to index
      %get3A_1095 = arith.constant 0 : index
      %get3A_1096 = tpu.vector_load %arg6[%get3A_1093, %get3A_1094, %get3A_1095] {strides = array<i32>} : memref<4x104x16xf32, #tpu.memory_space<vmem>>, vector<1x1x16xf32>,
      %get3A_1097 = vector.shape_cast %get3A_1096 : vector<1x1x16xf32> to vector<16xf32>
      %add3A_1098 = arith.addf %add3A_1090, %get3A_1097 : vector<16xf32>
      %get3A_1099 = arith.constant 1 : i32
      %get3A_1100 = arith.constant 16 : i32
      %get3A_1101 = arith.index_cast %get3A_1099 : i32 to index
      %get3A_1102 = arith.index_cast %get3A_1100 : i32 to index
      %get3A_1103 = arith.constant 0 : index
      %get3A_1104 = tpu.vector_load %arg6[%get3A_1101, %get3A_1102, %get3A_1103] {strides = array<i32>} : memref<4x104x16xf32, #tpu.memory_space<vmem>>, vector<1x1x16xf32>,
      %get3A_1105 = vector.shape_cast %get3A_1104 : vector<1x1x16xf32> to vector<16xf32>
      %add3A_1106 = arith.addf %add3A_1098, %get3A_1105 : vector<16xf32>
      %get3A_1107 = arith.constant 1 : i32
      %get3A_1108 = arith.constant 17 : i32
      %get3A_1109 = arith.index_cast %get3A_1107 : i32 to index
      %get3A_1110 = arith.index_cast %get3A_1108 : i32 to index
      %get3A_1111 = arith.constant 0 : index
      %get3A_1112 = tpu.vector_load %arg6[%get3A_1109, %get3A_1110, %get3A_1111] {strides = array<i32>} : memref<4x104x16xf32, #tpu.memory_space<vmem>>, vector<1x1x16xf32>,
      %get3A_1113 = vector.shape_cast %get3A_1112 : vector<1x1x16xf32> to vector<16xf32>
      %add3A_1114 = arith.addf %add3A_1106, %get3A_1113 : vector<16xf32>
      %get3A_1115 = arith.constant 1 : i32
      %get3A_1116 = arith.constant 18 : i32
      %get3A_1117 = arith.index_cast %get3A_1115 : i32 to index
      %get3A_1118 = arith.index_cast %get3A_1116 : i32 to index
      %get3A_1119 = arith.constant 0 : index
      %get3A_1120 = tpu.vector_load %arg6[%get3A_1117, %get3A_1118, %get3A_1119] {strides = array<i32>} : memref<4x104x16xf32, #tpu.memory_space<vmem>>, vector<1x1x16xf32>,
      %get3A_1121 = vector.shape_cast %get3A_1120 : vector<1x1x16xf32> to vector<16xf32>
      %add3A_1122 = arith.addf %add3A_1114, %get3A_1121 : vector<16xf32>
      %get3A_1123 = arith.constant 1 : i32
      %get3A_1124 = arith.constant 19 : i32
      %get3A_1125 = arith.index_cast %get3A_1123 : i32 to index
      %get3A_1126 = arith.index_cast %get3A_1124 : i32 to index
      %get3A_1127 = arith.constant 0 : index
      %get3A_1128 = tpu.vector_load %arg6[%get3A_1125, %get3A_1126, %get3A_1127] {strides = array<i32>} : memref<4x104x16xf32, #tpu.memory_space<vmem>>, vector<1x1x16xf32>,
      %get3A_1129 = vector.shape_cast %get3A_1128 : vector<1x1x16xf32> to vector<16xf32>
      %add3A_1130 = arith.addf %add3A_1122, %get3A_1129 : vector<16xf32>
      %get3A_1131 = arith.constant 1 : i32
      %get3A_1132 = arith.constant 20 : i32
      %get3A_1133 = arith.index_cast %get3A_1131 : i32 to index
      %get3A_1134 = arith.index_cast %get3A_1132 : i32 to index
      %get3A_1135 = arith.constant 0 : index
      %get3A_1136 = tpu.vector_load %arg6[%get3A_1133, %get3A_1134, %get3A_1135] {strides = array<i32>} : memref<4x104x16xf32, #tpu.memory_space<vmem>>, vector<1x1x16xf32>,
      %get3A_1137 = vector.shape_cast %get3A_1136 : vector<1x1x16xf32> to vector<16xf32>
      %add3A_1138 = arith.addf %add3A_1130, %get3A_1137 : vector<16xf32>
      %get3A_1139 = arith.constant 1 : i32
      %get3A_1140 = arith.constant 21 : i32
      %get3A_1141 = arith.index_cast %get3A_1139 : i32 to index
      %get3A_1142 = arith.index_cast %get3A_1140 : i32 to index
      %get3A_1143 = arith.constant 0 : index
      %get3A_1144 = tpu.vector_load %arg6[%get3A_1141, %get3A_1142, %get3A_1143] {strides = array<i32>} : memref<4x104x16xf32, #tpu.memory_space<vmem>>, vector<1x1x16xf32>,
      %get3A_1145 = vector.shape_cast %get3A_1144 : vector<1x1x16xf32> to vector<16xf32>
      %add3A_1146 = arith.addf %add3A_1138, %get3A_1145 : vector<16xf32>
      %get3A_1147 = arith.constant 1 : i32
      %get3A_1148 = arith.constant 22 : i32
      %get3A_1149 = arith.index_cast %get3A_1147 : i32 to index
      %get3A_1150 = arith.index_cast %get3A_1148 : i32 to index
      %get3A_1151 = arith.constant 0 : index
      %get3A_1152 = tpu.vector_load %arg6[%get3A_1149, %get3A_1150, %get3A_1151] {strides = array<i32>} : memref<4x104x16xf32, #tpu.memory_space<vmem>>, vector<1x1x16xf32>,
      %get3A_1153 = vector.shape_cast %get3A_1152 : vector<1x1x16xf32> to vector<16xf32>
      %add3A_1154 = arith.addf %add3A_1146, %get3A_1153 : vector<16xf32>
      %get3A_1155 = arith.constant 1 : i32
      %get3A_1156 = arith.constant 23 : i32
      %get3A_1157 = arith.index_cast %get3A_1155 : i32 to index
      %get3A_1158 = arith.index_cast %get3A_1156 : i32 to index
      %get3A_1159 = arith.constant 0 : index
      %get3A_1160 = tpu.vector_load %arg6[%get3A_1157, %get3A_1158, %get3A_1159] {strides = array<i32>} : memref<4x104x16xf32, #tpu.memory_space<vmem>>, vector<1x1x16xf32>,
      %get3A_1161 = vector.shape_cast %get3A_1160 : vector<1x1x16xf32> to vector<16xf32>
      %add3A_1162 = arith.addf %add3A_1154, %get3A_1161 : vector<16xf32>
      %get3A_1163 = arith.constant 1 : i32
      %get3A_1164 = arith.constant 24 : i32
      %get3A_1165 = arith.index_cast %get3A_1163 : i32 to index
      %get3A_1166 = arith.index_cast %get3A_1164 : i32 to index
      %get3A_1167 = arith.constant 0 : index
      %get3A_1168 = tpu.vector_load %arg6[%get3A_1165, %get3A_1166, %get3A_1167] {strides = array<i32>} : memref<4x104x16xf32, #tpu.memory_space<vmem>>, vector<1x1x16xf32>,
      %get3A_1169 = vector.shape_cast %get3A_1168 : vector<1x1x16xf32> to vector<16xf32>
      %add3A_1170 = arith.addf %add3A_1162, %get3A_1169 : vector<16xf32>
      %get3A_1171 = arith.constant 1 : i32
      %get3A_1172 = arith.constant 25 : i32
      %get3A_1173 = arith.index_cast %get3A_1171 : i32 to index
      %get3A_1174 = arith.index_cast %get3A_1172 : i32 to index
      %get3A_1175 = arith.constant 0 : index
      %get3A_1176 = tpu.vector_load %arg6[%get3A_1173, %get3A_1174, %get3A_1175] {strides = array<i32>} : memref<4x104x16xf32, #tpu.memory_space<vmem>>, vector<1x1x16xf32>,
      %get3A_1177 = vector.shape_cast %get3A_1176 : vector<1x1x16xf32> to vector<16xf32>
      %add3A_1178 = arith.addf %add3A_1170, %get3A_1177 : vector<16xf32>
      %mul3A_1179 = arith.constant 4 : i32
      %mul3A_1180 = arith.muli %add3A_953, %mul3A_1179 : i32
      %add3A_1181 = arith.constant 0 : i32
      %add3A_1182 = arith.addi %mul3A_1180, %add3A_1181 : i32
      %swap3A_1183 = arith.index_cast %add3A_1182 : i32 to index
      %swap3A_1184 = arith.constant 0 : index
      %swap3A_1185 = tpu.vector_load %arg7[%swap3A_1183, %swap3A_1184] {strides = array<i32>} : memref<512x16xf32, #tpu.memory_space<vmem>>, vector<1x16xf32>,
      %swap3A_1186 = vector.shape_cast %swap3A_1185 : vector<1x16xf32> to vector<16xf32>
      %swap3A_1187 = vector.shape_cast %add3A_1178 : vector<16xf32> to vector<1x16xf32>
      tpu.vector_store %arg7[%swap3A_1183, %swap3A_1184], %swap3A_1187 {strides = array<i32>} : memref<512x16xf32, #tpu.memory_space<vmem>>, vector<1x16xf32>,
      %get3A_1188 = arith.constant 1 : i32
      %get3A_1189 = arith.constant 26 : i32
      %get3A_1190 = arith.index_cast %get3A_1188 : i32 to index
      %get3A_1191 = arith.index_cast %get3A_1189 : i32 to index
      %get3A_1192 = arith.constant 0 : index
      %get3A_1193 = tpu.vector_load %arg6[%get3A_1190, %get3A_1191, %get3A_1192] {strides = array<i32>} : memref<4x104x16xf32, #tpu.memory_space<vmem>>, vector<1x1x16xf32>,
      %get3A_1194 = vector.shape_cast %get3A_1193 : vector<1x1x16xf32> to vector<16xf32>
      %get3A_1195 = arith.constant 1 : i32
      %get3A_1196 = arith.constant 27 : i32
      %get3A_1197 = arith.index_cast %get3A_1195 : i32 to index
      %get3A_1198 = arith.index_cast %get3A_1196 : i32 to index
      %get3A_1199 = arith.constant 0 : index
      %get3A_1200 = tpu.vector_load %arg6[%get3A_1197, %get3A_1198, %get3A_1199] {strides = array<i32>} : memref<4x104x16xf32, #tpu.memory_space<vmem>>, vector<1x1x16xf32>,
      %get3A_1201 = vector.shape_cast %get3A_1200 : vector<1x1x16xf32> to vector<16xf32>
      %add3A_1202 = arith.addf %get3A_1194, %get3A_1201 : vector<16xf32>
      %get3A_1203 = arith.constant 1 : i32
      %get3A_1204 = arith.constant 28 : i32
      %get3A_1205 = arith.index_cast %get3A_1203 : i32 to index
      %get3A_1206 = arith.index_cast %get3A_1204 : i32 to index
      %get3A_1207 = arith.constant 0 : index
      %get3A_1208 = tpu.vector_load %arg6[%get3A_1205, %get3A_1206, %get3A_1207] {strides = array<i32>} : memref<4x104x16xf32, #tpu.memory_space<vmem>>, vector<1x1x16xf32>,
      %get3A_1209 = vector.shape_cast %get3A_1208 : vector<1x1x16xf32> to vector<16xf32>
      %add3A_1210 = arith.addf %add3A_1202, %get3A_1209 : vector<16xf32>
      %get3A_1211 = arith.constant 1 : i32
      %get3A_1212 = arith.constant 29 : i32
      %get3A_1213 = arith.index_cast %get3A_1211 : i32 to index
      %get3A_1214 = arith.index_cast %get3A_1212 : i32 to index
      %get3A_1215 = arith.constant 0 : index
      %get3A_1216 = tpu.vector_load %arg6[%get3A_1213, %get3A_1214, %get3A_1215] {strides = array<i32>} : memref<4x104x16xf32, #tpu.memory_space<vmem>>, vector<1x1x16xf32>,
      %get3A_1217 = vector.shape_cast %get3A_1216 : vector<1x1x16xf32> to vector<16xf32>
      %add3A_1218 = arith.addf %add3A_1210, %get3A_1217 : vector<16xf32>
      %get3A_1219 = arith.constant 1 : i32
      %get3A_1220 = arith.constant 30 : i32
      %get3A_1221 = arith.index_cast %get3A_1219 : i32 to index
      %get3A_1222 = arith.index_cast %get3A_1220 : i32 to index
      %get3A_1223 = arith.constant 0 : index
      %get3A_1224 = tpu.vector_load %arg6[%get3A_1221, %get3A_1222, %get3A_1223] {strides = array<i32>} : memref<4x104x16xf32, #tpu.memory_space<vmem>>, vector<1x1x16xf32>,
      %get3A_1225 = vector.shape_cast %get3A_1224 : vector<1x1x16xf32> to vector<16xf32>
      %add3A_1226 = arith.addf %add3A_1218, %get3A_1225 : vector<16xf32>
      %get3A_1227 = arith.constant 1 : i32
      %get3A_1228 = arith.constant 31 : i32
      %get3A_1229 = arith.index_cast %get3A_1227 : i32 to index
      %get3A_1230 = arith.index_cast %get3A_1228 : i32 to index
      %get3A_1231 = arith.constant 0 : index
      %get3A_1232 = tpu.vector_load %arg6[%get3A_1229, %get3A_1230, %get3A_1231] {strides = array<i32>} : memref<4x104x16xf32, #tpu.memory_space<vmem>>, vector<1x1x16xf32>,
      %get3A_1233 = vector.shape_cast %get3A_1232 : vector<1x1x16xf32> to vector<16xf32>
      %add3A_1234 = arith.addf %add3A_1226, %get3A_1233 : vector<16xf32>
      %get3A_1235 = arith.constant 1 : i32
      %get3A_1236 = arith.constant 32 : i32
      %get3A_1237 = arith.index_cast %get3A_1235 : i32 to index
      %get3A_1238 = arith.index_cast %get3A_1236 : i32 to index
      %get3A_1239 = arith.constant 0 : index
      %get3A_1240 = tpu.vector_load %arg6[%get3A_1237, %get3A_1238, %get3A_1239] {strides = array<i32>} : memref<4x104x16xf32, #tpu.memory_space<vmem>>, vector<1x1x16xf32>,
      %get3A_1241 = vector.shape_cast %get3A_1240 : vector<1x1x16xf32> to vector<16xf32>
      %add3A_1242 = arith.addf %add3A_1234, %get3A_1241 : vector<16xf32>
      %get3A_1243 = arith.constant 1 : i32
      %get3A_1244 = arith.constant 33 : i32
      %get3A_1245 = arith.index_cast %get3A_1243 : i32 to index
      %get3A_1246 = arith.index_cast %get3A_1244 : i32 to index
      %get3A_1247 = arith.constant 0 : index
      %get3A_1248 = tpu.vector_load %arg6[%get3A_1245, %get3A_1246, %get3A_1247] {strides = array<i32>} : memref<4x104x16xf32, #tpu.memory_space<vmem>>, vector<1x1x16xf32>,
      %get3A_1249 = vector.shape_cast %get3A_1248 : vector<1x1x16xf32> to vector<16xf32>
      %add3A_1250 = arith.addf %add3A_1242, %get3A_1249 : vector<16xf32>
      %get3A_1251 = arith.constant 1 : i32
      %get3A_1252 = arith.constant 34 : i32
      %get3A_1253 = arith.index_cast %get3A_1251 : i32 to index
      %get3A_1254 = arith.index_cast %get3A_1252 : i32 to index
      %get3A_1255 = arith.constant 0 : index
      %get3A_1256 = tpu.vector_load %arg6[%get3A_1253, %get3A_1254, %get3A_1255] {strides = array<i32>} : memref<4x104x16xf32, #tpu.memory_space<vmem>>, vector<1x1x16xf32>,
      %get3A_1257 = vector.shape_cast %get3A_1256 : vector<1x1x16xf32> to vector<16xf32>
      %add3A_1258 = arith.addf %add3A_1250, %get3A_1257 : vector<16xf32>
      %get3A_1259 = arith.constant 1 : i32
      %get3A_1260 = arith.constant 35 : i32
      %get3A_1261 = arith.index_cast %get3A_1259 : i32 to index
      %get3A_1262 = arith.index_cast %get3A_1260 : i32 to index
      %get3A_1263 = arith.constant 0 : index
      %get3A_1264 = tpu.vector_load %arg6[%get3A_1261, %get3A_1262, %get3A_1263] {strides = array<i32>} : memref<4x104x16xf32, #tpu.memory_space<vmem>>, vector<1x1x16xf32>,
      %get3A_1265 = vector.shape_cast %get3A_1264 : vector<1x1x16xf32> to vector<16xf32>
      %add3A_1266 = arith.addf %add3A_1258, %get3A_1265 : vector<16xf32>
      %get3A_1267 = arith.constant 1 : i32
      %get3A_1268 = arith.constant 36 : i32
      %get3A_1269 = arith.index_cast %get3A_1267 : i32 to index
      %get3A_1270 = arith.index_cast %get3A_1268 : i32 to index
      %get3A_1271 = arith.constant 0 : index
      %get3A_1272 = tpu.vector_load %arg6[%get3A_1269, %get3A_1270, %get3A_1271] {strides = array<i32>} : memref<4x104x16xf32, #tpu.memory_space<vmem>>, vector<1x1x16xf32>,
      %get3A_1273 = vector.shape_cast %get3A_1272 : vector<1x1x16xf32> to vector<16xf32>
      %add3A_1274 = arith.addf %add3A_1266, %get3A_1273 : vector<16xf32>
      %get3A_1275 = arith.constant 1 : i32
      %get3A_1276 = arith.constant 37 : i32
      %get3A_1277 = arith.index_cast %get3A_1275 : i32 to index
      %get3A_1278 = arith.index_cast %get3A_1276 : i32 to index
      %get3A_1279 = arith.constant 0 : index
      %get3A_1280 = tpu.vector_load %arg6[%get3A_1277, %get3A_1278, %get3A_1279] {strides = array<i32>} : memref<4x104x16xf32, #tpu.memory_space<vmem>>, vector<1x1x16xf32>,
      %get3A_1281 = vector.shape_cast %get3A_1280 : vector<1x1x16xf32> to vector<16xf32>
      %add3A_1282 = arith.addf %add3A_1274, %get3A_1281 : vector<16xf32>
      %get3A_1283 = arith.constant 1 : i32
      %get3A_1284 = arith.constant 38 : i32
      %get3A_1285 = arith.index_cast %get3A_1283 : i32 to index
      %get3A_1286 = arith.index_cast %get3A_1284 : i32 to index
      %get3A_1287 = arith.constant 0 : index
      %get3A_1288 = tpu.vector_load %arg6[%get3A_1285, %get3A_1286, %get3A_1287] {strides = array<i32>} : memref<4x104x16xf32, #tpu.memory_space<vmem>>, vector<1x1x16xf32>,
      %get3A_1289 = vector.shape_cast %get3A_1288 : vector<1x1x16xf32> to vector<16xf32>
      %add3A_1290 = arith.addf %add3A_1282, %get3A_1289 : vector<16xf32>
      %get3A_1291 = arith.constant 1 : i32
      %get3A_1292 = arith.constant 39 : i32
      %get3A_1293 = arith.index_cast %get3A_1291 : i32 to index
      %get3A_1294 = arith.index_cast %get3A_1292 : i32 to index
      %get3A_1295 = arith.constant 0 : index
      %get3A_1296 = tpu.vector_load %arg6[%get3A_1293, %get3A_1294, %get3A_1295] {strides = array<i32>} : memref<4x104x16xf32, #tpu.memory_space<vmem>>, vector<1x1x16xf32>,
      %get3A_1297 = vector.shape_cast %get3A_1296 : vector<1x1x16xf32> to vector<16xf32>
      %add3A_1298 = arith.addf %add3A_1290, %get3A_1297 : vector<16xf32>
      %get3A_1299 = arith.constant 1 : i32
      %get3A_1300 = arith.constant 40 : i32
      %get3A_1301 = arith.index_cast %get3A_1299 : i32 to index
      %get3A_1302 = arith.index_cast %get3A_1300 : i32 to index
      %get3A_1303 = arith.constant 0 : index
      %get3A_1304 = tpu.vector_load %arg6[%get3A_1301, %get3A_1302, %get3A_1303] {strides = array<i32>} : memref<4x104x16xf32, #tpu.memory_space<vmem>>, vector<1x1x16xf32>,
      %get3A_1305 = vector.shape_cast %get3A_1304 : vector<1x1x16xf32> to vector<16xf32>
      %add3A_1306 = arith.addf %add3A_1298, %get3A_1305 : vector<16xf32>
      %get3A_1307 = arith.constant 1 : i32
      %get3A_1308 = arith.constant 41 : i32
      %get3A_1309 = arith.index_cast %get3A_1307 : i32 to index
      %get3A_1310 = arith.index_cast %get3A_1308 : i32 to index
      %get3A_1311 = arith.constant 0 : index
      %get3A_1312 = tpu.vector_load %arg6[%get3A_1309, %get3A_1310, %get3A_1311] {strides = array<i32>} : memref<4x104x16xf32, #tpu.memory_space<vmem>>, vector<1x1x16xf32>,
      %get3A_1313 = vector.shape_cast %get3A_1312 : vector<1x1x16xf32> to vector<16xf32>
      %add3A_1314 = arith.addf %add3A_1306, %get3A_1313 : vector<16xf32>
      %get3A_1315 = arith.constant 1 : i32
      %get3A_1316 = arith.constant 42 : i32
      %get3A_1317 = arith.index_cast %get3A_1315 : i32 to index
      %get3A_1318 = arith.index_cast %get3A_1316 : i32 to index
      %get3A_1319 = arith.constant 0 : index
      %get3A_1320 = tpu.vector_load %arg6[%get3A_1317, %get3A_1318, %get3A_1319] {strides = array<i32>} : memref<4x104x16xf32, #tpu.memory_space<vmem>>, vector<1x1x16xf32>,
      %get3A_1321 = vector.shape_cast %get3A_1320 : vector<1x1x16xf32> to vector<16xf32>
      %add3A_1322 = arith.addf %add3A_1314, %get3A_1321 : vector<16xf32>
      %get3A_1323 = arith.constant 1 : i32
      %get3A_1324 = arith.constant 43 : i32
      %get3A_1325 = arith.index_cast %get3A_1323 : i32 to index
      %get3A_1326 = arith.index_cast %get3A_1324 : i32 to index
      %get3A_1327 = arith.constant 0 : index
      %get3A_1328 = tpu.vector_load %arg6[%get3A_1325, %get3A_1326, %get3A_1327] {strides = array<i32>} : memref<4x104x16xf32, #tpu.memory_space<vmem>>, vector<1x1x16xf32>,
      %get3A_1329 = vector.shape_cast %get3A_1328 : vector<1x1x16xf32> to vector<16xf32>
      %add3A_1330 = arith.addf %add3A_1322, %get3A_1329 : vector<16xf32>
      %get3A_1331 = arith.constant 1 : i32
      %get3A_1332 = arith.constant 44 : i32
      %get3A_1333 = arith.index_cast %get3A_1331 : i32 to index
      %get3A_1334 = arith.index_cast %get3A_1332 : i32 to index
      %get3A_1335 = arith.constant 0 : index
      %get3A_1336 = tpu.vector_load %arg6[%get3A_1333, %get3A_1334, %get3A_1335] {strides = array<i32>} : memref<4x104x16xf32, #tpu.memory_space<vmem>>, vector<1x1x16xf32>,
      %get3A_1337 = vector.shape_cast %get3A_1336 : vector<1x1x16xf32> to vector<16xf32>
      %add3A_1338 = arith.addf %add3A_1330, %get3A_1337 : vector<16xf32>
      %get3A_1339 = arith.constant 1 : i32
      %get3A_1340 = arith.constant 45 : i32
      %get3A_1341 = arith.index_cast %get3A_1339 : i32 to index
      %get3A_1342 = arith.index_cast %get3A_1340 : i32 to index
      %get3A_1343 = arith.constant 0 : index
      %get3A_1344 = tpu.vector_load %arg6[%get3A_1341, %get3A_1342, %get3A_1343] {strides = array<i32>} : memref<4x104x16xf32, #tpu.memory_space<vmem>>, vector<1x1x16xf32>,
      %get3A_1345 = vector.shape_cast %get3A_1344 : vector<1x1x16xf32> to vector<16xf32>
      %add3A_1346 = arith.addf %add3A_1338, %get3A_1345 : vector<16xf32>
      %get3A_1347 = arith.constant 1 : i32
      %get3A_1348 = arith.constant 46 : i32
      %get3A_1349 = arith.index_cast %get3A_1347 : i32 to index
      %get3A_1350 = arith.index_cast %get3A_1348 : i32 to index
      %get3A_1351 = arith.constant 0 : index
      %get3A_1352 = tpu.vector_load %arg6[%get3A_1349, %get3A_1350, %get3A_1351] {strides = array<i32>} : memref<4x104x16xf32, #tpu.memory_space<vmem>>, vector<1x1x16xf32>,
      %get3A_1353 = vector.shape_cast %get3A_1352 : vector<1x1x16xf32> to vector<16xf32>
      %add3A_1354 = arith.addf %add3A_1346, %get3A_1353 : vector<16xf32>
      %get3A_1355 = arith.constant 1 : i32
      %get3A_1356 = arith.constant 47 : i32
      %get3A_1357 = arith.index_cast %get3A_1355 : i32 to index
      %get3A_1358 = arith.index_cast %get3A_1356 : i32 to index
      %get3A_1359 = arith.constant 0 : index
      %get3A_1360 = tpu.vector_load %arg6[%get3A_1357, %get3A_1358, %get3A_1359] {strides = array<i32>} : memref<4x104x16xf32, #tpu.memory_space<vmem>>, vector<1x1x16xf32>,
      %get3A_1361 = vector.shape_cast %get3A_1360 : vector<1x1x16xf32> to vector<16xf32>
      %add3A_1362 = arith.addf %add3A_1354, %get3A_1361 : vector<16xf32>
      %get3A_1363 = arith.constant 1 : i32
      %get3A_1364 = arith.constant 48 : i32
      %get3A_1365 = arith.index_cast %get3A_1363 : i32 to index
      %get3A_1366 = arith.index_cast %get3A_1364 : i32 to index
      %get3A_1367 = arith.constant 0 : index
      %get3A_1368 = tpu.vector_load %arg6[%get3A_1365, %get3A_1366, %get3A_1367] {strides = array<i32>} : memref<4x104x16xf32, #tpu.memory_space<vmem>>, vector<1x1x16xf32>,
      %get3A_1369 = vector.shape_cast %get3A_1368 : vector<1x1x16xf32> to vector<16xf32>
      %add3A_1370 = arith.addf %add3A_1362, %get3A_1369 : vector<16xf32>
      %get3A_1371 = arith.constant 1 : i32
      %get3A_1372 = arith.constant 49 : i32
      %get3A_1373 = arith.index_cast %get3A_1371 : i32 to index
      %get3A_1374 = arith.index_cast %get3A_1372 : i32 to index
      %get3A_1375 = arith.constant 0 : index
      %get3A_1376 = tpu.vector_load %arg6[%get3A_1373, %get3A_1374, %get3A_1375] {strides = array<i32>} : memref<4x104x16xf32, #tpu.memory_space<vmem>>, vector<1x1x16xf32>,
      %get3A_1377 = vector.shape_cast %get3A_1376 : vector<1x1x16xf32> to vector<16xf32>
      %add3A_1378 = arith.addf %add3A_1370, %get3A_1377 : vector<16xf32>
      %get3A_1379 = arith.constant 1 : i32
      %get3A_1380 = arith.constant 50 : i32
      %get3A_1381 = arith.index_cast %get3A_1379 : i32 to index
      %get3A_1382 = arith.index_cast %get3A_1380 : i32 to index
      %get3A_1383 = arith.constant 0 : index
      %get3A_1384 = tpu.vector_load %arg6[%get3A_1381, %get3A_1382, %get3A_1383] {strides = array<i32>} : memref<4x104x16xf32, #tpu.memory_space<vmem>>, vector<1x1x16xf32>,
      %get3A_1385 = vector.shape_cast %get3A_1384 : vector<1x1x16xf32> to vector<16xf32>
      %add3A_1386 = arith.addf %add3A_1378, %get3A_1385 : vector<16xf32>
      %get3A_1387 = arith.constant 1 : i32
      %get3A_1388 = arith.constant 51 : i32
      %get3A_1389 = arith.index_cast %get3A_1387 : i32 to index
      %get3A_1390 = arith.index_cast %get3A_1388 : i32 to index
      %get3A_1391 = arith.constant 0 : index
      %get3A_1392 = tpu.vector_load %arg6[%get3A_1389, %get3A_1390, %get3A_1391] {strides = array<i32>} : memref<4x104x16xf32, #tpu.memory_space<vmem>>, vector<1x1x16xf32>,
      %get3A_1393 = vector.shape_cast %get3A_1392 : vector<1x1x16xf32> to vector<16xf32>
      %add3A_1394 = arith.addf %add3A_1386, %get3A_1393 : vector<16xf32>
      %mul3A_1395 = arith.constant 4 : i32
      %mul3A_1396 = arith.muli %add3A_953, %mul3A_1395 : i32
      %add3A_1397 = arith.constant 1 : i32
      %add3A_1398 = arith.addi %mul3A_1396, %add3A_1397 : i32
      %swap3A_1399 = arith.index_cast %add3A_1398 : i32 to index
      %swap3A_1400 = arith.constant 0 : index
      %swap3A_1401 = tpu.vector_load %arg7[%swap3A_1399, %swap3A_1400] {strides = array<i32>} : memref<512x16xf32, #tpu.memory_space<vmem>>, vector<1x16xf32>,
      %swap3A_1402 = vector.shape_cast %swap3A_1401 : vector<1x16xf32> to vector<16xf32>
      %swap3A_1403 = vector.shape_cast %add3A_1394 : vector<16xf32> to vector<1x16xf32>
      tpu.vector_store %arg7[%swap3A_1399, %swap3A_1400], %swap3A_1403 {strides = array<i32>} : memref<512x16xf32, #tpu.memory_space<vmem>>, vector<1x16xf32>,
      %get3A_1404 = arith.constant 1 : i32
      %get3A_1405 = arith.constant 52 : i32
      %get3A_1406 = arith.index_cast %get3A_1404 : i32 to index
      %get3A_1407 = arith.index_cast %get3A_1405 : i32 to index
      %get3A_1408 = arith.constant 0 : index
      %get3A_1409 = tpu.vector_load %arg6[%get3A_1406, %get3A_1407, %get3A_1408] {strides = array<i32>} : memref<4x104x16xf32, #tpu.memory_space<vmem>>, vector<1x1x16xf32>,
      %get3A_1410 = vector.shape_cast %get3A_1409 : vector<1x1x16xf32> to vector<16xf32>
      %get3A_1411 = arith.constant 1 : i32
      %get3A_1412 = arith.constant 53 : i32
      %get3A_1413 = arith.index_cast %get3A_1411 : i32 to index
      %get3A_1414 = arith.index_cast %get3A_1412 : i32 to index
      %get3A_1415 = arith.constant 0 : index
      %get3A_1416 = tpu.vector_load %arg6[%get3A_1413, %get3A_1414, %get3A_1415] {strides = array<i32>} : memref<4x104x16xf32, #tpu.memory_space<vmem>>, vector<1x1x16xf32>,
      %get3A_1417 = vector.shape_cast %get3A_1416 : vector<1x1x16xf32> to vector<16xf32>
      %add3A_1418 = arith.addf %get3A_1410, %get3A_1417 : vector<16xf32>
      %get3A_1419 = arith.constant 1 : i32
      %get3A_1420 = arith.constant 54 : i32
      %get3A_1421 = arith.index_cast %get3A_1419 : i32 to index
      %get3A_1422 = arith.index_cast %get3A_1420 : i32 to index
      %get3A_1423 = arith.constant 0 : index
      %get3A_1424 = tpu.vector_load %arg6[%get3A_1421, %get3A_1422, %get3A_1423] {strides = array<i32>} : memref<4x104x16xf32, #tpu.memory_space<vmem>>, vector<1x1x16xf32>,
      %get3A_1425 = vector.shape_cast %get3A_1424 : vector<1x1x16xf32> to vector<16xf32>
      %add3A_1426 = arith.addf %add3A_1418, %get3A_1425 : vector<16xf32>
      %get3A_1427 = arith.constant 1 : i32
      %get3A_1428 = arith.constant 55 : i32
      %get3A_1429 = arith.index_cast %get3A_1427 : i32 to index
      %get3A_1430 = arith.index_cast %get3A_1428 : i32 to index
      %get3A_1431 = arith.constant 0 : index
      %get3A_1432 = tpu.vector_load %arg6[%get3A_1429, %get3A_1430, %get3A_1431] {strides = array<i32>} : memref<4x104x16xf32, #tpu.memory_space<vmem>>, vector<1x1x16xf32>,
      %get3A_1433 = vector.shape_cast %get3A_1432 : vector<1x1x16xf32> to vector<16xf32>
      %add3A_1434 = arith.addf %add3A_1426, %get3A_1433 : vector<16xf32>
      %get3A_1435 = arith.constant 1 : i32
      %get3A_1436 = arith.constant 56 : i32
      %get3A_1437 = arith.index_cast %get3A_1435 : i32 to index
      %get3A_1438 = arith.index_cast %get3A_1436 : i32 to index
      %get3A_1439 = arith.constant 0 : index
      %get3A_1440 = tpu.vector_load %arg6[%get3A_1437, %get3A_1438, %get3A_1439] {strides = array<i32>} : memref<4x104x16xf32, #tpu.memory_space<vmem>>, vector<1x1x16xf32>,
      %get3A_1441 = vector.shape_cast %get3A_1440 : vector<1x1x16xf32> to vector<16xf32>
      %add3A_1442 = arith.addf %add3A_1434, %get3A_1441 : vector<16xf32>
      %get3A_1443 = arith.constant 1 : i32
      %get3A_1444 = arith.constant 57 : i32
      %get3A_1445 = arith.index_cast %get3A_1443 : i32 to index
      %get3A_1446 = arith.index_cast %get3A_1444 : i32 to index
      %get3A_1447 = arith.constant 0 : index
      %get3A_1448 = tpu.vector_load %arg6[%get3A_1445, %get3A_1446, %get3A_1447] {strides = array<i32>} : memref<4x104x16xf32, #tpu.memory_space<vmem>>, vector<1x1x16xf32>,
      %get3A_1449 = vector.shape_cast %get3A_1448 : vector<1x1x16xf32> to vector<16xf32>
      %add3A_1450 = arith.addf %add3A_1442, %get3A_1449 : vector<16xf32>
      %get3A_1451 = arith.constant 1 : i32
      %get3A_1452 = arith.constant 58 : i32
      %get3A_1453 = arith.index_cast %get3A_1451 : i32 to index
      %get3A_1454 = arith.index_cast %get3A_1452 : i32 to index
      %get3A_1455 = arith.constant 0 : index
      %get3A_1456 = tpu.vector_load %arg6[%get3A_1453, %get3A_1454, %get3A_1455] {strides = array<i32>} : memref<4x104x16xf32, #tpu.memory_space<vmem>>, vector<1x1x16xf32>,
      %get3A_1457 = vector.shape_cast %get3A_1456 : vector<1x1x16xf32> to vector<16xf32>
      %add3A_1458 = arith.addf %add3A_1450, %get3A_1457 : vector<16xf32>
      %get3A_1459 = arith.constant 1 : i32
      %get3A_1460 = arith.constant 59 : i32
      %get3A_1461 = arith.index_cast %get3A_1459 : i32 to index
      %get3A_1462 = arith.index_cast %get3A_1460 : i32 to index
      %get3A_1463 = arith.constant 0 : index
      %get3A_1464 = tpu.vector_load %arg6[%get3A_1461, %get3A_1462, %get3A_1463] {strides = array<i32>} : memref<4x104x16xf32, #tpu.memory_space<vmem>>, vector<1x1x16xf32>,
      %get3A_1465 = vector.shape_cast %get3A_1464 : vector<1x1x16xf32> to vector<16xf32>
      %add3A_1466 = arith.addf %add3A_1458, %get3A_1465 : vector<16xf32>
      %get3A_1467 = arith.constant 1 : i32
      %get3A_1468 = arith.constant 60 : i32
      %get3A_1469 = arith.index_cast %get3A_1467 : i32 to index
      %get3A_1470 = arith.index_cast %get3A_1468 : i32 to index
      %get3A_1471 = arith.constant 0 : index
      %get3A_1472 = tpu.vector_load %arg6[%get3A_1469, %get3A_1470, %get3A_1471] {strides = array<i32>} : memref<4x104x16xf32, #tpu.memory_space<vmem>>, vector<1x1x16xf32>,
      %get3A_1473 = vector.shape_cast %get3A_1472 : vector<1x1x16xf32> to vector<16xf32>
      %add3A_1474 = arith.addf %add3A_1466, %get3A_1473 : vector<16xf32>
      %get3A_1475 = arith.constant 1 : i32
      %get3A_1476 = arith.constant 61 : i32
      %get3A_1477 = arith.index_cast %get3A_1475 : i32 to index
      %get3A_1478 = arith.index_cast %get3A_1476 : i32 to index
      %get3A_1479 = arith.constant 0 : index
      %get3A_1480 = tpu.vector_load %arg6[%get3A_1477, %get3A_1478, %get3A_1479] {strides = array<i32>} : memref<4x104x16xf32, #tpu.memory_space<vmem>>, vector<1x1x16xf32>,
      %get3A_1481 = vector.shape_cast %get3A_1480 : vector<1x1x16xf32> to vector<16xf32>
      %add3A_1482 = arith.addf %add3A_1474, %get3A_1481 : vector<16xf32>
      %get3A_1483 = arith.constant 1 : i32
      %get3A_1484 = arith.constant 62 : i32
      %get3A_1485 = arith.index_cast %get3A_1483 : i32 to index
      %get3A_1486 = arith.index_cast %get3A_1484 : i32 to index
      %get3A_1487 = arith.constant 0 : index
      %get3A_1488 = tpu.vector_load %arg6[%get3A_1485, %get3A_1486, %get3A_1487] {strides = array<i32>} : memref<4x104x16xf32, #tpu.memory_space<vmem>>, vector<1x1x16xf32>,
      %get3A_1489 = vector.shape_cast %get3A_1488 : vector<1x1x16xf32> to vector<16xf32>
      %add3A_1490 = arith.addf %add3A_1482, %get3A_1489 : vector<16xf32>
      %get3A_1491 = arith.constant 1 : i32
      %get3A_1492 = arith.constant 63 : i32
      %get3A_1493 = arith.index_cast %get3A_1491 : i32 to index
      %get3A_1494 = arith.index_cast %get3A_1492 : i32 to index
      %get3A_1495 = arith.constant 0 : index
      %get3A_1496 = tpu.vector_load %arg6[%get3A_1493, %get3A_1494, %get3A_1495] {strides = array<i32>} : memref<4x104x16xf32, #tpu.memory_space<vmem>>, vector<1x1x16xf32>,
      %get3A_1497 = vector.shape_cast %get3A_1496 : vector<1x1x16xf32> to vector<16xf32>
      %add3A_1498 = arith.addf %add3A_1490, %get3A_1497 : vector<16xf32>
      %get3A_1499 = arith.constant 1 : i32
      %get3A_1500 = arith.constant 64 : i32
      %get3A_1501 = arith.index_cast %get3A_1499 : i32 to index
      %get3A_1502 = arith.index_cast %get3A_1500 : i32 to index
      %get3A_1503 = arith.constant 0 : index
      %get3A_1504 = tpu.vector_load %arg6[%get3A_1501, %get3A_1502, %get3A_1503] {strides = array<i32>} : memref<4x104x16xf32, #tpu.memory_space<vmem>>, vector<1x1x16xf32>,
      %get3A_1505 = vector.shape_cast %get3A_1504 : vector<1x1x16xf32> to vector<16xf32>
      %add3A_1506 = arith.addf %add3A_1498, %get3A_1505 : vector<16xf32>
      %get3A_1507 = arith.constant 1 : i32
      %get3A_1508 = arith.constant 65 : i32
      %get3A_1509 = arith.index_cast %get3A_1507 : i32 to index
      %get3A_1510 = arith.index_cast %get3A_1508 : i32 to index
      %get3A_1511 = arith.constant 0 : index
      %get3A_1512 = tpu.vector_load %arg6[%get3A_1509, %get3A_1510, %get3A_1511] {strides = array<i32>} : memref<4x104x16xf32, #tpu.memory_space<vmem>>, vector<1x1x16xf32>,
      %get3A_1513 = vector.shape_cast %get3A_1512 : vector<1x1x16xf32> to vector<16xf32>
      %add3A_1514 = arith.addf %add3A_1506, %get3A_1513 : vector<16xf32>
      %get3A_1515 = arith.constant 1 : i32
      %get3A_1516 = arith.constant 66 : i32
      %get3A_1517 = arith.index_cast %get3A_1515 : i32 to index
      %get3A_1518 = arith.index_cast %get3A_1516 : i32 to index
      %get3A_1519 = arith.constant 0 : index
      %get3A_1520 = tpu.vector_load %arg6[%get3A_1517, %get3A_1518, %get3A_1519] {strides = array<i32>} : memref<4x104x16xf32, #tpu.memory_space<vmem>>, vector<1x1x16xf32>,
      %get3A_1521 = vector.shape_cast %get3A_1520 : vector<1x1x16xf32> to vector<16xf32>
      %add3A_1522 = arith.addf %add3A_1514, %get3A_1521 : vector<16xf32>
      %get3A_1523 = arith.constant 1 : i32
      %get3A_1524 = arith.constant 67 : i32
      %get3A_1525 = arith.index_cast %get3A_1523 : i32 to index
      %get3A_1526 = arith.index_cast %get3A_1524 : i32 to index
      %get3A_1527 = arith.constant 0 : index
      %get3A_1528 = tpu.vector_load %arg6[%get3A_1525, %get3A_1526, %get3A_1527] {strides = array<i32>} : memref<4x104x16xf32, #tpu.memory_space<vmem>>, vector<1x1x16xf32>,
      %get3A_1529 = vector.shape_cast %get3A_1528 : vector<1x1x16xf32> to vector<16xf32>
      %add3A_1530 = arith.addf %add3A_1522, %get3A_1529 : vector<16xf32>
      %get3A_1531 = arith.constant 1 : i32
      %get3A_1532 = arith.constant 68 : i32
      %get3A_1533 = arith.index_cast %get3A_1531 : i32 to index
      %get3A_1534 = arith.index_cast %get3A_1532 : i32 to index
      %get3A_1535 = arith.constant 0 : index
      %get3A_1536 = tpu.vector_load %arg6[%get3A_1533, %get3A_1534, %get3A_1535] {strides = array<i32>} : memref<4x104x16xf32, #tpu.memory_space<vmem>>, vector<1x1x16xf32>,
      %get3A_1537 = vector.shape_cast %get3A_1536 : vector<1x1x16xf32> to vector<16xf32>
      %add3A_1538 = arith.addf %add3A_1530, %get3A_1537 : vector<16xf32>
      %get3A_1539 = arith.constant 1 : i32
      %get3A_1540 = arith.constant 69 : i32
      %get3A_1541 = arith.index_cast %get3A_1539 : i32 to index
      %get3A_1542 = arith.index_cast %get3A_1540 : i32 to index
      %get3A_1543 = arith.constant 0 : index
      %get3A_1544 = tpu.vector_load %arg6[%get3A_1541, %get3A_1542, %get3A_1543] {strides = array<i32>} : memref<4x104x16xf32, #tpu.memory_space<vmem>>, vector<1x1x16xf32>,
      %get3A_1545 = vector.shape_cast %get3A_1544 : vector<1x1x16xf32> to vector<16xf32>
      %add3A_1546 = arith.addf %add3A_1538, %get3A_1545 : vector<16xf32>
      %get3A_1547 = arith.constant 1 : i32
      %get3A_1548 = arith.constant 70 : i32
      %get3A_1549 = arith.index_cast %get3A_1547 : i32 to index
      %get3A_1550 = arith.index_cast %get3A_1548 : i32 to index
      %get3A_1551 = arith.constant 0 : index
      %get3A_1552 = tpu.vector_load %arg6[%get3A_1549, %get3A_1550, %get3A_1551] {strides = array<i32>} : memref<4x104x16xf32, #tpu.memory_space<vmem>>, vector<1x1x16xf32>,
      %get3A_1553 = vector.shape_cast %get3A_1552 : vector<1x1x16xf32> to vector<16xf32>
      %add3A_1554 = arith.addf %add3A_1546, %get3A_1553 : vector<16xf32>
      %get3A_1555 = arith.constant 1 : i32
      %get3A_1556 = arith.constant 71 : i32
      %get3A_1557 = arith.index_cast %get3A_1555 : i32 to index
      %get3A_1558 = arith.index_cast %get3A_1556 : i32 to index
      %get3A_1559 = arith.constant 0 : index
      %get3A_1560 = tpu.vector_load %arg6[%get3A_1557, %get3A_1558, %get3A_1559] {strides = array<i32>} : memref<4x104x16xf32, #tpu.memory_space<vmem>>, vector<1x1x16xf32>,
      %get3A_1561 = vector.shape_cast %get3A_1560 : vector<1x1x16xf32> to vector<16xf32>
      %add3A_1562 = arith.addf %add3A_1554, %get3A_1561 : vector<16xf32>
      %get3A_1563 = arith.constant 1 : i32
      %get3A_1564 = arith.constant 72 : i32
      %get3A_1565 = arith.index_cast %get3A_1563 : i32 to index
      %get3A_1566 = arith.index_cast %get3A_1564 : i32 to index
      %get3A_1567 = arith.constant 0 : index
      %get3A_1568 = tpu.vector_load %arg6[%get3A_1565, %get3A_1566, %get3A_1567] {strides = array<i32>} : memref<4x104x16xf32, #tpu.memory_space<vmem>>, vector<1x1x16xf32>,
      %get3A_1569 = vector.shape_cast %get3A_1568 : vector<1x1x16xf32> to vector<16xf32>
      %add3A_1570 = arith.addf %add3A_1562, %get3A_1569 : vector<16xf32>
      %get3A_1571 = arith.constant 1 : i32
      %get3A_1572 = arith.constant 73 : i32
      %get3A_1573 = arith.index_cast %get3A_1571 : i32 to index
      %get3A_1574 = arith.index_cast %get3A_1572 : i32 to index
      %get3A_1575 = arith.constant 0 : index
      %get3A_1576 = tpu.vector_load %arg6[%get3A_1573, %get3A_1574, %get3A_1575] {strides = array<i32>} : memref<4x104x16xf32, #tpu.memory_space<vmem>>, vector<1x1x16xf32>,
      %get3A_1577 = vector.shape_cast %get3A_1576 : vector<1x1x16xf32> to vector<16xf32>
      %add3A_1578 = arith.addf %add3A_1570, %get3A_1577 : vector<16xf32>
      %get3A_1579 = arith.constant 1 : i32
      %get3A_1580 = arith.constant 74 : i32
      %get3A_1581 = arith.index_cast %get3A_1579 : i32 to index
      %get3A_1582 = arith.index_cast %get3A_1580 : i32 to index
      %get3A_1583 = arith.constant 0 : index
      %get3A_1584 = tpu.vector_load %arg6[%get3A_1581, %get3A_1582, %get3A_1583] {strides = array<i32>} : memref<4x104x16xf32, #tpu.memory_space<vmem>>, vector<1x1x16xf32>,
      %get3A_1585 = vector.shape_cast %get3A_1584 : vector<1x1x16xf32> to vector<16xf32>
      %add3A_1586 = arith.addf %add3A_1578, %get3A_1585 : vector<16xf32>
      %get3A_1587 = arith.constant 1 : i32
      %get3A_1588 = arith.constant 75 : i32
      %get3A_1589 = arith.index_cast %get3A_1587 : i32 to index
      %get3A_1590 = arith.index_cast %get3A_1588 : i32 to index
      %get3A_1591 = arith.constant 0 : index
      %get3A_1592 = tpu.vector_load %arg6[%get3A_1589, %get3A_1590, %get3A_1591] {strides = array<i32>} : memref<4x104x16xf32, #tpu.memory_space<vmem>>, vector<1x1x16xf32>,
      %get3A_1593 = vector.shape_cast %get3A_1592 : vector<1x1x16xf32> to vector<16xf32>
      %add3A_1594 = arith.addf %add3A_1586, %get3A_1593 : vector<16xf32>
      %get3A_1595 = arith.constant 1 : i32
      %get3A_1596 = arith.constant 76 : i32
      %get3A_1597 = arith.index_cast %get3A_1595 : i32 to index
      %get3A_1598 = arith.index_cast %get3A_1596 : i32 to index
      %get3A_1599 = arith.constant 0 : index
      %get3A_1600 = tpu.vector_load %arg6[%get3A_1597, %get3A_1598, %get3A_1599] {strides = array<i32>} : memref<4x104x16xf32, #tpu.memory_space<vmem>>, vector<1x1x16xf32>,
      %get3A_1601 = vector.shape_cast %get3A_1600 : vector<1x1x16xf32> to vector<16xf32>
      %add3A_1602 = arith.addf %add3A_1594, %get3A_1601 : vector<16xf32>
      %get3A_1603 = arith.constant 1 : i32
      %get3A_1604 = arith.constant 77 : i32
      %get3A_1605 = arith.index_cast %get3A_1603 : i32 to index
      %get3A_1606 = arith.index_cast %get3A_1604 : i32 to index
      %get3A_1607 = arith.constant 0 : index
      %get3A_1608 = tpu.vector_load %arg6[%get3A_1605, %get3A_1606, %get3A_1607] {strides = array<i32>} : memref<4x104x16xf32, #tpu.memory_space<vmem>>, vector<1x1x16xf32>,
      %get3A_1609 = vector.shape_cast %get3A_1608 : vector<1x1x16xf32> to vector<16xf32>
      %add3A_1610 = arith.addf %add3A_1602, %get3A_1609 : vector<16xf32>
      %mul3A_1611 = arith.constant 4 : i32
      %mul3A_1612 = arith.muli %add3A_953, %mul3A_1611 : i32
      %add3A_1613 = arith.constant 2 : i32
      %add3A_1614 = arith.addi %mul3A_1612, %add3A_1613 : i32
      %swap3A_1615 = arith.index_cast %add3A_1614 : i32 to index
      %swap3A_1616 = arith.constant 0 : index
      %swap3A_1617 = tpu.vector_load %arg7[%swap3A_1615, %swap3A_1616] {strides = array<i32>} : memref<512x16xf32, #tpu.memory_space<vmem>>, vector<1x16xf32>,
      %swap3A_1618 = vector.shape_cast %swap3A_1617 : vector<1x16xf32> to vector<16xf32>
      %swap3A_1619 = vector.shape_cast %add3A_1610 : vector<16xf32> to vector<1x16xf32>
      tpu.vector_store %arg7[%swap3A_1615, %swap3A_1616], %swap3A_1619 {strides = array<i32>} : memref<512x16xf32, #tpu.memory_space<vmem>>, vector<1x16xf32>,
      %get3A_1620 = arith.constant 1 : i32
      %get3A_1621 = arith.constant 78 : i32
      %get3A_1622 = arith.index_cast %get3A_1620 : i32 to index
      %get3A_1623 = arith.index_cast %get3A_1621 : i32 to index
      %get3A_1624 = arith.constant 0 : index
      %get3A_1625 = tpu.vector_load %arg6[%get3A_1622, %get3A_1623, %get3A_1624] {strides = array<i32>} : memref<4x104x16xf32, #tpu.memory_space<vmem>>, vector<1x1x16xf32>,
      %get3A_1626 = vector.shape_cast %get3A_1625 : vector<1x1x16xf32> to vector<16xf32>
      %get3A_1627 = arith.constant 1 : i32
      %get3A_1628 = arith.constant 79 : i32
      %get3A_1629 = arith.index_cast %get3A_1627 : i32 to index
      %get3A_1630 = arith.index_cast %get3A_1628 : i32 to index
      %get3A_1631 = arith.constant 0 : index
      %get3A_1632 = tpu.vector_load %arg6[%get3A_1629, %get3A_1630, %get3A_1631] {strides = array<i32>} : memref<4x104x16xf32, #tpu.memory_space<vmem>>, vector<1x1x16xf32>,
      %get3A_1633 = vector.shape_cast %get3A_1632 : vector<1x1x16xf32> to vector<16xf32>
      %add3A_1634 = arith.addf %get3A_1626, %get3A_1633 : vector<16xf32>
      %get3A_1635 = arith.constant 1 : i32
      %get3A_1636 = arith.constant 80 : i32
      %get3A_1637 = arith.index_cast %get3A_1635 : i32 to index
      %get3A_1638 = arith.index_cast %get3A_1636 : i32 to index
      %get3A_1639 = arith.constant 0 : index
      %get3A_1640 = tpu.vector_load %arg6[%get3A_1637, %get3A_1638, %get3A_1639] {strides = array<i32>} : memref<4x104x16xf32, #tpu.memory_space<vmem>>, vector<1x1x16xf32>,
      %get3A_1641 = vector.shape_cast %get3A_1640 : vector<1x1x16xf32> to vector<16xf32>
      %add3A_1642 = arith.addf %add3A_1634, %get3A_1641 : vector<16xf32>
      %get3A_1643 = arith.constant 1 : i32
      %get3A_1644 = arith.constant 81 : i32
      %get3A_1645 = arith.index_cast %get3A_1643 : i32 to index
      %get3A_1646 = arith.index_cast %get3A_1644 : i32 to index
      %get3A_1647 = arith.constant 0 : index
      %get3A_1648 = tpu.vector_load %arg6[%get3A_1645, %get3A_1646, %get3A_1647] {strides = array<i32>} : memref<4x104x16xf32, #tpu.memory_space<vmem>>, vector<1x1x16xf32>,
      %get3A_1649 = vector.shape_cast %get3A_1648 : vector<1x1x16xf32> to vector<16xf32>
      %add3A_1650 = arith.addf %add3A_1642, %get3A_1649 : vector<16xf32>
      %get3A_1651 = arith.constant 1 : i32
      %get3A_1652 = arith.constant 82 : i32
      %get3A_1653 = arith.index_cast %get3A_1651 : i32 to index
      %get3A_1654 = arith.index_cast %get3A_1652 : i32 to index
      %get3A_1655 = arith.constant 0 : index
      %get3A_1656 = tpu.vector_load %arg6[%get3A_1653, %get3A_1654, %get3A_1655] {strides = array<i32>} : memref<4x104x16xf32, #tpu.memory_space<vmem>>, vector<1x1x16xf32>,
      %get3A_1657 = vector.shape_cast %get3A_1656 : vector<1x1x16xf32> to vector<16xf32>
      %add3A_1658 = arith.addf %add3A_1650, %get3A_1657 : vector<16xf32>
      %get3A_1659 = arith.constant 1 : i32
      %get3A_1660 = arith.constant 83 : i32
      %get3A_1661 = arith.index_cast %get3A_1659 : i32 to index
      %get3A_1662 = arith.index_cast %get3A_1660 : i32 to index
      %get3A_1663 = arith.constant 0 : index
      %get3A_1664 = tpu.vector_load %arg6[%get3A_1661, %get3A_1662, %get3A_1663] {strides = array<i32>} : memref<4x104x16xf32, #tpu.memory_space<vmem>>, vector<1x1x16xf32>,
      %get3A_1665 = vector.shape_cast %get3A_1664 : vector<1x1x16xf32> to vector<16xf32>
      %add3A_1666 = arith.addf %add3A_1658, %get3A_1665 : vector<16xf32>
      %get3A_1667 = arith.constant 1 : i32
      %get3A_1668 = arith.constant 84 : i32
      %get3A_1669 = arith.index_cast %get3A_1667 : i32 to index
      %get3A_1670 = arith.index_cast %get3A_1668 : i32 to index
      %get3A_1671 = arith.constant 0 : index
      %get3A_1672 = tpu.vector_load %arg6[%get3A_1669, %get3A_1670, %get3A_1671] {strides = array<i32>} : memref<4x104x16xf32, #tpu.memory_space<vmem>>, vector<1x1x16xf32>,
      %get3A_1673 = vector.shape_cast %get3A_1672 : vector<1x1x16xf32> to vector<16xf32>
      %add3A_1674 = arith.addf %add3A_1666, %get3A_1673 : vector<16xf32>
      %get3A_1675 = arith.constant 1 : i32
      %get3A_1676 = arith.constant 85 : i32
      %get3A_1677 = arith.index_cast %get3A_1675 : i32 to index
      %get3A_1678 = arith.index_cast %get3A_1676 : i32 to index
      %get3A_1679 = arith.constant 0 : index
      %get3A_1680 = tpu.vector_load %arg6[%get3A_1677, %get3A_1678, %get3A_1679] {strides = array<i32>} : memref<4x104x16xf32, #tpu.memory_space<vmem>>, vector<1x1x16xf32>,
      %get3A_1681 = vector.shape_cast %get3A_1680 : vector<1x1x16xf32> to vector<16xf32>
      %add3A_1682 = arith.addf %add3A_1674, %get3A_1681 : vector<16xf32>
      %get3A_1683 = arith.constant 1 : i32
      %get3A_1684 = arith.constant 86 : i32
      %get3A_1685 = arith.index_cast %get3A_1683 : i32 to index
      %get3A_1686 = arith.index_cast %get3A_1684 : i32 to index
      %get3A_1687 = arith.constant 0 : index
      %get3A_1688 = tpu.vector_load %arg6[%get3A_1685, %get3A_1686, %get3A_1687] {strides = array<i32>} : memref<4x104x16xf32, #tpu.memory_space<vmem>>, vector<1x1x16xf32>,
      %get3A_1689 = vector.shape_cast %get3A_1688 : vector<1x1x16xf32> to vector<16xf32>
      %add3A_1690 = arith.addf %add3A_1682, %get3A_1689 : vector<16xf32>
      %get3A_1691 = arith.constant 1 : i32
      %get3A_1692 = arith.constant 87 : i32
      %get3A_1693 = arith.index_cast %get3A_1691 : i32 to index
      %get3A_1694 = arith.index_cast %get3A_1692 : i32 to index
      %get3A_1695 = arith.constant 0 : index
      %get3A_1696 = tpu.vector_load %arg6[%get3A_1693, %get3A_1694, %get3A_1695] {strides = array<i32>} : memref<4x104x16xf32, #tpu.memory_space<vmem>>, vector<1x1x16xf32>,
      %get3A_1697 = vector.shape_cast %get3A_1696 : vector<1x1x16xf32> to vector<16xf32>
      %add3A_1698 = arith.addf %add3A_1690, %get3A_1697 : vector<16xf32>
      %get3A_1699 = arith.constant 1 : i32
      %get3A_1700 = arith.constant 88 : i32
      %get3A_1701 = arith.index_cast %get3A_1699 : i32 to index
      %get3A_1702 = arith.index_cast %get3A_1700 : i32 to index
      %get3A_1703 = arith.constant 0 : index
      %get3A_1704 = tpu.vector_load %arg6[%get3A_1701, %get3A_1702, %get3A_1703] {strides = array<i32>} : memref<4x104x16xf32, #tpu.memory_space<vmem>>, vector<1x1x16xf32>,
      %get3A_1705 = vector.shape_cast %get3A_1704 : vector<1x1x16xf32> to vector<16xf32>
      %add3A_1706 = arith.addf %add3A_1698, %get3A_1705 : vector<16xf32>
      %get3A_1707 = arith.constant 1 : i32
      %get3A_1708 = arith.constant 89 : i32
      %get3A_1709 = arith.index_cast %get3A_1707 : i32 to index
      %get3A_1710 = arith.index_cast %get3A_1708 : i32 to index
      %get3A_1711 = arith.constant 0 : index
      %get3A_1712 = tpu.vector_load %arg6[%get3A_1709, %get3A_1710, %get3A_1711] {strides = array<i32>} : memref<4x104x16xf32, #tpu.memory_space<vmem>>, vector<1x1x16xf32>,
      %get3A_1713 = vector.shape_cast %get3A_1712 : vector<1x1x16xf32> to vector<16xf32>
      %add3A_1714 = arith.addf %add3A_1706, %get3A_1713 : vector<16xf32>
      %get3A_1715 = arith.constant 1 : i32
      %get3A_1716 = arith.constant 90 : i32
      %get3A_1717 = arith.index_cast %get3A_1715 : i32 to index
      %get3A_1718 = arith.index_cast %get3A_1716 : i32 to index
      %get3A_1719 = arith.constant 0 : index
      %get3A_1720 = tpu.vector_load %arg6[%get3A_1717, %get3A_1718, %get3A_1719] {strides = array<i32>} : memref<4x104x16xf32, #tpu.memory_space<vmem>>, vector<1x1x16xf32>,
      %get3A_1721 = vector.shape_cast %get3A_1720 : vector<1x1x16xf32> to vector<16xf32>
      %add3A_1722 = arith.addf %add3A_1714, %get3A_1721 : vector<16xf32>
      %get3A_1723 = arith.constant 1 : i32
      %get3A_1724 = arith.constant 91 : i32
      %get3A_1725 = arith.index_cast %get3A_1723 : i32 to index
      %get3A_1726 = arith.index_cast %get3A_1724 : i32 to index
      %get3A_1727 = arith.constant 0 : index
      %get3A_1728 = tpu.vector_load %arg6[%get3A_1725, %get3A_1726, %get3A_1727] {strides = array<i32>} : memref<4x104x16xf32, #tpu.memory_space<vmem>>, vector<1x1x16xf32>,
      %get3A_1729 = vector.shape_cast %get3A_1728 : vector<1x1x16xf32> to vector<16xf32>
      %add3A_1730 = arith.addf %add3A_1722, %get3A_1729 : vector<16xf32>
      %get3A_1731 = arith.constant 1 : i32
      %get3A_1732 = arith.constant 92 : i32
      %get3A_1733 = arith.index_cast %get3A_1731 : i32 to index
      %get3A_1734 = arith.index_cast %get3A_1732 : i32 to index
      %get3A_1735 = arith.constant 0 : index
      %get3A_1736 = tpu.vector_load %arg6[%get3A_1733, %get3A_1734, %get3A_1735] {strides = array<i32>} : memref<4x104x16xf32, #tpu.memory_space<vmem>>, vector<1x1x16xf32>,
      %get3A_1737 = vector.shape_cast %get3A_1736 : vector<1x1x16xf32> to vector<16xf32>
      %add3A_1738 = arith.addf %add3A_1730, %get3A_1737 : vector<16xf32>
      %get3A_1739 = arith.constant 1 : i32
      %get3A_1740 = arith.constant 93 : i32
      %get3A_1741 = arith.index_cast %get3A_1739 : i32 to index
      %get3A_1742 = arith.index_cast %get3A_1740 : i32 to index
      %get3A_1743 = arith.constant 0 : index
      %get3A_1744 = tpu.vector_load %arg6[%get3A_1741, %get3A_1742, %get3A_1743] {strides = array<i32>} : memref<4x104x16xf32, #tpu.memory_space<vmem>>, vector<1x1x16xf32>,
      %get3A_1745 = vector.shape_cast %get3A_1744 : vector<1x1x16xf32> to vector<16xf32>
      %add3A_1746 = arith.addf %add3A_1738, %get3A_1745 : vector<16xf32>
      %get3A_1747 = arith.constant 1 : i32
      %get3A_1748 = arith.constant 94 : i32
      %get3A_1749 = arith.index_cast %get3A_1747 : i32 to index
      %get3A_1750 = arith.index_cast %get3A_1748 : i32 to index
      %get3A_1751 = arith.constant 0 : index
      %get3A_1752 = tpu.vector_load %arg6[%get3A_1749, %get3A_1750, %get3A_1751] {strides = array<i32>} : memref<4x104x16xf32, #tpu.memory_space<vmem>>, vector<1x1x16xf32>,
      %get3A_1753 = vector.shape_cast %get3A_1752 : vector<1x1x16xf32> to vector<16xf32>
      %add3A_1754 = arith.addf %add3A_1746, %get3A_1753 : vector<16xf32>
      %get3A_1755 = arith.constant 1 : i32
      %get3A_1756 = arith.constant 95 : i32
      %get3A_1757 = arith.index_cast %get3A_1755 : i32 to index
      %get3A_1758 = arith.index_cast %get3A_1756 : i32 to index
      %get3A_1759 = arith.constant 0 : index
      %get3A_1760 = tpu.vector_load %arg6[%get3A_1757, %get3A_1758, %get3A_1759] {strides = array<i32>} : memref<4x104x16xf32, #tpu.memory_space<vmem>>, vector<1x1x16xf32>,
      %get3A_1761 = vector.shape_cast %get3A_1760 : vector<1x1x16xf32> to vector<16xf32>
      %add3A_1762 = arith.addf %add3A_1754, %get3A_1761 : vector<16xf32>
      %get3A_1763 = arith.constant 1 : i32
      %get3A_1764 = arith.constant 96 : i32
      %get3A_1765 = arith.index_cast %get3A_1763 : i32 to index
      %get3A_1766 = arith.index_cast %get3A_1764 : i32 to index
      %get3A_1767 = arith.constant 0 : index
      %get3A_1768 = tpu.vector_load %arg6[%get3A_1765, %get3A_1766, %get3A_1767] {strides = array<i32>} : memref<4x104x16xf32, #tpu.memory_space<vmem>>, vector<1x1x16xf32>,
      %get3A_1769 = vector.shape_cast %get3A_1768 : vector<1x1x16xf32> to vector<16xf32>
      %add3A_1770 = arith.addf %add3A_1762, %get3A_1769 : vector<16xf32>
      %get3A_1771 = arith.constant 1 : i32
      %get3A_1772 = arith.constant 97 : i32
      %get3A_1773 = arith.index_cast %get3A_1771 : i32 to index
      %get3A_1774 = arith.index_cast %get3A_1772 : i32 to index
      %get3A_1775 = arith.constant 0 : index
      %get3A_1776 = tpu.vector_load %arg6[%get3A_1773, %get3A_1774, %get3A_1775] {strides = array<i32>} : memref<4x104x16xf32, #tpu.memory_space<vmem>>, vector<1x1x16xf32>,
      %get3A_1777 = vector.shape_cast %get3A_1776 : vector<1x1x16xf32> to vector<16xf32>
      %add3A_1778 = arith.addf %add3A_1770, %get3A_1777 : vector<16xf32>
      %get3A_1779 = arith.constant 1 : i32
      %get3A_1780 = arith.constant 98 : i32
      %get3A_1781 = arith.index_cast %get3A_1779 : i32 to index
      %get3A_1782 = arith.index_cast %get3A_1780 : i32 to index
      %get3A_1783 = arith.constant 0 : index
      %get3A_1784 = tpu.vector_load %arg6[%get3A_1781, %get3A_1782, %get3A_1783] {strides = array<i32>} : memref<4x104x16xf32, #tpu.memory_space<vmem>>, vector<1x1x16xf32>,
      %get3A_1785 = vector.shape_cast %get3A_1784 : vector<1x1x16xf32> to vector<16xf32>
      %add3A_1786 = arith.addf %add3A_1778, %get3A_1785 : vector<16xf32>
      %get3A_1787 = arith.constant 1 : i32
      %get3A_1788 = arith.constant 99 : i32
      %get3A_1789 = arith.index_cast %get3A_1787 : i32 to index
      %get3A_1790 = arith.index_cast %get3A_1788 : i32 to index
      %get3A_1791 = arith.constant 0 : index
      %get3A_1792 = tpu.vector_load %arg6[%get3A_1789, %get3A_1790, %get3A_1791] {strides = array<i32>} : memref<4x104x16xf32, #tpu.memory_space<vmem>>, vector<1x1x16xf32>,
      %get3A_1793 = vector.shape_cast %get3A_1792 : vector<1x1x16xf32> to vector<16xf32>
      %add3A_1794 = arith.addf %add3A_1786, %get3A_1793 : vector<16xf32>
      %get3A_1795 = arith.constant 1 : i32
      %get3A_1796 = arith.constant 100 : i32
      %get3A_1797 = arith.index_cast %get3A_1795 : i32 to index
      %get3A_1798 = arith.index_cast %get3A_1796 : i32 to index
      %get3A_1799 = arith.constant 0 : index
      %get3A_1800 = tpu.vector_load %arg6[%get3A_1797, %get3A_1798, %get3A_1799] {strides = array<i32>} : memref<4x104x16xf32, #tpu.memory_space<vmem>>, vector<1x1x16xf32>,
      %get3A_1801 = vector.shape_cast %get3A_1800 : vector<1x1x16xf32> to vector<16xf32>
      %add3A_1802 = arith.addf %add3A_1794, %get3A_1801 : vector<16xf32>
      %get3A_1803 = arith.constant 1 : i32
      %get3A_1804 = arith.constant 101 : i32
      %get3A_1805 = arith.index_cast %get3A_1803 : i32 to index
      %get3A_1806 = arith.index_cast %get3A_1804 : i32 to index
      %get3A_1807 = arith.constant 0 : index
      %get3A_1808 = tpu.vector_load %arg6[%get3A_1805, %get3A_1806, %get3A_1807] {strides = array<i32>} : memref<4x104x16xf32, #tpu.memory_space<vmem>>, vector<1x1x16xf32>,
      %get3A_1809 = vector.shape_cast %get3A_1808 : vector<1x1x16xf32> to vector<16xf32>
      %add3A_1810 = arith.addf %add3A_1802, %get3A_1809 : vector<16xf32>
      %get3A_1811 = arith.constant 1 : i32
      %get3A_1812 = arith.constant 102 : i32
      %get3A_1813 = arith.index_cast %get3A_1811 : i32 to index
      %get3A_1814 = arith.index_cast %get3A_1812 : i32 to index
      %get3A_1815 = arith.constant 0 : index
      %get3A_1816 = tpu.vector_load %arg6[%get3A_1813, %get3A_1814, %get3A_1815] {strides = array<i32>} : memref<4x104x16xf32, #tpu.memory_space<vmem>>, vector<1x1x16xf32>,
      %get3A_1817 = vector.shape_cast %get3A_1816 : vector<1x1x16xf32> to vector<16xf32>
      %add3A_1818 = arith.addf %add3A_1810, %get3A_1817 : vector<16xf32>
      %get3A_1819 = arith.constant 1 : i32
      %get3A_1820 = arith.constant 103 : i32
      %get3A_1821 = arith.index_cast %get3A_1819 : i32 to index
      %get3A_1822 = arith.index_cast %get3A_1820 : i32 to index
      %get3A_1823 = arith.constant 0 : index
      %get3A_1824 = tpu.vector_load %arg6[%get3A_1821, %get3A_1822, %get3A_1823] {strides = array<i32>} : memref<4x104x16xf32, #tpu.memory_space<vmem>>, vector<1x1x16xf32>,
      %get3A_1825 = vector.shape_cast %get3A_1824 : vector<1x1x16xf32> to vector<16xf32>
      %add3A_1826 = arith.addf %add3A_1818, %get3A_1825 : vector<16xf32>
      %mul3A_1827 = arith.constant 4 : i32
      %mul3A_1828 = arith.muli %add3A_953, %mul3A_1827 : i32
      %add3A_1829 = arith.constant 3 : i32
      %add3A_1830 = arith.addi %mul3A_1828, %add3A_1829 : i32
      %swap3A_1831 = arith.index_cast %add3A_1830 : i32 to index
      %swap3A_1832 = arith.constant 0 : index
      %swap3A_1833 = tpu.vector_load %arg7[%swap3A_1831, %swap3A_1832] {strides = array<i32>} : memref<512x16xf32, #tpu.memory_space<vmem>>, vector<1x16xf32>,
      %swap3A_1834 = vector.shape_cast %swap3A_1833 : vector<1x16xf32> to vector<16xf32>
      %swap3A_1835 = vector.shape_cast %add3A_1826 : vector<16xf32> to vector<1x16xf32>
      tpu.vector_store %arg7[%swap3A_1831, %swap3A_1832], %swap3A_1835 {strides = array<i32>} : memref<512x16xf32, #tpu.memory_space<vmem>>, vector<1x16xf32>,
      %lt3A_1836 = arith.constant 31 : i32
      %lt3A_1837 = arith.cmpi slt, %add3A_64, %lt3A_1836 : i32
      %convert_element_type3A_1838 = arith.extui %lt3A_1837 : i1 to i32
      %cond3A_1839 = arith.constant 0 : i32
      %cond3A_1840 = arith.cmpi ne, %convert_element_type3A_1838, %cond3A_1839 : i32
      scf.if %cond3A_1840 {
        %add3A_3623 = arith.constant 4 : i32
        %add3A_3624 = arith.addi %add3A_953, %add3A_3623 : i32
        %mul3A_3625 = arith.constant 104 : i32
        %mul3A_3626 = arith.muli %add3A_3624, %mul3A_3625 : i32
        %dma_start3A_3627 = arith.constant 1 : i32
        %dma_start3A_3628 = arith.constant 1 : i32
        %dma_start3A_3629 = arith.constant 0 : i32
        %dma_start3A_3630 = arith.constant 0 : i32
        %dma_start3A_3631 = tpu.memref_slice %arg6[%dma_start3A_3627, %dma_start3A_3629, %dma_start3A_3630] : memref<4x104x16xf32, #tpu.memory_space<vmem>> -> memref<1x104x16xf32, #tpu.memory_space<vmem>>
        %dma_start3A_3632 = tpu.memref_squeeze %dma_start3A_3631 : memref<1x104x16xf32, #tpu.memory_space<vmem>> -> memref<104x16xf32, #tpu.memory_space<vmem>>
        %dma_start3A_3633 = tpu.memref_slice %arg5[%mul3A_3626] : memref<13312xi32, #tpu.memory_space<vmem>> -> memref<104xi32, #tpu.memory_space<vmem>>
        %dma_start3A_3634 = arith.constant 0 : i32
        %dma_start3A_3635 = arith.constant 0 : i32
        %dma_start3A_3636 = tpu.memref_slice %arg2[%dma_start3A_3634, %dma_start3A_3635] : memref<1000000x16xf32, #tpu.memory_space<hbm>> -> memref<1000000x16xf32, #tpu.memory_space<hbm>>
        %dma_start3A_3637 = tpu.memref_slice %arg8[%dma_start3A_3628] : memref<4x!tpu.dma_semaphore, #tpu.memory_space<semaphore_mem>> -> memref<1x!tpu.dma_semaphore, #tpu.memory_space<semaphore_mem>>
        %dma_start3A_3638 = tpu.memref_squeeze %dma_start3A_3637 : memref<1x!tpu.dma_semaphore, #tpu.memory_space<semaphore_mem>> -> memref<!tpu.dma_semaphore, #tpu.memory_space<semaphore_mem>>
        tpu.enqueue_indirect_dma source(%dma_start3A_3636 : memref<1000000x16xf32, #tpu.memory_space<hbm>>) target(%dma_start3A_3632 : memref<104x16xf32, #tpu.memory_space<vmem>>) offsets(%dma_start3A_3633 : memref<104xi32, #tpu.memory_space<vmem>>) semaphore(%dma_start3A_3638 : memref<!tpu.dma_semaphore, #tpu.memory_space<semaphore_mem>>)
      } else {
      }
      %mul3A_1841 = arith.constant 4 : i32
      %mul3A_1842 = arith.muli %add3A_64, %mul3A_1841 : i32
      %add3A_1843 = arith.constant 2 : i32
      %add3A_1844 = arith.addi %mul3A_1842, %add3A_1843 : i32
      %dma_wait3A_1845 = arith.constant 2 : i32
      %dma_wait3A_1846 = arith.constant 2 : i32
      %dma_wait3A_1847 = arith.constant 0 : i32
      %dma_wait3A_1848 = arith.constant 0 : i32
      %dma_wait3A_1849 = tpu.memref_slice %arg6[%dma_wait3A_1845, %dma_wait3A_1847, %dma_wait3A_1848] : memref<4x104x16xf32, #tpu.memory_space<vmem>> -> memref<1x104x16xf32, #tpu.memory_space<vmem>>
      %dma_wait3A_1850 = tpu.memref_squeeze %dma_wait3A_1849 : memref<1x104x16xf32, #tpu.memory_space<vmem>> -> memref<104x16xf32, #tpu.memory_space<vmem>>
      %dma_wait3A_1851 = arith.constant 0 : i32
      %dma_wait3A_1852 = arith.constant 0 : i32
      %dma_wait3A_1853 = tpu.memref_slice %arg2[%dma_wait3A_1851, %dma_wait3A_1852] : memref<1000000x16xf32, #tpu.memory_space<hbm>> -> memref<104x16xf32, #tpu.memory_space<hbm>>
      %dma_wait3A_1854 = tpu.memref_slice %arg8[%dma_wait3A_1846] : memref<4x!tpu.dma_semaphore, #tpu.memory_space<semaphore_mem>> -> memref<1x!tpu.dma_semaphore, #tpu.memory_space<semaphore_mem>>
      %dma_wait3A_1855 = tpu.memref_squeeze %dma_wait3A_1854 : memref<1x!tpu.dma_semaphore, #tpu.memory_space<semaphore_mem>> -> memref<!tpu.dma_semaphore, #tpu.memory_space<semaphore_mem>>
      %dma_wait3A_1856 = arith.constant 0 : i32
      %dma_wait3A_1857 = arith.constant 0 : i32
      %dma_wait3A_1858 = tpu.memref_slice %arg6[%dma_wait3A_1845, %dma_wait3A_1856, %dma_wait3A_1857] : memref<4x104x16xf32, #tpu.memory_space<vmem>> -> memref<1x104x16xf32, #tpu.memory_space<vmem>>
      %dma_wait3A_1859 = tpu.memref_squeeze %dma_wait3A_1858 : memref<1x104x16xf32, #tpu.memory_space<vmem>> -> memref<104x16xf32, #tpu.memory_space<vmem>>
      %dma_wait3A_1860 = arith.constant 0 : i32
      %dma_wait3A_1861 = arith.constant 0 : i32
      %dma_wait3A_1862 = tpu.memref_slice %arg2[%dma_wait3A_1860, %dma_wait3A_1861] : memref<1000000x16xf32, #tpu.memory_space<hbm>> -> memref<104x16xf32, #tpu.memory_space<hbm>>
      tpu.wait_dma2 semaphore(%dma_wait3A_1855 : memref<!tpu.dma_semaphore, #tpu.memory_space<semaphore_mem>>) src(%dma_wait3A_1862 : memref<104x16xf32, #tpu.memory_space<hbm>>) dst(%dma_wait3A_1859 : memref<104x16xf32, #tpu.memory_space<vmem>>)
      %get3A_1863 = arith.constant 2 : i32
      %get3A_1864 = arith.constant 0 : i32
      %get3A_1865 = arith.index_cast %get3A_1863 : i32 to index
      %get3A_1866 = arith.index_cast %get3A_1864 : i32 to index
      %get3A_1867 = arith.constant 0 : index
      %get3A_1868 = tpu.vector_load %arg6[%get3A_1865, %get3A_1866, %get3A_1867] {strides = array<i32>} : memref<4x104x16xf32, #tpu.memory_space<vmem>>, vector<1x1x16xf32>,
      %get3A_1869 = vector.shape_cast %get3A_1868 : vector<1x1x16xf32> to vector<16xf32>
      %get3A_1870 = arith.constant 2 : i32
      %get3A_1871 = arith.constant 1 : i32
      %get3A_1872 = arith.index_cast %get3A_1870 : i32 to index
      %get3A_1873 = arith.index_cast %get3A_1871 : i32 to index
      %get3A_1874 = arith.constant 0 : index
      %get3A_1875 = tpu.vector_load %arg6[%get3A_1872, %get3A_1873, %get3A_1874] {strides = array<i32>} : memref<4x104x16xf32, #tpu.memory_space<vmem>>, vector<1x1x16xf32>,
      %get3A_1876 = vector.shape_cast %get3A_1875 : vector<1x1x16xf32> to vector<16xf32>
      %add3A_1877 = arith.addf %get3A_1869, %get3A_1876 : vector<16xf32>
      %get3A_1878 = arith.constant 2 : i32
      %get3A_1879 = arith.constant 2 : i32
      %get3A_1880 = arith.index_cast %get3A_1878 : i32 to index
      %get3A_1881 = arith.index_cast %get3A_1879 : i32 to index
      %get3A_1882 = arith.constant 0 : index
      %get3A_1883 = tpu.vector_load %arg6[%get3A_1880, %get3A_1881, %get3A_1882] {strides = array<i32>} : memref<4x104x16xf32, #tpu.memory_space<vmem>>, vector<1x1x16xf32>,
      %get3A_1884 = vector.shape_cast %get3A_1883 : vector<1x1x16xf32> to vector<16xf32>
      %add3A_1885 = arith.addf %add3A_1877, %get3A_1884 : vector<16xf32>
      %get3A_1886 = arith.constant 2 : i32
      %get3A_1887 = arith.constant 3 : i32
      %get3A_1888 = arith.index_cast %get3A_1886 : i32 to index
      %get3A_1889 = arith.index_cast %get3A_1887 : i32 to index
      %get3A_1890 = arith.constant 0 : index
      %get3A_1891 = tpu.vector_load %arg6[%get3A_1888, %get3A_1889, %get3A_1890] {strides = array<i32>} : memref<4x104x16xf32, #tpu.memory_space<vmem>>, vector<1x1x16xf32>,
      %get3A_1892 = vector.shape_cast %get3A_1891 : vector<1x1x16xf32> to vector<16xf32>
      %add3A_1893 = arith.addf %add3A_1885, %get3A_1892 : vector<16xf32>
      %get3A_1894 = arith.constant 2 : i32
      %get3A_1895 = arith.constant 4 : i32
      %get3A_1896 = arith.index_cast %get3A_1894 : i32 to index
      %get3A_1897 = arith.index_cast %get3A_1895 : i32 to index
      %get3A_1898 = arith.constant 0 : index
      %get3A_1899 = tpu.vector_load %arg6[%get3A_1896, %get3A_1897, %get3A_1898] {strides = array<i32>} : memref<4x104x16xf32, #tpu.memory_space<vmem>>, vector<1x1x16xf32>,
      %get3A_1900 = vector.shape_cast %get3A_1899 : vector<1x1x16xf32> to vector<16xf32>
      %add3A_1901 = arith.addf %add3A_1893, %get3A_1900 : vector<16xf32>
      %get3A_1902 = arith.constant 2 : i32
      %get3A_1903 = arith.constant 5 : i32
      %get3A_1904 = arith.index_cast %get3A_1902 : i32 to index
      %get3A_1905 = arith.index_cast %get3A_1903 : i32 to index
      %get3A_1906 = arith.constant 0 : index
      %get3A_1907 = tpu.vector_load %arg6[%get3A_1904, %get3A_1905, %get3A_1906] {strides = array<i32>} : memref<4x104x16xf32, #tpu.memory_space<vmem>>, vector<1x1x16xf32>,
      %get3A_1908 = vector.shape_cast %get3A_1907 : vector<1x1x16xf32> to vector<16xf32>
      %add3A_1909 = arith.addf %add3A_1901, %get3A_1908 : vector<16xf32>
      %get3A_1910 = arith.constant 2 : i32
      %get3A_1911 = arith.constant 6 : i32
      %get3A_1912 = arith.index_cast %get3A_1910 : i32 to index
      %get3A_1913 = arith.index_cast %get3A_1911 : i32 to index
      %get3A_1914 = arith.constant 0 : index
      %get3A_1915 = tpu.vector_load %arg6[%get3A_1912, %get3A_1913, %get3A_1914] {strides = array<i32>} : memref<4x104x16xf32, #tpu.memory_space<vmem>>, vector<1x1x16xf32>,
      %get3A_1916 = vector.shape_cast %get3A_1915 : vector<1x1x16xf32> to vector<16xf32>
      %add3A_1917 = arith.addf %add3A_1909, %get3A_1916 : vector<16xf32>
      %get3A_1918 = arith.constant 2 : i32
      %get3A_1919 = arith.constant 7 : i32
      %get3A_1920 = arith.index_cast %get3A_1918 : i32 to index
      %get3A_1921 = arith.index_cast %get3A_1919 : i32 to index
      %get3A_1922 = arith.constant 0 : index
      %get3A_1923 = tpu.vector_load %arg6[%get3A_1920, %get3A_1921, %get3A_1922] {strides = array<i32>} : memref<4x104x16xf32, #tpu.memory_space<vmem>>, vector<1x1x16xf32>,
      %get3A_1924 = vector.shape_cast %get3A_1923 : vector<1x1x16xf32> to vector<16xf32>
      %add3A_1925 = arith.addf %add3A_1917, %get3A_1924 : vector<16xf32>
      %get3A_1926 = arith.constant 2 : i32
      %get3A_1927 = arith.constant 8 : i32
      %get3A_1928 = arith.index_cast %get3A_1926 : i32 to index
      %get3A_1929 = arith.index_cast %get3A_1927 : i32 to index
      %get3A_1930 = arith.constant 0 : index
      %get3A_1931 = tpu.vector_load %arg6[%get3A_1928, %get3A_1929, %get3A_1930] {strides = array<i32>} : memref<4x104x16xf32, #tpu.memory_space<vmem>>, vector<1x1x16xf32>,
      %get3A_1932 = vector.shape_cast %get3A_1931 : vector<1x1x16xf32> to vector<16xf32>
      %add3A_1933 = arith.addf %add3A_1925, %get3A_1932 : vector<16xf32>
      %get3A_1934 = arith.constant 2 : i32
      %get3A_1935 = arith.constant 9 : i32
      %get3A_1936 = arith.index_cast %get3A_1934 : i32 to index
      %get3A_1937 = arith.index_cast %get3A_1935 : i32 to index
      %get3A_1938 = arith.constant 0 : index
      %get3A_1939 = tpu.vector_load %arg6[%get3A_1936, %get3A_1937, %get3A_1938] {strides = array<i32>} : memref<4x104x16xf32, #tpu.memory_space<vmem>>, vector<1x1x16xf32>,
      %get3A_1940 = vector.shape_cast %get3A_1939 : vector<1x1x16xf32> to vector<16xf32>
      %add3A_1941 = arith.addf %add3A_1933, %get3A_1940 : vector<16xf32>
      %get3A_1942 = arith.constant 2 : i32
      %get3A_1943 = arith.constant 10 : i32
      %get3A_1944 = arith.index_cast %get3A_1942 : i32 to index
      %get3A_1945 = arith.index_cast %get3A_1943 : i32 to index
      %get3A_1946 = arith.constant 0 : index
      %get3A_1947 = tpu.vector_load %arg6[%get3A_1944, %get3A_1945, %get3A_1946] {strides = array<i32>} : memref<4x104x16xf32, #tpu.memory_space<vmem>>, vector<1x1x16xf32>,
      %get3A_1948 = vector.shape_cast %get3A_1947 : vector<1x1x16xf32> to vector<16xf32>
      %add3A_1949 = arith.addf %add3A_1941, %get3A_1948 : vector<16xf32>
      %get3A_1950 = arith.constant 2 : i32
      %get3A_1951 = arith.constant 11 : i32
      %get3A_1952 = arith.index_cast %get3A_1950 : i32 to index
      %get3A_1953 = arith.index_cast %get3A_1951 : i32 to index
      %get3A_1954 = arith.constant 0 : index
      %get3A_1955 = tpu.vector_load %arg6[%get3A_1952, %get3A_1953, %get3A_1954] {strides = array<i32>} : memref<4x104x16xf32, #tpu.memory_space<vmem>>, vector<1x1x16xf32>,
      %get3A_1956 = vector.shape_cast %get3A_1955 : vector<1x1x16xf32> to vector<16xf32>
      %add3A_1957 = arith.addf %add3A_1949, %get3A_1956 : vector<16xf32>
      %get3A_1958 = arith.constant 2 : i32
      %get3A_1959 = arith.constant 12 : i32
      %get3A_1960 = arith.index_cast %get3A_1958 : i32 to index
      %get3A_1961 = arith.index_cast %get3A_1959 : i32 to index
      %get3A_1962 = arith.constant 0 : index
      %get3A_1963 = tpu.vector_load %arg6[%get3A_1960, %get3A_1961, %get3A_1962] {strides = array<i32>} : memref<4x104x16xf32, #tpu.memory_space<vmem>>, vector<1x1x16xf32>,
      %get3A_1964 = vector.shape_cast %get3A_1963 : vector<1x1x16xf32> to vector<16xf32>
      %add3A_1965 = arith.addf %add3A_1957, %get3A_1964 : vector<16xf32>
      %get3A_1966 = arith.constant 2 : i32
      %get3A_1967 = arith.constant 13 : i32
      %get3A_1968 = arith.index_cast %get3A_1966 : i32 to index
      %get3A_1969 = arith.index_cast %get3A_1967 : i32 to index
      %get3A_1970 = arith.constant 0 : index
      %get3A_1971 = tpu.vector_load %arg6[%get3A_1968, %get3A_1969, %get3A_1970] {strides = array<i32>} : memref<4x104x16xf32, #tpu.memory_space<vmem>>, vector<1x1x16xf32>,
      %get3A_1972 = vector.shape_cast %get3A_1971 : vector<1x1x16xf32> to vector<16xf32>
      %add3A_1973 = arith.addf %add3A_1965, %get3A_1972 : vector<16xf32>
      %get3A_1974 = arith.constant 2 : i32
      %get3A_1975 = arith.constant 14 : i32
      %get3A_1976 = arith.index_cast %get3A_1974 : i32 to index
      %get3A_1977 = arith.index_cast %get3A_1975 : i32 to index
      %get3A_1978 = arith.constant 0 : index
      %get3A_1979 = tpu.vector_load %arg6[%get3A_1976, %get3A_1977, %get3A_1978] {strides = array<i32>} : memref<4x104x16xf32, #tpu.memory_space<vmem>>, vector<1x1x16xf32>,
      %get3A_1980 = vector.shape_cast %get3A_1979 : vector<1x1x16xf32> to vector<16xf32>
      %add3A_1981 = arith.addf %add3A_1973, %get3A_1980 : vector<16xf32>
      %get3A_1982 = arith.constant 2 : i32
      %get3A_1983 = arith.constant 15 : i32
      %get3A_1984 = arith.index_cast %get3A_1982 : i32 to index
      %get3A_1985 = arith.index_cast %get3A_1983 : i32 to index
      %get3A_1986 = arith.constant 0 : index
      %get3A_1987 = tpu.vector_load %arg6[%get3A_1984, %get3A_1985, %get3A_1986] {strides = array<i32>} : memref<4x104x16xf32, #tpu.memory_space<vmem>>, vector<1x1x16xf32>,
      %get3A_1988 = vector.shape_cast %get3A_1987 : vector<1x1x16xf32> to vector<16xf32>
      %add3A_1989 = arith.addf %add3A_1981, %get3A_1988 : vector<16xf32>
      %get3A_1990 = arith.constant 2 : i32
      %get3A_1991 = arith.constant 16 : i32
      %get3A_1992 = arith.index_cast %get3A_1990 : i32 to index
      %get3A_1993 = arith.index_cast %get3A_1991 : i32 to index
      %get3A_1994 = arith.constant 0 : index
      %get3A_1995 = tpu.vector_load %arg6[%get3A_1992, %get3A_1993, %get3A_1994] {strides = array<i32>} : memref<4x104x16xf32, #tpu.memory_space<vmem>>, vector<1x1x16xf32>,
      %get3A_1996 = vector.shape_cast %get3A_1995 : vector<1x1x16xf32> to vector<16xf32>
      %add3A_1997 = arith.addf %add3A_1989, %get3A_1996 : vector<16xf32>
      %get3A_1998 = arith.constant 2 : i32
      %get3A_1999 = arith.constant 17 : i32
      %get3A_2000 = arith.index_cast %get3A_1998 : i32 to index
      %get3A_2001 = arith.index_cast %get3A_1999 : i32 to index
      %get3A_2002 = arith.constant 0 : index
      %get3A_2003 = tpu.vector_load %arg6[%get3A_2000, %get3A_2001, %get3A_2002] {strides = array<i32>} : memref<4x104x16xf32, #tpu.memory_space<vmem>>, vector<1x1x16xf32>,
      %get3A_2004 = vector.shape_cast %get3A_2003 : vector<1x1x16xf32> to vector<16xf32>
      %add3A_2005 = arith.addf %add3A_1997, %get3A_2004 : vector<16xf32>
      %get3A_2006 = arith.constant 2 : i32
      %get3A_2007 = arith.constant 18 : i32
      %get3A_2008 = arith.index_cast %get3A_2006 : i32 to index
      %get3A_2009 = arith.index_cast %get3A_2007 : i32 to index
      %get3A_2010 = arith.constant 0 : index
      %get3A_2011 = tpu.vector_load %arg6[%get3A_2008, %get3A_2009, %get3A_2010] {strides = array<i32>} : memref<4x104x16xf32, #tpu.memory_space<vmem>>, vector<1x1x16xf32>,
      %get3A_2012 = vector.shape_cast %get3A_2011 : vector<1x1x16xf32> to vector<16xf32>
      %add3A_2013 = arith.addf %add3A_2005, %get3A_2012 : vector<16xf32>
      %get3A_2014 = arith.constant 2 : i32
      %get3A_2015 = arith.constant 19 : i32
      %get3A_2016 = arith.index_cast %get3A_2014 : i32 to index
      %get3A_2017 = arith.index_cast %get3A_2015 : i32 to index
      %get3A_2018 = arith.constant 0 : index
      %get3A_2019 = tpu.vector_load %arg6[%get3A_2016, %get3A_2017, %get3A_2018] {strides = array<i32>} : memref<4x104x16xf32, #tpu.memory_space<vmem>>, vector<1x1x16xf32>,
      %get3A_2020 = vector.shape_cast %get3A_2019 : vector<1x1x16xf32> to vector<16xf32>
      %add3A_2021 = arith.addf %add3A_2013, %get3A_2020 : vector<16xf32>
      %get3A_2022 = arith.constant 2 : i32
      %get3A_2023 = arith.constant 20 : i32
      %get3A_2024 = arith.index_cast %get3A_2022 : i32 to index
      %get3A_2025 = arith.index_cast %get3A_2023 : i32 to index
      %get3A_2026 = arith.constant 0 : index
      %get3A_2027 = tpu.vector_load %arg6[%get3A_2024, %get3A_2025, %get3A_2026] {strides = array<i32>} : memref<4x104x16xf32, #tpu.memory_space<vmem>>, vector<1x1x16xf32>,
      %get3A_2028 = vector.shape_cast %get3A_2027 : vector<1x1x16xf32> to vector<16xf32>
      %add3A_2029 = arith.addf %add3A_2021, %get3A_2028 : vector<16xf32>
      %get3A_2030 = arith.constant 2 : i32
      %get3A_2031 = arith.constant 21 : i32
      %get3A_2032 = arith.index_cast %get3A_2030 : i32 to index
      %get3A_2033 = arith.index_cast %get3A_2031 : i32 to index
      %get3A_2034 = arith.constant 0 : index
      %get3A_2035 = tpu.vector_load %arg6[%get3A_2032, %get3A_2033, %get3A_2034] {strides = array<i32>} : memref<4x104x16xf32, #tpu.memory_space<vmem>>, vector<1x1x16xf32>,
      %get3A_2036 = vector.shape_cast %get3A_2035 : vector<1x1x16xf32> to vector<16xf32>
      %add3A_2037 = arith.addf %add3A_2029, %get3A_2036 : vector<16xf32>
      %get3A_2038 = arith.constant 2 : i32
      %get3A_2039 = arith.constant 22 : i32
      %get3A_2040 = arith.index_cast %get3A_2038 : i32 to index
      %get3A_2041 = arith.index_cast %get3A_2039 : i32 to index
      %get3A_2042 = arith.constant 0 : index
      %get3A_2043 = tpu.vector_load %arg6[%get3A_2040, %get3A_2041, %get3A_2042] {strides = array<i32>} : memref<4x104x16xf32, #tpu.memory_space<vmem>>, vector<1x1x16xf32>,
      %get3A_2044 = vector.shape_cast %get3A_2043 : vector<1x1x16xf32> to vector<16xf32>
      %add3A_2045 = arith.addf %add3A_2037, %get3A_2044 : vector<16xf32>
      %get3A_2046 = arith.constant 2 : i32
      %get3A_2047 = arith.constant 23 : i32
      %get3A_2048 = arith.index_cast %get3A_2046 : i32 to index
      %get3A_2049 = arith.index_cast %get3A_2047 : i32 to index
      %get3A_2050 = arith.constant 0 : index
      %get3A_2051 = tpu.vector_load %arg6[%get3A_2048, %get3A_2049, %get3A_2050] {strides = array<i32>} : memref<4x104x16xf32, #tpu.memory_space<vmem>>, vector<1x1x16xf32>,
      %get3A_2052 = vector.shape_cast %get3A_2051 : vector<1x1x16xf32> to vector<16xf32>
      %add3A_2053 = arith.addf %add3A_2045, %get3A_2052 : vector<16xf32>
      %get3A_2054 = arith.constant 2 : i32
      %get3A_2055 = arith.constant 24 : i32
      %get3A_2056 = arith.index_cast %get3A_2054 : i32 to index
      %get3A_2057 = arith.index_cast %get3A_2055 : i32 to index
      %get3A_2058 = arith.constant 0 : index
      %get3A_2059 = tpu.vector_load %arg6[%get3A_2056, %get3A_2057, %get3A_2058] {strides = array<i32>} : memref<4x104x16xf32, #tpu.memory_space<vmem>>, vector<1x1x16xf32>,
      %get3A_2060 = vector.shape_cast %get3A_2059 : vector<1x1x16xf32> to vector<16xf32>
      %add3A_2061 = arith.addf %add3A_2053, %get3A_2060 : vector<16xf32>
      %get3A_2062 = arith.constant 2 : i32
      %get3A_2063 = arith.constant 25 : i32
      %get3A_2064 = arith.index_cast %get3A_2062 : i32 to index
      %get3A_2065 = arith.index_cast %get3A_2063 : i32 to index
      %get3A_2066 = arith.constant 0 : index
      %get3A_2067 = tpu.vector_load %arg6[%get3A_2064, %get3A_2065, %get3A_2066] {strides = array<i32>} : memref<4x104x16xf32, #tpu.memory_space<vmem>>, vector<1x1x16xf32>,
      %get3A_2068 = vector.shape_cast %get3A_2067 : vector<1x1x16xf32> to vector<16xf32>
      %add3A_2069 = arith.addf %add3A_2061, %get3A_2068 : vector<16xf32>
      %mul3A_2070 = arith.constant 4 : i32
      %mul3A_2071 = arith.muli %add3A_1844, %mul3A_2070 : i32
      %add3A_2072 = arith.constant 0 : i32
      %add3A_2073 = arith.addi %mul3A_2071, %add3A_2072 : i32
      %swap3A_2074 = arith.index_cast %add3A_2073 : i32 to index
      %swap3A_2075 = arith.constant 0 : index
      %swap3A_2076 = tpu.vector_load %arg7[%swap3A_2074, %swap3A_2075] {strides = array<i32>} : memref<512x16xf32, #tpu.memory_space<vmem>>, vector<1x16xf32>,
      %swap3A_2077 = vector.shape_cast %swap3A_2076 : vector<1x16xf32> to vector<16xf32>
      %swap3A_2078 = vector.shape_cast %add3A_2069 : vector<16xf32> to vector<1x16xf32>
      tpu.vector_store %arg7[%swap3A_2074, %swap3A_2075], %swap3A_2078 {strides = array<i32>} : memref<512x16xf32, #tpu.memory_space<vmem>>, vector<1x16xf32>,
      %get3A_2079 = arith.constant 2 : i32
      %get3A_2080 = arith.constant 26 : i32
      %get3A_2081 = arith.index_cast %get3A_2079 : i32 to index
      %get3A_2082 = arith.index_cast %get3A_2080 : i32 to index
      %get3A_2083 = arith.constant 0 : index
      %get3A_2084 = tpu.vector_load %arg6[%get3A_2081, %get3A_2082, %get3A_2083] {strides = array<i32>} : memref<4x104x16xf32, #tpu.memory_space<vmem>>, vector<1x1x16xf32>,
      %get3A_2085 = vector.shape_cast %get3A_2084 : vector<1x1x16xf32> to vector<16xf32>
      %get3A_2086 = arith.constant 2 : i32
      %get3A_2087 = arith.constant 27 : i32
      %get3A_2088 = arith.index_cast %get3A_2086 : i32 to index
      %get3A_2089 = arith.index_cast %get3A_2087 : i32 to index
      %get3A_2090 = arith.constant 0 : index
      %get3A_2091 = tpu.vector_load %arg6[%get3A_2088, %get3A_2089, %get3A_2090] {strides = array<i32>} : memref<4x104x16xf32, #tpu.memory_space<vmem>>, vector<1x1x16xf32>,
      %get3A_2092 = vector.shape_cast %get3A_2091 : vector<1x1x16xf32> to vector<16xf32>
      %add3A_2093 = arith.addf %get3A_2085, %get3A_2092 : vector<16xf32>
      %get3A_2094 = arith.constant 2 : i32
      %get3A_2095 = arith.constant 28 : i32
      %get3A_2096 = arith.index_cast %get3A_2094 : i32 to index
      %get3A_2097 = arith.index_cast %get3A_2095 : i32 to index
      %get3A_2098 = arith.constant 0 : index
      %get3A_2099 = tpu.vector_load %arg6[%get3A_2096, %get3A_2097, %get3A_2098] {strides = array<i32>} : memref<4x104x16xf32, #tpu.memory_space<vmem>>, vector<1x1x16xf32>,
      %get3A_2100 = vector.shape_cast %get3A_2099 : vector<1x1x16xf32> to vector<16xf32>
      %add3A_2101 = arith.addf %add3A_2093, %get3A_2100 : vector<16xf32>
      %get3A_2102 = arith.constant 2 : i32
      %get3A_2103 = arith.constant 29 : i32
      %get3A_2104 = arith.index_cast %get3A_2102 : i32 to index
      %get3A_2105 = arith.index_cast %get3A_2103 : i32 to index
      %get3A_2106 = arith.constant 0 : index
      %get3A_2107 = tpu.vector_load %arg6[%get3A_2104, %get3A_2105, %get3A_2106] {strides = array<i32>} : memref<4x104x16xf32, #tpu.memory_space<vmem>>, vector<1x1x16xf32>,
      %get3A_2108 = vector.shape_cast %get3A_2107 : vector<1x1x16xf32> to vector<16xf32>
      %add3A_2109 = arith.addf %add3A_2101, %get3A_2108 : vector<16xf32>
      %get3A_2110 = arith.constant 2 : i32
      %get3A_2111 = arith.constant 30 : i32
      %get3A_2112 = arith.index_cast %get3A_2110 : i32 to index
      %get3A_2113 = arith.index_cast %get3A_2111 : i32 to index
      %get3A_2114 = arith.constant 0 : index
      %get3A_2115 = tpu.vector_load %arg6[%get3A_2112, %get3A_2113, %get3A_2114] {strides = array<i32>} : memref<4x104x16xf32, #tpu.memory_space<vmem>>, vector<1x1x16xf32>,
      %get3A_2116 = vector.shape_cast %get3A_2115 : vector<1x1x16xf32> to vector<16xf32>
      %add3A_2117 = arith.addf %add3A_2109, %get3A_2116 : vector<16xf32>
      %get3A_2118 = arith.constant 2 : i32
      %get3A_2119 = arith.constant 31 : i32
      %get3A_2120 = arith.index_cast %get3A_2118 : i32 to index
      %get3A_2121 = arith.index_cast %get3A_2119 : i32 to index
      %get3A_2122 = arith.constant 0 : index
      %get3A_2123 = tpu.vector_load %arg6[%get3A_2120, %get3A_2121, %get3A_2122] {strides = array<i32>} : memref<4x104x16xf32, #tpu.memory_space<vmem>>, vector<1x1x16xf32>,
      %get3A_2124 = vector.shape_cast %get3A_2123 : vector<1x1x16xf32> to vector<16xf32>
      %add3A_2125 = arith.addf %add3A_2117, %get3A_2124 : vector<16xf32>
      %get3A_2126 = arith.constant 2 : i32
      %get3A_2127 = arith.constant 32 : i32
      %get3A_2128 = arith.index_cast %get3A_2126 : i32 to index
      %get3A_2129 = arith.index_cast %get3A_2127 : i32 to index
      %get3A_2130 = arith.constant 0 : index
      %get3A_2131 = tpu.vector_load %arg6[%get3A_2128, %get3A_2129, %get3A_2130] {strides = array<i32>} : memref<4x104x16xf32, #tpu.memory_space<vmem>>, vector<1x1x16xf32>,
      %get3A_2132 = vector.shape_cast %get3A_2131 : vector<1x1x16xf32> to vector<16xf32>
      %add3A_2133 = arith.addf %add3A_2125, %get3A_2132 : vector<16xf32>
      %get3A_2134 = arith.constant 2 : i32
      %get3A_2135 = arith.constant 33 : i32
      %get3A_2136 = arith.index_cast %get3A_2134 : i32 to index
      %get3A_2137 = arith.index_cast %get3A_2135 : i32 to index
      %get3A_2138 = arith.constant 0 : index
      %get3A_2139 = tpu.vector_load %arg6[%get3A_2136, %get3A_2137, %get3A_2138] {strides = array<i32>} : memref<4x104x16xf32, #tpu.memory_space<vmem>>, vector<1x1x16xf32>,
      %get3A_2140 = vector.shape_cast %get3A_2139 : vector<1x1x16xf32> to vector<16xf32>
      %add3A_2141 = arith.addf %add3A_2133, %get3A_2140 : vector<16xf32>
      %get3A_2142 = arith.constant 2 : i32
      %get3A_2143 = arith.constant 34 : i32
      %get3A_2144 = arith.index_cast %get3A_2142 : i32 to index
      %get3A_2145 = arith.index_cast %get3A_2143 : i32 to index
      %get3A_2146 = arith.constant 0 : index
      %get3A_2147 = tpu.vector_load %arg6[%get3A_2144, %get3A_2145, %get3A_2146] {strides = array<i32>} : memref<4x104x16xf32, #tpu.memory_space<vmem>>, vector<1x1x16xf32>,
      %get3A_2148 = vector.shape_cast %get3A_2147 : vector<1x1x16xf32> to vector<16xf32>
      %add3A_2149 = arith.addf %add3A_2141, %get3A_2148 : vector<16xf32>
      %get3A_2150 = arith.constant 2 : i32
      %get3A_2151 = arith.constant 35 : i32
      %get3A_2152 = arith.index_cast %get3A_2150 : i32 to index
      %get3A_2153 = arith.index_cast %get3A_2151 : i32 to index
      %get3A_2154 = arith.constant 0 : index
      %get3A_2155 = tpu.vector_load %arg6[%get3A_2152, %get3A_2153, %get3A_2154] {strides = array<i32>} : memref<4x104x16xf32, #tpu.memory_space<vmem>>, vector<1x1x16xf32>,
      %get3A_2156 = vector.shape_cast %get3A_2155 : vector<1x1x16xf32> to vector<16xf32>
      %add3A_2157 = arith.addf %add3A_2149, %get3A_2156 : vector<16xf32>
      %get3A_2158 = arith.constant 2 : i32
      %get3A_2159 = arith.constant 36 : i32
      %get3A_2160 = arith.index_cast %get3A_2158 : i32 to index
      %get3A_2161 = arith.index_cast %get3A_2159 : i32 to index
      %get3A_2162 = arith.constant 0 : index
      %get3A_2163 = tpu.vector_load %arg6[%get3A_2160, %get3A_2161, %get3A_2162] {strides = array<i32>} : memref<4x104x16xf32, #tpu.memory_space<vmem>>, vector<1x1x16xf32>,
      %get3A_2164 = vector.shape_cast %get3A_2163 : vector<1x1x16xf32> to vector<16xf32>
      %add3A_2165 = arith.addf %add3A_2157, %get3A_2164 : vector<16xf32>
      %get3A_2166 = arith.constant 2 : i32
      %get3A_2167 = arith.constant 37 : i32
      %get3A_2168 = arith.index_cast %get3A_2166 : i32 to index
      %get3A_2169 = arith.index_cast %get3A_2167 : i32 to index
      %get3A_2170 = arith.constant 0 : index
      %get3A_2171 = tpu.vector_load %arg6[%get3A_2168, %get3A_2169, %get3A_2170] {strides = array<i32>} : memref<4x104x16xf32, #tpu.memory_space<vmem>>, vector<1x1x16xf32>,
      %get3A_2172 = vector.shape_cast %get3A_2171 : vector<1x1x16xf32> to vector<16xf32>
      %add3A_2173 = arith.addf %add3A_2165, %get3A_2172 : vector<16xf32>
      %get3A_2174 = arith.constant 2 : i32
      %get3A_2175 = arith.constant 38 : i32
      %get3A_2176 = arith.index_cast %get3A_2174 : i32 to index
      %get3A_2177 = arith.index_cast %get3A_2175 : i32 to index
      %get3A_2178 = arith.constant 0 : index
      %get3A_2179 = tpu.vector_load %arg6[%get3A_2176, %get3A_2177, %get3A_2178] {strides = array<i32>} : memref<4x104x16xf32, #tpu.memory_space<vmem>>, vector<1x1x16xf32>,
      %get3A_2180 = vector.shape_cast %get3A_2179 : vector<1x1x16xf32> to vector<16xf32>
      %add3A_2181 = arith.addf %add3A_2173, %get3A_2180 : vector<16xf32>
      %get3A_2182 = arith.constant 2 : i32
      %get3A_2183 = arith.constant 39 : i32
      %get3A_2184 = arith.index_cast %get3A_2182 : i32 to index
      %get3A_2185 = arith.index_cast %get3A_2183 : i32 to index
      %get3A_2186 = arith.constant 0 : index
      %get3A_2187 = tpu.vector_load %arg6[%get3A_2184, %get3A_2185, %get3A_2186] {strides = array<i32>} : memref<4x104x16xf32, #tpu.memory_space<vmem>>, vector<1x1x16xf32>,
      %get3A_2188 = vector.shape_cast %get3A_2187 : vector<1x1x16xf32> to vector<16xf32>
      %add3A_2189 = arith.addf %add3A_2181, %get3A_2188 : vector<16xf32>
      %get3A_2190 = arith.constant 2 : i32
      %get3A_2191 = arith.constant 40 : i32
      %get3A_2192 = arith.index_cast %get3A_2190 : i32 to index
      %get3A_2193 = arith.index_cast %get3A_2191 : i32 to index
      %get3A_2194 = arith.constant 0 : index
      %get3A_2195 = tpu.vector_load %arg6[%get3A_2192, %get3A_2193, %get3A_2194] {strides = array<i32>} : memref<4x104x16xf32, #tpu.memory_space<vmem>>, vector<1x1x16xf32>,
      %get3A_2196 = vector.shape_cast %get3A_2195 : vector<1x1x16xf32> to vector<16xf32>
      %add3A_2197 = arith.addf %add3A_2189, %get3A_2196 : vector<16xf32>
      %get3A_2198 = arith.constant 2 : i32
      %get3A_2199 = arith.constant 41 : i32
      %get3A_2200 = arith.index_cast %get3A_2198 : i32 to index
      %get3A_2201 = arith.index_cast %get3A_2199 : i32 to index
      %get3A_2202 = arith.constant 0 : index
      %get3A_2203 = tpu.vector_load %arg6[%get3A_2200, %get3A_2201, %get3A_2202] {strides = array<i32>} : memref<4x104x16xf32, #tpu.memory_space<vmem>>, vector<1x1x16xf32>,
      %get3A_2204 = vector.shape_cast %get3A_2203 : vector<1x1x16xf32> to vector<16xf32>
      %add3A_2205 = arith.addf %add3A_2197, %get3A_2204 : vector<16xf32>
      %get3A_2206 = arith.constant 2 : i32
      %get3A_2207 = arith.constant 42 : i32
      %get3A_2208 = arith.index_cast %get3A_2206 : i32 to index
      %get3A_2209 = arith.index_cast %get3A_2207 : i32 to index
      %get3A_2210 = arith.constant 0 : index
      %get3A_2211 = tpu.vector_load %arg6[%get3A_2208, %get3A_2209, %get3A_2210] {strides = array<i32>} : memref<4x104x16xf32, #tpu.memory_space<vmem>>, vector<1x1x16xf32>,
      %get3A_2212 = vector.shape_cast %get3A_2211 : vector<1x1x16xf32> to vector<16xf32>
      %add3A_2213 = arith.addf %add3A_2205, %get3A_2212 : vector<16xf32>
      %get3A_2214 = arith.constant 2 : i32
      %get3A_2215 = arith.constant 43 : i32
      %get3A_2216 = arith.index_cast %get3A_2214 : i32 to index
      %get3A_2217 = arith.index_cast %get3A_2215 : i32 to index
      %get3A_2218 = arith.constant 0 : index
      %get3A_2219 = tpu.vector_load %arg6[%get3A_2216, %get3A_2217, %get3A_2218] {strides = array<i32>} : memref<4x104x16xf32, #tpu.memory_space<vmem>>, vector<1x1x16xf32>,
      %get3A_2220 = vector.shape_cast %get3A_2219 : vector<1x1x16xf32> to vector<16xf32>
      %add3A_2221 = arith.addf %add3A_2213, %get3A_2220 : vector<16xf32>
      %get3A_2222 = arith.constant 2 : i32
      %get3A_2223 = arith.constant 44 : i32
      %get3A_2224 = arith.index_cast %get3A_2222 : i32 to index
      %get3A_2225 = arith.index_cast %get3A_2223 : i32 to index
      %get3A_2226 = arith.constant 0 : index
      %get3A_2227 = tpu.vector_load %arg6[%get3A_2224, %get3A_2225, %get3A_2226] {strides = array<i32>} : memref<4x104x16xf32, #tpu.memory_space<vmem>>, vector<1x1x16xf32>,
      %get3A_2228 = vector.shape_cast %get3A_2227 : vector<1x1x16xf32> to vector<16xf32>
      %add3A_2229 = arith.addf %add3A_2221, %get3A_2228 : vector<16xf32>
      %get3A_2230 = arith.constant 2 : i32
      %get3A_2231 = arith.constant 45 : i32
      %get3A_2232 = arith.index_cast %get3A_2230 : i32 to index
      %get3A_2233 = arith.index_cast %get3A_2231 : i32 to index
      %get3A_2234 = arith.constant 0 : index
      %get3A_2235 = tpu.vector_load %arg6[%get3A_2232, %get3A_2233, %get3A_2234] {strides = array<i32>} : memref<4x104x16xf32, #tpu.memory_space<vmem>>, vector<1x1x16xf32>,
      %get3A_2236 = vector.shape_cast %get3A_2235 : vector<1x1x16xf32> to vector<16xf32>
      %add3A_2237 = arith.addf %add3A_2229, %get3A_2236 : vector<16xf32>
      %get3A_2238 = arith.constant 2 : i32
      %get3A_2239 = arith.constant 46 : i32
      %get3A_2240 = arith.index_cast %get3A_2238 : i32 to index
      %get3A_2241 = arith.index_cast %get3A_2239 : i32 to index
      %get3A_2242 = arith.constant 0 : index
      %get3A_2243 = tpu.vector_load %arg6[%get3A_2240, %get3A_2241, %get3A_2242] {strides = array<i32>} : memref<4x104x16xf32, #tpu.memory_space<vmem>>, vector<1x1x16xf32>,
      %get3A_2244 = vector.shape_cast %get3A_2243 : vector<1x1x16xf32> to vector<16xf32>
      %add3A_2245 = arith.addf %add3A_2237, %get3A_2244 : vector<16xf32>
      %get3A_2246 = arith.constant 2 : i32
      %get3A_2247 = arith.constant 47 : i32
      %get3A_2248 = arith.index_cast %get3A_2246 : i32 to index
      %get3A_2249 = arith.index_cast %get3A_2247 : i32 to index
      %get3A_2250 = arith.constant 0 : index
      %get3A_2251 = tpu.vector_load %arg6[%get3A_2248, %get3A_2249, %get3A_2250] {strides = array<i32>} : memref<4x104x16xf32, #tpu.memory_space<vmem>>, vector<1x1x16xf32>,
      %get3A_2252 = vector.shape_cast %get3A_2251 : vector<1x1x16xf32> to vector<16xf32>
      %add3A_2253 = arith.addf %add3A_2245, %get3A_2252 : vector<16xf32>
      %get3A_2254 = arith.constant 2 : i32
      %get3A_2255 = arith.constant 48 : i32
      %get3A_2256 = arith.index_cast %get3A_2254 : i32 to index
      %get3A_2257 = arith.index_cast %get3A_2255 : i32 to index
      %get3A_2258 = arith.constant 0 : index
      %get3A_2259 = tpu.vector_load %arg6[%get3A_2256, %get3A_2257, %get3A_2258] {strides = array<i32>} : memref<4x104x16xf32, #tpu.memory_space<vmem>>, vector<1x1x16xf32>,
      %get3A_2260 = vector.shape_cast %get3A_2259 : vector<1x1x16xf32> to vector<16xf32>
      %add3A_2261 = arith.addf %add3A_2253, %get3A_2260 : vector<16xf32>
      %get3A_2262 = arith.constant 2 : i32
      %get3A_2263 = arith.constant 49 : i32
      %get3A_2264 = arith.index_cast %get3A_2262 : i32 to index
      %get3A_2265 = arith.index_cast %get3A_2263 : i32 to index
      %get3A_2266 = arith.constant 0 : index
      %get3A_2267 = tpu.vector_load %arg6[%get3A_2264, %get3A_2265, %get3A_2266] {strides = array<i32>} : memref<4x104x16xf32, #tpu.memory_space<vmem>>, vector<1x1x16xf32>,
      %get3A_2268 = vector.shape_cast %get3A_2267 : vector<1x1x16xf32> to vector<16xf32>
      %add3A_2269 = arith.addf %add3A_2261, %get3A_2268 : vector<16xf32>
      %get3A_2270 = arith.constant 2 : i32
      %get3A_2271 = arith.constant 50 : i32
      %get3A_2272 = arith.index_cast %get3A_2270 : i32 to index
      %get3A_2273 = arith.index_cast %get3A_2271 : i32 to index
      %get3A_2274 = arith.constant 0 : index
      %get3A_2275 = tpu.vector_load %arg6[%get3A_2272, %get3A_2273, %get3A_2274] {strides = array<i32>} : memref<4x104x16xf32, #tpu.memory_space<vmem>>, vector<1x1x16xf32>,
      %get3A_2276 = vector.shape_cast %get3A_2275 : vector<1x1x16xf32> to vector<16xf32>
      %add3A_2277 = arith.addf %add3A_2269, %get3A_2276 : vector<16xf32>
      %get3A_2278 = arith.constant 2 : i32
      %get3A_2279 = arith.constant 51 : i32
      %get3A_2280 = arith.index_cast %get3A_2278 : i32 to index
      %get3A_2281 = arith.index_cast %get3A_2279 : i32 to index
      %get3A_2282 = arith.constant 0 : index
      %get3A_2283 = tpu.vector_load %arg6[%get3A_2280, %get3A_2281, %get3A_2282] {strides = array<i32>} : memref<4x104x16xf32, #tpu.memory_space<vmem>>, vector<1x1x16xf32>,
      %get3A_2284 = vector.shape_cast %get3A_2283 : vector<1x1x16xf32> to vector<16xf32>
      %add3A_2285 = arith.addf %add3A_2277, %get3A_2284 : vector<16xf32>
      %mul3A_2286 = arith.constant 4 : i32
      %mul3A_2287 = arith.muli %add3A_1844, %mul3A_2286 : i32
      %add3A_2288 = arith.constant 1 : i32
      %add3A_2289 = arith.addi %mul3A_2287, %add3A_2288 : i32
      %swap3A_2290 = arith.index_cast %add3A_2289 : i32 to index
      %swap3A_2291 = arith.constant 0 : index
      %swap3A_2292 = tpu.vector_load %arg7[%swap3A_2290, %swap3A_2291] {strides = array<i32>} : memref<512x16xf32, #tpu.memory_space<vmem>>, vector<1x16xf32>,
      %swap3A_2293 = vector.shape_cast %swap3A_2292 : vector<1x16xf32> to vector<16xf32>
      %swap3A_2294 = vector.shape_cast %add3A_2285 : vector<16xf32> to vector<1x16xf32>
      tpu.vector_store %arg7[%swap3A_2290, %swap3A_2291], %swap3A_2294 {strides = array<i32>} : memref<512x16xf32, #tpu.memory_space<vmem>>, vector<1x16xf32>,
      %get3A_2295 = arith.constant 2 : i32
      %get3A_2296 = arith.constant 52 : i32
      %get3A_2297 = arith.index_cast %get3A_2295 : i32 to index
      %get3A_2298 = arith.index_cast %get3A_2296 : i32 to index
      %get3A_2299 = arith.constant 0 : index
      %get3A_2300 = tpu.vector_load %arg6[%get3A_2297, %get3A_2298, %get3A_2299] {strides = array<i32>} : memref<4x104x16xf32, #tpu.memory_space<vmem>>, vector<1x1x16xf32>,
      %get3A_2301 = vector.shape_cast %get3A_2300 : vector<1x1x16xf32> to vector<16xf32>
      %get3A_2302 = arith.constant 2 : i32
      %get3A_2303 = arith.constant 53 : i32
      %get3A_2304 = arith.index_cast %get3A_2302 : i32 to index
      %get3A_2305 = arith.index_cast %get3A_2303 : i32 to index
      %get3A_2306 = arith.constant 0 : index
      %get3A_2307 = tpu.vector_load %arg6[%get3A_2304, %get3A_2305, %get3A_2306] {strides = array<i32>} : memref<4x104x16xf32, #tpu.memory_space<vmem>>, vector<1x1x16xf32>,
      %get3A_2308 = vector.shape_cast %get3A_2307 : vector<1x1x16xf32> to vector<16xf32>
      %add3A_2309 = arith.addf %get3A_2301, %get3A_2308 : vector<16xf32>
      %get3A_2310 = arith.constant 2 : i32
      %get3A_2311 = arith.constant 54 : i32
      %get3A_2312 = arith.index_cast %get3A_2310 : i32 to index
      %get3A_2313 = arith.index_cast %get3A_2311 : i32 to index
      %get3A_2314 = arith.constant 0 : index
      %get3A_2315 = tpu.vector_load %arg6[%get3A_2312, %get3A_2313, %get3A_2314] {strides = array<i32>} : memref<4x104x16xf32, #tpu.memory_space<vmem>>, vector<1x1x16xf32>,
      %get3A_2316 = vector.shape_cast %get3A_2315 : vector<1x1x16xf32> to vector<16xf32>
      %add3A_2317 = arith.addf %add3A_2309, %get3A_2316 : vector<16xf32>
      %get3A_2318 = arith.constant 2 : i32
      %get3A_2319 = arith.constant 55 : i32
      %get3A_2320 = arith.index_cast %get3A_2318 : i32 to index
      %get3A_2321 = arith.index_cast %get3A_2319 : i32 to index
      %get3A_2322 = arith.constant 0 : index
      %get3A_2323 = tpu.vector_load %arg6[%get3A_2320, %get3A_2321, %get3A_2322] {strides = array<i32>} : memref<4x104x16xf32, #tpu.memory_space<vmem>>, vector<1x1x16xf32>,
      %get3A_2324 = vector.shape_cast %get3A_2323 : vector<1x1x16xf32> to vector<16xf32>
      %add3A_2325 = arith.addf %add3A_2317, %get3A_2324 : vector<16xf32>
      %get3A_2326 = arith.constant 2 : i32
      %get3A_2327 = arith.constant 56 : i32
      %get3A_2328 = arith.index_cast %get3A_2326 : i32 to index
      %get3A_2329 = arith.index_cast %get3A_2327 : i32 to index
      %get3A_2330 = arith.constant 0 : index
      %get3A_2331 = tpu.vector_load %arg6[%get3A_2328, %get3A_2329, %get3A_2330] {strides = array<i32>} : memref<4x104x16xf32, #tpu.memory_space<vmem>>, vector<1x1x16xf32>,
      %get3A_2332 = vector.shape_cast %get3A_2331 : vector<1x1x16xf32> to vector<16xf32>
      %add3A_2333 = arith.addf %add3A_2325, %get3A_2332 : vector<16xf32>
      %get3A_2334 = arith.constant 2 : i32
      %get3A_2335 = arith.constant 57 : i32
      %get3A_2336 = arith.index_cast %get3A_2334 : i32 to index
      %get3A_2337 = arith.index_cast %get3A_2335 : i32 to index
      %get3A_2338 = arith.constant 0 : index
      %get3A_2339 = tpu.vector_load %arg6[%get3A_2336, %get3A_2337, %get3A_2338] {strides = array<i32>} : memref<4x104x16xf32, #tpu.memory_space<vmem>>, vector<1x1x16xf32>,
      %get3A_2340 = vector.shape_cast %get3A_2339 : vector<1x1x16xf32> to vector<16xf32>
      %add3A_2341 = arith.addf %add3A_2333, %get3A_2340 : vector<16xf32>
      %get3A_2342 = arith.constant 2 : i32
      %get3A_2343 = arith.constant 58 : i32
      %get3A_2344 = arith.index_cast %get3A_2342 : i32 to index
      %get3A_2345 = arith.index_cast %get3A_2343 : i32 to index
      %get3A_2346 = arith.constant 0 : index
      %get3A_2347 = tpu.vector_load %arg6[%get3A_2344, %get3A_2345, %get3A_2346] {strides = array<i32>} : memref<4x104x16xf32, #tpu.memory_space<vmem>>, vector<1x1x16xf32>,
      %get3A_2348 = vector.shape_cast %get3A_2347 : vector<1x1x16xf32> to vector<16xf32>
      %add3A_2349 = arith.addf %add3A_2341, %get3A_2348 : vector<16xf32>
      %get3A_2350 = arith.constant 2 : i32
      %get3A_2351 = arith.constant 59 : i32
      %get3A_2352 = arith.index_cast %get3A_2350 : i32 to index
      %get3A_2353 = arith.index_cast %get3A_2351 : i32 to index
      %get3A_2354 = arith.constant 0 : index
      %get3A_2355 = tpu.vector_load %arg6[%get3A_2352, %get3A_2353, %get3A_2354] {strides = array<i32>} : memref<4x104x16xf32, #tpu.memory_space<vmem>>, vector<1x1x16xf32>,
      %get3A_2356 = vector.shape_cast %get3A_2355 : vector<1x1x16xf32> to vector<16xf32>
      %add3A_2357 = arith.addf %add3A_2349, %get3A_2356 : vector<16xf32>
      %get3A_2358 = arith.constant 2 : i32
      %get3A_2359 = arith.constant 60 : i32
      %get3A_2360 = arith.index_cast %get3A_2358 : i32 to index
      %get3A_2361 = arith.index_cast %get3A_2359 : i32 to index
      %get3A_2362 = arith.constant 0 : index
      %get3A_2363 = tpu.vector_load %arg6[%get3A_2360, %get3A_2361, %get3A_2362] {strides = array<i32>} : memref<4x104x16xf32, #tpu.memory_space<vmem>>, vector<1x1x16xf32>,
      %get3A_2364 = vector.shape_cast %get3A_2363 : vector<1x1x16xf32> to vector<16xf32>
      %add3A_2365 = arith.addf %add3A_2357, %get3A_2364 : vector<16xf32>
      %get3A_2366 = arith.constant 2 : i32
      %get3A_2367 = arith.constant 61 : i32
      %get3A_2368 = arith.index_cast %get3A_2366 : i32 to index
      %get3A_2369 = arith.index_cast %get3A_2367 : i32 to index
      %get3A_2370 = arith.constant 0 : index
      %get3A_2371 = tpu.vector_load %arg6[%get3A_2368, %get3A_2369, %get3A_2370] {strides = array<i32>} : memref<4x104x16xf32, #tpu.memory_space<vmem>>, vector<1x1x16xf32>,
      %get3A_2372 = vector.shape_cast %get3A_2371 : vector<1x1x16xf32> to vector<16xf32>
      %add3A_2373 = arith.addf %add3A_2365, %get3A_2372 : vector<16xf32>
      %get3A_2374 = arith.constant 2 : i32
      %get3A_2375 = arith.constant 62 : i32
      %get3A_2376 = arith.index_cast %get3A_2374 : i32 to index
      %get3A_2377 = arith.index_cast %get3A_2375 : i32 to index
      %get3A_2378 = arith.constant 0 : index
      %get3A_2379 = tpu.vector_load %arg6[%get3A_2376, %get3A_2377, %get3A_2378] {strides = array<i32>} : memref<4x104x16xf32, #tpu.memory_space<vmem>>, vector<1x1x16xf32>,
      %get3A_2380 = vector.shape_cast %get3A_2379 : vector<1x1x16xf32> to vector<16xf32>
      %add3A_2381 = arith.addf %add3A_2373, %get3A_2380 : vector<16xf32>
      %get3A_2382 = arith.constant 2 : i32
      %get3A_2383 = arith.constant 63 : i32
      %get3A_2384 = arith.index_cast %get3A_2382 : i32 to index
      %get3A_2385 = arith.index_cast %get3A_2383 : i32 to index
      %get3A_2386 = arith.constant 0 : index
      %get3A_2387 = tpu.vector_load %arg6[%get3A_2384, %get3A_2385, %get3A_2386] {strides = array<i32>} : memref<4x104x16xf32, #tpu.memory_space<vmem>>, vector<1x1x16xf32>,
      %get3A_2388 = vector.shape_cast %get3A_2387 : vector<1x1x16xf32> to vector<16xf32>
      %add3A_2389 = arith.addf %add3A_2381, %get3A_2388 : vector<16xf32>
      %get3A_2390 = arith.constant 2 : i32
      %get3A_2391 = arith.constant 64 : i32
      %get3A_2392 = arith.index_cast %get3A_2390 : i32 to index
      %get3A_2393 = arith.index_cast %get3A_2391 : i32 to index
      %get3A_2394 = arith.constant 0 : index
      %get3A_2395 = tpu.vector_load %arg6[%get3A_2392, %get3A_2393, %get3A_2394] {strides = array<i32>} : memref<4x104x16xf32, #tpu.memory_space<vmem>>, vector<1x1x16xf32>,
      %get3A_2396 = vector.shape_cast %get3A_2395 : vector<1x1x16xf32> to vector<16xf32>
      %add3A_2397 = arith.addf %add3A_2389, %get3A_2396 : vector<16xf32>
      %get3A_2398 = arith.constant 2 : i32
      %get3A_2399 = arith.constant 65 : i32
      %get3A_2400 = arith.index_cast %get3A_2398 : i32 to index
      %get3A_2401 = arith.index_cast %get3A_2399 : i32 to index
      %get3A_2402 = arith.constant 0 : index
      %get3A_2403 = tpu.vector_load %arg6[%get3A_2400, %get3A_2401, %get3A_2402] {strides = array<i32>} : memref<4x104x16xf32, #tpu.memory_space<vmem>>, vector<1x1x16xf32>,
      %get3A_2404 = vector.shape_cast %get3A_2403 : vector<1x1x16xf32> to vector<16xf32>
      %add3A_2405 = arith.addf %add3A_2397, %get3A_2404 : vector<16xf32>
      %get3A_2406 = arith.constant 2 : i32
      %get3A_2407 = arith.constant 66 : i32
      %get3A_2408 = arith.index_cast %get3A_2406 : i32 to index
      %get3A_2409 = arith.index_cast %get3A_2407 : i32 to index
      %get3A_2410 = arith.constant 0 : index
      %get3A_2411 = tpu.vector_load %arg6[%get3A_2408, %get3A_2409, %get3A_2410] {strides = array<i32>} : memref<4x104x16xf32, #tpu.memory_space<vmem>>, vector<1x1x16xf32>,
      %get3A_2412 = vector.shape_cast %get3A_2411 : vector<1x1x16xf32> to vector<16xf32>
      %add3A_2413 = arith.addf %add3A_2405, %get3A_2412 : vector<16xf32>
      %get3A_2414 = arith.constant 2 : i32
      %get3A_2415 = arith.constant 67 : i32
      %get3A_2416 = arith.index_cast %get3A_2414 : i32 to index
      %get3A_2417 = arith.index_cast %get3A_2415 : i32 to index
      %get3A_2418 = arith.constant 0 : index
      %get3A_2419 = tpu.vector_load %arg6[%get3A_2416, %get3A_2417, %get3A_2418] {strides = array<i32>} : memref<4x104x16xf32, #tpu.memory_space<vmem>>, vector<1x1x16xf32>,
      %get3A_2420 = vector.shape_cast %get3A_2419 : vector<1x1x16xf32> to vector<16xf32>
      %add3A_2421 = arith.addf %add3A_2413, %get3A_2420 : vector<16xf32>
      %get3A_2422 = arith.constant 2 : i32
      %get3A_2423 = arith.constant 68 : i32
      %get3A_2424 = arith.index_cast %get3A_2422 : i32 to index
      %get3A_2425 = arith.index_cast %get3A_2423 : i32 to index
      %get3A_2426 = arith.constant 0 : index
      %get3A_2427 = tpu.vector_load %arg6[%get3A_2424, %get3A_2425, %get3A_2426] {strides = array<i32>} : memref<4x104x16xf32, #tpu.memory_space<vmem>>, vector<1x1x16xf32>,
      %get3A_2428 = vector.shape_cast %get3A_2427 : vector<1x1x16xf32> to vector<16xf32>
      %add3A_2429 = arith.addf %add3A_2421, %get3A_2428 : vector<16xf32>
      %get3A_2430 = arith.constant 2 : i32
      %get3A_2431 = arith.constant 69 : i32
      %get3A_2432 = arith.index_cast %get3A_2430 : i32 to index
      %get3A_2433 = arith.index_cast %get3A_2431 : i32 to index
      %get3A_2434 = arith.constant 0 : index
      %get3A_2435 = tpu.vector_load %arg6[%get3A_2432, %get3A_2433, %get3A_2434] {strides = array<i32>} : memref<4x104x16xf32, #tpu.memory_space<vmem>>, vector<1x1x16xf32>,
      %get3A_2436 = vector.shape_cast %get3A_2435 : vector<1x1x16xf32> to vector<16xf32>
      %add3A_2437 = arith.addf %add3A_2429, %get3A_2436 : vector<16xf32>
      %get3A_2438 = arith.constant 2 : i32
      %get3A_2439 = arith.constant 70 : i32
      %get3A_2440 = arith.index_cast %get3A_2438 : i32 to index
      %get3A_2441 = arith.index_cast %get3A_2439 : i32 to index
      %get3A_2442 = arith.constant 0 : index
      %get3A_2443 = tpu.vector_load %arg6[%get3A_2440, %get3A_2441, %get3A_2442] {strides = array<i32>} : memref<4x104x16xf32, #tpu.memory_space<vmem>>, vector<1x1x16xf32>,
      %get3A_2444 = vector.shape_cast %get3A_2443 : vector<1x1x16xf32> to vector<16xf32>
      %add3A_2445 = arith.addf %add3A_2437, %get3A_2444 : vector<16xf32>
      %get3A_2446 = arith.constant 2 : i32
      %get3A_2447 = arith.constant 71 : i32
      %get3A_2448 = arith.index_cast %get3A_2446 : i32 to index
      %get3A_2449 = arith.index_cast %get3A_2447 : i32 to index
      %get3A_2450 = arith.constant 0 : index
      %get3A_2451 = tpu.vector_load %arg6[%get3A_2448, %get3A_2449, %get3A_2450] {strides = array<i32>} : memref<4x104x16xf32, #tpu.memory_space<vmem>>, vector<1x1x16xf32>,
      %get3A_2452 = vector.shape_cast %get3A_2451 : vector<1x1x16xf32> to vector<16xf32>
      %add3A_2453 = arith.addf %add3A_2445, %get3A_2452 : vector<16xf32>
      %get3A_2454 = arith.constant 2 : i32
      %get3A_2455 = arith.constant 72 : i32
      %get3A_2456 = arith.index_cast %get3A_2454 : i32 to index
      %get3A_2457 = arith.index_cast %get3A_2455 : i32 to index
      %get3A_2458 = arith.constant 0 : index
      %get3A_2459 = tpu.vector_load %arg6[%get3A_2456, %get3A_2457, %get3A_2458] {strides = array<i32>} : memref<4x104x16xf32, #tpu.memory_space<vmem>>, vector<1x1x16xf32>,
      %get3A_2460 = vector.shape_cast %get3A_2459 : vector<1x1x16xf32> to vector<16xf32>
      %add3A_2461 = arith.addf %add3A_2453, %get3A_2460 : vector<16xf32>
      %get3A_2462 = arith.constant 2 : i32
      %get3A_2463 = arith.constant 73 : i32
      %get3A_2464 = arith.index_cast %get3A_2462 : i32 to index
      %get3A_2465 = arith.index_cast %get3A_2463 : i32 to index
      %get3A_2466 = arith.constant 0 : index
      %get3A_2467 = tpu.vector_load %arg6[%get3A_2464, %get3A_2465, %get3A_2466] {strides = array<i32>} : memref<4x104x16xf32, #tpu.memory_space<vmem>>, vector<1x1x16xf32>,
      %get3A_2468 = vector.shape_cast %get3A_2467 : vector<1x1x16xf32> to vector<16xf32>
      %add3A_2469 = arith.addf %add3A_2461, %get3A_2468 : vector<16xf32>
      %get3A_2470 = arith.constant 2 : i32
      %get3A_2471 = arith.constant 74 : i32
      %get3A_2472 = arith.index_cast %get3A_2470 : i32 to index
      %get3A_2473 = arith.index_cast %get3A_2471 : i32 to index
      %get3A_2474 = arith.constant 0 : index
      %get3A_2475 = tpu.vector_load %arg6[%get3A_2472, %get3A_2473, %get3A_2474] {strides = array<i32>} : memref<4x104x16xf32, #tpu.memory_space<vmem>>, vector<1x1x16xf32>,
      %get3A_2476 = vector.shape_cast %get3A_2475 : vector<1x1x16xf32> to vector<16xf32>
      %add3A_2477 = arith.addf %add3A_2469, %get3A_2476 : vector<16xf32>
      %get3A_2478 = arith.constant 2 : i32
      %get3A_2479 = arith.constant 75 : i32
      %get3A_2480 = arith.index_cast %get3A_2478 : i32 to index
      %get3A_2481 = arith.index_cast %get3A_2479 : i32 to index
      %get3A_2482 = arith.constant 0 : index
      %get3A_2483 = tpu.vector_load %arg6[%get3A_2480, %get3A_2481, %get3A_2482] {strides = array<i32>} : memref<4x104x16xf32, #tpu.memory_space<vmem>>, vector<1x1x16xf32>,
      %get3A_2484 = vector.shape_cast %get3A_2483 : vector<1x1x16xf32> to vector<16xf32>
      %add3A_2485 = arith.addf %add3A_2477, %get3A_2484 : vector<16xf32>
      %get3A_2486 = arith.constant 2 : i32
      %get3A_2487 = arith.constant 76 : i32
      %get3A_2488 = arith.index_cast %get3A_2486 : i32 to index
      %get3A_2489 = arith.index_cast %get3A_2487 : i32 to index
      %get3A_2490 = arith.constant 0 : index
      %get3A_2491 = tpu.vector_load %arg6[%get3A_2488, %get3A_2489, %get3A_2490] {strides = array<i32>} : memref<4x104x16xf32, #tpu.memory_space<vmem>>, vector<1x1x16xf32>,
      %get3A_2492 = vector.shape_cast %get3A_2491 : vector<1x1x16xf32> to vector<16xf32>
      %add3A_2493 = arith.addf %add3A_2485, %get3A_2492 : vector<16xf32>
      %get3A_2494 = arith.constant 2 : i32
      %get3A_2495 = arith.constant 77 : i32
      %get3A_2496 = arith.index_cast %get3A_2494 : i32 to index
      %get3A_2497 = arith.index_cast %get3A_2495 : i32 to index
      %get3A_2498 = arith.constant 0 : index
      %get3A_2499 = tpu.vector_load %arg6[%get3A_2496, %get3A_2497, %get3A_2498] {strides = array<i32>} : memref<4x104x16xf32, #tpu.memory_space<vmem>>, vector<1x1x16xf32>,
      %get3A_2500 = vector.shape_cast %get3A_2499 : vector<1x1x16xf32> to vector<16xf32>
      %add3A_2501 = arith.addf %add3A_2493, %get3A_2500 : vector<16xf32>
      %mul3A_2502 = arith.constant 4 : i32
      %mul3A_2503 = arith.muli %add3A_1844, %mul3A_2502 : i32
      %add3A_2504 = arith.constant 2 : i32
      %add3A_2505 = arith.addi %mul3A_2503, %add3A_2504 : i32
      %swap3A_2506 = arith.index_cast %add3A_2505 : i32 to index
      %swap3A_2507 = arith.constant 0 : index
      %swap3A_2508 = tpu.vector_load %arg7[%swap3A_2506, %swap3A_2507] {strides = array<i32>} : memref<512x16xf32, #tpu.memory_space<vmem>>, vector<1x16xf32>,
      %swap3A_2509 = vector.shape_cast %swap3A_2508 : vector<1x16xf32> to vector<16xf32>
      %swap3A_2510 = vector.shape_cast %add3A_2501 : vector<16xf32> to vector<1x16xf32>
      tpu.vector_store %arg7[%swap3A_2506, %swap3A_2507], %swap3A_2510 {strides = array<i32>} : memref<512x16xf32, #tpu.memory_space<vmem>>, vector<1x16xf32>,
      %get3A_2511 = arith.constant 2 : i32
      %get3A_2512 = arith.constant 78 : i32
      %get3A_2513 = arith.index_cast %get3A_2511 : i32 to index
      %get3A_2514 = arith.index_cast %get3A_2512 : i32 to index
      %get3A_2515 = arith.constant 0 : index
      %get3A_2516 = tpu.vector_load %arg6[%get3A_2513, %get3A_2514, %get3A_2515] {strides = array<i32>} : memref<4x104x16xf32, #tpu.memory_space<vmem>>, vector<1x1x16xf32>,
      %get3A_2517 = vector.shape_cast %get3A_2516 : vector<1x1x16xf32> to vector<16xf32>
      %get3A_2518 = arith.constant 2 : i32
      %get3A_2519 = arith.constant 79 : i32
      %get3A_2520 = arith.index_cast %get3A_2518 : i32 to index
      %get3A_2521 = arith.index_cast %get3A_2519 : i32 to index
      %get3A_2522 = arith.constant 0 : index
      %get3A_2523 = tpu.vector_load %arg6[%get3A_2520, %get3A_2521, %get3A_2522] {strides = array<i32>} : memref<4x104x16xf32, #tpu.memory_space<vmem>>, vector<1x1x16xf32>,
      %get3A_2524 = vector.shape_cast %get3A_2523 : vector<1x1x16xf32> to vector<16xf32>
      %add3A_2525 = arith.addf %get3A_2517, %get3A_2524 : vector<16xf32>
      %get3A_2526 = arith.constant 2 : i32
      %get3A_2527 = arith.constant 80 : i32
      %get3A_2528 = arith.index_cast %get3A_2526 : i32 to index
      %get3A_2529 = arith.index_cast %get3A_2527 : i32 to index
      %get3A_2530 = arith.constant 0 : index
      %get3A_2531 = tpu.vector_load %arg6[%get3A_2528, %get3A_2529, %get3A_2530] {strides = array<i32>} : memref<4x104x16xf32, #tpu.memory_space<vmem>>, vector<1x1x16xf32>,
      %get3A_2532 = vector.shape_cast %get3A_2531 : vector<1x1x16xf32> to vector<16xf32>
      %add3A_2533 = arith.addf %add3A_2525, %get3A_2532 : vector<16xf32>
      %get3A_2534 = arith.constant 2 : i32
      %get3A_2535 = arith.constant 81 : i32
      %get3A_2536 = arith.index_cast %get3A_2534 : i32 to index
      %get3A_2537 = arith.index_cast %get3A_2535 : i32 to index
      %get3A_2538 = arith.constant 0 : index
      %get3A_2539 = tpu.vector_load %arg6[%get3A_2536, %get3A_2537, %get3A_2538] {strides = array<i32>} : memref<4x104x16xf32, #tpu.memory_space<vmem>>, vector<1x1x16xf32>,
      %get3A_2540 = vector.shape_cast %get3A_2539 : vector<1x1x16xf32> to vector<16xf32>
      %add3A_2541 = arith.addf %add3A_2533, %get3A_2540 : vector<16xf32>
      %get3A_2542 = arith.constant 2 : i32
      %get3A_2543 = arith.constant 82 : i32
      %get3A_2544 = arith.index_cast %get3A_2542 : i32 to index
      %get3A_2545 = arith.index_cast %get3A_2543 : i32 to index
      %get3A_2546 = arith.constant 0 : index
      %get3A_2547 = tpu.vector_load %arg6[%get3A_2544, %get3A_2545, %get3A_2546] {strides = array<i32>} : memref<4x104x16xf32, #tpu.memory_space<vmem>>, vector<1x1x16xf32>,
      %get3A_2548 = vector.shape_cast %get3A_2547 : vector<1x1x16xf32> to vector<16xf32>
      %add3A_2549 = arith.addf %add3A_2541, %get3A_2548 : vector<16xf32>
      %get3A_2550 = arith.constant 2 : i32
      %get3A_2551 = arith.constant 83 : i32
      %get3A_2552 = arith.index_cast %get3A_2550 : i32 to index
      %get3A_2553 = arith.index_cast %get3A_2551 : i32 to index
      %get3A_2554 = arith.constant 0 : index
      %get3A_2555 = tpu.vector_load %arg6[%get3A_2552, %get3A_2553, %get3A_2554] {strides = array<i32>} : memref<4x104x16xf32, #tpu.memory_space<vmem>>, vector<1x1x16xf32>,
      %get3A_2556 = vector.shape_cast %get3A_2555 : vector<1x1x16xf32> to vector<16xf32>
      %add3A_2557 = arith.addf %add3A_2549, %get3A_2556 : vector<16xf32>
      %get3A_2558 = arith.constant 2 : i32
      %get3A_2559 = arith.constant 84 : i32
      %get3A_2560 = arith.index_cast %get3A_2558 : i32 to index
      %get3A_2561 = arith.index_cast %get3A_2559 : i32 to index
      %get3A_2562 = arith.constant 0 : index
      %get3A_2563 = tpu.vector_load %arg6[%get3A_2560, %get3A_2561, %get3A_2562] {strides = array<i32>} : memref<4x104x16xf32, #tpu.memory_space<vmem>>, vector<1x1x16xf32>,
      %get3A_2564 = vector.shape_cast %get3A_2563 : vector<1x1x16xf32> to vector<16xf32>
      %add3A_2565 = arith.addf %add3A_2557, %get3A_2564 : vector<16xf32>
      %get3A_2566 = arith.constant 2 : i32
      %get3A_2567 = arith.constant 85 : i32
      %get3A_2568 = arith.index_cast %get3A_2566 : i32 to index
      %get3A_2569 = arith.index_cast %get3A_2567 : i32 to index
      %get3A_2570 = arith.constant 0 : index
      %get3A_2571 = tpu.vector_load %arg6[%get3A_2568, %get3A_2569, %get3A_2570] {strides = array<i32>} : memref<4x104x16xf32, #tpu.memory_space<vmem>>, vector<1x1x16xf32>,
      %get3A_2572 = vector.shape_cast %get3A_2571 : vector<1x1x16xf32> to vector<16xf32>
      %add3A_2573 = arith.addf %add3A_2565, %get3A_2572 : vector<16xf32>
      %get3A_2574 = arith.constant 2 : i32
      %get3A_2575 = arith.constant 86 : i32
      %get3A_2576 = arith.index_cast %get3A_2574 : i32 to index
      %get3A_2577 = arith.index_cast %get3A_2575 : i32 to index
      %get3A_2578 = arith.constant 0 : index
      %get3A_2579 = tpu.vector_load %arg6[%get3A_2576, %get3A_2577, %get3A_2578] {strides = array<i32>} : memref<4x104x16xf32, #tpu.memory_space<vmem>>, vector<1x1x16xf32>,
      %get3A_2580 = vector.shape_cast %get3A_2579 : vector<1x1x16xf32> to vector<16xf32>
      %add3A_2581 = arith.addf %add3A_2573, %get3A_2580 : vector<16xf32>
      %get3A_2582 = arith.constant 2 : i32
      %get3A_2583 = arith.constant 87 : i32
      %get3A_2584 = arith.index_cast %get3A_2582 : i32 to index
      %get3A_2585 = arith.index_cast %get3A_2583 : i32 to index
      %get3A_2586 = arith.constant 0 : index
      %get3A_2587 = tpu.vector_load %arg6[%get3A_2584, %get3A_2585, %get3A_2586] {strides = array<i32>} : memref<4x104x16xf32, #tpu.memory_space<vmem>>, vector<1x1x16xf32>,
      %get3A_2588 = vector.shape_cast %get3A_2587 : vector<1x1x16xf32> to vector<16xf32>
      %add3A_2589 = arith.addf %add3A_2581, %get3A_2588 : vector<16xf32>
      %get3A_2590 = arith.constant 2 : i32
      %get3A_2591 = arith.constant 88 : i32
      %get3A_2592 = arith.index_cast %get3A_2590 : i32 to index
      %get3A_2593 = arith.index_cast %get3A_2591 : i32 to index
      %get3A_2594 = arith.constant 0 : index
      %get3A_2595 = tpu.vector_load %arg6[%get3A_2592, %get3A_2593, %get3A_2594] {strides = array<i32>} : memref<4x104x16xf32, #tpu.memory_space<vmem>>, vector<1x1x16xf32>,
      %get3A_2596 = vector.shape_cast %get3A_2595 : vector<1x1x16xf32> to vector<16xf32>
      %add3A_2597 = arith.addf %add3A_2589, %get3A_2596 : vector<16xf32>
      %get3A_2598 = arith.constant 2 : i32
      %get3A_2599 = arith.constant 89 : i32
      %get3A_2600 = arith.index_cast %get3A_2598 : i32 to index
      %get3A_2601 = arith.index_cast %get3A_2599 : i32 to index
      %get3A_2602 = arith.constant 0 : index
      %get3A_2603 = tpu.vector_load %arg6[%get3A_2600, %get3A_2601, %get3A_2602] {strides = array<i32>} : memref<4x104x16xf32, #tpu.memory_space<vmem>>, vector<1x1x16xf32>,
      %get3A_2604 = vector.shape_cast %get3A_2603 : vector<1x1x16xf32> to vector<16xf32>
      %add3A_2605 = arith.addf %add3A_2597, %get3A_2604 : vector<16xf32>
      %get3A_2606 = arith.constant 2 : i32
      %get3A_2607 = arith.constant 90 : i32
      %get3A_2608 = arith.index_cast %get3A_2606 : i32 to index
      %get3A_2609 = arith.index_cast %get3A_2607 : i32 to index
      %get3A_2610 = arith.constant 0 : index
      %get3A_2611 = tpu.vector_load %arg6[%get3A_2608, %get3A_2609, %get3A_2610] {strides = array<i32>} : memref<4x104x16xf32, #tpu.memory_space<vmem>>, vector<1x1x16xf32>,
      %get3A_2612 = vector.shape_cast %get3A_2611 : vector<1x1x16xf32> to vector<16xf32>
      %add3A_2613 = arith.addf %add3A_2605, %get3A_2612 : vector<16xf32>
      %get3A_2614 = arith.constant 2 : i32
      %get3A_2615 = arith.constant 91 : i32
      %get3A_2616 = arith.index_cast %get3A_2614 : i32 to index
      %get3A_2617 = arith.index_cast %get3A_2615 : i32 to index
      %get3A_2618 = arith.constant 0 : index
      %get3A_2619 = tpu.vector_load %arg6[%get3A_2616, %get3A_2617, %get3A_2618] {strides = array<i32>} : memref<4x104x16xf32, #tpu.memory_space<vmem>>, vector<1x1x16xf32>,
      %get3A_2620 = vector.shape_cast %get3A_2619 : vector<1x1x16xf32> to vector<16xf32>
      %add3A_2621 = arith.addf %add3A_2613, %get3A_2620 : vector<16xf32>
      %get3A_2622 = arith.constant 2 : i32
      %get3A_2623 = arith.constant 92 : i32
      %get3A_2624 = arith.index_cast %get3A_2622 : i32 to index
      %get3A_2625 = arith.index_cast %get3A_2623 : i32 to index
      %get3A_2626 = arith.constant 0 : index
      %get3A_2627 = tpu.vector_load %arg6[%get3A_2624, %get3A_2625, %get3A_2626] {strides = array<i32>} : memref<4x104x16xf32, #tpu.memory_space<vmem>>, vector<1x1x16xf32>,
      %get3A_2628 = vector.shape_cast %get3A_2627 : vector<1x1x16xf32> to vector<16xf32>
      %add3A_2629 = arith.addf %add3A_2621, %get3A_2628 : vector<16xf32>
      %get3A_2630 = arith.constant 2 : i32
      %get3A_2631 = arith.constant 93 : i32
      %get3A_2632 = arith.index_cast %get3A_2630 : i32 to index
      %get3A_2633 = arith.index_cast %get3A_2631 : i32 to index
      %get3A_2634 = arith.constant 0 : index
      %get3A_2635 = tpu.vector_load %arg6[%get3A_2632, %get3A_2633, %get3A_2634] {strides = array<i32>} : memref<4x104x16xf32, #tpu.memory_space<vmem>>, vector<1x1x16xf32>,
      %get3A_2636 = vector.shape_cast %get3A_2635 : vector<1x1x16xf32> to vector<16xf32>
      %add3A_2637 = arith.addf %add3A_2629, %get3A_2636 : vector<16xf32>
      %get3A_2638 = arith.constant 2 : i32
      %get3A_2639 = arith.constant 94 : i32
      %get3A_2640 = arith.index_cast %get3A_2638 : i32 to index
      %get3A_2641 = arith.index_cast %get3A_2639 : i32 to index
      %get3A_2642 = arith.constant 0 : index
      %get3A_2643 = tpu.vector_load %arg6[%get3A_2640, %get3A_2641, %get3A_2642] {strides = array<i32>} : memref<4x104x16xf32, #tpu.memory_space<vmem>>, vector<1x1x16xf32>,
      %get3A_2644 = vector.shape_cast %get3A_2643 : vector<1x1x16xf32> to vector<16xf32>
      %add3A_2645 = arith.addf %add3A_2637, %get3A_2644 : vector<16xf32>
      %get3A_2646 = arith.constant 2 : i32
      %get3A_2647 = arith.constant 95 : i32
      %get3A_2648 = arith.index_cast %get3A_2646 : i32 to index
      %get3A_2649 = arith.index_cast %get3A_2647 : i32 to index
      %get3A_2650 = arith.constant 0 : index
      %get3A_2651 = tpu.vector_load %arg6[%get3A_2648, %get3A_2649, %get3A_2650] {strides = array<i32>} : memref<4x104x16xf32, #tpu.memory_space<vmem>>, vector<1x1x16xf32>,
      %get3A_2652 = vector.shape_cast %get3A_2651 : vector<1x1x16xf32> to vector<16xf32>
      %add3A_2653 = arith.addf %add3A_2645, %get3A_2652 : vector<16xf32>
      %get3A_2654 = arith.constant 2 : i32
      %get3A_2655 = arith.constant 96 : i32
      %get3A_2656 = arith.index_cast %get3A_2654 : i32 to index
      %get3A_2657 = arith.index_cast %get3A_2655 : i32 to index
      %get3A_2658 = arith.constant 0 : index
      %get3A_2659 = tpu.vector_load %arg6[%get3A_2656, %get3A_2657, %get3A_2658] {strides = array<i32>} : memref<4x104x16xf32, #tpu.memory_space<vmem>>, vector<1x1x16xf32>,
      %get3A_2660 = vector.shape_cast %get3A_2659 : vector<1x1x16xf32> to vector<16xf32>
      %add3A_2661 = arith.addf %add3A_2653, %get3A_2660 : vector<16xf32>
      %get3A_2662 = arith.constant 2 : i32
      %get3A_2663 = arith.constant 97 : i32
      %get3A_2664 = arith.index_cast %get3A_2662 : i32 to index
      %get3A_2665 = arith.index_cast %get3A_2663 : i32 to index
      %get3A_2666 = arith.constant 0 : index
      %get3A_2667 = tpu.vector_load %arg6[%get3A_2664, %get3A_2665, %get3A_2666] {strides = array<i32>} : memref<4x104x16xf32, #tpu.memory_space<vmem>>, vector<1x1x16xf32>,
      %get3A_2668 = vector.shape_cast %get3A_2667 : vector<1x1x16xf32> to vector<16xf32>
      %add3A_2669 = arith.addf %add3A_2661, %get3A_2668 : vector<16xf32>
      %get3A_2670 = arith.constant 2 : i32
      %get3A_2671 = arith.constant 98 : i32
      %get3A_2672 = arith.index_cast %get3A_2670 : i32 to index
      %get3A_2673 = arith.index_cast %get3A_2671 : i32 to index
      %get3A_2674 = arith.constant 0 : index
      %get3A_2675 = tpu.vector_load %arg6[%get3A_2672, %get3A_2673, %get3A_2674] {strides = array<i32>} : memref<4x104x16xf32, #tpu.memory_space<vmem>>, vector<1x1x16xf32>,
      %get3A_2676 = vector.shape_cast %get3A_2675 : vector<1x1x16xf32> to vector<16xf32>
      %add3A_2677 = arith.addf %add3A_2669, %get3A_2676 : vector<16xf32>
      %get3A_2678 = arith.constant 2 : i32
      %get3A_2679 = arith.constant 99 : i32
      %get3A_2680 = arith.index_cast %get3A_2678 : i32 to index
      %get3A_2681 = arith.index_cast %get3A_2679 : i32 to index
      %get3A_2682 = arith.constant 0 : index
      %get3A_2683 = tpu.vector_load %arg6[%get3A_2680, %get3A_2681, %get3A_2682] {strides = array<i32>} : memref<4x104x16xf32, #tpu.memory_space<vmem>>, vector<1x1x16xf32>,
      %get3A_2684 = vector.shape_cast %get3A_2683 : vector<1x1x16xf32> to vector<16xf32>
      %add3A_2685 = arith.addf %add3A_2677, %get3A_2684 : vector<16xf32>
      %get3A_2686 = arith.constant 2 : i32
      %get3A_2687 = arith.constant 100 : i32
      %get3A_2688 = arith.index_cast %get3A_2686 : i32 to index
      %get3A_2689 = arith.index_cast %get3A_2687 : i32 to index
      %get3A_2690 = arith.constant 0 : index
      %get3A_2691 = tpu.vector_load %arg6[%get3A_2688, %get3A_2689, %get3A_2690] {strides = array<i32>} : memref<4x104x16xf32, #tpu.memory_space<vmem>>, vector<1x1x16xf32>,
      %get3A_2692 = vector.shape_cast %get3A_2691 : vector<1x1x16xf32> to vector<16xf32>
      %add3A_2693 = arith.addf %add3A_2685, %get3A_2692 : vector<16xf32>
      %get3A_2694 = arith.constant 2 : i32
      %get3A_2695 = arith.constant 101 : i32
      %get3A_2696 = arith.index_cast %get3A_2694 : i32 to index
      %get3A_2697 = arith.index_cast %get3A_2695 : i32 to index
      %get3A_2698 = arith.constant 0 : index
      %get3A_2699 = tpu.vector_load %arg6[%get3A_2696, %get3A_2697, %get3A_2698] {strides = array<i32>} : memref<4x104x16xf32, #tpu.memory_space<vmem>>, vector<1x1x16xf32>,
      %get3A_2700 = vector.shape_cast %get3A_2699 : vector<1x1x16xf32> to vector<16xf32>
      %add3A_2701 = arith.addf %add3A_2693, %get3A_2700 : vector<16xf32>
      %get3A_2702 = arith.constant 2 : i32
      %get3A_2703 = arith.constant 102 : i32
      %get3A_2704 = arith.index_cast %get3A_2702 : i32 to index
      %get3A_2705 = arith.index_cast %get3A_2703 : i32 to index
      %get3A_2706 = arith.constant 0 : index
      %get3A_2707 = tpu.vector_load %arg6[%get3A_2704, %get3A_2705, %get3A_2706] {strides = array<i32>} : memref<4x104x16xf32, #tpu.memory_space<vmem>>, vector<1x1x16xf32>,
      %get3A_2708 = vector.shape_cast %get3A_2707 : vector<1x1x16xf32> to vector<16xf32>
      %add3A_2709 = arith.addf %add3A_2701, %get3A_2708 : vector<16xf32>
      %get3A_2710 = arith.constant 2 : i32
      %get3A_2711 = arith.constant 103 : i32
      %get3A_2712 = arith.index_cast %get3A_2710 : i32 to index
      %get3A_2713 = arith.index_cast %get3A_2711 : i32 to index
      %get3A_2714 = arith.constant 0 : index
      %get3A_2715 = tpu.vector_load %arg6[%get3A_2712, %get3A_2713, %get3A_2714] {strides = array<i32>} : memref<4x104x16xf32, #tpu.memory_space<vmem>>, vector<1x1x16xf32>,
      %get3A_2716 = vector.shape_cast %get3A_2715 : vector<1x1x16xf32> to vector<16xf32>
      %add3A_2717 = arith.addf %add3A_2709, %get3A_2716 : vector<16xf32>
      %mul3A_2718 = arith.constant 4 : i32
      %mul3A_2719 = arith.muli %add3A_1844, %mul3A_2718 : i32
      %add3A_2720 = arith.constant 3 : i32
      %add3A_2721 = arith.addi %mul3A_2719, %add3A_2720 : i32
      %swap3A_2722 = arith.index_cast %add3A_2721 : i32 to index
      %swap3A_2723 = arith.constant 0 : index
      %swap3A_2724 = tpu.vector_load %arg7[%swap3A_2722, %swap3A_2723] {strides = array<i32>} : memref<512x16xf32, #tpu.memory_space<vmem>>, vector<1x16xf32>,
      %swap3A_2725 = vector.shape_cast %swap3A_2724 : vector<1x16xf32> to vector<16xf32>
      %swap3A_2726 = vector.shape_cast %add3A_2717 : vector<16xf32> to vector<1x16xf32>
      tpu.vector_store %arg7[%swap3A_2722, %swap3A_2723], %swap3A_2726 {strides = array<i32>} : memref<512x16xf32, #tpu.memory_space<vmem>>, vector<1x16xf32>,
      %lt3A_2727 = arith.constant 31 : i32
      %lt3A_2728 = arith.cmpi slt, %add3A_64, %lt3A_2727 : i32
      %convert_element_type3A_2729 = arith.extui %lt3A_2728 : i1 to i32
      %cond3A_2730 = arith.constant 0 : i32
      %cond3A_2731 = arith.cmpi ne, %convert_element_type3A_2729, %cond3A_2730 : i32
      scf.if %cond3A_2731 {
        %add3A_3623 = arith.constant 4 : i32
        %add3A_3624 = arith.addi %add3A_1844, %add3A_3623 : i32
        %mul3A_3625 = arith.constant 104 : i32
        %mul3A_3626 = arith.muli %add3A_3624, %mul3A_3625 : i32
        %dma_start3A_3627 = arith.constant 2 : i32
        %dma_start3A_3628 = arith.constant 2 : i32
        %dma_start3A_3629 = arith.constant 0 : i32
        %dma_start3A_3630 = arith.constant 0 : i32
        %dma_start3A_3631 = tpu.memref_slice %arg6[%dma_start3A_3627, %dma_start3A_3629, %dma_start3A_3630] : memref<4x104x16xf32, #tpu.memory_space<vmem>> -> memref<1x104x16xf32, #tpu.memory_space<vmem>>
        %dma_start3A_3632 = tpu.memref_squeeze %dma_start3A_3631 : memref<1x104x16xf32, #tpu.memory_space<vmem>> -> memref<104x16xf32, #tpu.memory_space<vmem>>
        %dma_start3A_3633 = tpu.memref_slice %arg5[%mul3A_3626] : memref<13312xi32, #tpu.memory_space<vmem>> -> memref<104xi32, #tpu.memory_space<vmem>>
        %dma_start3A_3634 = arith.constant 0 : i32
        %dma_start3A_3635 = arith.constant 0 : i32
        %dma_start3A_3636 = tpu.memref_slice %arg2[%dma_start3A_3634, %dma_start3A_3635] : memref<1000000x16xf32, #tpu.memory_space<hbm>> -> memref<1000000x16xf32, #tpu.memory_space<hbm>>
        %dma_start3A_3637 = tpu.memref_slice %arg8[%dma_start3A_3628] : memref<4x!tpu.dma_semaphore, #tpu.memory_space<semaphore_mem>> -> memref<1x!tpu.dma_semaphore, #tpu.memory_space<semaphore_mem>>
        %dma_start3A_3638 = tpu.memref_squeeze %dma_start3A_3637 : memref<1x!tpu.dma_semaphore, #tpu.memory_space<semaphore_mem>> -> memref<!tpu.dma_semaphore, #tpu.memory_space<semaphore_mem>>
        tpu.enqueue_indirect_dma source(%dma_start3A_3636 : memref<1000000x16xf32, #tpu.memory_space<hbm>>) target(%dma_start3A_3632 : memref<104x16xf32, #tpu.memory_space<vmem>>) offsets(%dma_start3A_3633 : memref<104xi32, #tpu.memory_space<vmem>>) semaphore(%dma_start3A_3638 : memref<!tpu.dma_semaphore, #tpu.memory_space<semaphore_mem>>)
      } else {
      }
      %mul3A_2732 = arith.constant 4 : i32
      %mul3A_2733 = arith.muli %add3A_64, %mul3A_2732 : i32
      %add3A_2734 = arith.constant 3 : i32
      %add3A_2735 = arith.addi %mul3A_2733, %add3A_2734 : i32
      %dma_wait3A_2736 = arith.constant 3 : i32
      %dma_wait3A_2737 = arith.constant 3 : i32
      %dma_wait3A_2738 = arith.constant 0 : i32
      %dma_wait3A_2739 = arith.constant 0 : i32
      %dma_wait3A_2740 = tpu.memref_slice %arg6[%dma_wait3A_2736, %dma_wait3A_2738, %dma_wait3A_2739] : memref<4x104x16xf32, #tpu.memory_space<vmem>> -> memref<1x104x16xf32, #tpu.memory_space<vmem>>
      %dma_wait3A_2741 = tpu.memref_squeeze %dma_wait3A_2740 : memref<1x104x16xf32, #tpu.memory_space<vmem>> -> memref<104x16xf32, #tpu.memory_space<vmem>>
      %dma_wait3A_2742 = arith.constant 0 : i32
      %dma_wait3A_2743 = arith.constant 0 : i32
      %dma_wait3A_2744 = tpu.memref_slice %arg2[%dma_wait3A_2742, %dma_wait3A_2743] : memref<1000000x16xf32, #tpu.memory_space<hbm>> -> memref<104x16xf32, #tpu.memory_space<hbm>>
      %dma_wait3A_2745 = tpu.memref_slice %arg8[%dma_wait3A_2737] : memref<4x!tpu.dma_semaphore, #tpu.memory_space<semaphore_mem>> -> memref<1x!tpu.dma_semaphore, #tpu.memory_space<semaphore_mem>>
      %dma_wait3A_2746 = tpu.memref_squeeze %dma_wait3A_2745 : memref<1x!tpu.dma_semaphore, #tpu.memory_space<semaphore_mem>> -> memref<!tpu.dma_semaphore, #tpu.memory_space<semaphore_mem>>
      %dma_wait3A_2747 = arith.constant 0 : i32
      %dma_wait3A_2748 = arith.constant 0 : i32
      %dma_wait3A_2749 = tpu.memref_slice %arg6[%dma_wait3A_2736, %dma_wait3A_2747, %dma_wait3A_2748] : memref<4x104x16xf32, #tpu.memory_space<vmem>> -> memref<1x104x16xf32, #tpu.memory_space<vmem>>
      %dma_wait3A_2750 = tpu.memref_squeeze %dma_wait3A_2749 : memref<1x104x16xf32, #tpu.memory_space<vmem>> -> memref<104x16xf32, #tpu.memory_space<vmem>>
      %dma_wait3A_2751 = arith.constant 0 : i32
      %dma_wait3A_2752 = arith.constant 0 : i32
      %dma_wait3A_2753 = tpu.memref_slice %arg2[%dma_wait3A_2751, %dma_wait3A_2752] : memref<1000000x16xf32, #tpu.memory_space<hbm>> -> memref<104x16xf32, #tpu.memory_space<hbm>>
      tpu.wait_dma2 semaphore(%dma_wait3A_2746 : memref<!tpu.dma_semaphore, #tpu.memory_space<semaphore_mem>>) src(%dma_wait3A_2753 : memref<104x16xf32, #tpu.memory_space<hbm>>) dst(%dma_wait3A_2750 : memref<104x16xf32, #tpu.memory_space<vmem>>)
      %get3A_2754 = arith.constant 3 : i32
      %get3A_2755 = arith.constant 0 : i32
      %get3A_2756 = arith.index_cast %get3A_2754 : i32 to index
      %get3A_2757 = arith.index_cast %get3A_2755 : i32 to index
      %get3A_2758 = arith.constant 0 : index
      %get3A_2759 = tpu.vector_load %arg6[%get3A_2756, %get3A_2757, %get3A_2758] {strides = array<i32>} : memref<4x104x16xf32, #tpu.memory_space<vmem>>, vector<1x1x16xf32>,
      %get3A_2760 = vector.shape_cast %get3A_2759 : vector<1x1x16xf32> to vector<16xf32>
      %get3A_2761 = arith.constant 3 : i32
      %get3A_2762 = arith.constant 1 : i32
      %get3A_2763 = arith.index_cast %get3A_2761 : i32 to index
      %get3A_2764 = arith.index_cast %get3A_2762 : i32 to index
      %get3A_2765 = arith.constant 0 : index
      %get3A_2766 = tpu.vector_load %arg6[%get3A_2763, %get3A_2764, %get3A_2765] {strides = array<i32>} : memref<4x104x16xf32, #tpu.memory_space<vmem>>, vector<1x1x16xf32>,
      %get3A_2767 = vector.shape_cast %get3A_2766 : vector<1x1x16xf32> to vector<16xf32>
      %add3A_2768 = arith.addf %get3A_2760, %get3A_2767 : vector<16xf32>
      %get3A_2769 = arith.constant 3 : i32
      %get3A_2770 = arith.constant 2 : i32
      %get3A_2771 = arith.index_cast %get3A_2769 : i32 to index
      %get3A_2772 = arith.index_cast %get3A_2770 : i32 to index
      %get3A_2773 = arith.constant 0 : index
      %get3A_2774 = tpu.vector_load %arg6[%get3A_2771, %get3A_2772, %get3A_2773] {strides = array<i32>} : memref<4x104x16xf32, #tpu.memory_space<vmem>>, vector<1x1x16xf32>,
      %get3A_2775 = vector.shape_cast %get3A_2774 : vector<1x1x16xf32> to vector<16xf32>
      %add3A_2776 = arith.addf %add3A_2768, %get3A_2775 : vector<16xf32>
      %get3A_2777 = arith.constant 3 : i32
      %get3A_2778 = arith.constant 3 : i32
      %get3A_2779 = arith.index_cast %get3A_2777 : i32 to index
      %get3A_2780 = arith.index_cast %get3A_2778 : i32 to index
      %get3A_2781 = arith.constant 0 : index
      %get3A_2782 = tpu.vector_load %arg6[%get3A_2779, %get3A_2780, %get3A_2781] {strides = array<i32>} : memref<4x104x16xf32, #tpu.memory_space<vmem>>, vector<1x1x16xf32>,
      %get3A_2783 = vector.shape_cast %get3A_2782 : vector<1x1x16xf32> to vector<16xf32>
      %add3A_2784 = arith.addf %add3A_2776, %get3A_2783 : vector<16xf32>
      %get3A_2785 = arith.constant 3 : i32
      %get3A_2786 = arith.constant 4 : i32
      %get3A_2787 = arith.index_cast %get3A_2785 : i32 to index
      %get3A_2788 = arith.index_cast %get3A_2786 : i32 to index
      %get3A_2789 = arith.constant 0 : index
      %get3A_2790 = tpu.vector_load %arg6[%get3A_2787, %get3A_2788, %get3A_2789] {strides = array<i32>} : memref<4x104x16xf32, #tpu.memory_space<vmem>>, vector<1x1x16xf32>,
      %get3A_2791 = vector.shape_cast %get3A_2790 : vector<1x1x16xf32> to vector<16xf32>
      %add3A_2792 = arith.addf %add3A_2784, %get3A_2791 : vector<16xf32>
      %get3A_2793 = arith.constant 3 : i32
      %get3A_2794 = arith.constant 5 : i32
      %get3A_2795 = arith.index_cast %get3A_2793 : i32 to index
      %get3A_2796 = arith.index_cast %get3A_2794 : i32 to index
      %get3A_2797 = arith.constant 0 : index
      %get3A_2798 = tpu.vector_load %arg6[%get3A_2795, %get3A_2796, %get3A_2797] {strides = array<i32>} : memref<4x104x16xf32, #tpu.memory_space<vmem>>, vector<1x1x16xf32>,
      %get3A_2799 = vector.shape_cast %get3A_2798 : vector<1x1x16xf32> to vector<16xf32>
      %add3A_2800 = arith.addf %add3A_2792, %get3A_2799 : vector<16xf32>
      %get3A_2801 = arith.constant 3 : i32
      %get3A_2802 = arith.constant 6 : i32
      %get3A_2803 = arith.index_cast %get3A_2801 : i32 to index
      %get3A_2804 = arith.index_cast %get3A_2802 : i32 to index
      %get3A_2805 = arith.constant 0 : index
      %get3A_2806 = tpu.vector_load %arg6[%get3A_2803, %get3A_2804, %get3A_2805] {strides = array<i32>} : memref<4x104x16xf32, #tpu.memory_space<vmem>>, vector<1x1x16xf32>,
      %get3A_2807 = vector.shape_cast %get3A_2806 : vector<1x1x16xf32> to vector<16xf32>
      %add3A_2808 = arith.addf %add3A_2800, %get3A_2807 : vector<16xf32>
      %get3A_2809 = arith.constant 3 : i32
      %get3A_2810 = arith.constant 7 : i32
      %get3A_2811 = arith.index_cast %get3A_2809 : i32 to index
      %get3A_2812 = arith.index_cast %get3A_2810 : i32 to index
      %get3A_2813 = arith.constant 0 : index
      %get3A_2814 = tpu.vector_load %arg6[%get3A_2811, %get3A_2812, %get3A_2813] {strides = array<i32>} : memref<4x104x16xf32, #tpu.memory_space<vmem>>, vector<1x1x16xf32>,
      %get3A_2815 = vector.shape_cast %get3A_2814 : vector<1x1x16xf32> to vector<16xf32>
      %add3A_2816 = arith.addf %add3A_2808, %get3A_2815 : vector<16xf32>
      %get3A_2817 = arith.constant 3 : i32
      %get3A_2818 = arith.constant 8 : i32
      %get3A_2819 = arith.index_cast %get3A_2817 : i32 to index
      %get3A_2820 = arith.index_cast %get3A_2818 : i32 to index
      %get3A_2821 = arith.constant 0 : index
      %get3A_2822 = tpu.vector_load %arg6[%get3A_2819, %get3A_2820, %get3A_2821] {strides = array<i32>} : memref<4x104x16xf32, #tpu.memory_space<vmem>>, vector<1x1x16xf32>,
      %get3A_2823 = vector.shape_cast %get3A_2822 : vector<1x1x16xf32> to vector<16xf32>
      %add3A_2824 = arith.addf %add3A_2816, %get3A_2823 : vector<16xf32>
      %get3A_2825 = arith.constant 3 : i32
      %get3A_2826 = arith.constant 9 : i32
      %get3A_2827 = arith.index_cast %get3A_2825 : i32 to index
      %get3A_2828 = arith.index_cast %get3A_2826 : i32 to index
      %get3A_2829 = arith.constant 0 : index
      %get3A_2830 = tpu.vector_load %arg6[%get3A_2827, %get3A_2828, %get3A_2829] {strides = array<i32>} : memref<4x104x16xf32, #tpu.memory_space<vmem>>, vector<1x1x16xf32>,
      %get3A_2831 = vector.shape_cast %get3A_2830 : vector<1x1x16xf32> to vector<16xf32>
      %add3A_2832 = arith.addf %add3A_2824, %get3A_2831 : vector<16xf32>
      %get3A_2833 = arith.constant 3 : i32
      %get3A_2834 = arith.constant 10 : i32
      %get3A_2835 = arith.index_cast %get3A_2833 : i32 to index
      %get3A_2836 = arith.index_cast %get3A_2834 : i32 to index
      %get3A_2837 = arith.constant 0 : index
      %get3A_2838 = tpu.vector_load %arg6[%get3A_2835, %get3A_2836, %get3A_2837] {strides = array<i32>} : memref<4x104x16xf32, #tpu.memory_space<vmem>>, vector<1x1x16xf32>,
      %get3A_2839 = vector.shape_cast %get3A_2838 : vector<1x1x16xf32> to vector<16xf32>
      %add3A_2840 = arith.addf %add3A_2832, %get3A_2839 : vector<16xf32>
      %get3A_2841 = arith.constant 3 : i32
      %get3A_2842 = arith.constant 11 : i32
      %get3A_2843 = arith.index_cast %get3A_2841 : i32 to index
      %get3A_2844 = arith.index_cast %get3A_2842 : i32 to index
      %get3A_2845 = arith.constant 0 : index
      %get3A_2846 = tpu.vector_load %arg6[%get3A_2843, %get3A_2844, %get3A_2845] {strides = array<i32>} : memref<4x104x16xf32, #tpu.memory_space<vmem>>, vector<1x1x16xf32>,
      %get3A_2847 = vector.shape_cast %get3A_2846 : vector<1x1x16xf32> to vector<16xf32>
      %add3A_2848 = arith.addf %add3A_2840, %get3A_2847 : vector<16xf32>
      %get3A_2849 = arith.constant 3 : i32
      %get3A_2850 = arith.constant 12 : i32
      %get3A_2851 = arith.index_cast %get3A_2849 : i32 to index
      %get3A_2852 = arith.index_cast %get3A_2850 : i32 to index
      %get3A_2853 = arith.constant 0 : index
      %get3A_2854 = tpu.vector_load %arg6[%get3A_2851, %get3A_2852, %get3A_2853] {strides = array<i32>} : memref<4x104x16xf32, #tpu.memory_space<vmem>>, vector<1x1x16xf32>,
      %get3A_2855 = vector.shape_cast %get3A_2854 : vector<1x1x16xf32> to vector<16xf32>
      %add3A_2856 = arith.addf %add3A_2848, %get3A_2855 : vector<16xf32>
      %get3A_2857 = arith.constant 3 : i32
      %get3A_2858 = arith.constant 13 : i32
      %get3A_2859 = arith.index_cast %get3A_2857 : i32 to index
      %get3A_2860 = arith.index_cast %get3A_2858 : i32 to index
      %get3A_2861 = arith.constant 0 : index
      %get3A_2862 = tpu.vector_load %arg6[%get3A_2859, %get3A_2860, %get3A_2861] {strides = array<i32>} : memref<4x104x16xf32, #tpu.memory_space<vmem>>, vector<1x1x16xf32>,
      %get3A_2863 = vector.shape_cast %get3A_2862 : vector<1x1x16xf32> to vector<16xf32>
      %add3A_2864 = arith.addf %add3A_2856, %get3A_2863 : vector<16xf32>
      %get3A_2865 = arith.constant 3 : i32
      %get3A_2866 = arith.constant 14 : i32
      %get3A_2867 = arith.index_cast %get3A_2865 : i32 to index
      %get3A_2868 = arith.index_cast %get3A_2866 : i32 to index
      %get3A_2869 = arith.constant 0 : index
      %get3A_2870 = tpu.vector_load %arg6[%get3A_2867, %get3A_2868, %get3A_2869] {strides = array<i32>} : memref<4x104x16xf32, #tpu.memory_space<vmem>>, vector<1x1x16xf32>,
      %get3A_2871 = vector.shape_cast %get3A_2870 : vector<1x1x16xf32> to vector<16xf32>
      %add3A_2872 = arith.addf %add3A_2864, %get3A_2871 : vector<16xf32>
      %get3A_2873 = arith.constant 3 : i32
      %get3A_2874 = arith.constant 15 : i32
      %get3A_2875 = arith.index_cast %get3A_2873 : i32 to index
      %get3A_2876 = arith.index_cast %get3A_2874 : i32 to index
      %get3A_2877 = arith.constant 0 : index
      %get3A_2878 = tpu.vector_load %arg6[%get3A_2875, %get3A_2876, %get3A_2877] {strides = array<i32>} : memref<4x104x16xf32, #tpu.memory_space<vmem>>, vector<1x1x16xf32>,
      %get3A_2879 = vector.shape_cast %get3A_2878 : vector<1x1x16xf32> to vector<16xf32>
      %add3A_2880 = arith.addf %add3A_2872, %get3A_2879 : vector<16xf32>
      %get3A_2881 = arith.constant 3 : i32
      %get3A_2882 = arith.constant 16 : i32
      %get3A_2883 = arith.index_cast %get3A_2881 : i32 to index
      %get3A_2884 = arith.index_cast %get3A_2882 : i32 to index
      %get3A_2885 = arith.constant 0 : index
      %get3A_2886 = tpu.vector_load %arg6[%get3A_2883, %get3A_2884, %get3A_2885] {strides = array<i32>} : memref<4x104x16xf32, #tpu.memory_space<vmem>>, vector<1x1x16xf32>,
      %get3A_2887 = vector.shape_cast %get3A_2886 : vector<1x1x16xf32> to vector<16xf32>
      %add3A_2888 = arith.addf %add3A_2880, %get3A_2887 : vector<16xf32>
      %get3A_2889 = arith.constant 3 : i32
      %get3A_2890 = arith.constant 17 : i32
      %get3A_2891 = arith.index_cast %get3A_2889 : i32 to index
      %get3A_2892 = arith.index_cast %get3A_2890 : i32 to index
      %get3A_2893 = arith.constant 0 : index
      %get3A_2894 = tpu.vector_load %arg6[%get3A_2891, %get3A_2892, %get3A_2893] {strides = array<i32>} : memref<4x104x16xf32, #tpu.memory_space<vmem>>, vector<1x1x16xf32>,
      %get3A_2895 = vector.shape_cast %get3A_2894 : vector<1x1x16xf32> to vector<16xf32>
      %add3A_2896 = arith.addf %add3A_2888, %get3A_2895 : vector<16xf32>
      %get3A_2897 = arith.constant 3 : i32
      %get3A_2898 = arith.constant 18 : i32
      %get3A_2899 = arith.index_cast %get3A_2897 : i32 to index
      %get3A_2900 = arith.index_cast %get3A_2898 : i32 to index
      %get3A_2901 = arith.constant 0 : index
      %get3A_2902 = tpu.vector_load %arg6[%get3A_2899, %get3A_2900, %get3A_2901] {strides = array<i32>} : memref<4x104x16xf32, #tpu.memory_space<vmem>>, vector<1x1x16xf32>,
      %get3A_2903 = vector.shape_cast %get3A_2902 : vector<1x1x16xf32> to vector<16xf32>
      %add3A_2904 = arith.addf %add3A_2896, %get3A_2903 : vector<16xf32>
      %get3A_2905 = arith.constant 3 : i32
      %get3A_2906 = arith.constant 19 : i32
      %get3A_2907 = arith.index_cast %get3A_2905 : i32 to index
      %get3A_2908 = arith.index_cast %get3A_2906 : i32 to index
      %get3A_2909 = arith.constant 0 : index
      %get3A_2910 = tpu.vector_load %arg6[%get3A_2907, %get3A_2908, %get3A_2909] {strides = array<i32>} : memref<4x104x16xf32, #tpu.memory_space<vmem>>, vector<1x1x16xf32>,
      %get3A_2911 = vector.shape_cast %get3A_2910 : vector<1x1x16xf32> to vector<16xf32>
      %add3A_2912 = arith.addf %add3A_2904, %get3A_2911 : vector<16xf32>
      %get3A_2913 = arith.constant 3 : i32
      %get3A_2914 = arith.constant 20 : i32
      %get3A_2915 = arith.index_cast %get3A_2913 : i32 to index
      %get3A_2916 = arith.index_cast %get3A_2914 : i32 to index
      %get3A_2917 = arith.constant 0 : index
      %get3A_2918 = tpu.vector_load %arg6[%get3A_2915, %get3A_2916, %get3A_2917] {strides = array<i32>} : memref<4x104x16xf32, #tpu.memory_space<vmem>>, vector<1x1x16xf32>,
      %get3A_2919 = vector.shape_cast %get3A_2918 : vector<1x1x16xf32> to vector<16xf32>
      %add3A_2920 = arith.addf %add3A_2912, %get3A_2919 : vector<16xf32>
      %get3A_2921 = arith.constant 3 : i32
      %get3A_2922 = arith.constant 21 : i32
      %get3A_2923 = arith.index_cast %get3A_2921 : i32 to index
      %get3A_2924 = arith.index_cast %get3A_2922 : i32 to index
      %get3A_2925 = arith.constant 0 : index
      %get3A_2926 = tpu.vector_load %arg6[%get3A_2923, %get3A_2924, %get3A_2925] {strides = array<i32>} : memref<4x104x16xf32, #tpu.memory_space<vmem>>, vector<1x1x16xf32>,
      %get3A_2927 = vector.shape_cast %get3A_2926 : vector<1x1x16xf32> to vector<16xf32>
      %add3A_2928 = arith.addf %add3A_2920, %get3A_2927 : vector<16xf32>
      %get3A_2929 = arith.constant 3 : i32
      %get3A_2930 = arith.constant 22 : i32
      %get3A_2931 = arith.index_cast %get3A_2929 : i32 to index
      %get3A_2932 = arith.index_cast %get3A_2930 : i32 to index
      %get3A_2933 = arith.constant 0 : index
      %get3A_2934 = tpu.vector_load %arg6[%get3A_2931, %get3A_2932, %get3A_2933] {strides = array<i32>} : memref<4x104x16xf32, #tpu.memory_space<vmem>>, vector<1x1x16xf32>,
      %get3A_2935 = vector.shape_cast %get3A_2934 : vector<1x1x16xf32> to vector<16xf32>
      %add3A_2936 = arith.addf %add3A_2928, %get3A_2935 : vector<16xf32>
      %get3A_2937 = arith.constant 3 : i32
      %get3A_2938 = arith.constant 23 : i32
      %get3A_2939 = arith.index_cast %get3A_2937 : i32 to index
      %get3A_2940 = arith.index_cast %get3A_2938 : i32 to index
      %get3A_2941 = arith.constant 0 : index
      %get3A_2942 = tpu.vector_load %arg6[%get3A_2939, %get3A_2940, %get3A_2941] {strides = array<i32>} : memref<4x104x16xf32, #tpu.memory_space<vmem>>, vector<1x1x16xf32>,
      %get3A_2943 = vector.shape_cast %get3A_2942 : vector<1x1x16xf32> to vector<16xf32>
      %add3A_2944 = arith.addf %add3A_2936, %get3A_2943 : vector<16xf32>
      %get3A_2945 = arith.constant 3 : i32
      %get3A_2946 = arith.constant 24 : i32
      %get3A_2947 = arith.index_cast %get3A_2945 : i32 to index
      %get3A_2948 = arith.index_cast %get3A_2946 : i32 to index
      %get3A_2949 = arith.constant 0 : index
      %get3A_2950 = tpu.vector_load %arg6[%get3A_2947, %get3A_2948, %get3A_2949] {strides = array<i32>} : memref<4x104x16xf32, #tpu.memory_space<vmem>>, vector<1x1x16xf32>,
      %get3A_2951 = vector.shape_cast %get3A_2950 : vector<1x1x16xf32> to vector<16xf32>
      %add3A_2952 = arith.addf %add3A_2944, %get3A_2951 : vector<16xf32>
      %get3A_2953 = arith.constant 3 : i32
      %get3A_2954 = arith.constant 25 : i32
      %get3A_2955 = arith.index_cast %get3A_2953 : i32 to index
      %get3A_2956 = arith.index_cast %get3A_2954 : i32 to index
      %get3A_2957 = arith.constant 0 : index
      %get3A_2958 = tpu.vector_load %arg6[%get3A_2955, %get3A_2956, %get3A_2957] {strides = array<i32>} : memref<4x104x16xf32, #tpu.memory_space<vmem>>, vector<1x1x16xf32>,
      %get3A_2959 = vector.shape_cast %get3A_2958 : vector<1x1x16xf32> to vector<16xf32>
      %add3A_2960 = arith.addf %add3A_2952, %get3A_2959 : vector<16xf32>
      %mul3A_2961 = arith.constant 4 : i32
      %mul3A_2962 = arith.muli %add3A_2735, %mul3A_2961 : i32
      %add3A_2963 = arith.constant 0 : i32
      %add3A_2964 = arith.addi %mul3A_2962, %add3A_2963 : i32
      %swap3A_2965 = arith.index_cast %add3A_2964 : i32 to index
      %swap3A_2966 = arith.constant 0 : index
      %swap3A_2967 = tpu.vector_load %arg7[%swap3A_2965, %swap3A_2966] {strides = array<i32>} : memref<512x16xf32, #tpu.memory_space<vmem>>, vector<1x16xf32>,
      %swap3A_2968 = vector.shape_cast %swap3A_2967 : vector<1x16xf32> to vector<16xf32>
      %swap3A_2969 = vector.shape_cast %add3A_2960 : vector<16xf32> to vector<1x16xf32>
      tpu.vector_store %arg7[%swap3A_2965, %swap3A_2966], %swap3A_2969 {strides = array<i32>} : memref<512x16xf32, #tpu.memory_space<vmem>>, vector<1x16xf32>,
      %get3A_2970 = arith.constant 3 : i32
      %get3A_2971 = arith.constant 26 : i32
      %get3A_2972 = arith.index_cast %get3A_2970 : i32 to index
      %get3A_2973 = arith.index_cast %get3A_2971 : i32 to index
      %get3A_2974 = arith.constant 0 : index
      %get3A_2975 = tpu.vector_load %arg6[%get3A_2972, %get3A_2973, %get3A_2974] {strides = array<i32>} : memref<4x104x16xf32, #tpu.memory_space<vmem>>, vector<1x1x16xf32>,
      %get3A_2976 = vector.shape_cast %get3A_2975 : vector<1x1x16xf32> to vector<16xf32>
      %get3A_2977 = arith.constant 3 : i32
      %get3A_2978 = arith.constant 27 : i32
      %get3A_2979 = arith.index_cast %get3A_2977 : i32 to index
      %get3A_2980 = arith.index_cast %get3A_2978 : i32 to index
      %get3A_2981 = arith.constant 0 : index
      %get3A_2982 = tpu.vector_load %arg6[%get3A_2979, %get3A_2980, %get3A_2981] {strides = array<i32>} : memref<4x104x16xf32, #tpu.memory_space<vmem>>, vector<1x1x16xf32>,
      %get3A_2983 = vector.shape_cast %get3A_2982 : vector<1x1x16xf32> to vector<16xf32>
      %add3A_2984 = arith.addf %get3A_2976, %get3A_2983 : vector<16xf32>
      %get3A_2985 = arith.constant 3 : i32
      %get3A_2986 = arith.constant 28 : i32
      %get3A_2987 = arith.index_cast %get3A_2985 : i32 to index
      %get3A_2988 = arith.index_cast %get3A_2986 : i32 to index
      %get3A_2989 = arith.constant 0 : index
      %get3A_2990 = tpu.vector_load %arg6[%get3A_2987, %get3A_2988, %get3A_2989] {strides = array<i32>} : memref<4x104x16xf32, #tpu.memory_space<vmem>>, vector<1x1x16xf32>,
      %get3A_2991 = vector.shape_cast %get3A_2990 : vector<1x1x16xf32> to vector<16xf32>
      %add3A_2992 = arith.addf %add3A_2984, %get3A_2991 : vector<16xf32>
      %get3A_2993 = arith.constant 3 : i32
      %get3A_2994 = arith.constant 29 : i32
      %get3A_2995 = arith.index_cast %get3A_2993 : i32 to index
      %get3A_2996 = arith.index_cast %get3A_2994 : i32 to index
      %get3A_2997 = arith.constant 0 : index
      %get3A_2998 = tpu.vector_load %arg6[%get3A_2995, %get3A_2996, %get3A_2997] {strides = array<i32>} : memref<4x104x16xf32, #tpu.memory_space<vmem>>, vector<1x1x16xf32>,
      %get3A_2999 = vector.shape_cast %get3A_2998 : vector<1x1x16xf32> to vector<16xf32>
      %add3A_3000 = arith.addf %add3A_2992, %get3A_2999 : vector<16xf32>
      %get3A_3001 = arith.constant 3 : i32
      %get3A_3002 = arith.constant 30 : i32
      %get3A_3003 = arith.index_cast %get3A_3001 : i32 to index
      %get3A_3004 = arith.index_cast %get3A_3002 : i32 to index
      %get3A_3005 = arith.constant 0 : index
      %get3A_3006 = tpu.vector_load %arg6[%get3A_3003, %get3A_3004, %get3A_3005] {strides = array<i32>} : memref<4x104x16xf32, #tpu.memory_space<vmem>>, vector<1x1x16xf32>,
      %get3A_3007 = vector.shape_cast %get3A_3006 : vector<1x1x16xf32> to vector<16xf32>
      %add3A_3008 = arith.addf %add3A_3000, %get3A_3007 : vector<16xf32>
      %get3A_3009 = arith.constant 3 : i32
      %get3A_3010 = arith.constant 31 : i32
      %get3A_3011 = arith.index_cast %get3A_3009 : i32 to index
      %get3A_3012 = arith.index_cast %get3A_3010 : i32 to index
      %get3A_3013 = arith.constant 0 : index
      %get3A_3014 = tpu.vector_load %arg6[%get3A_3011, %get3A_3012, %get3A_3013] {strides = array<i32>} : memref<4x104x16xf32, #tpu.memory_space<vmem>>, vector<1x1x16xf32>,
      %get3A_3015 = vector.shape_cast %get3A_3014 : vector<1x1x16xf32> to vector<16xf32>
      %add3A_3016 = arith.addf %add3A_3008, %get3A_3015 : vector<16xf32>
      %get3A_3017 = arith.constant 3 : i32
      %get3A_3018 = arith.constant 32 : i32
      %get3A_3019 = arith.index_cast %get3A_3017 : i32 to index
      %get3A_3020 = arith.index_cast %get3A_3018 : i32 to index
      %get3A_3021 = arith.constant 0 : index
      %get3A_3022 = tpu.vector_load %arg6[%get3A_3019, %get3A_3020, %get3A_3021] {strides = array<i32>} : memref<4x104x16xf32, #tpu.memory_space<vmem>>, vector<1x1x16xf32>,
      %get3A_3023 = vector.shape_cast %get3A_3022 : vector<1x1x16xf32> to vector<16xf32>
      %add3A_3024 = arith.addf %add3A_3016, %get3A_3023 : vector<16xf32>
      %get3A_3025 = arith.constant 3 : i32
      %get3A_3026 = arith.constant 33 : i32
      %get3A_3027 = arith.index_cast %get3A_3025 : i32 to index
      %get3A_3028 = arith.index_cast %get3A_3026 : i32 to index
      %get3A_3029 = arith.constant 0 : index
      %get3A_3030 = tpu.vector_load %arg6[%get3A_3027, %get3A_3028, %get3A_3029] {strides = array<i32>} : memref<4x104x16xf32, #tpu.memory_space<vmem>>, vector<1x1x16xf32>,
      %get3A_3031 = vector.shape_cast %get3A_3030 : vector<1x1x16xf32> to vector<16xf32>
      %add3A_3032 = arith.addf %add3A_3024, %get3A_3031 : vector<16xf32>
      %get3A_3033 = arith.constant 3 : i32
      %get3A_3034 = arith.constant 34 : i32
      %get3A_3035 = arith.index_cast %get3A_3033 : i32 to index
      %get3A_3036 = arith.index_cast %get3A_3034 : i32 to index
      %get3A_3037 = arith.constant 0 : index
      %get3A_3038 = tpu.vector_load %arg6[%get3A_3035, %get3A_3036, %get3A_3037] {strides = array<i32>} : memref<4x104x16xf32, #tpu.memory_space<vmem>>, vector<1x1x16xf32>,
      %get3A_3039 = vector.shape_cast %get3A_3038 : vector<1x1x16xf32> to vector<16xf32>
      %add3A_3040 = arith.addf %add3A_3032, %get3A_3039 : vector<16xf32>
      %get3A_3041 = arith.constant 3 : i32
      %get3A_3042 = arith.constant 35 : i32
      %get3A_3043 = arith.index_cast %get3A_3041 : i32 to index
      %get3A_3044 = arith.index_cast %get3A_3042 : i32 to index
      %get3A_3045 = arith.constant 0 : index
      %get3A_3046 = tpu.vector_load %arg6[%get3A_3043, %get3A_3044, %get3A_3045] {strides = array<i32>} : memref<4x104x16xf32, #tpu.memory_space<vmem>>, vector<1x1x16xf32>,
      %get3A_3047 = vector.shape_cast %get3A_3046 : vector<1x1x16xf32> to vector<16xf32>
      %add3A_3048 = arith.addf %add3A_3040, %get3A_3047 : vector<16xf32>
      %get3A_3049 = arith.constant 3 : i32
      %get3A_3050 = arith.constant 36 : i32
      %get3A_3051 = arith.index_cast %get3A_3049 : i32 to index
      %get3A_3052 = arith.index_cast %get3A_3050 : i32 to index
      %get3A_3053 = arith.constant 0 : index
      %get3A_3054 = tpu.vector_load %arg6[%get3A_3051, %get3A_3052, %get3A_3053] {strides = array<i32>} : memref<4x104x16xf32, #tpu.memory_space<vmem>>, vector<1x1x16xf32>,
      %get3A_3055 = vector.shape_cast %get3A_3054 : vector<1x1x16xf32> to vector<16xf32>
      %add3A_3056 = arith.addf %add3A_3048, %get3A_3055 : vector<16xf32>
      %get3A_3057 = arith.constant 3 : i32
      %get3A_3058 = arith.constant 37 : i32
      %get3A_3059 = arith.index_cast %get3A_3057 : i32 to index
      %get3A_3060 = arith.index_cast %get3A_3058 : i32 to index
      %get3A_3061 = arith.constant 0 : index
      %get3A_3062 = tpu.vector_load %arg6[%get3A_3059, %get3A_3060, %get3A_3061] {strides = array<i32>} : memref<4x104x16xf32, #tpu.memory_space<vmem>>, vector<1x1x16xf32>,
      %get3A_3063 = vector.shape_cast %get3A_3062 : vector<1x1x16xf32> to vector<16xf32>
      %add3A_3064 = arith.addf %add3A_3056, %get3A_3063 : vector<16xf32>
      %get3A_3065 = arith.constant 3 : i32
      %get3A_3066 = arith.constant 38 : i32
      %get3A_3067 = arith.index_cast %get3A_3065 : i32 to index
      %get3A_3068 = arith.index_cast %get3A_3066 : i32 to index
      %get3A_3069 = arith.constant 0 : index
      %get3A_3070 = tpu.vector_load %arg6[%get3A_3067, %get3A_3068, %get3A_3069] {strides = array<i32>} : memref<4x104x16xf32, #tpu.memory_space<vmem>>, vector<1x1x16xf32>,
      %get3A_3071 = vector.shape_cast %get3A_3070 : vector<1x1x16xf32> to vector<16xf32>
      %add3A_3072 = arith.addf %add3A_3064, %get3A_3071 : vector<16xf32>
      %get3A_3073 = arith.constant 3 : i32
      %get3A_3074 = arith.constant 39 : i32
      %get3A_3075 = arith.index_cast %get3A_3073 : i32 to index
      %get3A_3076 = arith.index_cast %get3A_3074 : i32 to index
      %get3A_3077 = arith.constant 0 : index
      %get3A_3078 = tpu.vector_load %arg6[%get3A_3075, %get3A_3076, %get3A_3077] {strides = array<i32>} : memref<4x104x16xf32, #tpu.memory_space<vmem>>, vector<1x1x16xf32>,
      %get3A_3079 = vector.shape_cast %get3A_3078 : vector<1x1x16xf32> to vector<16xf32>
      %add3A_3080 = arith.addf %add3A_3072, %get3A_3079 : vector<16xf32>
      %get3A_3081 = arith.constant 3 : i32
      %get3A_3082 = arith.constant 40 : i32
      %get3A_3083 = arith.index_cast %get3A_3081 : i32 to index
      %get3A_3084 = arith.index_cast %get3A_3082 : i32 to index
      %get3A_3085 = arith.constant 0 : index
      %get3A_3086 = tpu.vector_load %arg6[%get3A_3083, %get3A_3084, %get3A_3085] {strides = array<i32>} : memref<4x104x16xf32, #tpu.memory_space<vmem>>, vector<1x1x16xf32>,
      %get3A_3087 = vector.shape_cast %get3A_3086 : vector<1x1x16xf32> to vector<16xf32>
      %add3A_3088 = arith.addf %add3A_3080, %get3A_3087 : vector<16xf32>
      %get3A_3089 = arith.constant 3 : i32
      %get3A_3090 = arith.constant 41 : i32
      %get3A_3091 = arith.index_cast %get3A_3089 : i32 to index
      %get3A_3092 = arith.index_cast %get3A_3090 : i32 to index
      %get3A_3093 = arith.constant 0 : index
      %get3A_3094 = tpu.vector_load %arg6[%get3A_3091, %get3A_3092, %get3A_3093] {strides = array<i32>} : memref<4x104x16xf32, #tpu.memory_space<vmem>>, vector<1x1x16xf32>,
      %get3A_3095 = vector.shape_cast %get3A_3094 : vector<1x1x16xf32> to vector<16xf32>
      %add3A_3096 = arith.addf %add3A_3088, %get3A_3095 : vector<16xf32>
      %get3A_3097 = arith.constant 3 : i32
      %get3A_3098 = arith.constant 42 : i32
      %get3A_3099 = arith.index_cast %get3A_3097 : i32 to index
      %get3A_3100 = arith.index_cast %get3A_3098 : i32 to index
      %get3A_3101 = arith.constant 0 : index
      %get3A_3102 = tpu.vector_load %arg6[%get3A_3099, %get3A_3100, %get3A_3101] {strides = array<i32>} : memref<4x104x16xf32, #tpu.memory_space<vmem>>, vector<1x1x16xf32>,
      %get3A_3103 = vector.shape_cast %get3A_3102 : vector<1x1x16xf32> to vector<16xf32>
      %add3A_3104 = arith.addf %add3A_3096, %get3A_3103 : vector<16xf32>
      %get3A_3105 = arith.constant 3 : i32
      %get3A_3106 = arith.constant 43 : i32
      %get3A_3107 = arith.index_cast %get3A_3105 : i32 to index
      %get3A_3108 = arith.index_cast %get3A_3106 : i32 to index
      %get3A_3109 = arith.constant 0 : index
      %get3A_3110 = tpu.vector_load %arg6[%get3A_3107, %get3A_3108, %get3A_3109] {strides = array<i32>} : memref<4x104x16xf32, #tpu.memory_space<vmem>>, vector<1x1x16xf32>,
      %get3A_3111 = vector.shape_cast %get3A_3110 : vector<1x1x16xf32> to vector<16xf32>
      %add3A_3112 = arith.addf %add3A_3104, %get3A_3111 : vector<16xf32>
      %get3A_3113 = arith.constant 3 : i32
      %get3A_3114 = arith.constant 44 : i32
      %get3A_3115 = arith.index_cast %get3A_3113 : i32 to index
      %get3A_3116 = arith.index_cast %get3A_3114 : i32 to index
      %get3A_3117 = arith.constant 0 : index
      %get3A_3118 = tpu.vector_load %arg6[%get3A_3115, %get3A_3116, %get3A_3117] {strides = array<i32>} : memref<4x104x16xf32, #tpu.memory_space<vmem>>, vector<1x1x16xf32>,
      %get3A_3119 = vector.shape_cast %get3A_3118 : vector<1x1x16xf32> to vector<16xf32>
      %add3A_3120 = arith.addf %add3A_3112, %get3A_3119 : vector<16xf32>
      %get3A_3121 = arith.constant 3 : i32
      %get3A_3122 = arith.constant 45 : i32
      %get3A_3123 = arith.index_cast %get3A_3121 : i32 to index
      %get3A_3124 = arith.index_cast %get3A_3122 : i32 to index
      %get3A_3125 = arith.constant 0 : index
      %get3A_3126 = tpu.vector_load %arg6[%get3A_3123, %get3A_3124, %get3A_3125] {strides = array<i32>} : memref<4x104x16xf32, #tpu.memory_space<vmem>>, vector<1x1x16xf32>,
      %get3A_3127 = vector.shape_cast %get3A_3126 : vector<1x1x16xf32> to vector<16xf32>
      %add3A_3128 = arith.addf %add3A_3120, %get3A_3127 : vector<16xf32>
      %get3A_3129 = arith.constant 3 : i32
      %get3A_3130 = arith.constant 46 : i32
      %get3A_3131 = arith.index_cast %get3A_3129 : i32 to index
      %get3A_3132 = arith.index_cast %get3A_3130 : i32 to index
      %get3A_3133 = arith.constant 0 : index
      %get3A_3134 = tpu.vector_load %arg6[%get3A_3131, %get3A_3132, %get3A_3133] {strides = array<i32>} : memref<4x104x16xf32, #tpu.memory_space<vmem>>, vector<1x1x16xf32>,
      %get3A_3135 = vector.shape_cast %get3A_3134 : vector<1x1x16xf32> to vector<16xf32>
      %add3A_3136 = arith.addf %add3A_3128, %get3A_3135 : vector<16xf32>
      %get3A_3137 = arith.constant 3 : i32
      %get3A_3138 = arith.constant 47 : i32
      %get3A_3139 = arith.index_cast %get3A_3137 : i32 to index
      %get3A_3140 = arith.index_cast %get3A_3138 : i32 to index
      %get3A_3141 = arith.constant 0 : index
      %get3A_3142 = tpu.vector_load %arg6[%get3A_3139, %get3A_3140, %get3A_3141] {strides = array<i32>} : memref<4x104x16xf32, #tpu.memory_space<vmem>>, vector<1x1x16xf32>,
      %get3A_3143 = vector.shape_cast %get3A_3142 : vector<1x1x16xf32> to vector<16xf32>
      %add3A_3144 = arith.addf %add3A_3136, %get3A_3143 : vector<16xf32>
      %get3A_3145 = arith.constant 3 : i32
      %get3A_3146 = arith.constant 48 : i32
      %get3A_3147 = arith.index_cast %get3A_3145 : i32 to index
      %get3A_3148 = arith.index_cast %get3A_3146 : i32 to index
      %get3A_3149 = arith.constant 0 : index
      %get3A_3150 = tpu.vector_load %arg6[%get3A_3147, %get3A_3148, %get3A_3149] {strides = array<i32>} : memref<4x104x16xf32, #tpu.memory_space<vmem>>, vector<1x1x16xf32>,
      %get3A_3151 = vector.shape_cast %get3A_3150 : vector<1x1x16xf32> to vector<16xf32>
      %add3A_3152 = arith.addf %add3A_3144, %get3A_3151 : vector<16xf32>
      %get3A_3153 = arith.constant 3 : i32
      %get3A_3154 = arith.constant 49 : i32
      %get3A_3155 = arith.index_cast %get3A_3153 : i32 to index
      %get3A_3156 = arith.index_cast %get3A_3154 : i32 to index
      %get3A_3157 = arith.constant 0 : index
      %get3A_3158 = tpu.vector_load %arg6[%get3A_3155, %get3A_3156, %get3A_3157] {strides = array<i32>} : memref<4x104x16xf32, #tpu.memory_space<vmem>>, vector<1x1x16xf32>,
      %get3A_3159 = vector.shape_cast %get3A_3158 : vector<1x1x16xf32> to vector<16xf32>
      %add3A_3160 = arith.addf %add3A_3152, %get3A_3159 : vector<16xf32>
      %get3A_3161 = arith.constant 3 : i32
      %get3A_3162 = arith.constant 50 : i32
      %get3A_3163 = arith.index_cast %get3A_3161 : i32 to index
      %get3A_3164 = arith.index_cast %get3A_3162 : i32 to index
      %get3A_3165 = arith.constant 0 : index
      %get3A_3166 = tpu.vector_load %arg6[%get3A_3163, %get3A_3164, %get3A_3165] {strides = array<i32>} : memref<4x104x16xf32, #tpu.memory_space<vmem>>, vector<1x1x16xf32>,
      %get3A_3167 = vector.shape_cast %get3A_3166 : vector<1x1x16xf32> to vector<16xf32>
      %add3A_3168 = arith.addf %add3A_3160, %get3A_3167 : vector<16xf32>
      %get3A_3169 = arith.constant 3 : i32
      %get3A_3170 = arith.constant 51 : i32
      %get3A_3171 = arith.index_cast %get3A_3169 : i32 to index
      %get3A_3172 = arith.index_cast %get3A_3170 : i32 to index
      %get3A_3173 = arith.constant 0 : index
      %get3A_3174 = tpu.vector_load %arg6[%get3A_3171, %get3A_3172, %get3A_3173] {strides = array<i32>} : memref<4x104x16xf32, #tpu.memory_space<vmem>>, vector<1x1x16xf32>,
      %get3A_3175 = vector.shape_cast %get3A_3174 : vector<1x1x16xf32> to vector<16xf32>
      %add3A_3176 = arith.addf %add3A_3168, %get3A_3175 : vector<16xf32>
      %mul3A_3177 = arith.constant 4 : i32
      %mul3A_3178 = arith.muli %add3A_2735, %mul3A_3177 : i32
      %add3A_3179 = arith.constant 1 : i32
      %add3A_3180 = arith.addi %mul3A_3178, %add3A_3179 : i32
      %swap3A_3181 = arith.index_cast %add3A_3180 : i32 to index
      %swap3A_3182 = arith.constant 0 : index
      %swap3A_3183 = tpu.vector_load %arg7[%swap3A_3181, %swap3A_3182] {strides = array<i32>} : memref<512x16xf32, #tpu.memory_space<vmem>>, vector<1x16xf32>,
      %swap3A_3184 = vector.shape_cast %swap3A_3183 : vector<1x16xf32> to vector<16xf32>
      %swap3A_3185 = vector.shape_cast %add3A_3176 : vector<16xf32> to vector<1x16xf32>
      tpu.vector_store %arg7[%swap3A_3181, %swap3A_3182], %swap3A_3185 {strides = array<i32>} : memref<512x16xf32, #tpu.memory_space<vmem>>, vector<1x16xf32>,
      %get3A_3186 = arith.constant 3 : i32
      %get3A_3187 = arith.constant 52 : i32
      %get3A_3188 = arith.index_cast %get3A_3186 : i32 to index
      %get3A_3189 = arith.index_cast %get3A_3187 : i32 to index
      %get3A_3190 = arith.constant 0 : index
      %get3A_3191 = tpu.vector_load %arg6[%get3A_3188, %get3A_3189, %get3A_3190] {strides = array<i32>} : memref<4x104x16xf32, #tpu.memory_space<vmem>>, vector<1x1x16xf32>,
      %get3A_3192 = vector.shape_cast %get3A_3191 : vector<1x1x16xf32> to vector<16xf32>
      %get3A_3193 = arith.constant 3 : i32
      %get3A_3194 = arith.constant 53 : i32
      %get3A_3195 = arith.index_cast %get3A_3193 : i32 to index
      %get3A_3196 = arith.index_cast %get3A_3194 : i32 to index
      %get3A_3197 = arith.constant 0 : index
      %get3A_3198 = tpu.vector_load %arg6[%get3A_3195, %get3A_3196, %get3A_3197] {strides = array<i32>} : memref<4x104x16xf32, #tpu.memory_space<vmem>>, vector<1x1x16xf32>,
      %get3A_3199 = vector.shape_cast %get3A_3198 : vector<1x1x16xf32> to vector<16xf32>
      %add3A_3200 = arith.addf %get3A_3192, %get3A_3199 : vector<16xf32>
      %get3A_3201 = arith.constant 3 : i32
      %get3A_3202 = arith.constant 54 : i32
      %get3A_3203 = arith.index_cast %get3A_3201 : i32 to index
      %get3A_3204 = arith.index_cast %get3A_3202 : i32 to index
      %get3A_3205 = arith.constant 0 : index
      %get3A_3206 = tpu.vector_load %arg6[%get3A_3203, %get3A_3204, %get3A_3205] {strides = array<i32>} : memref<4x104x16xf32, #tpu.memory_space<vmem>>, vector<1x1x16xf32>,
      %get3A_3207 = vector.shape_cast %get3A_3206 : vector<1x1x16xf32> to vector<16xf32>
      %add3A_3208 = arith.addf %add3A_3200, %get3A_3207 : vector<16xf32>
      %get3A_3209 = arith.constant 3 : i32
      %get3A_3210 = arith.constant 55 : i32
      %get3A_3211 = arith.index_cast %get3A_3209 : i32 to index
      %get3A_3212 = arith.index_cast %get3A_3210 : i32 to index
      %get3A_3213 = arith.constant 0 : index
      %get3A_3214 = tpu.vector_load %arg6[%get3A_3211, %get3A_3212, %get3A_3213] {strides = array<i32>} : memref<4x104x16xf32, #tpu.memory_space<vmem>>, vector<1x1x16xf32>,
      %get3A_3215 = vector.shape_cast %get3A_3214 : vector<1x1x16xf32> to vector<16xf32>
      %add3A_3216 = arith.addf %add3A_3208, %get3A_3215 : vector<16xf32>
      %get3A_3217 = arith.constant 3 : i32
      %get3A_3218 = arith.constant 56 : i32
      %get3A_3219 = arith.index_cast %get3A_3217 : i32 to index
      %get3A_3220 = arith.index_cast %get3A_3218 : i32 to index
      %get3A_3221 = arith.constant 0 : index
      %get3A_3222 = tpu.vector_load %arg6[%get3A_3219, %get3A_3220, %get3A_3221] {strides = array<i32>} : memref<4x104x16xf32, #tpu.memory_space<vmem>>, vector<1x1x16xf32>,
      %get3A_3223 = vector.shape_cast %get3A_3222 : vector<1x1x16xf32> to vector<16xf32>
      %add3A_3224 = arith.addf %add3A_3216, %get3A_3223 : vector<16xf32>
      %get3A_3225 = arith.constant 3 : i32
      %get3A_3226 = arith.constant 57 : i32
      %get3A_3227 = arith.index_cast %get3A_3225 : i32 to index
      %get3A_3228 = arith.index_cast %get3A_3226 : i32 to index
      %get3A_3229 = arith.constant 0 : index
      %get3A_3230 = tpu.vector_load %arg6[%get3A_3227, %get3A_3228, %get3A_3229] {strides = array<i32>} : memref<4x104x16xf32, #tpu.memory_space<vmem>>, vector<1x1x16xf32>,
      %get3A_3231 = vector.shape_cast %get3A_3230 : vector<1x1x16xf32> to vector<16xf32>
      %add3A_3232 = arith.addf %add3A_3224, %get3A_3231 : vector<16xf32>
      %get3A_3233 = arith.constant 3 : i32
      %get3A_3234 = arith.constant 58 : i32
      %get3A_3235 = arith.index_cast %get3A_3233 : i32 to index
      %get3A_3236 = arith.index_cast %get3A_3234 : i32 to index
      %get3A_3237 = arith.constant 0 : index
      %get3A_3238 = tpu.vector_load %arg6[%get3A_3235, %get3A_3236, %get3A_3237] {strides = array<i32>} : memref<4x104x16xf32, #tpu.memory_space<vmem>>, vector<1x1x16xf32>,
      %get3A_3239 = vector.shape_cast %get3A_3238 : vector<1x1x16xf32> to vector<16xf32>
      %add3A_3240 = arith.addf %add3A_3232, %get3A_3239 : vector<16xf32>
      %get3A_3241 = arith.constant 3 : i32
      %get3A_3242 = arith.constant 59 : i32
      %get3A_3243 = arith.index_cast %get3A_3241 : i32 to index
      %get3A_3244 = arith.index_cast %get3A_3242 : i32 to index
      %get3A_3245 = arith.constant 0 : index
      %get3A_3246 = tpu.vector_load %arg6[%get3A_3243, %get3A_3244, %get3A_3245] {strides = array<i32>} : memref<4x104x16xf32, #tpu.memory_space<vmem>>, vector<1x1x16xf32>,
      %get3A_3247 = vector.shape_cast %get3A_3246 : vector<1x1x16xf32> to vector<16xf32>
      %add3A_3248 = arith.addf %add3A_3240, %get3A_3247 : vector<16xf32>
      %get3A_3249 = arith.constant 3 : i32
      %get3A_3250 = arith.constant 60 : i32
      %get3A_3251 = arith.index_cast %get3A_3249 : i32 to index
      %get3A_3252 = arith.index_cast %get3A_3250 : i32 to index
      %get3A_3253 = arith.constant 0 : index
      %get3A_3254 = tpu.vector_load %arg6[%get3A_3251, %get3A_3252, %get3A_3253] {strides = array<i32>} : memref<4x104x16xf32, #tpu.memory_space<vmem>>, vector<1x1x16xf32>,
      %get3A_3255 = vector.shape_cast %get3A_3254 : vector<1x1x16xf32> to vector<16xf32>
      %add3A_3256 = arith.addf %add3A_3248, %get3A_3255 : vector<16xf32>
      %get3A_3257 = arith.constant 3 : i32
      %get3A_3258 = arith.constant 61 : i32
      %get3A_3259 = arith.index_cast %get3A_3257 : i32 to index
      %get3A_3260 = arith.index_cast %get3A_3258 : i32 to index
      %get3A_3261 = arith.constant 0 : index
      %get3A_3262 = tpu.vector_load %arg6[%get3A_3259, %get3A_3260, %get3A_3261] {strides = array<i32>} : memref<4x104x16xf32, #tpu.memory_space<vmem>>, vector<1x1x16xf32>,
      %get3A_3263 = vector.shape_cast %get3A_3262 : vector<1x1x16xf32> to vector<16xf32>
      %add3A_3264 = arith.addf %add3A_3256, %get3A_3263 : vector<16xf32>
      %get3A_3265 = arith.constant 3 : i32
      %get3A_3266 = arith.constant 62 : i32
      %get3A_3267 = arith.index_cast %get3A_3265 : i32 to index
      %get3A_3268 = arith.index_cast %get3A_3266 : i32 to index
      %get3A_3269 = arith.constant 0 : index
      %get3A_3270 = tpu.vector_load %arg6[%get3A_3267, %get3A_3268, %get3A_3269] {strides = array<i32>} : memref<4x104x16xf32, #tpu.memory_space<vmem>>, vector<1x1x16xf32>,
      %get3A_3271 = vector.shape_cast %get3A_3270 : vector<1x1x16xf32> to vector<16xf32>
      %add3A_3272 = arith.addf %add3A_3264, %get3A_3271 : vector<16xf32>
      %get3A_3273 = arith.constant 3 : i32
      %get3A_3274 = arith.constant 63 : i32
      %get3A_3275 = arith.index_cast %get3A_3273 : i32 to index
      %get3A_3276 = arith.index_cast %get3A_3274 : i32 to index
      %get3A_3277 = arith.constant 0 : index
      %get3A_3278 = tpu.vector_load %arg6[%get3A_3275, %get3A_3276, %get3A_3277] {strides = array<i32>} : memref<4x104x16xf32, #tpu.memory_space<vmem>>, vector<1x1x16xf32>,
      %get3A_3279 = vector.shape_cast %get3A_3278 : vector<1x1x16xf32> to vector<16xf32>
      %add3A_3280 = arith.addf %add3A_3272, %get3A_3279 : vector<16xf32>
      %get3A_3281 = arith.constant 3 : i32
      %get3A_3282 = arith.constant 64 : i32
      %get3A_3283 = arith.index_cast %get3A_3281 : i32 to index
      %get3A_3284 = arith.index_cast %get3A_3282 : i32 to index
      %get3A_3285 = arith.constant 0 : index
      %get3A_3286 = tpu.vector_load %arg6[%get3A_3283, %get3A_3284, %get3A_3285] {strides = array<i32>} : memref<4x104x16xf32, #tpu.memory_space<vmem>>, vector<1x1x16xf32>,
      %get3A_3287 = vector.shape_cast %get3A_3286 : vector<1x1x16xf32> to vector<16xf32>
      %add3A_3288 = arith.addf %add3A_3280, %get3A_3287 : vector<16xf32>
      %get3A_3289 = arith.constant 3 : i32
      %get3A_3290 = arith.constant 65 : i32
      %get3A_3291 = arith.index_cast %get3A_3289 : i32 to index
      %get3A_3292 = arith.index_cast %get3A_3290 : i32 to index
      %get3A_3293 = arith.constant 0 : index
      %get3A_3294 = tpu.vector_load %arg6[%get3A_3291, %get3A_3292, %get3A_3293] {strides = array<i32>} : memref<4x104x16xf32, #tpu.memory_space<vmem>>, vector<1x1x16xf32>,
      %get3A_3295 = vector.shape_cast %get3A_3294 : vector<1x1x16xf32> to vector<16xf32>
      %add3A_3296 = arith.addf %add3A_3288, %get3A_3295 : vector<16xf32>
      %get3A_3297 = arith.constant 3 : i32
      %get3A_3298 = arith.constant 66 : i32
      %get3A_3299 = arith.index_cast %get3A_3297 : i32 to index
      %get3A_3300 = arith.index_cast %get3A_3298 : i32 to index
      %get3A_3301 = arith.constant 0 : index
      %get3A_3302 = tpu.vector_load %arg6[%get3A_3299, %get3A_3300, %get3A_3301] {strides = array<i32>} : memref<4x104x16xf32, #tpu.memory_space<vmem>>, vector<1x1x16xf32>,
      %get3A_3303 = vector.shape_cast %get3A_3302 : vector<1x1x16xf32> to vector<16xf32>
      %add3A_3304 = arith.addf %add3A_3296, %get3A_3303 : vector<16xf32>
      %get3A_3305 = arith.constant 3 : i32
      %get3A_3306 = arith.constant 67 : i32
      %get3A_3307 = arith.index_cast %get3A_3305 : i32 to index
      %get3A_3308 = arith.index_cast %get3A_3306 : i32 to index
      %get3A_3309 = arith.constant 0 : index
      %get3A_3310 = tpu.vector_load %arg6[%get3A_3307, %get3A_3308, %get3A_3309] {strides = array<i32>} : memref<4x104x16xf32, #tpu.memory_space<vmem>>, vector<1x1x16xf32>,
      %get3A_3311 = vector.shape_cast %get3A_3310 : vector<1x1x16xf32> to vector<16xf32>
      %add3A_3312 = arith.addf %add3A_3304, %get3A_3311 : vector<16xf32>
      %get3A_3313 = arith.constant 3 : i32
      %get3A_3314 = arith.constant 68 : i32
      %get3A_3315 = arith.index_cast %get3A_3313 : i32 to index
      %get3A_3316 = arith.index_cast %get3A_3314 : i32 to index
      %get3A_3317 = arith.constant 0 : index
      %get3A_3318 = tpu.vector_load %arg6[%get3A_3315, %get3A_3316, %get3A_3317] {strides = array<i32>} : memref<4x104x16xf32, #tpu.memory_space<vmem>>, vector<1x1x16xf32>,
      %get3A_3319 = vector.shape_cast %get3A_3318 : vector<1x1x16xf32> to vector<16xf32>
      %add3A_3320 = arith.addf %add3A_3312, %get3A_3319 : vector<16xf32>
      %get3A_3321 = arith.constant 3 : i32
      %get3A_3322 = arith.constant 69 : i32
      %get3A_3323 = arith.index_cast %get3A_3321 : i32 to index
      %get3A_3324 = arith.index_cast %get3A_3322 : i32 to index
      %get3A_3325 = arith.constant 0 : index
      %get3A_3326 = tpu.vector_load %arg6[%get3A_3323, %get3A_3324, %get3A_3325] {strides = array<i32>} : memref<4x104x16xf32, #tpu.memory_space<vmem>>, vector<1x1x16xf32>,
      %get3A_3327 = vector.shape_cast %get3A_3326 : vector<1x1x16xf32> to vector<16xf32>
      %add3A_3328 = arith.addf %add3A_3320, %get3A_3327 : vector<16xf32>
      %get3A_3329 = arith.constant 3 : i32
      %get3A_3330 = arith.constant 70 : i32
      %get3A_3331 = arith.index_cast %get3A_3329 : i32 to index
      %get3A_3332 = arith.index_cast %get3A_3330 : i32 to index
      %get3A_3333 = arith.constant 0 : index
      %get3A_3334 = tpu.vector_load %arg6[%get3A_3331, %get3A_3332, %get3A_3333] {strides = array<i32>} : memref<4x104x16xf32, #tpu.memory_space<vmem>>, vector<1x1x16xf32>,
      %get3A_3335 = vector.shape_cast %get3A_3334 : vector<1x1x16xf32> to vector<16xf32>
      %add3A_3336 = arith.addf %add3A_3328, %get3A_3335 : vector<16xf32>
      %get3A_3337 = arith.constant 3 : i32
      %get3A_3338 = arith.constant 71 : i32
      %get3A_3339 = arith.index_cast %get3A_3337 : i32 to index
      %get3A_3340 = arith.index_cast %get3A_3338 : i32 to index
      %get3A_3341 = arith.constant 0 : index
      %get3A_3342 = tpu.vector_load %arg6[%get3A_3339, %get3A_3340, %get3A_3341] {strides = array<i32>} : memref<4x104x16xf32, #tpu.memory_space<vmem>>, vector<1x1x16xf32>,
      %get3A_3343 = vector.shape_cast %get3A_3342 : vector<1x1x16xf32> to vector<16xf32>
      %add3A_3344 = arith.addf %add3A_3336, %get3A_3343 : vector<16xf32>
      %get3A_3345 = arith.constant 3 : i32
      %get3A_3346 = arith.constant 72 : i32
      %get3A_3347 = arith.index_cast %get3A_3345 : i32 to index
      %get3A_3348 = arith.index_cast %get3A_3346 : i32 to index
      %get3A_3349 = arith.constant 0 : index
      %get3A_3350 = tpu.vector_load %arg6[%get3A_3347, %get3A_3348, %get3A_3349] {strides = array<i32>} : memref<4x104x16xf32, #tpu.memory_space<vmem>>, vector<1x1x16xf32>,
      %get3A_3351 = vector.shape_cast %get3A_3350 : vector<1x1x16xf32> to vector<16xf32>
      %add3A_3352 = arith.addf %add3A_3344, %get3A_3351 : vector<16xf32>
      %get3A_3353 = arith.constant 3 : i32
      %get3A_3354 = arith.constant 73 : i32
      %get3A_3355 = arith.index_cast %get3A_3353 : i32 to index
      %get3A_3356 = arith.index_cast %get3A_3354 : i32 to index
      %get3A_3357 = arith.constant 0 : index
      %get3A_3358 = tpu.vector_load %arg6[%get3A_3355, %get3A_3356, %get3A_3357] {strides = array<i32>} : memref<4x104x16xf32, #tpu.memory_space<vmem>>, vector<1x1x16xf32>,
      %get3A_3359 = vector.shape_cast %get3A_3358 : vector<1x1x16xf32> to vector<16xf32>
      %add3A_3360 = arith.addf %add3A_3352, %get3A_3359 : vector<16xf32>
      %get3A_3361 = arith.constant 3 : i32
      %get3A_3362 = arith.constant 74 : i32
      %get3A_3363 = arith.index_cast %get3A_3361 : i32 to index
      %get3A_3364 = arith.index_cast %get3A_3362 : i32 to index
      %get3A_3365 = arith.constant 0 : index
      %get3A_3366 = tpu.vector_load %arg6[%get3A_3363, %get3A_3364, %get3A_3365] {strides = array<i32>} : memref<4x104x16xf32, #tpu.memory_space<vmem>>, vector<1x1x16xf32>,
      %get3A_3367 = vector.shape_cast %get3A_3366 : vector<1x1x16xf32> to vector<16xf32>
      %add3A_3368 = arith.addf %add3A_3360, %get3A_3367 : vector<16xf32>
      %get3A_3369 = arith.constant 3 : i32
      %get3A_3370 = arith.constant 75 : i32
      %get3A_3371 = arith.index_cast %get3A_3369 : i32 to index
      %get3A_3372 = arith.index_cast %get3A_3370 : i32 to index
      %get3A_3373 = arith.constant 0 : index
      %get3A_3374 = tpu.vector_load %arg6[%get3A_3371, %get3A_3372, %get3A_3373] {strides = array<i32>} : memref<4x104x16xf32, #tpu.memory_space<vmem>>, vector<1x1x16xf32>,
      %get3A_3375 = vector.shape_cast %get3A_3374 : vector<1x1x16xf32> to vector<16xf32>
      %add3A_3376 = arith.addf %add3A_3368, %get3A_3375 : vector<16xf32>
      %get3A_3377 = arith.constant 3 : i32
      %get3A_3378 = arith.constant 76 : i32
      %get3A_3379 = arith.index_cast %get3A_3377 : i32 to index
      %get3A_3380 = arith.index_cast %get3A_3378 : i32 to index
      %get3A_3381 = arith.constant 0 : index
      %get3A_3382 = tpu.vector_load %arg6[%get3A_3379, %get3A_3380, %get3A_3381] {strides = array<i32>} : memref<4x104x16xf32, #tpu.memory_space<vmem>>, vector<1x1x16xf32>,
      %get3A_3383 = vector.shape_cast %get3A_3382 : vector<1x1x16xf32> to vector<16xf32>
      %add3A_3384 = arith.addf %add3A_3376, %get3A_3383 : vector<16xf32>
      %get3A_3385 = arith.constant 3 : i32
      %get3A_3386 = arith.constant 77 : i32
      %get3A_3387 = arith.index_cast %get3A_3385 : i32 to index
      %get3A_3388 = arith.index_cast %get3A_3386 : i32 to index
      %get3A_3389 = arith.constant 0 : index
      %get3A_3390 = tpu.vector_load %arg6[%get3A_3387, %get3A_3388, %get3A_3389] {strides = array<i32>} : memref<4x104x16xf32, #tpu.memory_space<vmem>>, vector<1x1x16xf32>,
      %get3A_3391 = vector.shape_cast %get3A_3390 : vector<1x1x16xf32> to vector<16xf32>
      %add3A_3392 = arith.addf %add3A_3384, %get3A_3391 : vector<16xf32>
      %mul3A_3393 = arith.constant 4 : i32
      %mul3A_3394 = arith.muli %add3A_2735, %mul3A_3393 : i32
      %add3A_3395 = arith.constant 2 : i32
      %add3A_3396 = arith.addi %mul3A_3394, %add3A_3395 : i32
      %swap3A_3397 = arith.index_cast %add3A_3396 : i32 to index
      %swap3A_3398 = arith.constant 0 : index
      %swap3A_3399 = tpu.vector_load %arg7[%swap3A_3397, %swap3A_3398] {strides = array<i32>} : memref<512x16xf32, #tpu.memory_space<vmem>>, vector<1x16xf32>,
      %swap3A_3400 = vector.shape_cast %swap3A_3399 : vector<1x16xf32> to vector<16xf32>
      %swap3A_3401 = vector.shape_cast %add3A_3392 : vector<16xf32> to vector<1x16xf32>
      tpu.vector_store %arg7[%swap3A_3397, %swap3A_3398], %swap3A_3401 {strides = array<i32>} : memref<512x16xf32, #tpu.memory_space<vmem>>, vector<1x16xf32>,
      %get3A_3402 = arith.constant 3 : i32
      %get3A_3403 = arith.constant 78 : i32
      %get3A_3404 = arith.index_cast %get3A_3402 : i32 to index
      %get3A_3405 = arith.index_cast %get3A_3403 : i32 to index
      %get3A_3406 = arith.constant 0 : index
      %get3A_3407 = tpu.vector_load %arg6[%get3A_3404, %get3A_3405, %get3A_3406] {strides = array<i32>} : memref<4x104x16xf32, #tpu.memory_space<vmem>>, vector<1x1x16xf32>,
      %get3A_3408 = vector.shape_cast %get3A_3407 : vector<1x1x16xf32> to vector<16xf32>
      %get3A_3409 = arith.constant 3 : i32
      %get3A_3410 = arith.constant 79 : i32
      %get3A_3411 = arith.index_cast %get3A_3409 : i32 to index
      %get3A_3412 = arith.index_cast %get3A_3410 : i32 to index
      %get3A_3413 = arith.constant 0 : index
      %get3A_3414 = tpu.vector_load %arg6[%get3A_3411, %get3A_3412, %get3A_3413] {strides = array<i32>} : memref<4x104x16xf32, #tpu.memory_space<vmem>>, vector<1x1x16xf32>,
      %get3A_3415 = vector.shape_cast %get3A_3414 : vector<1x1x16xf32> to vector<16xf32>
      %add3A_3416 = arith.addf %get3A_3408, %get3A_3415 : vector<16xf32>
      %get3A_3417 = arith.constant 3 : i32
      %get3A_3418 = arith.constant 80 : i32
      %get3A_3419 = arith.index_cast %get3A_3417 : i32 to index
      %get3A_3420 = arith.index_cast %get3A_3418 : i32 to index
      %get3A_3421 = arith.constant 0 : index
      %get3A_3422 = tpu.vector_load %arg6[%get3A_3419, %get3A_3420, %get3A_3421] {strides = array<i32>} : memref<4x104x16xf32, #tpu.memory_space<vmem>>, vector<1x1x16xf32>,
      %get3A_3423 = vector.shape_cast %get3A_3422 : vector<1x1x16xf32> to vector<16xf32>
      %add3A_3424 = arith.addf %add3A_3416, %get3A_3423 : vector<16xf32>
      %get3A_3425 = arith.constant 3 : i32
      %get3A_3426 = arith.constant 81 : i32
      %get3A_3427 = arith.index_cast %get3A_3425 : i32 to index
      %get3A_3428 = arith.index_cast %get3A_3426 : i32 to index
      %get3A_3429 = arith.constant 0 : index
      %get3A_3430 = tpu.vector_load %arg6[%get3A_3427, %get3A_3428, %get3A_3429] {strides = array<i32>} : memref<4x104x16xf32, #tpu.memory_space<vmem>>, vector<1x1x16xf32>,
      %get3A_3431 = vector.shape_cast %get3A_3430 : vector<1x1x16xf32> to vector<16xf32>
      %add3A_3432 = arith.addf %add3A_3424, %get3A_3431 : vector<16xf32>
      %get3A_3433 = arith.constant 3 : i32
      %get3A_3434 = arith.constant 82 : i32
      %get3A_3435 = arith.index_cast %get3A_3433 : i32 to index
      %get3A_3436 = arith.index_cast %get3A_3434 : i32 to index
      %get3A_3437 = arith.constant 0 : index
      %get3A_3438 = tpu.vector_load %arg6[%get3A_3435, %get3A_3436, %get3A_3437] {strides = array<i32>} : memref<4x104x16xf32, #tpu.memory_space<vmem>>, vector<1x1x16xf32>,
      %get3A_3439 = vector.shape_cast %get3A_3438 : vector<1x1x16xf32> to vector<16xf32>
      %add3A_3440 = arith.addf %add3A_3432, %get3A_3439 : vector<16xf32>
      %get3A_3441 = arith.constant 3 : i32
      %get3A_3442 = arith.constant 83 : i32
      %get3A_3443 = arith.index_cast %get3A_3441 : i32 to index
      %get3A_3444 = arith.index_cast %get3A_3442 : i32 to index
      %get3A_3445 = arith.constant 0 : index
      %get3A_3446 = tpu.vector_load %arg6[%get3A_3443, %get3A_3444, %get3A_3445] {strides = array<i32>} : memref<4x104x16xf32, #tpu.memory_space<vmem>>, vector<1x1x16xf32>,
      %get3A_3447 = vector.shape_cast %get3A_3446 : vector<1x1x16xf32> to vector<16xf32>
      %add3A_3448 = arith.addf %add3A_3440, %get3A_3447 : vector<16xf32>
      %get3A_3449 = arith.constant 3 : i32
      %get3A_3450 = arith.constant 84 : i32
      %get3A_3451 = arith.index_cast %get3A_3449 : i32 to index
      %get3A_3452 = arith.index_cast %get3A_3450 : i32 to index
      %get3A_3453 = arith.constant 0 : index
      %get3A_3454 = tpu.vector_load %arg6[%get3A_3451, %get3A_3452, %get3A_3453] {strides = array<i32>} : memref<4x104x16xf32, #tpu.memory_space<vmem>>, vector<1x1x16xf32>,
      %get3A_3455 = vector.shape_cast %get3A_3454 : vector<1x1x16xf32> to vector<16xf32>
      %add3A_3456 = arith.addf %add3A_3448, %get3A_3455 : vector<16xf32>
      %get3A_3457 = arith.constant 3 : i32
      %get3A_3458 = arith.constant 85 : i32
      %get3A_3459 = arith.index_cast %get3A_3457 : i32 to index
      %get3A_3460 = arith.index_cast %get3A_3458 : i32 to index
      %get3A_3461 = arith.constant 0 : index
      %get3A_3462 = tpu.vector_load %arg6[%get3A_3459, %get3A_3460, %get3A_3461] {strides = array<i32>} : memref<4x104x16xf32, #tpu.memory_space<vmem>>, vector<1x1x16xf32>,
      %get3A_3463 = vector.shape_cast %get3A_3462 : vector<1x1x16xf32> to vector<16xf32>
      %add3A_3464 = arith.addf %add3A_3456, %get3A_3463 : vector<16xf32>
      %get3A_3465 = arith.constant 3 : i32
      %get3A_3466 = arith.constant 86 : i32
      %get3A_3467 = arith.index_cast %get3A_3465 : i32 to index
      %get3A_3468 = arith.index_cast %get3A_3466 : i32 to index
      %get3A_3469 = arith.constant 0 : index
      %get3A_3470 = tpu.vector_load %arg6[%get3A_3467, %get3A_3468, %get3A_3469] {strides = array<i32>} : memref<4x104x16xf32, #tpu.memory_space<vmem>>, vector<1x1x16xf32>,
      %get3A_3471 = vector.shape_cast %get3A_3470 : vector<1x1x16xf32> to vector<16xf32>
      %add3A_3472 = arith.addf %add3A_3464, %get3A_3471 : vector<16xf32>
      %get3A_3473 = arith.constant 3 : i32
      %get3A_3474 = arith.constant 87 : i32
      %get3A_3475 = arith.index_cast %get3A_3473 : i32 to index
      %get3A_3476 = arith.index_cast %get3A_3474 : i32 to index
      %get3A_3477 = arith.constant 0 : index
      %get3A_3478 = tpu.vector_load %arg6[%get3A_3475, %get3A_3476, %get3A_3477] {strides = array<i32>} : memref<4x104x16xf32, #tpu.memory_space<vmem>>, vector<1x1x16xf32>,
      %get3A_3479 = vector.shape_cast %get3A_3478 : vector<1x1x16xf32> to vector<16xf32>
      %add3A_3480 = arith.addf %add3A_3472, %get3A_3479 : vector<16xf32>
      %get3A_3481 = arith.constant 3 : i32
      %get3A_3482 = arith.constant 88 : i32
      %get3A_3483 = arith.index_cast %get3A_3481 : i32 to index
      %get3A_3484 = arith.index_cast %get3A_3482 : i32 to index
      %get3A_3485 = arith.constant 0 : index
      %get3A_3486 = tpu.vector_load %arg6[%get3A_3483, %get3A_3484, %get3A_3485] {strides = array<i32>} : memref<4x104x16xf32, #tpu.memory_space<vmem>>, vector<1x1x16xf32>,
      %get3A_3487 = vector.shape_cast %get3A_3486 : vector<1x1x16xf32> to vector<16xf32>
      %add3A_3488 = arith.addf %add3A_3480, %get3A_3487 : vector<16xf32>
      %get3A_3489 = arith.constant 3 : i32
      %get3A_3490 = arith.constant 89 : i32
      %get3A_3491 = arith.index_cast %get3A_3489 : i32 to index
      %get3A_3492 = arith.index_cast %get3A_3490 : i32 to index
      %get3A_3493 = arith.constant 0 : index
      %get3A_3494 = tpu.vector_load %arg6[%get3A_3491, %get3A_3492, %get3A_3493] {strides = array<i32>} : memref<4x104x16xf32, #tpu.memory_space<vmem>>, vector<1x1x16xf32>,
      %get3A_3495 = vector.shape_cast %get3A_3494 : vector<1x1x16xf32> to vector<16xf32>
      %add3A_3496 = arith.addf %add3A_3488, %get3A_3495 : vector<16xf32>
      %get3A_3497 = arith.constant 3 : i32
      %get3A_3498 = arith.constant 90 : i32
      %get3A_3499 = arith.index_cast %get3A_3497 : i32 to index
      %get3A_3500 = arith.index_cast %get3A_3498 : i32 to index
      %get3A_3501 = arith.constant 0 : index
      %get3A_3502 = tpu.vector_load %arg6[%get3A_3499, %get3A_3500, %get3A_3501] {strides = array<i32>} : memref<4x104x16xf32, #tpu.memory_space<vmem>>, vector<1x1x16xf32>,
      %get3A_3503 = vector.shape_cast %get3A_3502 : vector<1x1x16xf32> to vector<16xf32>
      %add3A_3504 = arith.addf %add3A_3496, %get3A_3503 : vector<16xf32>
      %get3A_3505 = arith.constant 3 : i32
      %get3A_3506 = arith.constant 91 : i32
      %get3A_3507 = arith.index_cast %get3A_3505 : i32 to index
      %get3A_3508 = arith.index_cast %get3A_3506 : i32 to index
      %get3A_3509 = arith.constant 0 : index
      %get3A_3510 = tpu.vector_load %arg6[%get3A_3507, %get3A_3508, %get3A_3509] {strides = array<i32>} : memref<4x104x16xf32, #tpu.memory_space<vmem>>, vector<1x1x16xf32>,
      %get3A_3511 = vector.shape_cast %get3A_3510 : vector<1x1x16xf32> to vector<16xf32>
      %add3A_3512 = arith.addf %add3A_3504, %get3A_3511 : vector<16xf32>
      %get3A_3513 = arith.constant 3 : i32
      %get3A_3514 = arith.constant 92 : i32
      %get3A_3515 = arith.index_cast %get3A_3513 : i32 to index
      %get3A_3516 = arith.index_cast %get3A_3514 : i32 to index
      %get3A_3517 = arith.constant 0 : index
      %get3A_3518 = tpu.vector_load %arg6[%get3A_3515, %get3A_3516, %get3A_3517] {strides = array<i32>} : memref<4x104x16xf32, #tpu.memory_space<vmem>>, vector<1x1x16xf32>,
      %get3A_3519 = vector.shape_cast %get3A_3518 : vector<1x1x16xf32> to vector<16xf32>
      %add3A_3520 = arith.addf %add3A_3512, %get3A_3519 : vector<16xf32>
      %get3A_3521 = arith.constant 3 : i32
      %get3A_3522 = arith.constant 93 : i32
      %get3A_3523 = arith.index_cast %get3A_3521 : i32 to index
      %get3A_3524 = arith.index_cast %get3A_3522 : i32 to index
      %get3A_3525 = arith.constant 0 : index
      %get3A_3526 = tpu.vector_load %arg6[%get3A_3523, %get3A_3524, %get3A_3525] {strides = array<i32>} : memref<4x104x16xf32, #tpu.memory_space<vmem>>, vector<1x1x16xf32>,
      %get3A_3527 = vector.shape_cast %get3A_3526 : vector<1x1x16xf32> to vector<16xf32>
      %add3A_3528 = arith.addf %add3A_3520, %get3A_3527 : vector<16xf32>
      %get3A_3529 = arith.constant 3 : i32
      %get3A_3530 = arith.constant 94 : i32
      %get3A_3531 = arith.index_cast %get3A_3529 : i32 to index
      %get3A_3532 = arith.index_cast %get3A_3530 : i32 to index
      %get3A_3533 = arith.constant 0 : index
      %get3A_3534 = tpu.vector_load %arg6[%get3A_3531, %get3A_3532, %get3A_3533] {strides = array<i32>} : memref<4x104x16xf32, #tpu.memory_space<vmem>>, vector<1x1x16xf32>,
      %get3A_3535 = vector.shape_cast %get3A_3534 : vector<1x1x16xf32> to vector<16xf32>
      %add3A_3536 = arith.addf %add3A_3528, %get3A_3535 : vector<16xf32>
      %get3A_3537 = arith.constant 3 : i32
      %get3A_3538 = arith.constant 95 : i32
      %get3A_3539 = arith.index_cast %get3A_3537 : i32 to index
      %get3A_3540 = arith.index_cast %get3A_3538 : i32 to index
      %get3A_3541 = arith.constant 0 : index
      %get3A_3542 = tpu.vector_load %arg6[%get3A_3539, %get3A_3540, %get3A_3541] {strides = array<i32>} : memref<4x104x16xf32, #tpu.memory_space<vmem>>, vector<1x1x16xf32>,
      %get3A_3543 = vector.shape_cast %get3A_3542 : vector<1x1x16xf32> to vector<16xf32>
      %add3A_3544 = arith.addf %add3A_3536, %get3A_3543 : vector<16xf32>
      %get3A_3545 = arith.constant 3 : i32
      %get3A_3546 = arith.constant 96 : i32
      %get3A_3547 = arith.index_cast %get3A_3545 : i32 to index
      %get3A_3548 = arith.index_cast %get3A_3546 : i32 to index
      %get3A_3549 = arith.constant 0 : index
      %get3A_3550 = tpu.vector_load %arg6[%get3A_3547, %get3A_3548, %get3A_3549] {strides = array<i32>} : memref<4x104x16xf32, #tpu.memory_space<vmem>>, vector<1x1x16xf32>,
      %get3A_3551 = vector.shape_cast %get3A_3550 : vector<1x1x16xf32> to vector<16xf32>
      %add3A_3552 = arith.addf %add3A_3544, %get3A_3551 : vector<16xf32>
      %get3A_3553 = arith.constant 3 : i32
      %get3A_3554 = arith.constant 97 : i32
      %get3A_3555 = arith.index_cast %get3A_3553 : i32 to index
      %get3A_3556 = arith.index_cast %get3A_3554 : i32 to index
      %get3A_3557 = arith.constant 0 : index
      %get3A_3558 = tpu.vector_load %arg6[%get3A_3555, %get3A_3556, %get3A_3557] {strides = array<i32>} : memref<4x104x16xf32, #tpu.memory_space<vmem>>, vector<1x1x16xf32>,
      %get3A_3559 = vector.shape_cast %get3A_3558 : vector<1x1x16xf32> to vector<16xf32>
      %add3A_3560 = arith.addf %add3A_3552, %get3A_3559 : vector<16xf32>
      %get3A_3561 = arith.constant 3 : i32
      %get3A_3562 = arith.constant 98 : i32
      %get3A_3563 = arith.index_cast %get3A_3561 : i32 to index
      %get3A_3564 = arith.index_cast %get3A_3562 : i32 to index
      %get3A_3565 = arith.constant 0 : index
      %get3A_3566 = tpu.vector_load %arg6[%get3A_3563, %get3A_3564, %get3A_3565] {strides = array<i32>} : memref<4x104x16xf32, #tpu.memory_space<vmem>>, vector<1x1x16xf32>,
      %get3A_3567 = vector.shape_cast %get3A_3566 : vector<1x1x16xf32> to vector<16xf32>
      %add3A_3568 = arith.addf %add3A_3560, %get3A_3567 : vector<16xf32>
      %get3A_3569 = arith.constant 3 : i32
      %get3A_3570 = arith.constant 99 : i32
      %get3A_3571 = arith.index_cast %get3A_3569 : i32 to index
      %get3A_3572 = arith.index_cast %get3A_3570 : i32 to index
      %get3A_3573 = arith.constant 0 : index
      %get3A_3574 = tpu.vector_load %arg6[%get3A_3571, %get3A_3572, %get3A_3573] {strides = array<i32>} : memref<4x104x16xf32, #tpu.memory_space<vmem>>, vector<1x1x16xf32>,
      %get3A_3575 = vector.shape_cast %get3A_3574 : vector<1x1x16xf32> to vector<16xf32>
      %add3A_3576 = arith.addf %add3A_3568, %get3A_3575 : vector<16xf32>
      %get3A_3577 = arith.constant 3 : i32
      %get3A_3578 = arith.constant 100 : i32
      %get3A_3579 = arith.index_cast %get3A_3577 : i32 to index
      %get3A_3580 = arith.index_cast %get3A_3578 : i32 to index
      %get3A_3581 = arith.constant 0 : index
      %get3A_3582 = tpu.vector_load %arg6[%get3A_3579, %get3A_3580, %get3A_3581] {strides = array<i32>} : memref<4x104x16xf32, #tpu.memory_space<vmem>>, vector<1x1x16xf32>,
      %get3A_3583 = vector.shape_cast %get3A_3582 : vector<1x1x16xf32> to vector<16xf32>
      %add3A_3584 = arith.addf %add3A_3576, %get3A_3583 : vector<16xf32>
      %get3A_3585 = arith.constant 3 : i32
      %get3A_3586 = arith.constant 101 : i32
      %get3A_3587 = arith.index_cast %get3A_3585 : i32 to index
      %get3A_3588 = arith.index_cast %get3A_3586 : i32 to index
      %get3A_3589 = arith.constant 0 : index
      %get3A_3590 = tpu.vector_load %arg6[%get3A_3587, %get3A_3588, %get3A_3589] {strides = array<i32>} : memref<4x104x16xf32, #tpu.memory_space<vmem>>, vector<1x1x16xf32>,
      %get3A_3591 = vector.shape_cast %get3A_3590 : vector<1x1x16xf32> to vector<16xf32>
      %add3A_3592 = arith.addf %add3A_3584, %get3A_3591 : vector<16xf32>
      %get3A_3593 = arith.constant 3 : i32
      %get3A_3594 = arith.constant 102 : i32
      %get3A_3595 = arith.index_cast %get3A_3593 : i32 to index
      %get3A_3596 = arith.index_cast %get3A_3594 : i32 to index
      %get3A_3597 = arith.constant 0 : index
      %get3A_3598 = tpu.vector_load %arg6[%get3A_3595, %get3A_3596, %get3A_3597] {strides = array<i32>} : memref<4x104x16xf32, #tpu.memory_space<vmem>>, vector<1x1x16xf32>,
      %get3A_3599 = vector.shape_cast %get3A_3598 : vector<1x1x16xf32> to vector<16xf32>
      %add3A_3600 = arith.addf %add3A_3592, %get3A_3599 : vector<16xf32>
      %get3A_3601 = arith.constant 3 : i32
      %get3A_3602 = arith.constant 103 : i32
      %get3A_3603 = arith.index_cast %get3A_3601 : i32 to index
      %get3A_3604 = arith.index_cast %get3A_3602 : i32 to index
      %get3A_3605 = arith.constant 0 : index
      %get3A_3606 = tpu.vector_load %arg6[%get3A_3603, %get3A_3604, %get3A_3605] {strides = array<i32>} : memref<4x104x16xf32, #tpu.memory_space<vmem>>, vector<1x1x16xf32>,
      %get3A_3607 = vector.shape_cast %get3A_3606 : vector<1x1x16xf32> to vector<16xf32>
      %add3A_3608 = arith.addf %add3A_3600, %get3A_3607 : vector<16xf32>
      %mul3A_3609 = arith.constant 4 : i32
      %mul3A_3610 = arith.muli %add3A_2735, %mul3A_3609 : i32
      %add3A_3611 = arith.constant 3 : i32
      %add3A_3612 = arith.addi %mul3A_3610, %add3A_3611 : i32
      %swap3A_3613 = arith.index_cast %add3A_3612 : i32 to index
      %swap3A_3614 = arith.constant 0 : index
      %swap3A_3615 = tpu.vector_load %arg7[%swap3A_3613, %swap3A_3614] {strides = array<i32>} : memref<512x16xf32, #tpu.memory_space<vmem>>, vector<1x16xf32>,
      %swap3A_3616 = vector.shape_cast %swap3A_3615 : vector<1x16xf32> to vector<16xf32>
      %swap3A_3617 = vector.shape_cast %add3A_3608 : vector<16xf32> to vector<1x16xf32>
      tpu.vector_store %arg7[%swap3A_3613, %swap3A_3614], %swap3A_3617 {strides = array<i32>} : memref<512x16xf32, #tpu.memory_space<vmem>>, vector<1x16xf32>,
      %lt3A_3618 = arith.constant 31 : i32
      %lt3A_3619 = arith.cmpi slt, %add3A_64, %lt3A_3618 : i32
      %convert_element_type3A_3620 = arith.extui %lt3A_3619 : i1 to i32
      %cond3A_3621 = arith.constant 0 : i32
      %cond3A_3622 = arith.cmpi ne, %convert_element_type3A_3620, %cond3A_3621 : i32
      scf.if %cond3A_3622 {
        %add3A_3623 = arith.constant 4 : i32
        %add3A_3624 = arith.addi %add3A_2735, %add3A_3623 : i32
        %mul3A_3625 = arith.constant 104 : i32
        %mul3A_3626 = arith.muli %add3A_3624, %mul3A_3625 : i32
        %dma_start3A_3627 = arith.constant 3 : i32
        %dma_start3A_3628 = arith.constant 3 : i32
        %dma_start3A_3629 = arith.constant 0 : i32
        %dma_start3A_3630 = arith.constant 0 : i32
        %dma_start3A_3631 = tpu.memref_slice %arg6[%dma_start3A_3627, %dma_start3A_3629, %dma_start3A_3630] : memref<4x104x16xf32, #tpu.memory_space<vmem>> -> memref<1x104x16xf32, #tpu.memory_space<vmem>>
        %dma_start3A_3632 = tpu.memref_squeeze %dma_start3A_3631 : memref<1x104x16xf32, #tpu.memory_space<vmem>> -> memref<104x16xf32, #tpu.memory_space<vmem>>
        %dma_start3A_3633 = tpu.memref_slice %arg5[%mul3A_3626] : memref<13312xi32, #tpu.memory_space<vmem>> -> memref<104xi32, #tpu.memory_space<vmem>>
        %dma_start3A_3634 = arith.constant 0 : i32
        %dma_start3A_3635 = arith.constant 0 : i32
        %dma_start3A_3636 = tpu.memref_slice %arg2[%dma_start3A_3634, %dma_start3A_3635] : memref<1000000x16xf32, #tpu.memory_space<hbm>> -> memref<1000000x16xf32, #tpu.memory_space<hbm>>
        %dma_start3A_3637 = tpu.memref_slice %arg8[%dma_start3A_3628] : memref<4x!tpu.dma_semaphore, #tpu.memory_space<semaphore_mem>> -> memref<1x!tpu.dma_semaphore, #tpu.memory_space<semaphore_mem>>
        %dma_start3A_3638 = tpu.memref_squeeze %dma_start3A_3637 : memref<1x!tpu.dma_semaphore, #tpu.memory_space<semaphore_mem>> -> memref<!tpu.dma_semaphore, #tpu.memory_space<semaphore_mem>>
        tpu.enqueue_indirect_dma source(%dma_start3A_3636 : memref<1000000x16xf32, #tpu.memory_space<hbm>>) target(%dma_start3A_3632 : memref<104x16xf32, #tpu.memory_space<vmem>>) offsets(%dma_start3A_3633 : memref<104xi32, #tpu.memory_space<vmem>>) semaphore(%dma_start3A_3638 : memref<!tpu.dma_semaphore, #tpu.memory_space<semaphore_mem>>)
      } else {
      }
    }
    %scan3A_57 = arith.constant 32 : i32
    %mul3A_58 = arith.constant 512 : i32
    %mul3A_59 = arith.muli %add3A, %mul3A_58 : i32
    "tpu.region"() ({
      %run_scoped3A = tpu.sem_alloc : memref<!tpu.dma_semaphore, #tpu.memory_space<semaphore_mem>>
      %dma_start3A_60 = arith.constant 0 : i32
      %dma_start3A_61 = tpu.memref_slice %arg4[%mul3A_59, %dma_start3A_60] : memref<16384x16xf32, #tpu.memory_space<hbm>> -> memref<512x16xf32, #tpu.memory_space<hbm>>
      %dma_start3A_62 = arith.constant 0 : i32
      %dma_start3A_63 = tpu.memref_slice %arg4[%mul3A_59, %dma_start3A_62] : memref<16384x16xf32, #tpu.memory_space<hbm>> -> memref<512x16xf32, #tpu.memory_space<hbm>>
      tpu.enqueue_dma source(%arg7 : memref<512x16xf32, #tpu.memory_space<vmem>>) target(%dma_start3A_63 : memref<512x16xf32, #tpu.memory_space<hbm>>) target_semaphore(%run_scoped3A : memref<!tpu.dma_semaphore, #tpu.memory_space<semaphore_mem>>)
      %dma_wait3A = arith.constant 0 : i32
      %dma_wait3A_64 = tpu.memref_slice %arg4[%mul3A_59, %dma_wait3A] : memref<16384x16xf32, #tpu.memory_space<hbm>> -> memref<512x16xf32, #tpu.memory_space<hbm>>
      %dma_wait3A_65 = arith.constant 0 : i32
      %dma_wait3A_66 = tpu.memref_slice %arg4[%mul3A_59, %dma_wait3A_65] : memref<16384x16xf32, #tpu.memory_space<hbm>> -> memref<512x16xf32, #tpu.memory_space<hbm>>
      tpu.wait_dma2 semaphore(%run_scoped3A : memref<!tpu.dma_semaphore, #tpu.memory_space<semaphore_mem>>) src(%arg7 : memref<512x16xf32, #tpu.memory_space<vmem>>) dst(%dma_wait3A_66 : memref<512x16xf32, #tpu.memory_space<hbm>>)
      tpu.yield
    }) : () -> ()
    return
  }
}

module attributes {stable_mosaic.version = 14 : i64} {
  func.func @_combine_body(%arg0: i32, %arg1: memref<4096x16xf32, #tpu.memory_space<vmem>>, %arg2: memref<1x5xf32, #tpu.memory_space<vmem>>, %arg3: memref<4096x1xf32, #tpu.memory_space<vmem>>) attributes {dimension_semantics = [#tpu.dimension_semantics<arbitrary>], iteration_bounds = array<i64: 4>, scalar_prefetch = 0 : i64, scratch_operands = 0 : i64, tpu.core_type = #tpu.core_type<tc>, window_params = [{transform_indices = @transform_0, window_bounds = array<i64: 4096, 16>}, {pipeline_mode = #tpu.pipeline_mode<synchronous>, transform_indices = @transform_1, window_bounds = array<i64: 1, 5>}, {transform_indices = @transform_2, window_bounds = array<i64: 4096, 1>}]} {
    %get3A = arith.constant 0 : index
    %get3A_0 = arith.constant 0 : index
    %get3A_1 = vector.load %arg1[%get3A, %get3A_0] : memref<4096x16xf32, #tpu.memory_space<vmem>>, vector<4096x16xf32>
    %slice3A = vector.extract_strided_slice %get3A_1 {offsets = [0, 0], sizes = [4096, 5], strides = [1, 1]} : vector<4096x16xf32> to vector<4096x5xf32>
    %reduce_max3A = arith.constant dense<0xFF800000> : vector<4096xf32>
    %reduce_max3A_2 = vector.multi_reduction <maximumf>, %slice3A, %reduce_max3A [1] : vector<4096x5xf32> to vector<4096xf32>
    %broadcast_in_dim3A = vector.shape_cast %reduce_max3A_2 : vector<4096xf32> to vector<4096x1xf32>
    %sub3A = vector.broadcast %broadcast_in_dim3A : vector<4096x1xf32> to vector<4096x5xf32>
    %sub3A_3 = arith.subf %slice3A, %sub3A : vector<4096x5xf32>
    %exp3A = math.exp %sub3A_3 : vector<4096x5xf32>
    %reduce_sum3A = arith.constant dense<0.000000e+00> : vector<4096xf32>
    %reduce_sum3A_4 = vector.multi_reduction <add>, %exp3A, %reduce_sum3A [1] : vector<4096x5xf32> to vector<4096xf32>
    %broadcast_in_dim3A_5 = vector.shape_cast %reduce_sum3A_4 : vector<4096xf32> to vector<4096x1xf32>
    %div3A = vector.broadcast %broadcast_in_dim3A_5 : vector<4096x1xf32> to vector<4096x5xf32>
    %div3A_6 = arith.divf %exp3A, %div3A : vector<4096x5xf32>
    %slice3A_7 = vector.extract_strided_slice %get3A_1 {offsets = [0, 5], sizes = [4096, 5], strides = [1, 1]} : vector<4096x16xf32> to vector<4096x5xf32>
    %get3A_8 = arith.constant 0 : index
    %get3A_9 = arith.constant 0 : index
    %get3A_10 = vector.load %arg2[%get3A_8, %get3A_9] : memref<1x5xf32, #tpu.memory_space<vmem>>, vector<1x5xf32>
    %add3A = vector.broadcast %get3A_10 : vector<1x5xf32> to vector<4096x5xf32>
    %add3A_11 = arith.addf %slice3A_7, %add3A : vector<4096x5xf32>
    %neg3A = arith.constant 0.000000e+00 : f32
    %neg3A_12 = vector.broadcast %neg3A : f32 to vector<4096x5xf32>
    %neg3A_13 = arith.subf %neg3A_12, %add3A_11 : vector<4096x5xf32>
    %exp3A_14 = math.exp %neg3A_13 : vector<4096x5xf32>
    %add3A_15 = arith.constant 1.000000e+00 : f32
    %add3A_16 = vector.broadcast %add3A_15 : f32 to vector<4096x5xf32>
    %add3A_17 = arith.addf %add3A_16, %exp3A_14 : vector<4096x5xf32>
    %div3A_18 = arith.constant 1.000000e+00 : f32
    %div3A_19 = vector.broadcast %div3A_18 : f32 to vector<4096x5xf32>
    %div3A_20 = arith.divf %div3A_19, %add3A_17 : vector<4096x5xf32>
    %mul3A = arith.mulf %div3A_6, %div3A_20 : vector<4096x5xf32>
    %reduce_sum3A_21 = arith.constant dense<0.000000e+00> : vector<4096xf32>
    %reduce_sum3A_22 = vector.multi_reduction <add>, %mul3A, %reduce_sum3A_21 [1] : vector<4096x5xf32> to vector<4096xf32>
    %broadcast_in_dim3A_23 = vector.shape_cast %reduce_sum3A_22 : vector<4096xf32> to vector<4096x1xf32>
    %swap3A = arith.constant 0 : index
    %swap3A_24 = arith.constant 0 : index
    %swap3A_25 = vector.load %arg3[%swap3A, %swap3A_24] : memref<4096x1xf32, #tpu.memory_space<vmem>>, vector<4096x1xf32>
    tpu.vector_store %arg3[%swap3A, %swap3A_24], %broadcast_in_dim3A_23 {strides = array<i32>} : memref<4096x1xf32, #tpu.memory_space<vmem>>, vector<4096x1xf32>,
    return
  }
  func.func @transform_0(%arg0: i32) -> (i32, i32) {
    %c0_i32 = arith.constant 0 : i32
    %c0_i32_0 = arith.constant 0 : i32
    return %arg0, %c0_i32 : i32, i32
  }
  func.func @transform_1(%arg0: i32) -> (i32, i32) {
    %c0_i32 = arith.constant 0 : i32
    %c0_i32_0 = arith.constant 0 : i32
    %c0_i32_1 = arith.constant 0 : i32
    return %c0_i32, %c0_i32_0 : i32, i32
  }
  func.func @transform_2(%arg0: i32) -> (i32, i32) {
    %c0_i32 = arith.constant 0 : i32
    %c0_i32_0 = arith.constant 0 : i32
    return %arg0, %c0_i32 : i32, i32
  }
}

</mosaic_0001>

<sc_bundles>
// kernel: kernel.4.cloned.1.call-start
scs
__scs_entry_jumppad:
0x0: {  	(pc) =	sbr.rel $0x88, $3  }
0x1: {  	(tag) =	ssettag $0x0;
	lr =	simm.s32 $0x1  }
0x2: {  	[smem:$0x3F9D] =	sst lr;
	_ =	strace $0xD0000000  }
0x3: {  	_ = 	snop  }
0x4: {  	_ = 	snop  }
0x5: {  	_ = 	snop  }
0x6: {  	_ = 	snop  }
0x7: {  	_ = 	snop  }
__scs_overlays_trampoline_lowered:
0x8: {  	[smem:$0x3FAC] =	sst s0  }
0x9: {  	[smem:$0x3FAD] =	sst s1  }
0xa: {  	[smem:$0x3FAE] =	sst s2  }
0xb: {  	[smem:$0x3FAF] =	sst s3  }
0xc: {  	[smem:$0x3FB0] =	sst s4  }
0xd: {  	[smem:$0x3FB1] =	sst s5  }
0xe: {  	[smem:$0x3FB2] =	sst s6  }
0xf: {  	[smem:$0x3FB3] =	sst s7  }
0x10: {  	[smem:$0x3FB4] =	sst s8  }
0x11: {  	[smem:$0x3FB5] =	sst s9;
	s0 =	simm.s32 @!p0 $0x0  }
0x12: {  	s1 =	sld [smem:$0x3F9B];
	s0 =	simm.s32 @p0 $0x1  }
0x13: {  	[smem:$0x3FB6] =	sst s0;
	s0 =	simm.s32 @!p1 $0x0  }
0x14: {  	s2 =	sld [smem:$0x3F9A];
	s0 =	simm.s32 @p1 $0x1  }
0x15: {  	[smem:$0x3FB7] =	sst s0;
	s0 =	simm.s32 @!p2 $0x0  }
0x16: {  	s3 =	sld [smem:$0x3FDB];
	s0 =	simm.s32 @p2 $0x1  }
0x17: {  	s4 =	simm.s32 $0x1BF5;
	[smem:$0x3FB9] =	sst s0  }
0x18: {  	s0 =	sld [smem:$0x3F9C];
	_ =	swait.ge [sflag:s4], $0x0  }
0x19: {  	s7 =	sld [smem:$0x3F9D]  }
0x1a: {  	s8 =	sadd.s32 $0xFFFFE003, lr  }
0x1b: {  	s9 =	sadd.s32 $0xFFFFFEF7, lr;
	s5 =	simm.s32 $0xFFFFFFFF;
	p2 =	slt.u32 s8, $0xFFFFF086  }
0x1c: {  	p1 =	slt.u32 s9, $0xF7A;
	s5 =	simm.s32 @!p2 $0x0  }
0x1d: {  	s5 =	simm.s32 @p1 $0x1;
	p0 =	seq.s32 s7, s2  }
0x1e: {  	s7 =	smul.u32 @!p0 $0xF7A, s2;
	p2 =	seq.s32 @!p0 s5, $0x0  }
0x1f: {  	s9 =	smul.u32 $0xF7A, s1;
	s8 =	simm.s32 @!p0 $0x1BF5;
	p2 =	por !p2, p0  }
0x20: {  	[sflag:s8] =	ssyncset.s32 @!p0 $0xFFFFF086;
	s6 =	sadd.s32 @!p0 s3, s7;
	s7 =	simm.s32 @!p0 $0x108  }
0x21: {  	s3 =	sadd.s32 s3, s9;
	s6 =	sadd.s32 @!p0 $0x88, s6;
	s7 =	simm.s32 @p2 $0x1082  }
0x22: {  	[simem:s7], [sflag:s8] =	dma.local @!p0 [hbm:s6], $0xF7A  }
0x23: {  	s9 =	sor.u32 $0xD0000000, s2;
	s6 =	simm.s32 $0x108;
	_ =	swait.ge @!p0 [sflag:s8], $0x0  }
0x24: {  	s3 =	sadd.s32 $0x88, s3;
	s6 =	simm.s32 @!p1 $0x1082;
	[sflag:s4] =	ssyncset.s32 $0xFFFFF086  }
0x25: {  	[simem:s6], [sflag:s4] =	dma.local [hbm:s3], $0xF7A  }
0x26: {  	[smem:$0x3F9D] =	sst s1;
	(tag) =	ssettag s2;
	_ =	strace s9  }
0x27: {  	s1 =	sld [smem:$0x3FAD]  }
0x28: {  	s2 =	sld [smem:$0x3FAE]  }
0x29: {  	s4 =	sld [smem:$0x3FB0]  }
0x2a: {  	p0 =	seq.s32 s5, $0x0;
	s5 =	sld [smem:$0x3FB1]  }
0x2b: {  	s6 =	sld [smem:$0x3FB2]  }
0x2c: {  	s7 =	sld [smem:$0x3FB3]  }
0x2d: {  	s3 =	simm.s32 $0x108;
	s8 =	sld [smem:$0x3FB4]  }
0x2e: {  	s3 =	simm.s32 @!p0 $0x1082;
	s9 =	sld [smem:$0x3FB5]  }
0x2f: {  	lr =	sadd.s32 s0, s3;
	s0 =	sld [smem:$0x3FAC]  }
0x30: {  	s3 =	sld [smem:$0x3FAF]  }
0x31: {  	[smem:$0x3FB8] =	sst s10  }
0x32: {  	s10 =	sld [smem:$0x3FB6];
	_ =	sdelay $0x3  }
0x33: {  	p0 =	seq.s32 s10, $0x1;
	s10 =	sld [smem:$0x3FB8];
	_ =	sdelay $0x3  }
0x34: {  	[smem:$0x3FB8] =	sst s10  }
0x35: {  	s10 =	sld [smem:$0x3FB7];
	_ =	sdelay $0x3  }
0x36: {  	p1 =	seq.s32 s10, $0x1;
	s10 =	sld [smem:$0x3FB8];
	_ =	sdelay $0x3  }
0x37: {  	[smem:$0x3FB8] =	sst s10  }
0x38: {  	s10 =	sld [smem:$0x3FB9]  }
0x39: {  	_ = 	snop;
	(pc) =	sbr.ind lr, $3  }
0x3a: {  	_ = 	snop  }
0x3b: {  	_ = 	snop  }
0x3c: {  	p2 =	seq.s32 s10, $0x1;
	s10 =	sld [smem:$0x3FB8]  }
0x3d: {  	_ =	shalt  }
0x3e: {  	_ =	shalt  }
0x3f: {  	_ =	shalt  }
0x40: {  	_ =	shalt  }
0x41: {  	_ =	shalt  }
0x42: {  	_ =	shalt  }
0x43: {  	_ =	shalt  }
0x44: {  	_ =	shalt  }
0x45: {  	_ =	shalt  }
0x46: {  	_ =	shalt  }
0x47: {  	_ =	shalt  }
0x48: {  	_ =	shalt  }
0x49: {  	_ =	shalt  }
0x4a: {  	_ =	shalt  }
0x4b: {  	_ =	shalt  }
0x4c: {  	_ =	shalt  }
0x4d: {  	_ =	shalt  }
0x4e: {  	_ =	shalt  }
0x4f: {  	_ =	shalt  }
0x50: {  	_ =	shalt  }
0x51: {  	_ =	shalt  }
0x52: {  	_ =	shalt  }
0x53: {  	_ =	shalt  }
0x54: {  	_ =	shalt  }
0x55: {  	_ =	shalt  }
0x56: {  	_ =	shalt  }
0x57: {  	_ =	shalt  }
0x58: {  	_ =	shalt  }
0x59: {  	_ =	shalt  }
0x5a: {  	_ =	shalt  }
0x5b: {  	_ =	shalt  }
0x5c: {  	_ =	shalt  }
0x5d: {  	_ =	shalt  }
0x5e: {  	_ =	shalt  }
0x5f: {  	_ =	shalt  }
0x60: {  	_ =	shalt  }
0x61: {  	_ =	shalt  }
0x62: {  	_ =	shalt  }
0x63: {  	_ =	shalt  }
0x64: {  	_ =	shalt  }
0x65: {  	_ =	shalt  }
0x66: {  	_ =	shalt  }
0x67: {  	_ =	shalt  }
0x68: {  	_ =	shalt  }
0x69: {  	_ =	shalt  }
0x6a: {  	_ =	shalt  }
0x6b: {  	_ =	shalt  }
0x6c: {  	_ =	shalt  }
0x6d: {  	_ =	shalt  }
0x6e: {  	_ =	shalt  }
0x6f: {  	_ =	shalt  }
0x70: {  	_ =	shalt  }
0x71: {  	_ =	shalt  }
0x72: {  	_ =	shalt  }
0x73: {  	_ =	shalt  }
0x74: {  	_ =	shalt  }
0x75: {  	_ =	shalt  }
0x76: {  	_ =	shalt  }
0x77: {  	_ =	shalt  }
0x78: {  	_ =	shalt  }
0x79: {  	_ =	shalt  }
0x7a: {  	_ =	shalt  }
0x7b: {  	_ =	shalt  }
0x7c: {  	_ =	shalt  }
0x7d: {  	_ =	shalt  }
0x7e: {  	_ =	shalt  }
0x7f: {  	_ =	shalt  }
0x80: {  	_ =	shalt  }
0x81: {  	_ =	shalt  }
0x82: {  	_ =	shalt  }
0x83: {  	_ =	shalt  }
0x84: {  	_ =	shalt  }
0x85: {  	_ =	shalt  }
0x86: {  	_ =	shalt  }
0x87: {  	_ =	shalt  }
.Lfunc_end0:
.L_simem_size_0:
called_computation.1_lowered:
.L_overlay_start_0:
0x88: {  	s2 =	sld [smem:$0x3FD9]  }
0x89: {  	s3 =	sld [smem:$0x3FFE];
	_ =	sdelay $0x1  }
0x8a: {  	s1 =	srdreg.scid  }
0x8b: {  	s0 =	sand.u32 $0x1, s1  }
0x8c: {  	s16 =	sshll.u32 s0, $0xA;
	s2 =	sadd.s32 s3, s2  }
0x8d: {  	s2 =	sadd.s32 s2, s16  }
0x8e: {  	[smem:$0x3FC4] =	sst s2  }
0x8f: {  	_ = 	snop  }
0x90: {  	(tm) =	ssettm $0x1  }
0x91: {  	s17 =	sld [smem:$0x3FFB];
	_ =	sdelay $0x3  }
0x92: {  	_ =	strace s17  }
0x93: {  	s2 =	sld [smem:$0x3FFC];
	_ =	sdelay $0x3  }
0x94: {  	_ =	strace s2  }
0x95: {  	s2 =	sld [smem:$0x3FFD];
	_ =	sdelay $0x3  }
0x96: {  	_ =	strace s2  }
0x97: {  	_ =	strace $0x8FFFFFFF  }
0x98: {  	s18 =	sld [smem:$0x3FDB];
	_ =	sdelay $0x1  }
0x99: {  	s19 =	simm.s32 $_scs_section_size  }
0x9a: {  	s4 =	simm.s32 $_size__tile_overlayer_lowered;
	s5 =	simm.s32 $_tile_overlayer_lowered  }
0x9b: {  	s22 =	simm.s32 $0x1BFF;
	s21 =	sshll.u32 s5, $0x1;
	s2 =	sadd.s32 s19, s18  }
0x9c: {  	s6 =	simm.s32 $0x0;
	s20 =	sshll.u32 s4, $0x1;
	s4 =	sadd.s32 s21, s2  }
0x9d: {  	[timem:s6], [sflag:s22] =	dma.local [hbm:s4], s20  }
0x9e: {  	_ =	swait.ge [sflag:s22], s20  }
0x9f: {  	s3 =	ssub.s32 $0x0, s20;
	[sflag:s22] =	ssyncset.done $0x0  }
0xa0: {  	[sflag:s22] =	ssyncadd.s32 s3;
	_ =	sdelay $0x1  }
0xa1: {  	s23 =	simm.s32 $0x1B8B  }
0xa2: {  	_ =	swait.ge [sflag:s23], $0x1  }
0xa3: {  	[sflag:s23] =	ssyncset.done $0x0  }
0xa4: {  	s25 =	simm.s32 $0x1B8E;
	s24 =	sld [smem:$0x3FFE];
	[sflag:s23] =	ssyncadd.s32 $0xFFFFFFFF  }
0xa5: {  	s26 =	simm.s32 $execute0_lowered;
	[smem:$0x3FD2] =	sst s25  }
0xa6: {  	s4 =	sshll.u32 s26, $0x1;
	_ =	strace $0x80000049;
	[dreg:$0x1] =	wrdreg $0xFFFFFFFF  }
0xa7: {  	s28 =	simm.s32 $_size_execute0_lowered;
	s2 =	sadd.s32 s2, s4;
	[dreg:$0x0] =	wrdreg $0x0  }
0xa8: {  	s4 =	sshll.u32 s28, $0x1;
	[dreg:$0x2] =	wrdreg s2  }
0xa9: {  	[dreg:$0x3] =	wrdreg s4  }
0xaa: {  	[dreg:$0x4] =	wrdreg $0xC0  }
0xab: {  	_ =	task [dreg:s6], $0x5FFFF  }
0xac: {  	[dreg:$0x1] =	wrdreg $0xFFFFFFFF  }
0xad: {  	[dreg:$0x0] =	wrdreg $0x60  }
0xae: {  	[dreg:$0x2] =	wrdreg s24  }
0xaf: {  	[dreg:$0x3] =	wrdreg $0x9  }
0xb0: {  	_ =	task.clear_ibuf [dreg:s6], $0x4FFFF;
	_ =	strace $0x90000049  }
0xb1: {  	s29 =	simm.s32 $0x9;
	_ =	strace $0x8000004B  }
0xb2: {  	_ =	swait.ge [sflag:s29], $0x1  }
0xb3: {  	[sflag:s29] =	ssyncadd.s32 $0xFFFFFFFF  }
0xb4: {  	_ =	strace $0x9000004B  }
0xb5: {  	_ =	sfence  }
0xb6: {  	s30 =	sld [smem:$0x0];
	_ =	sdelay $0x2  }
0xb7: {  	s31 =	sshll.u32 s1, $0xD;
	s1 =	sshrl.u32 s1, $0x2  }
0xb8: {  	s3 =	sand.u32 $0x4000, s31;
	s1 =	sadd.s32 s1, s30  }
0xb9: {  	s0 =	sor.u32 s3, s0;
	s1 =	sshll.u32 s1, $0x11  }
0xba: {  	s0 =	sor.u32 s1, s0  }
0xbb: {  	s0 =	sadd.s32 $0x8F2B, s0  }
0xbc: {  	[sflag:s0] =	ssyncadd.remote.s32 $0x1  }
0xbd: {  	_ =	sfence.sel $0xFFFF  }
0xbe: {  	[dreg:$0x0] =	wrdreg $0xFFFFFFFF;
	(pc) =	sbr.abs _section_cstart, $3  }
0xbf: {  	[dreg:$0x1] =	wrdreg $0xFFFFFFFF  }
0xc0: {  	_ =	task.clear_ibuf [dreg:s6], $0x2FFFF;
	_ =	strace $0x9FFFFFFF  }
0xc1: {  	(tm) =	ssettm $0x7FFFFFFF  }
tec
execute0_lowered:
.L_overlay_start_1:
0x0: {  	(tag) =	ssettag $0x1  }
0x1: {  	s4 =	rddreg [dreg:$0x0]  }
0x2: {  	s0 =	rddreg [dreg:$0x1];
	s3 =	srdreg.scid  }
0x3: {  	s1 =	stileid.u32;
	s2 =	simm.s32 $0x0;
	s9 =	simm.s32 $0x3400  }
0x4: {  	s10 =	simm.s32 $0x3A80;
	s11 =	simm.s32 $0xD0;
	s12 =	simm.s32 $0x4100  }
0x5: {  	s13 =	simm.s32 $0x138;
	s14 =	simm.s32 $0x4780;
	s15 =	simm.s32 $0x1  }
0x6: {  	s16 =	simm.s32 $0x2;
	s17 =	simm.s32 $0x3;
	s18 =	simm.s32 $0x4  }
0x7: {  	s19 =	simm.s32 $0x4E00;
	s20 =	simm.s32 $0x0;
	s5 =	sand.u32 $0x1, s3  }
0x8: {  	s30 =	sshll.u32 s1, $0x1;
	[smem:$0x7FF] =	sst s2;
	s3 =	sadd.s32 $0xC00, s4  }
.Ltmp0:
0x9: {  	s6 =	sor.u32 s5, s30;
	s5 =	ssub.s32 $0x2, s5;
	(pc) =	sbr.rel .LBB2_1-.Ltmp0, $4  }
0xa: {  	s7 =	smul.u32 $0x680, s6;
	s6 =	sshll.u32 s6, $0xA;
	s31 =	sshrl.u32 s5, $0x1  }
0xb: {  	_ =	strace $0x8000004A;
	s6 =	sadd.s32 s6, s4;
	s8 =	ssub.s32 s5, s31  }
0xc: {  	s7 =	sadd.s32 s7, s4;
	s5 =	sadd.s32 $0x1E9200, s6;
	s6 =	smax.u32 s8, $0x1  }
0xd: {  	s8 =	simm.s32 $0x68;
	s4 =	sadd.s32 $0x112B600, s7;
	s7 =	simm.s32 $0x5  }
.LBB2_4:
0xe: {  	s20 =	sadd.s32 $0x1, s20  }
0xf: {  	p0 =	sne.s32 s20, s6  }
.Ltmp1:
0x10: {  	_ = 	snop;
	(pc) =	sbr.rel @!p0 .LBB2_5-.Ltmp1, $4  }
0x11: {  	[hbm4b:s5+s2] =	stream.linear.scatter [tilespmem:s19], [sflag:$0x5], $0x2000, $0x38;
	[tilespmem:$0x6E00] =	vst v63  }
0x12: {  	_ =	swait.ge [sflag:s7], $0x2000  }
0x13: {  	[sflag:s7] =	ssyncset.done $0x0  }
0x14: {  	[sflag:s7] =	ssyncadd.s32 $0xFFFFE000  }
.LBB2_1:
0x15: {  	[tilespmem:s2], [sflag:$0x5] =	stream.linear.gather [hbm4b:s4+s2], $0x3400, $0x38;
	[tilespmem:$0x6E00] =	vst v63  }
0x16: {  	_ =	swait.ge [sflag:s7], $0x3400  }
0x17: {  	[sflag:s7] =	ssyncset.done $0x0  }
0x18: {  	[sflag:s7] =	ssyncadd.s32 $0xFFFFCC00  }
0x19: {  	[tilespmem:s9], [sflag:$0x1] =	stream.indirect.gather [hbm4b:s3+s8], $0x10, s2, s8, $0xb8;
	[tilespmem:$0x6E00] =	vst v63  }
0x1a: {  	_ = 	snop  }
0x1b: {  	[tilespmem:s10], [sflag:$0x2] =	stream.indirect.gather [hbm4b:s3+s8], $0x10, s8, s8, $0xb8;
	[tilespmem:$0x6E00] =	vst v63  }
0x1c: {  	_ = 	snop  }
0x1d: {  	[tilespmem:s12], [sflag:$0x3] =	stream.indirect.gather [hbm4b:s3+s8], $0x10, s11, s8, $0xb8;
	[tilespmem:$0x6E00] =	vst v63  }
0x1e: {  	s21 =	simm.s32 $0xFFFF3680;
	s22 =	simm.s32 $0x4E80  }
0x1f: {  	[tilespmem:s14], [sflag:$0x4] =	stream.indirect.gather [hbm4b:s3+s8], $0x10, s13, s8, $0xb8;
	[tilespmem:$0x6E00] =	vst v63  }
.LBB2_2:
0x20: {  	_ =	swait.ge [sflag:s15], $0x680  }
0x21: {  	[sflag:s15] =	ssyncset.done $0x0  }
0x22: {  	[sflag:s15] =	ssyncadd.s32 $0xFFFFF980  }
0x23: {  	v0 =	vld [tilespmem:$0x3400]  }
0x24: {  	v1 =	vld [tilespmem:$0x3410];
	_ =	sdelay $0x1  }
0x25: {  	v2 =	vld [tilespmem:$0x3420];
	_ =	sdelay $0x1  }
0x26: {  	v3 =	vld [tilespmem:$0x3430]  }
0x27: {  	v0 =	vadd.f32 v1, v0  }
0x28: {  	v12 =	vld [tilespmem:$0x3440]  }
0x29: {  	v0 =	vadd.f32 v2, v0  }
0x2a: {  	v13 =	vld [tilespmem:$0x3450]  }
0x2b: {  	v0 =	vadd.f32 v3, v0  }
0x2c: {  	v14 =	vld [tilespmem:$0x3460]  }
0x2d: {  	v0 =	vadd.f32 v12, v0  }
0x2e: {  	v15 =	vld [tilespmem:$0x3470]  }
0x2f: {  	v0 =	vadd.f32 v13, v0  }
0x30: {  	v16 =	vld [tilespmem:$0x3480]  }
0x31: {  	v0 =	vadd.f32 v14, v0  }
0x32: {  	v17 =	vld [tilespmem:$0x3490]  }
0x33: {  	v0 =	vadd.f32 v15, v0  }
0x34: {  	v18 =	vld [tilespmem:$0x34A0]  }
0x35: {  	v0 =	vadd.f32 v16, v0  }
0x36: {  	v19 =	vld [tilespmem:$0x34B0]  }
0x37: {  	v0 =	vadd.f32 v17, v0  }
0x38: {  	v20 =	vld [tilespmem:$0x34C0]  }
0x39: {  	v0 =	vadd.f32 v18, v0  }
0x3a: {  	v21 =	vld [tilespmem:$0x34D0]  }
0x3b: {  	v0 =	vadd.f32 v19, v0  }
0x3c: {  	v22 =	vld [tilespmem:$0x34E0]  }
0x3d: {  	v0 =	vadd.f32 v20, v0  }
0x3e: {  	v23 =	vld [tilespmem:$0x34F0]  }
0x3f: {  	v0 =	vadd.f32 v21, v0  }
0x40: {  	v24 =	vld [tilespmem:$0x3500]  }
0x41: {  	v0 =	vadd.f32 v22, v0  }
0x42: {  	v25 =	vld [tilespmem:$0x3510]  }
0x43: {  	v0 =	vadd.f32 v23, v0  }
0x44: {  	v26 =	vld [tilespmem:$0x3520]  }
0x45: {  	v0 =	vadd.f32 v24, v0  }
0x46: {  	v27 =	vld [tilespmem:$0x3530]  }
0x47: {  	v0 =	vadd.f32 v25, v0  }
0x48: {  	v28 =	vld [tilespmem:$0x3540]  }
0x49: {  	v0 =	vadd.f32 v26, v0  }
0x4a: {  	v29 =	vld [tilespmem:$0x3550]  }
0x4b: {  	v0 =	vadd.f32 v27, v0  }
0x4c: {  	v30 =	vld [tilespmem:$0x3560]  }
0x4d: {  	v0 =	vadd.f32 v28, v0  }
0x4e: {  	v31 =	vld [tilespmem:$0x3570]  }
0x4f: {  	v0 =	vadd.f32 v29, v0  }
0x50: {  	v32 =	vld [tilespmem:$0x3580]  }
0x51: {  	v0 =	vadd.f32 v30, v0  }
0x52: {  	v33 =	vld [tilespmem:$0x3590]  }
0x53: {  	v0 =	vadd.f32 v31, v0;
	_ =	sdelay $0x1  }
0x54: {  	v0 =	vadd.f32 v32, v0;
	_ =	sdelay $0x1  }
0x55: {  	v0 =	vadd.f32 v33, v0;
	_ =	sdelay $0x1  }
0x56: {  	[tilespmem:s22+$0xFFFFFF80] =	vst v0  }
0x57: {  	v0 =	vld [tilespmem:$0x35A0]  }
0x58: {  	v34 =	vld [tilespmem:$0x35B0];
	_ =	sdelay $0x1  }
0x59: {  	v35 =	vld [tilespmem:$0x35C0];
	_ =	sdelay $0x1  }
0x5a: {  	v36 =	vld [tilespmem:$0x35D0]  }
0x5b: {  	v0 =	vadd.f32 v34, v0  }
0x5c: {  	v37 =	vld [tilespmem:$0x35E0]  }
0x5d: {  	v0 =	vadd.f32 v35, v0  }
0x5e: {  	v38 =	vld [tilespmem:$0x35F0]  }
0x5f: {  	v0 =	vadd.f32 v36, v0  }
0x60: {  	v39 =	vld [tilespmem:$0x3600]  }
0x61: {  	v0 =	vadd.f32 v37, v0  }
0x62: {  	v40 =	vld [tilespmem:$0x3610]  }
0x63: {  	v0 =	vadd.f32 v38, v0  }
0x64: {  	v41 =	vld [tilespmem:$0x3620]  }
0x65: {  	v0 =	vadd.f32 v39, v0  }
0x66: {  	v42 =	vld [tilespmem:$0x3630]  }
0x67: {  	v0 =	vadd.f32 v40, v0  }
0x68: {  	v43 =	vld [tilespmem:$0x3640]  }
0x69: {  	v0 =	vadd.f32 v41, v0  }
0x6a: {  	v44 =	vld [tilespmem:$0x3650]  }
0x6b: {  	v0 =	vadd.f32 v42, v0  }
0x6c: {  	v45 =	vld [tilespmem:$0x3660]  }
0x6d: {  	v0 =	vadd.f32 v43, v0  }
0x6e: {  	v46 =	vld [tilespmem:$0x3670]  }
0x6f: {  	v0 =	vadd.f32 v44, v0  }
0x70: {  	v47 =	vld [tilespmem:$0x3680]  }
0x71: {  	v0 =	vadd.f32 v45, v0  }
0x72: {  	v48 =	vld [tilespmem:$0x3690]  }
0x73: {  	v0 =	vadd.f32 v46, v0  }
0x74: {  	v49 =	vld [tilespmem:$0x36A0]  }
0x75: {  	v0 =	vadd.f32 v47, v0  }
0x76: {  	v50 =	vld [tilespmem:$0x36B0]  }
0x77: {  	v0 =	vadd.f32 v48, v0  }
0x78: {  	v51 =	vld [tilespmem:$0x36C0]  }
0x79: {  	v0 =	vadd.f32 v49, v0  }
0x7a: {  	v52 =	vld [tilespmem:$0x36D0]  }
0x7b: {  	v0 =	vadd.f32 v50, v0  }
0x7c: {  	v53 =	vld [tilespmem:$0x36E0]  }
0x7d: {  	v0 =	vadd.f32 v51, v0  }
0x7e: {  	v54 =	vld [tilespmem:$0x36F0]  }
0x7f: {  	v0 =	vadd.f32 v52, v0  }
0x80: {  	v55 =	vld [tilespmem:$0x3700]  }
0x81: {  	v0 =	vadd.f32 v53, v0  }
0x82: {  	v56 =	vld [tilespmem:$0x3710]  }
0x83: {  	v0 =	vadd.f32 v54, v0  }
0x84: {  	v57 =	vld [tilespmem:$0x3720]  }
0x85: {  	v0 =	vadd.f32 v55, v0  }
0x86: {  	v58 =	vld [tilespmem:$0x3730]  }
0x87: {  	v0 =	vadd.f32 v56, v0;
	_ =	sdelay $0x1  }
0x88: {  	v0 =	vadd.f32 v57, v0;
	_ =	sdelay $0x1  }
0x89: {  	v0 =	vadd.f32 v58, v0;
	_ =	sdelay $0x1  }
0x8a: {  	[tilespmem:s22+$0xFFFFFF90] =	vst v0  }
0x8b: {  	v0 =	vld [tilespmem:$0x3740]  }
0x8c: {  	v59 =	vld [tilespmem:$0x3750];
	_ =	sdelay $0x1  }
0x8d: {  	v60 =	vld [tilespmem:$0x3760];
	_ =	sdelay $0x1  }
0x8e: {  	v61 =	vld [tilespmem:$0x3770]  }
0x8f: {  	v0 =	vadd.f32 v59, v0  }
0x90: {  	v62 =	vld [tilespmem:$0x3780]  }
0x91: {  	v0 =	vadd.f32 v60, v0  }
0x92: {  	v63 =	vld [tilespmem:$0x3790]  }
0x93: {  	v0 =	vadd.f32 v61, v0  }
0x94: {  	v6 =	vld [tilespmem:$0x37A0]  }
0x95: {  	v0 =	vadd.f32 v62, v0  }
0x96: {  	v7 =	vld [tilespmem:$0x37B0]  }
0x97: {  	v0 =	vadd.f32 v63, v0  }
0x98: {  	v8 =	vld [tilespmem:$0x37C0]  }
0x99: {  	v0 =	vadd.f32 v6, v0  }
0x9a: {  	v9 =	vld [tilespmem:$0x37D0]  }
0x9b: {  	v0 =	vadd.f32 v7, v0  }
0x9c: {  	v10 =	vld [tilespmem:$0x37E0]  }
0x9d: {  	v0 =	vadd.f32 v8, v0  }
0x9e: {  	v11 =	vld [tilespmem:$0x37F0]  }
0x9f: {  	v0 =	vadd.f32 v9, v0  }
0xa0: {  	v12 =	vld [tilespmem:$0x3800]  }
0xa1: {  	v0 =	vadd.f32 v10, v0  }
0xa2: {  	v13 =	vld [tilespmem:$0x3810]  }
0xa3: {  	v0 =	vadd.f32 v11, v0  }
0xa4: {  	v14 =	vld [tilespmem:$0x3820]  }
0xa5: {  	v0 =	vadd.f32 v12, v0  }
0xa6: {  	v15 =	vld [tilespmem:$0x3830]  }
0xa7: {  	v0 =	vadd.f32 v13, v0  }
0xa8: {  	v16 =	vld [tilespmem:$0x3840]  }
0xa9: {  	v0 =	vadd.f32 v14, v0  }
0xaa: {  	v17 =	vld [tilespmem:$0x3850]  }
0xab: {  	v0 =	vadd.f32 v15, v0  }
0xac: {  	v18 =	vld [tilespmem:$0x3860]  }
0xad: {  	v0 =	vadd.f32 v16, v0  }
0xae: {  	v19 =	vld [tilespmem:$0x3870]  }
0xaf: {  	v0 =	vadd.f32 v17, v0  }
0xb0: {  	v20 =	vld [tilespmem:$0x3880]  }
0xb1: {  	v0 =	vadd.f32 v18, v0  }
0xb2: {  	v21 =	vld [tilespmem:$0x3890]  }
0xb3: {  	v0 =	vadd.f32 v19, v0  }
0xb4: {  	v22 =	vld [tilespmem:$0x38A0]  }
0xb5: {  	v0 =	vadd.f32 v20, v0  }
0xb6: {  	v23 =	vld [tilespmem:$0x38B0]  }
0xb7: {  	v0 =	vadd.f32 v21, v0  }
0xb8: {  	v24 =	vld [tilespmem:$0x38C0]  }
0xb9: {  	v0 =	vadd.f32 v22, v0  }
0xba: {  	v25 =	vld [tilespmem:$0x38D0]  }
0xbb: {  	v0 =	vadd.f32 v23, v0;
	_ =	sdelay $0x1  }
0xbc: {  	v0 =	vadd.f32 v24, v0;
	_ =	sdelay $0x1  }
0xbd: {  	v0 =	vadd.f32 v25, v0;
	_ =	sdelay $0x1  }
0xbe: {  	[tilespmem:s22+$0xFFFFFFA0] =	vst v0  }
0xbf: {  	v0 =	vld [tilespmem:$0x38E0]  }
0xc0: {  	v26 =	vld [tilespmem:$0x38F0];
	_ =	sdelay $0x1  }
0xc1: {  	v27 =	vld [tilespmem:$0x3900];
	_ =	sdelay $0x1  }
0xc2: {  	v28 =	vld [tilespmem:$0x3910]  }
0xc3: {  	v0 =	vadd.f32 v26, v0  }
0xc4: {  	v29 =	vld [tilespmem:$0x3920]  }
0xc5: {  	v0 =	vadd.f32 v27, v0  }
0xc6: {  	v30 =	vld [tilespmem:$0x3930]  }
0xc7: {  	v0 =	vadd.f32 v28, v0  }
0xc8: {  	v31 =	vld [tilespmem:$0x3940]  }
0xc9: {  	v0 =	vadd.f32 v29, v0  }
0xca: {  	v32 =	vld [tilespmem:$0x3950]  }
0xcb: {  	v0 =	vadd.f32 v30, v0  }
0xcc: {  	v33 =	vld [tilespmem:$0x3960]  }
0xcd: {  	v0 =	vadd.f32 v31, v0  }
0xce: {  	v34 =	vld [tilespmem:$0x3970]  }
0xcf: {  	v0 =	vadd.f32 v32, v0  }
0xd0: {  	v35 =	vld [tilespmem:$0x3980]  }
0xd1: {  	v0 =	vadd.f32 v33, v0  }
0xd2: {  	v36 =	vld [tilespmem:$0x3990]  }
0xd3: {  	v0 =	vadd.f32 v34, v0  }
0xd4: {  	v37 =	vld [tilespmem:$0x39A0]  }
0xd5: {  	v0 =	vadd.f32 v35, v0  }
0xd6: {  	v38 =	vld [tilespmem:$0x39B0]  }
0xd7: {  	v0 =	vadd.f32 v36, v0  }
0xd8: {  	v39 =	vld [tilespmem:$0x39C0]  }
0xd9: {  	v0 =	vadd.f32 v37, v0  }
0xda: {  	v40 =	vld [tilespmem:$0x39D0]  }
0xdb: {  	v0 =	vadd.f32 v38, v0  }
0xdc: {  	v41 =	vld [tilespmem:$0x39E0]  }
0xdd: {  	v0 =	vadd.f32 v39, v0  }
0xde: {  	v42 =	vld [tilespmem:$0x39F0]  }
0xdf: {  	v0 =	vadd.f32 v40, v0  }
0xe0: {  	v43 =	vld [tilespmem:$0x3A00]  }
0xe1: {  	v0 =	vadd.f32 v41, v0  }
0xe2: {  	v44 =	vld [tilespmem:$0x3A10]  }
0xe3: {  	v0 =	vadd.f32 v42, v0  }
0xe4: {  	v45 =	vld [tilespmem:$0x3A20]  }
0xe5: {  	v0 =	vadd.f32 v43, v0  }
0xe6: {  	v46 =	vld [tilespmem:$0x3A30]  }
0xe7: {  	v0 =	vadd.f32 v44, v0  }
0xe8: {  	v47 =	vld [tilespmem:$0x3A40]  }
0xe9: {  	v0 =	vadd.f32 v45, v0  }
0xea: {  	v48 =	vld [tilespmem:$0x3A50]  }
0xeb: {  	v0 =	vadd.f32 v46, v0  }
0xec: {  	v49 =	vld [tilespmem:$0x3A60]  }
0xed: {  	v0 =	vadd.f32 v47, v0  }
0xee: {  	v50 =	vld [tilespmem:$0x3A70]  }
0xef: {  	v0 =	vadd.f32 v48, v0;
	_ =	sdelay $0x1  }
0xf0: {  	v0 =	vadd.f32 v49, v0;
	_ =	sdelay $0x1  }
0xf1: {  	p0 =	seq.s32 s21, $0x0;
	v0 =	vadd.f32 v50, v0  }
0xf2: {  	s23 =	sshra.s32 @!p0 s21, $0x2  }
0xf3: {  	s24 =	simm.s32 @!p0 $0x68;
	s26 =	simm.s32 @!p0 $0x3400;
	s25 =	sadd.s32 @!p0 $0x3400, s23;
	[tilespmem:s22+$0xFFFFFFB0] =	vst v0  }
0xf4: {  	[tilespmem:s26], [sflag:$0x1] =	stream.indirect.gather @!p0 [hbm4b:s3+s24], $0x10, s25, s24, $0xb8;
	[tilespmem:$0x6E00] =	vst v63  }
0xf5: {  	_ =	swait.ge [sflag:s16], $0x680  }
0xf6: {  	[sflag:s16] =	ssyncset.done $0x0  }
0xf7: {  	[sflag:s16] =	ssyncadd.s32 $0xFFFFF980  }
0xf8: {  	v51 =	vld [tilespmem:$0x3A80]  }
0xf9: {  	v52 =	vld [tilespmem:$0x3A90];
	_ =	sdelay $0x1  }
0xfa: {  	v53 =	vld [tilespmem:$0x3AA0];
	_ =	sdelay $0x1  }
0xfb: {  	v54 =	vld [tilespmem:$0x3AB0]  }
0xfc: {  	v0 =	vadd.f32 v52, v51  }
0xfd: {  	v55 =	vld [tilespmem:$0x3AC0]  }
0xfe: {  	v0 =	vadd.f32 v53, v0  }
0xff: {  	v56 =	vld [tilespmem:$0x3AD0]  }
0x100: {  	v0 =	vadd.f32 v54, v0  }
0x101: {  	v57 =	vld [tilespmem:$0x3AE0]  }
0x102: {  	v0 =	vadd.f32 v55, v0  }
0x103: {  	v58 =	vld [tilespmem:$0x3AF0]  }
0x104: {  	v0 =	vadd.f32 v56, v0  }
0x105: {  	v59 =	vld [tilespmem:$0x3B00]  }
0x106: {  	v0 =	vadd.f32 v57, v0  }
0x107: {  	v60 =	vld [tilespmem:$0x3B10]  }
0x108: {  	v0 =	vadd.f32 v58, v0  }
0x109: {  	v61 =	vld [tilespmem:$0x3B20]  }
0x10a: {  	v0 =	vadd.f32 v59, v0  }
0x10b: {  	v62 =	vld [tilespmem:$0x3B30]  }
0x10c: {  	v0 =	vadd.f32 v60, v0  }
0x10d: {  	v63 =	vld [tilespmem:$0x3B40]  }
0x10e: {  	v0 =	vadd.f32 v61, v0  }
0x10f: {  	v6 =	vld [tilespmem:$0x3B50]  }
0x110: {  	v0 =	vadd.f32 v62, v0  }
0x111: {  	v7 =	vld [tilespmem:$0x3B60]  }
0x112: {  	v0 =	vadd.f32 v63, v0  }
0x113: {  	v8 =	vld [tilespmem:$0x3B70]  }
0x114: {  	v0 =	vadd.f32 v6, v0  }
0x115: {  	v9 =	vld [tilespmem:$0x3B80]  }
0x116: {  	v0 =	vadd.f32 v7, v0  }
0x117: {  	v10 =	vld [tilespmem:$0x3B90]  }
0x118: {  	v0 =	vadd.f32 v8, v0  }
0x119: {  	v11 =	vld [tilespmem:$0x3BA0]  }
0x11a: {  	v0 =	vadd.f32 v9, v0  }
0x11b: {  	v12 =	vld [tilespmem:$0x3BB0]  }
0x11c: {  	v0 =	vadd.f32 v10, v0  }
0x11d: {  	v13 =	vld [tilespmem:$0x3BC0]  }
0x11e: {  	v0 =	vadd.f32 v11, v0  }
0x11f: {  	v14 =	vld [tilespmem:$0x3BD0]  }
0x120: {  	v0 =	vadd.f32 v12, v0  }
0x121: {  	v15 =	vld [tilespmem:$0x3BE0]  }
0x122: {  	v0 =	vadd.f32 v13, v0  }
0x123: {  	v16 =	vld [tilespmem:$0x3BF0]  }
0x124: {  	v0 =	vadd.f32 v14, v0  }
0x125: {  	v17 =	vld [tilespmem:$0x3C00]  }
0x126: {  	v0 =	vadd.f32 v15, v0  }
0x127: {  	v18 =	vld [tilespmem:$0x3C10]  }
0x128: {  	v0 =	vadd.f32 v16, v0;
	_ =	sdelay $0x1  }
0x129: {  	v0 =	vadd.f32 v17, v0;
	_ =	sdelay $0x1  }
0x12a: {  	v0 =	vadd.f32 v18, v0;
	_ =	sdelay $0x1  }
0x12b: {  	[tilespmem:s22+$0xFFFFFFC0] =	vst v0  }
0x12c: {  	v0 =	vld [tilespmem:$0x3C20]  }
0x12d: {  	v19 =	vld [tilespmem:$0x3C30];
	_ =	sdelay $0x1  }
0x12e: {  	v20 =	vld [tilespmem:$0x3C40];
	_ =	sdelay $0x1  }
0x12f: {  	v21 =	vld [tilespmem:$0x3C50]  }
0x130: {  	v0 =	vadd.f32 v19, v0  }
0x131: {  	v22 =	vld [tilespmem:$0x3C60]  }
0x132: {  	v0 =	vadd.f32 v20, v0  }
0x133: {  	v23 =	vld [tilespmem:$0x3C70]  }
0x134: {  	v0 =	vadd.f32 v21, v0  }
0x135: {  	v24 =	vld [tilespmem:$0x3C80]  }
0x136: {  	v0 =	vadd.f32 v22, v0  }
0x137: {  	v25 =	vld [tilespmem:$0x3C90]  }
0x138: {  	v0 =	vadd.f32 v23, v0  }
0x139: {  	v26 =	vld [tilespmem:$0x3CA0]  }
0x13a: {  	v0 =	vadd.f32 v24, v0  }
0x13b: {  	v27 =	vld [tilespmem:$0x3CB0]  }
0x13c: {  	v0 =	vadd.f32 v25, v0  }
0x13d: {  	v28 =	vld [tilespmem:$0x3CC0]  }
0x13e: {  	v0 =	vadd.f32 v26, v0  }
0x13f: {  	v29 =	vld [tilespmem:$0x3CD0]  }
0x140: {  	v0 =	vadd.f32 v27, v0  }
0x141: {  	v30 =	vld [tilespmem:$0x3CE0]  }
0x142: {  	v0 =	vadd.f32 v28, v0  }
0x143: {  	v31 =	vld [tilespmem:$0x3CF0]  }
0x144: {  	v0 =	vadd.f32 v29, v0  }
0x145: {  	v32 =	vld [tilespmem:$0x3D00]  }
0x146: {  	v0 =	vadd.f32 v30, v0  }
0x147: {  	v33 =	vld [tilespmem:$0x3D10]  }
0x148: {  	v0 =	vadd.f32 v31, v0  }
0x149: {  	v34 =	vld [tilespmem:$0x3D20]  }
0x14a: {  	v0 =	vadd.f32 v32, v0  }
0x14b: {  	v35 =	vld [tilespmem:$0x3D30]  }
0x14c: {  	v0 =	vadd.f32 v33, v0  }
0x14d: {  	v36 =	vld [tilespmem:$0x3D40]  }
0x14e: {  	v0 =	vadd.f32 v34, v0  }
0x14f: {  	v37 =	vld [tilespmem:$0x3D50]  }
0x150: {  	v0 =	vadd.f32 v35, v0  }
0x151: {  	v38 =	vld [tilespmem:$0x3D60]  }
0x152: {  	v0 =	vadd.f32 v36, v0  }
0x153: {  	v39 =	vld [tilespmem:$0x3D70]  }
0x154: {  	v0 =	vadd.f32 v37, v0  }
0x155: {  	v40 =	vld [tilespmem:$0x3D80]  }
0x156: {  	v0 =	vadd.f32 v38, v0  }
0x157: {  	v41 =	vld [tilespmem:$0x3D90]  }
0x158: {  	v0 =	vadd.f32 v39, v0  }
0x159: {  	v42 =	vld [tilespmem:$0x3DA0]  }
0x15a: {  	v0 =	vadd.f32 v40, v0  }
0x15b: {  	v43 =	vld [tilespmem:$0x3DB0]  }
0x15c: {  	v0 =	vadd.f32 v41, v0;
	_ =	sdelay $0x1  }
0x15d: {  	v0 =	vadd.f32 v42, v0;
	_ =	sdelay $0x1  }
0x15e: {  	v0 =	vadd.f32 v43, v0;
	_ =	sdelay $0x1  }
0x15f: {  	[tilespmem:s22+$0xFFFFFFD0] =	vst v0  }
0x160: {  	v0 =	vld [tilespmem:$0x3DC0]  }
0x161: {  	v44 =	vld [tilespmem:$0x3DD0];
	_ =	sdelay $0x1  }
0x162: {  	v45 =	vld [tilespmem:$0x3DE0];
	_ =	sdelay $0x1  }
0x163: {  	v46 =	vld [tilespmem:$0x3DF0]  }
0x164: {  	v0 =	vadd.f32 v44, v0  }
0x165: {  	v47 =	vld [tilespmem:$0x3E00]  }
0x166: {  	v0 =	vadd.f32 v45, v0  }
0x167: {  	v48 =	vld [tilespmem:$0x3E10]  }
0x168: {  	v0 =	vadd.f32 v46, v0  }
0x169: {  	v49 =	vld [tilespmem:$0x3E20]  }
0x16a: {  	v0 =	vadd.f32 v47, v0  }
0x16b: {  	v50 =	vld [tilespmem:$0x3E30]  }
0x16c: {  	v0 =	vadd.f32 v48, v0  }
0x16d: {  	v51 =	vld [tilespmem:$0x3E40]  }
0x16e: {  	v0 =	vadd.f32 v49, v0  }
0x16f: {  	v52 =	vld [tilespmem:$0x3E50]  }
0x170: {  	v0 =	vadd.f32 v50, v0  }
0x171: {  	v53 =	vld [tilespmem:$0x3E60]  }
0x172: {  	v0 =	vadd.f32 v51, v0  }
0x173: {  	v54 =	vld [tilespmem:$0x3E70]  }
0x174: {  	v0 =	vadd.f32 v52, v0  }
0x175: {  	v55 =	vld [tilespmem:$0x3E80]  }
0x176: {  	v0 =	vadd.f32 v53, v0  }
0x177: {  	v56 =	vld [tilespmem:$0x3E90]  }
0x178: {  	v0 =	vadd.f32 v54, v0  }
0x179: {  	v57 =	vld [tilespmem:$0x3EA0]  }
0x17a: {  	v0 =	vadd.f32 v55, v0  }
0x17b: {  	v58 =	vld [tilespmem:$0x3EB0]  }
0x17c: {  	v0 =	vadd.f32 v56, v0  }
0x17d: {  	v59 =	vld [tilespmem:$0x3EC0]  }
0x17e: {  	v0 =	vadd.f32 v57, v0  }
0x17f: {  	v60 =	vld [tilespmem:$0x3ED0]  }
0x180: {  	v0 =	vadd.f32 v58, v0  }
0x181: {  	v61 =	vld [tilespmem:$0x3EE0]  }
0x182: {  	v0 =	vadd.f32 v59, v0  }
0x183: {  	v62 =	vld [tilespmem:$0x3EF0]  }
0x184: {  	v0 =	vadd.f32 v60, v0  }
0x185: {  	v63 =	vld [tilespmem:$0x3F00]  }
0x186: {  	v0 =	vadd.f32 v61, v0  }
0x187: {  	v6 =	vld [tilespmem:$0x3F10]  }
0x188: {  	v0 =	vadd.f32 v62, v0  }
0x189: {  	v7 =	vld [tilespmem:$0x3F20]  }
0x18a: {  	v0 =	vadd.f32 v63, v0  }
0x18b: {  	v8 =	vld [tilespmem:$0x3F30]  }
0x18c: {  	v0 =	vadd.f32 v6, v0  }
0x18d: {  	v9 =	vld [tilespmem:$0x3F40]  }
0x18e: {  	v0 =	vadd.f32 v7, v0  }
0x18f: {  	v10 =	vld [tilespmem:$0x3F50]  }
0x190: {  	v0 =	vadd.f32 v8, v0;
	_ =	sdelay $0x1  }
0x191: {  	v0 =	vadd.f32 v9, v0;
	_ =	sdelay $0x1  }
0x192: {  	v0 =	vadd.f32 v10, v0;
	_ =	sdelay $0x1  }
0x193: {  	[tilespmem:s22+$0xFFFFFFE0] =	vst v0  }
0x194: {  	v0 =	vld [tilespmem:$0x3F60]  }
0x195: {  	v11 =	vld [tilespmem:$0x3F70];
	_ =	sdelay $0x1  }
0x196: {  	v12 =	vld [tilespmem:$0x3F80];
	_ =	sdelay $0x1  }
0x197: {  	v13 =	vld [tilespmem:$0x3F90]  }
0x198: {  	v0 =	vadd.f32 v11, v0  }
0x199: {  	v14 =	vld [tilespmem:$0x3FA0]  }
0x19a: {  	v0 =	vadd.f32 v12, v0  }
0x19b: {  	v15 =	vld [tilespmem:$0x3FB0]  }
0x19c: {  	v0 =	vadd.f32 v13, v0  }
0x19d: {  	v16 =	vld [tilespmem:$0x3FC0]  }
0x19e: {  	v0 =	vadd.f32 v14, v0  }
0x19f: {  	v17 =	vld [tilespmem:$0x3FD0]  }
0x1a0: {  	v0 =	vadd.f32 v15, v0  }
0x1a1: {  	v18 =	vld [tilespmem:$0x3FE0]  }
0x1a2: {  	v0 =	vadd.f32 v16, v0  }
0x1a3: {  	v19 =	vld [tilespmem:$0x3FF0]  }
0x1a4: {  	v0 =	vadd.f32 v17, v0  }
0x1a5: {  	v20 =	vld [tilespmem:$0x4000]  }
0x1a6: {  	v0 =	vadd.f32 v18, v0  }
0x1a7: {  	v21 =	vld [tilespmem:$0x4010]  }
0x1a8: {  	v0 =	vadd.f32 v19, v0  }
0x1a9: {  	v22 =	vld [tilespmem:$0x4020]  }
0x1aa: {  	v0 =	vadd.f32 v20, v0  }
0x1ab: {  	v23 =	vld [tilespmem:$0x4030]  }
0x1ac: {  	v0 =	vadd.f32 v21, v0  }
0x1ad: {  	v24 =	vld [tilespmem:$0x4040]  }
0x1ae: {  	v0 =	vadd.f32 v22, v0  }
0x1af: {  	v25 =	vld [tilespmem:$0x4050]  }
0x1b0: {  	v0 =	vadd.f32 v23, v0  }
0x1b1: {  	v26 =	vld [tilespmem:$0x4060]  }
0x1b2: {  	v0 =	vadd.f32 v24, v0  }
0x1b3: {  	v27 =	vld [tilespmem:$0x4070]  }
0x1b4: {  	v0 =	vadd.f32 v25, v0  }
0x1b5: {  	v28 =	vld [tilespmem:$0x4080]  }
0x1b6: {  	v0 =	vadd.f32 v26, v0  }
0x1b7: {  	v29 =	vld [tilespmem:$0x4090]  }
0x1b8: {  	v0 =	vadd.f32 v27, v0  }
0x1b9: {  	v30 =	vld [tilespmem:$0x40A0]  }
0x1ba: {  	v0 =	vadd.f32 v28, v0  }
0x1bb: {  	v31 =	vld [tilespmem:$0x40B0]  }
0x1bc: {  	v0 =	vadd.f32 v29, v0  }
0x1bd: {  	v32 =	vld [tilespmem:$0x40C0]  }
0x1be: {  	v0 =	vadd.f32 v30, v0  }
0x1bf: {  	v33 =	vld [tilespmem:$0x40D0]  }
0x1c0: {  	v0 =	vadd.f32 v31, v0  }
0x1c1: {  	v34 =	vld [tilespmem:$0x40E0]  }
0x1c2: {  	v0 =	vadd.f32 v32, v0  }
0x1c3: {  	v35 =	vld [tilespmem:$0x40F0]  }
0x1c4: {  	v0 =	vadd.f32 v33, v0;
	_ =	sdelay $0x1  }
0x1c5: {  	v0 =	vadd.f32 v34, v0;
	_ =	sdelay $0x1  }
0x1c6: {  	v0 =	vadd.f32 v35, v0;
	_ =	sdelay $0x1  }
0x1c7: {  	s25 =	sadd.s32 @!p0 $0x3468, s23;
	s26 =	simm.s32 @!p0 $0x3A80;
	[tilespmem:s22+$0xFFFFFFF0] =	vst v0  }
0x1c8: {  	[tilespmem:s26], [sflag:$0x2] =	stream.indirect.gather @!p0 [hbm4b:s3+s24], $0x10, s25, s24, $0xb8;
	[tilespmem:$0x6E00] =	vst v63  }
0x1c9: {  	_ =	swait.ge [sflag:s17], $0x680  }
0x1ca: {  	[sflag:s17] =	ssyncset.done $0x0  }
0x1cb: {  	[sflag:s17] =	ssyncadd.s32 $0xFFFFF980  }
0x1cc: {  	v36 =	vld [tilespmem:$0x4100]  }
0x1cd: {  	v37 =	vld [tilespmem:$0x4110];
	_ =	sdelay $0x1  }
0x1ce: {  	v38 =	vld [tilespmem:$0x4120];
	_ =	sdelay $0x1  }
0x1cf: {  	v39 =	vld [tilespmem:$0x4130]  }
0x1d0: {  	v0 =	vadd.f32 v37, v36  }
0x1d1: {  	v40 =	vld [tilespmem:$0x4140]  }
0x1d2: {  	v0 =	vadd.f32 v38, v0  }
0x1d3: {  	v41 =	vld [tilespmem:$0x4150]  }
0x1d4: {  	v0 =	vadd.f32 v39, v0  }
0x1d5: {  	v42 =	vld [tilespmem:$0x4160]  }
0x1d6: {  	v0 =	vadd.f32 v40, v0  }
0x1d7: {  	v43 =	vld [tilespmem:$0x4170]  }
0x1d8: {  	v0 =	vadd.f32 v41, v0  }
0x1d9: {  	v44 =	vld [tilespmem:$0x4180]  }
0x1da: {  	v0 =	vadd.f32 v42, v0  }
0x1db: {  	v45 =	vld [tilespmem:$0x4190]  }
0x1dc: {  	v0 =	vadd.f32 v43, v0  }
0x1dd: {  	v46 =	vld [tilespmem:$0x41A0]  }
0x1de: {  	v0 =	vadd.f32 v44, v0  }
0x1df: {  	v47 =	vld [tilespmem:$0x41B0]  }
0x1e0: {  	v0 =	vadd.f32 v45, v0  }
0x1e1: {  	v48 =	vld [tilespmem:$0x41C0]  }
0x1e2: {  	v0 =	vadd.f32 v46, v0  }
0x1e3: {  	v49 =	vld [tilespmem:$0x41D0]  }
0x1e4: {  	v0 =	vadd.f32 v47, v0  }
0x1e5: {  	v50 =	vld [tilespmem:$0x41E0]  }
0x1e6: {  	v0 =	vadd.f32 v48, v0  }
0x1e7: {  	v51 =	vld [tilespmem:$0x41F0]  }
0x1e8: {  	v0 =	vadd.f32 v49, v0  }
0x1e9: {  	v52 =	vld [tilespmem:$0x4200]  }
0x1ea: {  	v0 =	vadd.f32 v50, v0  }
0x1eb: {  	v53 =	vld [tilespmem:$0x4210]  }
0x1ec: {  	v0 =	vadd.f32 v51, v0  }
0x1ed: {  	v54 =	vld [tilespmem:$0x4220]  }
0x1ee: {  	v0 =	vadd.f32 v52, v0  }
0x1ef: {  	v55 =	vld [tilespmem:$0x4230]  }
0x1f0: {  	v0 =	vadd.f32 v53, v0  }
0x1f1: {  	v56 =	vld [tilespmem:$0x4240]  }
0x1f2: {  	v0 =	vadd.f32 v54, v0  }
0x1f3: {  	v57 =	vld [tilespmem:$0x4250]  }
0x1f4: {  	v0 =	vadd.f32 v55, v0  }
0x1f5: {  	v58 =	vld [tilespmem:$0x4260]  }
0x1f6: {  	v0 =	vadd.f32 v56, v0  }
0x1f7: {  	v59 =	vld [tilespmem:$0x4270]  }
0x1f8: {  	v0 =	vadd.f32 v57, v0  }
0x1f9: {  	v60 =	vld [tilespmem:$0x4280]  }
0x1fa: {  	v0 =	vadd.f32 v58, v0  }
0x1fb: {  	v61 =	vld [tilespmem:$0x4290]  }
0x1fc: {  	v0 =	vadd.f32 v59, v0;
	_ =	sdelay $0x1  }
0x1fd: {  	v0 =	vadd.f32 v60, v0;
	_ =	sdelay $0x1  }
0x1fe: {  	v0 =	vadd.f32 v61, v0;
	_ =	sdelay $0x1  }
0x1ff: {  	[tilespmem:s22+$0x0] =	vst v0  }
0x200: {  	v0 =	vld [tilespmem:$0x42A0]  }
0x201: {  	v62 =	vld [tilespmem:$0x42B0];
	_ =	sdelay $0x1  }
0x202: {  	v63 =	vld [tilespmem:$0x42C0];
	_ =	sdelay $0x1  }
0x203: {  	v6 =	vld [tilespmem:$0x42D0]  }
0x204: {  	v0 =	vadd.f32 v62, v0  }
0x205: {  	v7 =	vld [tilespmem:$0x42E0]  }
0x206: {  	v0 =	vadd.f32 v63, v0  }
0x207: {  	v8 =	vld [tilespmem:$0x42F0]  }
0x208: {  	v0 =	vadd.f32 v6, v0  }
0x209: {  	v9 =	vld [tilespmem:$0x4300]  }
0x20a: {  	v0 =	vadd.f32 v7, v0  }
0x20b: {  	v10 =	vld [tilespmem:$0x4310]  }
0x20c: {  	v0 =	vadd.f32 v8, v0  }
0x20d: {  	v11 =	vld [tilespmem:$0x4320]  }
0x20e: {  	v0 =	vadd.f32 v9, v0  }
0x20f: {  	v12 =	vld [tilespmem:$0x4330]  }
0x210: {  	v0 =	vadd.f32 v10, v0  }
0x211: {  	v13 =	vld [tilespmem:$0x4340]  }
0x212: {  	v0 =	vadd.f32 v11, v0  }
0x213: {  	v14 =	vld [tilespmem:$0x4350]  }
0x214: {  	v0 =	vadd.f32 v12, v0  }
0x215: {  	v15 =	vld [tilespmem:$0x4360]  }
0x216: {  	v0 =	vadd.f32 v13, v0  }
0x217: {  	v16 =	vld [tilespmem:$0x4370]  }
0x218: {  	v0 =	vadd.f32 v14, v0  }
0x219: {  	v17 =	vld [tilespmem:$0x4380]  }
0x21a: {  	v0 =	vadd.f32 v15, v0  }
0x21b: {  	v18 =	vld [tilespmem:$0x4390]  }
0x21c: {  	v0 =	vadd.f32 v16, v0  }
0x21d: {  	v19 =	vld [tilespmem:$0x43A0]  }
0x21e: {  	v0 =	vadd.f32 v17, v0  }
0x21f: {  	v20 =	vld [tilespmem:$0x43B0]  }
0x220: {  	v0 =	vadd.f32 v18, v0  }
0x221: {  	v21 =	vld [tilespmem:$0x43C0]  }
0x222: {  	v0 =	vadd.f32 v19, v0  }
0x223: {  	v22 =	vld [tilespmem:$0x43D0]  }
0x224: {  	v0 =	vadd.f32 v20, v0  }
0x225: {  	v23 =	vld [tilespmem:$0x43E0]  }
0x226: {  	v0 =	vadd.f32 v21, v0  }
0x227: {  	v24 =	vld [tilespmem:$0x43F0]  }
0x228: {  	v0 =	vadd.f32 v22, v0  }
0x229: {  	v25 =	vld [tilespmem:$0x4400]  }
0x22a: {  	v0 =	vadd.f32 v23, v0  }
0x22b: {  	v26 =	vld [tilespmem:$0x4410]  }
0x22c: {  	v0 =	vadd.f32 v24, v0  }
0x22d: {  	v27 =	vld [tilespmem:$0x4420]  }
0x22e: {  	v0 =	vadd.f32 v25, v0  }
0x22f: {  	v28 =	vld [tilespmem:$0x4430]  }
0x230: {  	v0 =	vadd.f32 v26, v0;
	_ =	sdelay $0x1  }
0x231: {  	v0 =	vadd.f32 v27, v0;
	_ =	sdelay $0x1  }
0x232: {  	v0 =	vadd.f32 v28, v0;
	_ =	sdelay $0x1  }
0x233: {  	[tilespmem:s22+$0x10] =	vst v0  }
0x234: {  	v0 =	vld [tilespmem:$0x4440]  }
0x235: {  	v29 =	vld [tilespmem:$0x4450];
	_ =	sdelay $0x1  }
0x236: {  	v30 =	vld [tilespmem:$0x4460];
	_ =	sdelay $0x1  }
0x237: {  	v31 =	vld [tilespmem:$0x4470]  }
0x238: {  	v0 =	vadd.f32 v29, v0  }
0x239: {  	v32 =	vld [tilespmem:$0x4480]  }
0x23a: {  	v0 =	vadd.f32 v30, v0  }
0x23b: {  	v33 =	vld [tilespmem:$0x4490]  }
0x23c: {  	v0 =	vadd.f32 v31, v0  }
0x23d: {  	v34 =	vld [tilespmem:$0x44A0]  }
0x23e: {  	v0 =	vadd.f32 v32, v0  }
0x23f: {  	v35 =	vld [tilespmem:$0x44B0]  }
0x240: {  	v0 =	vadd.f32 v33, v0  }
0x241: {  	v36 =	vld [tilespmem:$0x44C0]  }
0x242: {  	v0 =	vadd.f32 v34, v0  }
0x243: {  	v37 =	vld [tilespmem:$0x44D0]  }
0x244: {  	v0 =	vadd.f32 v35, v0  }
0x245: {  	v38 =	vld [tilespmem:$0x44E0]  }
0x246: {  	v0 =	vadd.f32 v36, v0  }
0x247: {  	v39 =	vld [tilespmem:$0x44F0]  }
0x248: {  	v0 =	vadd.f32 v37, v0  }
0x249: {  	v40 =	vld [tilespmem:$0x4500]  }
0x24a: {  	v0 =	vadd.f32 v38, v0  }
0x24b: {  	v41 =	vld [tilespmem:$0x4510]  }
0x24c: {  	v0 =	vadd.f32 v39, v0  }
0x24d: {  	v42 =	vld [tilespmem:$0x4520]  }
0x24e: {  	v0 =	vadd.f32 v40, v0  }
0x24f: {  	v43 =	vld [tilespmem:$0x4530]  }
0x250: {  	v0 =	vadd.f32 v41, v0  }
0x251: {  	v44 =	vld [tilespmem:$0x4540]  }
0x252: {  	v0 =	vadd.f32 v42, v0  }
0x253: {  	v45 =	vld [tilespmem:$0x4550]  }
0x254: {  	v0 =	vadd.f32 v43, v0  }
0x255: {  	v46 =	vld [tilespmem:$0x4560]  }
0x256: {  	v0 =	vadd.f32 v44, v0  }
0x257: {  	v47 =	vld [tilespmem:$0x4570]  }
0x258: {  	v0 =	vadd.f32 v45, v0  }
0x259: {  	v48 =	vld [tilespmem:$0x4580]  }
0x25a: {  	v0 =	vadd.f32 v46, v0  }
0x25b: {  	v49 =	vld [tilespmem:$0x4590]  }
0x25c: {  	v0 =	vadd.f32 v47, v0  }
0x25d: {  	v50 =	vld [tilespmem:$0x45A0]  }
0x25e: {  	v0 =	vadd.f32 v48, v0  }
0x25f: {  	v51 =	vld [tilespmem:$0x45B0]  }
0x260: {  	v0 =	vadd.f32 v49, v0  }
0x261: {  	v52 =	vld [tilespmem:$0x45C0]  }
0x262: {  	v0 =	vadd.f32 v50, v0  }
0x263: {  	v53 =	vld [tilespmem:$0x45D0]  }
0x264: {  	v0 =	vadd.f32 v51, v0;
	_ =	sdelay $0x1  }
0x265: {  	v0 =	vadd.f32 v52, v0;
	_ =	sdelay $0x1  }
0x266: {  	v0 =	vadd.f32 v53, v0;
	_ =	sdelay $0x1  }
0x267: {  	[tilespmem:s22+$0x20] =	vst v0  }
0x268: {  	v0 =	vld [tilespmem:$0x45E0]  }
0x269: {  	v54 =	vld [tilespmem:$0x45F0];
	_ =	sdelay $0x1  }
0x26a: {  	v55 =	vld [tilespmem:$0x4600];
	_ =	sdelay $0x1  }
0x26b: {  	v56 =	vld [tilespmem:$0x4610]  }
0x26c: {  	v0 =	vadd.f32 v54, v0  }
0x26d: {  	v57 =	vld [tilespmem:$0x4620]  }
0x26e: {  	v0 =	vadd.f32 v55, v0  }
0x26f: {  	v58 =	vld [tilespmem:$0x4630]  }
0x270: {  	v0 =	vadd.f32 v56, v0  }
0x271: {  	v59 =	vld [tilespmem:$0x4640]  }
0x272: {  	v0 =	vadd.f32 v57, v0  }
0x273: {  	v60 =	vld [tilespmem:$0x4650]  }
0x274: {  	v0 =	vadd.f32 v58, v0  }
0x275: {  	v61 =	vld [tilespmem:$0x4660]  }
0x276: {  	v0 =	vadd.f32 v59, v0  }
0x277: {  	v62 =	vld [tilespmem:$0x4670]  }
0x278: {  	v0 =	vadd.f32 v60, v0  }
0x279: {  	v63 =	vld [tilespmem:$0x4680]  }
0x27a: {  	v0 =	vadd.f32 v61, v0  }
0x27b: {  	v6 =	vld [tilespmem:$0x4690]  }
0x27c: {  	v0 =	vadd.f32 v62, v0  }
0x27d: {  	v7 =	vld [tilespmem:$0x46A0]  }
0x27e: {  	v0 =	vadd.f32 v63, v0  }
0x27f: {  	v8 =	vld [tilespmem:$0x46B0]  }
0x280: {  	v0 =	vadd.f32 v6, v0  }
0x281: {  	v9 =	vld [tilespmem:$0x46C0]  }
0x282: {  	v0 =	vadd.f32 v7, v0  }
0x283: {  	v10 =	vld [tilespmem:$0x46D0]  }
0x284: {  	v0 =	vadd.f32 v8, v0  }
0x285: {  	v11 =	vld [tilespmem:$0x46E0]  }
0x286: {  	v0 =	vadd.f32 v9, v0  }
0x287: {  	v12 =	vld [tilespmem:$0x46F0]  }
0x288: {  	v0 =	vadd.f32 v10, v0  }
0x289: {  	v13 =	vld [tilespmem:$0x4700]  }
0x28a: {  	v0 =	vadd.f32 v11, v0  }
0x28b: {  	v14 =	vld [tilespmem:$0x4710]  }
0x28c: {  	v0 =	vadd.f32 v12, v0  }
0x28d: {  	v15 =	vld [tilespmem:$0x4720]  }
0x28e: {  	v0 =	vadd.f32 v13, v0  }
0x28f: {  	v16 =	vld [tilespmem:$0x4730]  }
0x290: {  	v0 =	vadd.f32 v14, v0  }
0x291: {  	v17 =	vld [tilespmem:$0x4740]  }
0x292: {  	v0 =	vadd.f32 v15, v0  }
0x293: {  	v18 =	vld [tilespmem:$0x4750]  }
0x294: {  	v0 =	vadd.f32 v16, v0  }
0x295: {  	v19 =	vld [tilespmem:$0x4760]  }
0x296: {  	v0 =	vadd.f32 v17, v0  }
0x297: {  	v20 =	vld [tilespmem:$0x4770]  }
0x298: {  	v0 =	vadd.f32 v18, v0;
	_ =	sdelay $0x1  }
0x299: {  	v0 =	vadd.f32 v19, v0;
	_ =	sdelay $0x1  }
0x29a: {  	v0 =	vadd.f32 v20, v0;
	_ =	sdelay $0x1  }
0x29b: {  	s23 =	sadd.s32 @!p0 $0x34D0, s23;
	s25 =	simm.s32 @!p0 $0x4100;
	[tilespmem:s22+$0x30] =	vst v0  }
0x29c: {  	[tilespmem:s25], [sflag:$0x3] =	stream.indirect.gather @!p0 [hbm4b:s3+s24], $0x10, s23, s24, $0xb8;
	[tilespmem:$0x6E00] =	vst v63  }
0x29d: {  	_ =	swait.ge [sflag:s18], $0x680  }
0x29e: {  	[sflag:s18] =	ssyncset.done $0x0  }
0x29f: {  	[sflag:s18] =	ssyncadd.s32 $0xFFFFF980  }
0x2a0: {  	v21 =	vld [tilespmem:$0x4780]  }
0x2a1: {  	v22 =	vld [tilespmem:$0x4790];
	_ =	sdelay $0x1  }
0x2a2: {  	v23 =	vld [tilespmem:$0x47A0];
	_ =	sdelay $0x1  }
0x2a3: {  	v24 =	vld [tilespmem:$0x47B0]  }
0x2a4: {  	v0 =	vadd.f32 v22, v21  }
0x2a5: {  	v25 =	vld [tilespmem:$0x47C0]  }
0x2a6: {  	v0 =	vadd.f32 v23, v0  }
0x2a7: {  	v26 =	vld [tilespmem:$0x47D0]  }
0x2a8: {  	v0 =	vadd.f32 v24, v0  }
0x2a9: {  	v27 =	vld [tilespmem:$0x47E0]  }
0x2aa: {  	v0 =	vadd.f32 v25, v0  }
0x2ab: {  	v28 =	vld [tilespmem:$0x47F0]  }
0x2ac: {  	v0 =	vadd.f32 v26, v0  }
0x2ad: {  	v29 =	vld [tilespmem:$0x4800]  }
0x2ae: {  	v0 =	vadd.f32 v27, v0  }
0x2af: {  	v30 =	vld [tilespmem:$0x4810]  }
0x2b0: {  	v0 =	vadd.f32 v28, v0  }
0x2b1: {  	v31 =	vld [tilespmem:$0x4820]  }
0x2b2: {  	v0 =	vadd.f32 v29, v0  }
0x2b3: {  	v32 =	vld [tilespmem:$0x4830]  }
0x2b4: {  	v0 =	vadd.f32 v30, v0  }
0x2b5: {  	v33 =	vld [tilespmem:$0x4840]  }
0x2b6: {  	v0 =	vadd.f32 v31, v0  }
0x2b7: {  	v34 =	vld [tilespmem:$0x4850]  }
0x2b8: {  	v0 =	vadd.f32 v32, v0  }
0x2b9: {  	v35 =	vld [tilespmem:$0x4860]  }
0x2ba: {  	v0 =	vadd.f32 v33, v0  }
0x2bb: {  	v36 =	vld [tilespmem:$0x4870]  }
0x2bc: {  	v0 =	vadd.f32 v34, v0  }
0x2bd: {  	v37 =	vld [tilespmem:$0x4880]  }
0x2be: {  	v0 =	vadd.f32 v35, v0  }
0x2bf: {  	v38 =	vld [tilespmem:$0x4890]  }
0x2c0: {  	v0 =	vadd.f32 v36, v0  }
0x2c1: {  	v39 =	vld [tilespmem:$0x48A0]  }
0x2c2: {  	v0 =	vadd.f32 v37, v0  }
0x2c3: {  	v40 =	vld [tilespmem:$0x48B0]  }
0x2c4: {  	v0 =	vadd.f32 v38, v0  }
0x2c5: {  	v41 =	vld [tilespmem:$0x48C0]  }
0x2c6: {  	v0 =	vadd.f32 v39, v0  }
0x2c7: {  	v42 =	vld [tilespmem:$0x48D0]  }
0x2c8: {  	v0 =	vadd.f32 v40, v0  }
0x2c9: {  	v43 =	vld [tilespmem:$0x48E0]  }
0x2ca: {  	v0 =	vadd.f32 v41, v0  }
0x2cb: {  	v44 =	vld [tilespmem:$0x48F0]  }
0x2cc: {  	v0 =	vadd.f32 v42, v0  }
0x2cd: {  	v45 =	vld [tilespmem:$0x4900]  }
0x2ce: {  	v0 =	vadd.f32 v43, v0  }
0x2cf: {  	v46 =	vld [tilespmem:$0x4910]  }
0x2d0: {  	v0 =	vadd.f32 v44, v0;
	_ =	sdelay $0x1  }
0x2d1: {  	v0 =	vadd.f32 v45, v0;
	_ =	sdelay $0x1  }
0x2d2: {  	v0 =	vadd.f32 v46, v0;
	_ =	sdelay $0x1  }
0x2d3: {  	[tilespmem:s22+$0x40] =	vst v0  }
0x2d4: {  	v0 =	vld [tilespmem:$0x4920]  }
0x2d5: {  	v47 =	vld [tilespmem:$0x4930];
	_ =	sdelay $0x1  }
0x2d6: {  	v48 =	vld [tilespmem:$0x4940];
	_ =	sdelay $0x1  }
0x2d7: {  	v49 =	vld [tilespmem:$0x4950]  }
0x2d8: {  	v0 =	vadd.f32 v47, v0  }
0x2d9: {  	v50 =	vld [tilespmem:$0x4960]  }
0x2da: {  	v0 =	vadd.f32 v48, v0  }
0x2db: {  	v51 =	vld [tilespmem:$0x4970]  }
0x2dc: {  	v0 =	vadd.f32 v49, v0  }
0x2dd: {  	v52 =	vld [tilespmem:$0x4980]  }
0x2de: {  	v0 =	vadd.f32 v50, v0  }
0x2df: {  	v53 =	vld [tilespmem:$0x4990]  }
0x2e0: {  	v0 =	vadd.f32 v51, v0  }
0x2e1: {  	v54 =	vld [tilespmem:$0x49A0]  }
0x2e2: {  	v0 =	vadd.f32 v52, v0  }
0x2e3: {  	v55 =	vld [tilespmem:$0x49B0]  }
0x2e4: {  	v0 =	vadd.f32 v53, v0  }
0x2e5: {  	v56 =	vld [tilespmem:$0x49C0]  }
0x2e6: {  	v0 =	vadd.f32 v54, v0  }
0x2e7: {  	v57 =	vld [tilespmem:$0x49D0]  }
0x2e8: {  	v0 =	vadd.f32 v55, v0  }
0x2e9: {  	v58 =	vld [tilespmem:$0x49E0]  }
0x2ea: {  	v0 =	vadd.f32 v56, v0  }
0x2eb: {  	v59 =	vld [tilespmem:$0x49F0]  }
0x2ec: {  	v0 =	vadd.f32 v57, v0  }
0x2ed: {  	v60 =	vld [tilespmem:$0x4A00]  }
0x2ee: {  	v0 =	vadd.f32 v58, v0  }
0x2ef: {  	v61 =	vld [tilespmem:$0x4A10]  }
0x2f0: {  	v0 =	vadd.f32 v59, v0  }
0x2f1: {  	v62 =	vld [tilespmem:$0x4A20]  }
0x2f2: {  	v0 =	vadd.f32 v60, v0  }
0x2f3: {  	v63 =	vld [tilespmem:$0x4A30]  }
0x2f4: {  	v0 =	vadd.f32 v61, v0  }
0x2f5: {  	v6 =	vld [tilespmem:$0x4A40]  }
0x2f6: {  	v0 =	vadd.f32 v62, v0  }
0x2f7: {  	v7 =	vld [tilespmem:$0x4A50]  }
0x2f8: {  	v0 =	vadd.f32 v63, v0  }
0x2f9: {  	v8 =	vld [tilespmem:$0x4A60]  }
0x2fa: {  	v0 =	vadd.f32 v6, v0  }
0x2fb: {  	v9 =	vld [tilespmem:$0x4A70]  }
0x2fc: {  	v0 =	vadd.f32 v7, v0  }
0x2fd: {  	v10 =	vld [tilespmem:$0x4A80]  }
0x2fe: {  	v0 =	vadd.f32 v8, v0  }
0x2ff: {  	v11 =	vld [tilespmem:$0x4A90]  }
0x300: {  	v0 =	vadd.f32 v9, v0  }
0x301: {  	v12 =	vld [tilespmem:$0x4AA0]  }
0x302: {  	v0 =	vadd.f32 v10, v0  }
0x303: {  	v13 =	vld [tilespmem:$0x4AB0]  }
0x304: {  	v0 =	vadd.f32 v11, v0;
	_ =	sdelay $0x1  }
0x305: {  	v0 =	vadd.f32 v12, v0;
	_ =	sdelay $0x1  }
0x306: {  	v0 =	vadd.f32 v13, v0;
	_ =	sdelay $0x1  }
0x307: {  	[tilespmem:s22+$0x50] =	vst v0  }
0x308: {  	v0 =	vld [tilespmem:$0x4AC0]  }
0x309: {  	v14 =	vld [tilespmem:$0x4AD0];
	_ =	sdelay $0x1  }
0x30a: {  	v15 =	vld [tilespmem:$0x4AE0];
	_ =	sdelay $0x1  }
0x30b: {  	v16 =	vld [tilespmem:$0x4AF0]  }
0x30c: {  	v0 =	vadd.f32 v14, v0  }
0x30d: {  	v17 =	vld [tilespmem:$0x4B00]  }
0x30e: {  	v0 =	vadd.f32 v15, v0  }
0x30f: {  	v18 =	vld [tilespmem:$0x4B10]  }
0x310: {  	v0 =	vadd.f32 v16, v0  }
0x311: {  	v19 =	vld [tilespmem:$0x4B20]  }
0x312: {  	v0 =	vadd.f32 v17, v0  }
0x313: {  	v20 =	vld [tilespmem:$0x4B30]  }
0x314: {  	v0 =	vadd.f32 v18, v0  }
0x315: {  	v21 =	vld [tilespmem:$0x4B40]  }
0x316: {  	v0 =	vadd.f32 v19, v0  }
0x317: {  	v22 =	vld [tilespmem:$0x4B50]  }
0x318: {  	v0 =	vadd.f32 v20, v0  }
0x319: {  	v23 =	vld [tilespmem:$0x4B60]  }
0x31a: {  	v0 =	vadd.f32 v21, v0  }
0x31b: {  	v24 =	vld [tilespmem:$0x4B70]  }
0x31c: {  	v0 =	vadd.f32 v22, v0  }
0x31d: {  	v25 =	vld [tilespmem:$0x4B80]  }
0x31e: {  	v0 =	vadd.f32 v23, v0  }
0x31f: {  	v26 =	vld [tilespmem:$0x4B90]  }
0x320: {  	v0 =	vadd.f32 v24, v0  }
0x321: {  	v27 =	vld [tilespmem:$0x4BA0]  }
0x322: {  	v0 =	vadd.f32 v25, v0  }
0x323: {  	v28 =	vld [tilespmem:$0x4BB0]  }
0x324: {  	v0 =	vadd.f32 v26, v0  }
0x325: {  	v29 =	vld [tilespmem:$0x4BC0]  }
0x326: {  	v0 =	vadd.f32 v27, v0  }
0x327: {  	v30 =	vld [tilespmem:$0x4BD0]  }
0x328: {  	v0 =	vadd.f32 v28, v0  }
0x329: {  	v31 =	vld [tilespmem:$0x4BE0]  }
0x32a: {  	v0 =	vadd.f32 v29, v0  }
0x32b: {  	v32 =	vld [tilespmem:$0x4BF0]  }
0x32c: {  	v0 =	vadd.f32 v30, v0  }
0x32d: {  	v33 =	vld [tilespmem:$0x4C00]  }
0x32e: {  	v0 =	vadd.f32 v31, v0  }
0x32f: {  	v34 =	vld [tilespmem:$0x4C10]  }
0x330: {  	v0 =	vadd.f32 v32, v0  }
0x331: {  	v35 =	vld [tilespmem:$0x4C20]  }
0x332: {  	v0 =	vadd.f32 v33, v0  }
0x333: {  	v36 =	vld [tilespmem:$0x4C30]  }
0x334: {  	v0 =	vadd.f32 v34, v0  }
0x335: {  	v37 =	vld [tilespmem:$0x4C40]  }
0x336: {  	v0 =	vadd.f32 v35, v0  }
0x337: {  	v38 =	vld [tilespmem:$0x4C50]  }
0x338: {  	v0 =	vadd.f32 v36, v0;
	_ =	sdelay $0x1  }
0x339: {  	v0 =	vadd.f32 v37, v0;
	_ =	sdelay $0x1  }
0x33a: {  	v0 =	vadd.f32 v38, v0;
	_ =	sdelay $0x1  }
0x33b: {  	[tilespmem:s22+$0x60] =	vst v0  }
0x33c: {  	v0 =	vld [tilespmem:$0x4C60]  }
0x33d: {  	v39 =	vld [tilespmem:$0x4C70];
	_ =	sdelay $0x1  }
0x33e: {  	v40 =	vld [tilespmem:$0x4C80];
	_ =	sdelay $0x1  }
0x33f: {  	v41 =	vld [tilespmem:$0x4C90]  }
0x340: {  	v0 =	vadd.f32 v39, v0  }
0x341: {  	v42 =	vld [tilespmem:$0x4CA0]  }
0x342: {  	v0 =	vadd.f32 v40, v0  }
0x343: {  	v43 =	vld [tilespmem:$0x4CB0]  }
0x344: {  	v0 =	vadd.f32 v41, v0  }
0x345: {  	v44 =	vld [tilespmem:$0x4CC0]  }
0x346: {  	v0 =	vadd.f32 v42, v0  }
0x347: {  	v45 =	vld [tilespmem:$0x4CD0]  }
0x348: {  	v0 =	vadd.f32 v43, v0  }
0x349: {  	v46 =	vld [tilespmem:$0x4CE0]  }
0x34a: {  	v0 =	vadd.f32 v44, v0  }
0x34b: {  	v47 =	vld [tilespmem:$0x4CF0]  }
0x34c: {  	v0 =	vadd.f32 v45, v0  }
0x34d: {  	v48 =	vld [tilespmem:$0x4D00]  }
0x34e: {  	v0 =	vadd.f32 v46, v0  }
0x34f: {  	v49 =	vld [tilespmem:$0x4D10]  }
0x350: {  	v0 =	vadd.f32 v47, v0  }
0x351: {  	v50 =	vld [tilespmem:$0x4D20]  }
0x352: {  	v0 =	vadd.f32 v48, v0  }
0x353: {  	v51 =	vld [tilespmem:$0x4D30]  }
0x354: {  	v0 =	vadd.f32 v49, v0  }
0x355: {  	v52 =	vld [tilespmem:$0x4D40]  }
0x356: {  	v0 =	vadd.f32 v50, v0  }
0x357: {  	v53 =	vld [tilespmem:$0x4D50]  }
0x358: {  	v0 =	vadd.f32 v51, v0  }
0x359: {  	v54 =	vld [tilespmem:$0x4D60]  }
0x35a: {  	v0 =	vadd.f32 v52, v0  }
0x35b: {  	v55 =	vld [tilespmem:$0x4D70]  }
0x35c: {  	v0 =	vadd.f32 v53, v0  }
0x35d: {  	v56 =	vld [tilespmem:$0x4D80]  }
0x35e: {  	v0 =	vadd.f32 v54, v0  }
0x35f: {  	v57 =	vld [tilespmem:$0x4D90]  }
0x360: {  	v0 =	vadd.f32 v55, v0  }
0x361: {  	v58 =	vld [tilespmem:$0x4DA0]  }
0x362: {  	v0 =	vadd.f32 v56, v0  }
0x363: {  	v59 =	vld [tilespmem:$0x4DB0]  }
0x364: {  	v0 =	vadd.f32 v57, v0  }
0x365: {  	v60 =	vld [tilespmem:$0x4DC0]  }
0x366: {  	v0 =	vadd.f32 v58, v0  }
0x367: {  	v61 =	vld [tilespmem:$0x4DD0]  }
0x368: {  	v0 =	vadd.f32 v59, v0  }
0x369: {  	v62 =	vld [tilespmem:$0x4DE0]  }
0x36a: {  	v0 =	vadd.f32 v60, v0  }
0x36b: {  	v63 =	vld [tilespmem:$0x4DF0]  }
0x36c: {  	v0 =	vadd.f32 v61, v0;
	_ =	sdelay $0x1  }
.Ltmp2:
0x36d: {  	v0 =	vadd.f32 v62, v0;
	(pc) =	sbr.rel @p0 .LBB2_4-.Ltmp2, $3  }
0x36e: {  	_ = 	snop  }
0x36f: {  	v0 =	vadd.f32 v63, v0;
	_ =	sdelay $0x1  }
0x370: {  	[tilespmem:s22+$0x70] =	vst v0  }
.Ltmp3:
0x371: {  	(pc) =	sbr.rel .LBB2_2-.Ltmp3, $4  }
0x372: {  	_ = 	snop  }
0x373: {  	s23 =	sshra.s32 s21, $0x2  }
0x374: {  	s21 =	sadd.s32 $0x680, s21;
	s22 =	sadd.s32 $0x100, s22;
	s23 =	sadd.s32 $0x3538, s23  }
0x375: {  	[tilespmem:s14], [sflag:$0x4] =	stream.indirect.gather [hbm4b:s3+s8], $0x10, s23, s8, $0xb8;
	[tilespmem:$0x6E00] =	vst v63  }
.LBB2_5:
0x376: {  	_ =	sfence.sel $0x180000  }
0x377: {  	[bflag:$0x0] =	sbarrier.arrive $0xFFFF  }
0x378: {  	p0 =	sne.s32 s1, $0x0;
	_ =	strace $0x9000004A  }
0x379: {  	s0 =	sadd.s32 @!p0 $0x100000, s0;
	[bflag:$0x2] =	sbarrier.arrive $0xFFFF  }
0x37a: {  	[sflag:s0] =	ssyncadd.tile.s32 @!p0 $0x1;
	_ =	shalt  }
.Lfunc_end2:
_tile_overlayer_lowered:
.L_overlay_start_2:
0x37b: {  	(tag) =	ssettag $0x2  }
0x37c: {  	s0 =	rddreg [dreg:$0x0];
	s2 =	stileid.u32  }
0x37d: {  	s1 =	rddreg [dreg:$0x1];
	p0 =	sne.s32 s2, $0x0  }
0x37e: {  	s3 =	rddreg [dreg:$0x2];
	[bflag:$0x3] =	sbarrier.arrive $0xFFFF;
	s2 =	simm.s32 @!p0 $0x1C05  }
0x37f: {  	[timem:s3], [sflag:s2] =	dma.local @!p0 [hbm:s0], s1  }
0x380: {  	s0 =	simm.s32 @!p0 $0x5  }
0x381: {  	_ =	swait.ge @!p0 [sflag:s0], s1  }
0x382: {  	s1 =	ssub.s32 @!p0 $0x0, s1;
	[sflag:s0] =	ssyncset.done @!p0 $0x0  }
0x383: {  	[sflag:s0] =	ssyncadd.s32 @!p0 s1  }
0x384: {  	[bflag:$0x3] =	sbarrier.arrive $0xFFFF  }
0x385: {  	_ =	shalt  }

// kernel: sparse-core-data-format-call.cloned.1.call-start
scs
called_computation_lowered:
.L_overlay_start_0:
0x0: {  	s1 =	sld [smem:$0x3FD9]  }
0x1: {  	s2 =	sld [smem:$0x3FFE];
	_ =	sdelay $0x1  }
0x2: {  	s3 =	srdreg.scid  }
0x3: {  	s0 =	sand.u32 $0x1, s3  }
0x4: {  	s17 =	sshll.u32 s0, $0xA;
	s1 =	sadd.s32 s2, s1  }
0x5: {  	s1 =	sadd.s32 s1, s17  }
0x6: {  	[smem:$0x3FC4] =	sst s1  }
0x7: {  	_ = 	snop  }
0x8: {  	(tm) =	ssettm $0x1  }
0x9: {  	s18 =	sld [smem:$0x3FFB];
	_ =	sdelay $0x3  }
0xa: {  	_ =	strace s18  }
0xb: {  	s1 =	sld [smem:$0x3FFC];
	_ =	sdelay $0x3  }
0xc: {  	_ =	strace s1  }
0xd: {  	s1 =	sld [smem:$0x3FFD];
	_ =	sdelay $0x3  }
0xe: {  	_ =	strace s1  }
0xf: {  	_ =	strace $0x8FFFFFFF  }
0x10: {  	s19 =	sld [smem:$0x3FDB];
	_ =	sdelay $0x1  }
0x11: {  	s20 =	simm.s32 $_scs_section_size  }
0x12: {  	s4 =	simm.s32 $_size__tile_overlayer_lowered;
	s5 =	simm.s32 $_tile_overlayer_lowered  }
0x13: {  	s23 =	simm.s32 $0x1BFF;
	s22 =	sshll.u32 s5, $0x1;
	s1 =	sadd.s32 s20, s19  }
0x14: {  	s6 =	simm.s32 $0x0;
	s21 =	sshll.u32 s4, $0x1;
	s4 =	sadd.s32 s22, s1  }
0x15: {  	[timem:s6], [sflag:s23] =	dma.local [hbm:s4], s21  }
0x16: {  	_ =	swait.ge [sflag:s23], s21  }
0x17: {  	s2 =	ssub.s32 $0x0, s21;
	[sflag:s23] =	ssyncset.done $0x0  }
0x18: {  	[sflag:s23] =	ssyncadd.s32 s2;
	_ =	sdelay $0x1  }
0x19: {  	s24 =	simm.s32 $0x1B8B  }
0x1a: {  	_ =	swait.ge [sflag:s24], $0x1  }
0x1b: {  	[sflag:s24] =	ssyncset.done $0x0  }
0x1c: {  	s26 =	simm.s32 $0x1B8E;
	s25 =	sld [smem:$0x3FFE];
	[sflag:s24] =	ssyncadd.s32 $0xFFFFFFFF  }
0x1d: {  	s27 =	simm.s32 $execute0_lowered;
	[smem:$0x3FD2] =	sst s26  }
0x1e: {  	s4 =	sshll.u32 s27, $0x1;
	_ =	strace $0x80000046;
	[dreg:$0x1] =	wrdreg $0xFFFFFFFF  }
0x1f: {  	s28 =	simm.s32 $_size_execute0_lowered;
	s1 =	sadd.s32 s1, s4;
	[dreg:$0x0] =	wrdreg $0x0  }
0x20: {  	s4 =	sshll.u32 s28, $0x1;
	[dreg:$0x2] =	wrdreg s1  }
0x21: {  	[dreg:$0x3] =	wrdreg s4  }
0x22: {  	[dreg:$0x4] =	wrdreg $0xC0  }
0x23: {  	_ =	task [dreg:s6], $0x5FFFF  }
0x24: {  	[dreg:$0x1] =	wrdreg $0xFFFFFFFF  }
0x25: {  	[dreg:$0x0] =	wrdreg $0x60  }
0x26: {  	[dreg:$0x2] =	wrdreg s25  }
0x27: {  	[dreg:$0x3] =	wrdreg $0x9  }
0x28: {  	_ =	task.clear_ibuf [dreg:s6], $0x4FFFF;
	_ =	strace $0x90000046  }
0x29: {  	s29 =	simm.s32 $0x9;
	_ =	strace $0x80000048  }
0x2a: {  	_ =	swait.ge [sflag:s29], $0x1  }
0x2b: {  	[sflag:s29] =	ssyncadd.s32 $0xFFFFFFFF  }
0x2c: {  	_ =	strace $0x90000048  }
0x2d: {  	_ =	sfence  }
0x2e: {  	s30 =	sld [smem:$0x0];
	_ =	sdelay $0x2  }
0x2f: {  	s31 =	sshll.u32 s3, $0xD;
	s3 =	sshrl.u32 s3, $0x2  }
0x30: {  	s2 =	sand.u32 $0x4000, s31;
	s1 =	sadd.s32 s3, s30  }
0x31: {  	s0 =	sor.u32 s2, s0;
	s1 =	sshll.u32 s1, $0x11  }
0x32: {  	s0 =	sor.u32 s1, s0  }
0x33: {  	s0 =	sadd.s32 $0x8F2B, s0  }
0x34: {  	[sflag:s0] =	ssyncadd.remote.s32 $0x1  }
0x35: {  	_ =	sfence.sel $0xFFFF  }
0x36: {  	[dreg:$0x0] =	wrdreg $0xFFFFFFFF;
	(pc) =	sbr.abs _section_cstart, $3  }
0x37: {  	[dreg:$0x1] =	wrdreg $0xFFFFFFFF  }
0x38: {  	_ =	task.clear_ibuf [dreg:s6], $0x2FFFF;
	_ =	strace $0x9FFFFFFF  }
0x39: {  	(tm) =	ssettm $0x7FFFFFFF  }
tec
execute0_lowered:
.L_overlay_start_1:
0x0: {  	(tag) =	ssettag $0x1  }
0x1: {  	s0 =	srdreg.scid  }
0x2: {  	s5 =	rddreg [dreg:$0x0];
	s1 =	stileid.u32;
	s4 =	simm.s32 $0x1  }
0x3: {  	s6 =	simm.s32 $0x2;
	s15 =	simm.s32 $0x0;
	p0 =	por $0x0, $0x0  }
0x4: {  	s8 =	simm.s32 $0x80;
	s14 =	simm.s32 $0x0;
	s2 =	sshll.u32 s0, $0x4  }
0x5: {  	s9 =	simm.s32 $0x0;
	s10 =	simm.s32 $0x0;
	s2 =	sand.u32 $0x10, s2  }
.Ltmp0:
0x6: {  	s12 =	simm.s32 $0x0;
	s3 =	sor.u32 s1, s2;
	(pc) =	sbr.rel .LBB1_1-.Ltmp0, $4  }
0x7: {  	s0 =	rddreg [dreg:$0x1];
	_ =	strace $0x80000047;
	s3 =	sshll.u32 s3, $0x7  }
0x8: {  	s13 =	simm.s32 $0x0;
	[sflag:s4] =	ssyncpa.u1 $0x0;
	s7 =	ssub.s32 $0xF4200, s3  }
0x9: {  	s2 =	sadd.s32 $0xC00, s5;
	[sflag:s6] =	ssyncpa.u1 $0x0;
	s6 =	sshrl.u32 s7, $0xC  }
0xa: {  	s5 =	sadd.s32 $0x1E9200, s5;
	s11 =	smov.u32 s3;
	s7 =	sadd.s32 $0x2, s6  }
.LBB1_5:
0xb: {  	p1 =	slt.u32 s13, $0x2  }
0xc: {  	s17 =	smov.u32 s15;
	p2 =	sgt.s32 @!p1 s15, $0xF41C0;
	s16 =	sshra.s32 @!p1 s15, $0x1F  }
0xd: {  	p3 =	sgt.s32 @!p1 s14, $0x70;
	s18 =	sshra.s32 @!p1 s14, $0x1F;
	p2 =	por !p2, p1  }
0xe: {  	s15 =	sand.u32 @!p1 s16, s15;
	p3 =	por !p3, p1;
	s16 =	smov.u32 s14  }
0xf: {  	s14 =	sand.u32 @!p1 s18, s14;
	s17 =	simm.s32 @p2 $0xF41C0;
	s16 =	simm.s32 @p3 $0x70  }
0x10: {  	s15 =	ssub.s32 @!p1 s17, s15;
	s14 =	ssub.s32 @!p1 s16, s14  }
0x11: {  	s18 =	smov.u32 s12;
	s16 =	sadd.s32 @!p1 $0xFFF0BE40, s15;
	s17 =	sadd.s32 @!p1 $0xFFFFFF90, s14  }
0x12: {  	s15 =	ssub.s32 @!p1 $0xF4240, s15;
	p2 =	sgt.s32 @!p1 s16, $0x7F;
	p3 =	sgt.s32 @!p1 s17, $0xF  }
0x13: {  	s14 =	ssub.s32 @!p1 $0x80, s14;
	p2 =	por !p2, p1;
	p3 =	por !p3, p1  }
0x14: {  	s16 =	sadd.s32 $0x1000, s11;
	s15 =	simm.s32 @!p2 $0x0;
	s14 =	simm.s32 @!p3 $0x0  }
0x15: {  	p2 =	sgt.s32 s16, $0xF423F;
	s14 =	smul.u32 @!p1 s14, s15;
	s15 =	sadd.s32 $0x10, s12  }
0x16: {  	s18 =	smov.u32 @p2 s15  }
0x17: {  	s16 =	smov.u32 @p2 s3;
	p2 =	sgt.s32 s18, $0xF  }
0x18: {  	s18 =	simm.s32 @p2 $0x0;
	p2 =	sne.s32 s13, s7  }
.Ltmp1:
0x19: {  	p0 =	por !p0, !p0;
	s17 =	simm.s32 @!p1 $0x2;
	(pc) =	sbr.rel @!p2 .LBB1_6-.Ltmp1, $4  }
0x1a: {  	s15 =	smov.u32 s9;
	s9 =	smov.u32 s11;
	s14 =	sand.u32 @!p1 $0x3FFFFFFF, s14  }
0x1b: {  	s11 =	smov.u32 s16;
	_ =	swait.ge @!p1 [sflag:s17], s14;
	s19 =	ssub.s32 @!p1 $0x0, s14  }
0x1c: {  	s14 =	smov.u32 s10;
	s13 =	sadd.s32 $0x1, s13;
	[sflag:s17] =	ssyncset.done @!p1 $0x0  }
0x1d: {  	s10 =	smov.u32 s12;
	s12 =	smov.u32 s18;
	[sflag:s17] =	ssyncadd.s32 @!p1 s19  }
.LBB1_1:
0x1e: {  	p1 =	sgt.u32 s13, s6  }
0x1f: {  	s16 =	sshrl.u32 @!p1 s12, $0x3  }
0x20: {  	s17 =	sshll.u32 @!p1 s11, $0x3;
	s16 =	smul.u32 @!p1 $0x7A1400, s16  }
0x21: {  	s18 =	sshll.u32 @!p1 s12, $0x7;
	s17 =	sand.u32 @!p1 $0xFFFFFC00, s17  }
0x22: {  	s16 =	sadd.s32 @!p1 s16, s17;
	s17 =	sand.u32 @!p1 $0x380, s18  }
0x23: {  	s18 =	sand.u32 @!p1 $0x7F, s11;
	s16 =	sor.u32 @!p1 s17, s16  }
0x24: {  	s17 =	sor.u32 @!p1 s18, s16  }
0x25: {  	s18 =	smulhi.u32 @!p1 $0x218D6287, s17;
	_ =	sdelay $0x1  }
0x26: {  	s16 =	smulhi.u32 @!p1 $0x218D6287, s16;
	s18 =	sshrl.u32 @!p1 s18, $0x11  }
0x27: {  	s18 =	smul.u32 @!p1 $0xF4280, s18  }
0x28: {  	s19 =	sxor.u32 @!p1 $0xFFFFFFFF, s13;
	s16 =	sshrl.u32 @!p1 s16, $0x11  }
0x29: {  	s19 =	sshll.u32 @!p1 s19, $0xB;
	s16 =	sand.u32 @!p1 $0xF, s16;
	s17 =	ssub.s32 @!p1 s17, s18  }
0x2a: {  	s16 =	smul.u32 @!p1 $0x1E850, s16;
	s18 =	sshrl.u32 @!p1 s17, $0x3;
	s17 =	sand.u32 @!p1 $0x7, s17  }
0x2b: {  	s19 =	sand.u32 @!p1 $0x800, s19;
	s18 =	sadd.s32 @!p1 s2, s18;
	s17 =	sshll.u32 @!p1 s17, $0x12  }
0x2c: {  	s16 =	sadd.s32 @!p1 s16, s18;
	s17 =	sor.u32 @!p1 $0x400, s17;
	s18 =	simm.s32 @!p1 $0x7A1400  }
0x2d: {  	[tilespmem:s19], [sflag:$0x1] =	stream.strided.gather @!p1 [hbm4b:s16+s17], $0x800, s18, s17, $0x38;
	[tilespmem:$0x2100] =	vst v63  }
0x2e: {  	p1 =	seq.s32 s13, $0x0  }
0x2f: {  	p2 =	sge.u32 @!p1 s13, s7  }
0x30: {  	p1 =	por p1, p2  }
.Ltmp2:
0x31: {  	_ = 	snop;
	(pc) =	sbr.rel @p1 .LBB1_5-.Ltmp2, $1  }
0x32: {  	_ =	sdelay $0x3  }
0x33: {  	s16 =	simm.s32 $0x1  }
0x34: {  	_ =	swait.ge [sflag:s4], $0x800;
	s16 =	simm.s32 @!p0 $0x0  }
0x35: {  	[sflag:s4] =	ssyncset.done $0x0;
	s17 =	sshll.u32 s16, $0xB  }
0x36: {  	[sflag:s4] =	ssyncadd.s32 $0xFFFFF800;
	s17 =	sor.u32 $0x40, s17  }
0x37: {  	s16 =	smul.u32 $0x2200, s16;
	v0 =	vld [tilespmem:s17+$0x30]  }
0x38: {  	v1 =	vld [tilespmem:s17+$0xFFFFFFD0]  }
0x39: {  	s16 =	sshrl.u32 s16, $0x2;
	v5 =	vld [tilespmem:s17+$0xFFFFFFE0]  }
0x3a: {  	v6 =	vld [tilespmem:s17+$0xFFFFFFF0];
	s19 =	sor.u32 $0x1000, s16  }
0x3b: {  	s31 =	sand.u32 $0x1, s13;
	v4 =	vld [tilespmem:s17+$0x0];
	s18 =	sadd.s32 $0x0, s19  }
0x3c: {  	v3 =	vld [tilespmem:s17+$0x10];
	s16 =	smul.u32 $0x2200, s31;
	[tilespmem:s18+$0x770 ss:$0x11] =	vst.msk $0xffff, v0  }
0x3d: {  	v2 =	vld [tilespmem:s17+$0x20];
	[tilespmem:s18+$0x110 ss:$0x11] =	vst.msk $0xffff, v1  }
0x3e: {  	s16 =	sshrl.u32 s16, $0x2;
	v1 =	vld [tilespmem:s17+$0xFFFFFFC0];
	[tilespmem:s18+$0x220 ss:$0x11] =	vst.msk $0xffff, v5;
	s17 =	sadd.s32 $0x80, s17  }
0x3f: {  	s20 =	simm.s32 $0x4;
	s21 =	simm.s32 $0x8;
	s16 =	sor.u32 $0x1000, s16;
	[tilespmem:s18+$0x330 ss:$0x11] =	vst.msk $0xffff, v6;
	v0 =	vld [tilespmem:s17+$0x30]  }
.LBB1_3:
0x40: {  	p1 =	sne.s32 s21, $0x3C;
	v5 =	vld [tilespmem:s17+$0xFFFFFFD0];
	[tilespmem:s18+$0x440 ss:$0x11] =	vst.msk $0xffff, v4  }
0x41: {  	v6 =	vld [tilespmem:s17+$0xFFFFFFE0];
	[tilespmem:s18+$0x550 ss:$0x11] =	vst.msk $0xffff, v3  }
0x42: {  	s22 =	sshra.s32 s20, $0x2;
	s20 =	smov.u32 s21;
	v7 =	vld [tilespmem:s17+$0xFFFFFFF0];
	[tilespmem:s18+$0x660 ss:$0x11] =	vst.msk $0xffff, v2  }
.Ltmp3:
0x43: {  	v4 =	vld [tilespmem:s17+$0x0];
	[tilespmem:s18+$0x0 ss:$0x11] =	vst.msk $0xffff, v1;
	s18 =	sadd.s32 s22, s19;
	(pc) =	sbr.rel @p1 .LBB1_3-.Ltmp3, $4  }
0x44: {  	v3 =	vld [tilespmem:s17+$0x10];
	[tilespmem:s18+$0x770 ss:$0x11] =	vst.msk $0xffff, v0  }
0x45: {  	[tilespmem:s18+$0x110 ss:$0x11] =	vst.msk $0xffff, v5;
	v2 =	vld [tilespmem:s17+$0x20]  }
0x46: {  	v1 =	vld [tilespmem:s17+$0xFFFFFFC0];
	[tilespmem:s18+$0x220 ss:$0x11] =	vst.msk $0xffff, v6;
	s17 =	sadd.s32 $0x80, s17  }
0x47: {  	s21 =	sadd.s32 $0x4, s21;
	v0 =	vld [tilespmem:s17+$0x30];
	[tilespmem:s18+$0x330 ss:$0x11] =	vst.msk $0xffff, v7  }
0x48: {  	s21 =	sshll.u32 s9, $0x7;
	s22 =	sshll.u32 s10, $0x3;
	s20 =	sshra.s32 s20, $0x2  }
0x49: {  	p1 =	sgt.s32 s9, $0xF41C0;
	s30 =	sshra.s32 s9, $0x1F;
	s25 =	sshra.s32 s10, $0x1F  }
0x4a: {  	v5 =	vld [tilespmem:s17+$0xFFFFFFD0];
	s28 =	sshrl.u32 s10, $0x3;
	s23 =	sand.u32 $0xFFFFFC00, s21;
	s22 =	sand.u32 $0xFFFFFC00, s22  }
0x4b: {  	[tilespmem:s18+$0x440 ss:$0x11] =	vst.msk $0xffff, v4;
	v58 =	vld [tilespmem:s17+$0xFFFFFFE0];
	s21 =	sand.u32 $0x380, s21;
	s19 =	sadd.s32 s20, s19;
	s22 =	sadd.s32 s22, s23  }
0x4c: {  	v59 =	vld [tilespmem:s17+$0xFFFFFFF0];
	[tilespmem:s18+$0x550 ss:$0x11] =	vst.msk $0xffff, v3;
	s29 =	sor.u32 s21, s22;
	s21 =	smov.u32 s9;
	s22 =	sand.u32 s30, s9  }
0x4d: {  	v60 =	vld [tilespmem:s17+$0x0];
	[tilespmem:s18+$0x660 ss:$0x11] =	vst.msk $0xffff, v2;
	s30 =	sand.u32 $0x7, s10;
	s20 =	sshrl.u32 s29, $0x7;
	s21 =	simm.s32 @!p1 $0xF41C0  }
0x4e: {  	v61 =	vld [tilespmem:s17+$0x10];
	[tilespmem:s18+$0x0 ss:$0x11] =	vst.msk $0xffff, v1;
	p1 =	sgt.s32 s10, $0x70;
	s24 =	ssub.s32 s21, s22;
	s21 =	smov.u32 s10  }
0x4f: {  	v62 =	vld [tilespmem:s17+$0x20];
	[tilespmem:s19+$0x770 ss:$0x11] =	vst.msk $0xffff, v0;
	s31 =	smulhi.u32 $0x218DEF5, s20;
	s22 =	sand.u32 s25, s10;
	s21 =	simm.s32 @!p1 $0x70  }
0x50: {  	v63 =	vld [tilespmem:s17+$0xFFFFFFC0];
	[tilespmem:s19+$0x110 ss:$0x11] =	vst.msk $0xffff, v5;
	s26 =	sadd.s32 $0xFFF0BE40, s24;
	s17 =	ssub.s32 $0xF4240, s24;
	s21 =	ssub.s32 s21, s22  }
0x51: {  	[tilespmem:s19+$0x220 ss:$0x11] =	vst.msk $0xffff, v58;
	s23 =	sshrl.u32 s31, $0xD;
	p1 =	sgt.s32 s26, $0x7F;
	s27 =	sadd.s32 $0xFFFFFF90, s21  }
0x52: {  	[tilespmem:s19+$0x330 ss:$0x11] =	vst.msk $0xffff, v59;
	s23 =	smul.u32 $0xF4240, s23;
	s18 =	ssub.s32 $0x80, s21;
	p2 =	sgt.s32 s27, $0xF  }
.Ltmp4:
0x53: {  	[tilespmem:s19+$0x440 ss:$0x11] =	vst.msk $0xffff, v60;
	s17 =	simm.s32 @p1 $0x0;
	s18 =	simm.s32 @p2 $0x0;
	(pc) =	sbr.rel .LBB1_5-.Ltmp4, $4  }
0x54: {  	s29 =	sand.u32 $0xF, s28;
	[tilespmem:s19+$0x550 ss:$0x11] =	vst.msk $0xffff, v61;
	s20 =	ssub.s32 s20, s23;
	s17 =	smul.u32 s18, s17  }
0x55: {  	[tilespmem:s19+$0x660 ss:$0x11] =	vst.msk $0xffff, v62;
	s21 =	sshll.u32 s30, $0x12;
	s20 =	sshll.u32 s20, $0x4;
	s18 =	sadd.s32 s5, s29  }
0x56: {  	[tilespmem:s19+$0x0 ss:$0x11] =	vst.msk $0xffff, v63;
	s31 =	sor.u32 $0x10, s21;
	s18 =	sadd.s32 s20, s18;
	s17 =	sand.u32 $0x3FFFFFFF, s17  }
0x57: {  	[hbm4b:s18+s31] =	stream.strided.scatter [tilespmem:s16], [sflag:$0x2], s17, s8, s31, $0x8;
	[tilespmem:$0x2100] =	vst v63  }
.LBB1_6:
0x58: {  	_ =	sfence.sel $0x180000  }
0x59: {  	s2 =	simm.s32 $0x1;
	[bflag:$0x0] =	sbarrier.arrive $0xFFFF  }
0x5a: {  	s31 =	simm.s32 $0x2;
	[sflag:s2] =	ssyncpa.u1 $0x1  }
0x5b: {  	[sflag:s31] =	ssyncpa.u1 $0x1  }
0x5c: {  	p0 =	sne.s32 s1, $0x0;
	_ =	strace $0x90000047  }
0x5d: {  	s0 =	sadd.s32 @!p0 $0x100000, s0;
	[bflag:$0x2] =	sbarrier.arrive $0xFFFF  }
0x5e: {  	[sflag:s0] =	ssyncadd.tile.s32 @!p0 $0x1;
	_ =	shalt  }
.Lfunc_end1:
_tile_overlayer_lowered:
.L_overlay_start_2:
0x5f: {  	(tag) =	ssettag $0x2  }
0x60: {  	s0 =	rddreg [dreg:$0x0];
	s2 =	stileid.u32  }
0x61: {  	s1 =	rddreg [dreg:$0x1];
	p0 =	sne.s32 s2, $0x0  }
0x62: {  	s3 =	rddreg [dreg:$0x2];
	[bflag:$0x3] =	sbarrier.arrive $0xFFFF;
	s2 =	simm.s32 @!p0 $0x1C01  }
0x63: {  	[timem:s3], [sflag:s2] =	dma.local @!p0 [hbm:s0], s1  }
0x64: {  	s0 =	simm.s32 @!p0 $0x1  }
0x65: {  	_ =	swait.ge @!p0 [sflag:s0], s1  }
0x66: {  	s1 =	ssub.s32 @!p0 $0x0, s1;
	[sflag:s0] =	ssyncset.done @!p0 $0x0  }
0x67: {  	[sflag:s0] =	ssyncadd.s32 @!p0 s1  }
0x68: {  	[bflag:$0x3] =	sbarrier.arrive $0xFFFF  }
0x69: {  	_ =	shalt  }

</sc_bundles>
